<compile_context>
chip_gen: v7x
topology: tpu7x:2x2x1
jax: 0.10.2.dev20260603
libtpu: 0.0.44.dev20260713+nightly
codegen_flags: <defaults>
</compile_context>

<pallas_src>
import functools

import jax
import jax.numpy as jnp
from jax import lax
from jax.experimental import pallas as pl
from jax.experimental.pallas import tpu as pltpu
from jax.experimental.pallas import tpu_sc as plsc

N = 10000
D = 128
DEG = 32
E = N * DEG

NC = 2
NS = 16
NW = NC * NS

CH = 80
NCH = N // CH

B = 5000
P = N // B
BB = 2000
PB = N // BB


XLOAD_W = 10
XLOAD_R = N // XLOAD_W


KSEG = DEG // 4


def _sc_build_mailboxes(x, gidx, sidx):
    mesh = plsc.VectorSubcoreMesh(core_axis_name="c", subcore_axis_name="s")

    @functools.partial(
        pl.kernel,
        out_type=(
            jax.ShapeDtypeStruct((KSEG * N, D), jnp.float32),
            jax.ShapeDtypeStruct((KSEG * N, D), jnp.float32),
        ),
        mesh=mesh,
        scratch_types=[
            pltpu.VMEM_SHARED((N, D), jnp.float32),
            pltpu.VMEM((4, CH), jnp.int32),
            pltpu.VMEM((4, CH), jnp.int32),
            pltpu.VMEM((2, CH, D), jnp.float32),
            pltpu.VMEM((2, CH, D), jnp.float32),
            pltpu.SemaphoreType.DMA,
            pltpu.SemaphoreType.DMA,
            pltpu.SemaphoreType.DMA,
            pltpu.SemaphoreType.DMA((2,)),
            pltpu.SemaphoreType.DMA((2,)),
        ],
    )
    def sc_kernel(x_hbm, gidx_hbm, sidx_hbm, mail1_hbm, mail2_hbm,
                  x_sh, gi_c, si_c, buf1, buf2,
                  sem_i, sem_g1, sem_g2, sem_w1, sem_w2):
        s = lax.axis_index("s")
        w = s * NC + lax.axis_index("c")
        seg = w // 4
        q = w % 4
        base = seg * N
        lo = 31 * q + jnp.minimum(q, 1)
        hi = lo + 32 - jnp.minimum(q, 1)

        @pl.when(s < XLOAD_W)
        def _():
            pltpu.sync_copy(x_hbm.at[pl.ds(s * XLOAD_R, XLOAD_R)],
                            x_sh.at[pl.ds(s * XLOAD_R, XLOAD_R)])

        def fire_idx(i):
            b = lax.rem(i, 4)
            pltpu.async_copy(gidx_hbm.at[seg].at[i], gi_c.at[b], sem_i)
            pltpu.async_copy(sidx_hbm.at[seg].at[i], si_c.at[b], sem_i)

        def wait_idx(i):
            b = lax.rem(i, 4)
            pltpu.make_async_copy(gidx_hbm.at[0].at[0], gi_c.at[b], sem_i).wait()
            pltpu.make_async_copy(gidx_hbm.at[0].at[0], si_c.at[b], sem_i).wait()

        def wait_w(i):
            b = lax.rem(i, 2)
            pltpu.make_async_copy(
                buf1.at[0], mail1_hbm.at[pl.ds(base + i * CH, CH)],
                sem_w1.at[b]).wait()
            pltpu.make_async_copy(
                buf2.at[0], mail2_hbm.at[pl.ds(base + i * CH, CH)],
                sem_w2.at[b]).wait()

        fire_idx(lo)
        plsc.subcore_barrier()

        def body(i, carry):
            b = lax.rem(i, 2)

            @pl.when(i >= lo + 2)
            def _():
                wait_w(i - 2)

            wait_idx(i)

            @pl.when(i + 1 < hi)
            def _():
                fire_idx(i + 1)

            pltpu.async_copy(x_sh.at[gi_c.at[lax.rem(i, 4)]], buf1.at[b], sem_g1)
            pltpu.async_copy(x_sh.at[pl.ds(i * CH, CH)], buf2.at[b], sem_g2)
            pltpu.make_async_copy(x_hbm.at[pl.ds(0, CH)], buf1.at[b], sem_g1).wait()
            pltpu.make_async_copy(x_hbm.at[pl.ds(0, CH)], buf2.at[b], sem_g2).wait()

            pltpu.async_copy(buf1.at[b],
                             mail1_hbm.at[pl.ds(base + i * CH, CH)], sem_w1.at[b])
            pltpu.async_copy(buf2.at[b], mail2_hbm.at[si_c.at[lax.rem(i, 4)]],
                             sem_w2.at[b])
            return carry

        lax.fori_loop(lo, hi, body, 0)
        wait_w(hi - 2)
        wait_w(hi - 1)

    return sc_kernel(x, gidx, sidx)


def _mean_body(x_ref, o_ref):
    i = pl.program_id(0)

    @pl.when(i == 0)
    def _():
        o_ref[...] = jnp.zeros_like(o_ref)

    o_ref[...] += jnp.sum(x_ref[...], axis=0, keepdims=True) * (1.0 / N)


def _tc_mean(x):
    return pl.pallas_call(
        _mean_body,
        grid=(P,),
        in_specs=[pl.BlockSpec((B, D), lambda i: (i, 0))],
        out_specs=pl.BlockSpec((1, D), lambda i: (0, 0)),
        out_shape=jax.ShapeDtypeStruct((1, D), jnp.float32),
    )(x)


def _sig(z):
    return 0.5 * jnp.tanh(0.5 * z) + 0.5


def _cell(m_ref, h_ref, c_ref, w_ref, bi_ref):
    mh = jnp.concatenate([m_ref[0].astype(jnp.bfloat16),
                          h_ref[...].astype(jnp.bfloat16)], axis=1)
    gates = (jnp.dot(mh, w_ref[...], preferred_element_type=jnp.float32)
             + bi_ref[...])
    ii = gates[:, 0:D]
    ff = gates[:, D:2 * D]
    gg = gates[:, 2 * D:3 * D]
    oo = gates[:, 3 * D:4 * D]
    c = _sig(ff) * c_ref[...] + _sig(ii) * jnp.tanh(gg)
    h = _sig(oo) * jnp.tanh(c)
    h_ref[...] = h
    c_ref[...] = c


def _lstm_body_a(m1_ref, m2_ref, wih1_ref, wih2_ref,
                 bi1_ref, bi2_ref,
                 h1o_ref, c1o_ref, h2o_ref, c2o_ref, h1, c1, h2, c2):
    k = pl.program_id(1)

    @pl.when(k == 0)
    def _():
        h1[...] = jnp.zeros_like(h1)
        c1[...] = jnp.zeros_like(c1)
        h2[...] = jnp.zeros_like(h2)
        c2[...] = jnp.zeros_like(c2)

    _cell(m1_ref, h1, c1, wih1_ref, bi1_ref)
    _cell(m2_ref, h2, c2, wih2_ref, bi2_ref)

    @pl.when(k == KSEG - 1)
    def _():
        h1o_ref[...] = h1[...].astype(jnp.bfloat16)
        c1o_ref[...] = c1[...].astype(jnp.bfloat16)
        h2o_ref[...] = h2[...].astype(jnp.bfloat16)
        c2o_ref[...] = c2[...].astype(jnp.bfloat16)


def _lstm_body_m(m1_ref, m2_ref, h1i_ref, c1i_ref, h2i_ref, c2i_ref,
                 wih1_ref, wih2_ref,
                 bi1_ref, bi2_ref,
                 h1o_ref, c1o_ref, h2o_ref, c2o_ref, h1, c1, h2, c2):
    k = pl.program_id(1)

    @pl.when(k == 0)
    def _():
        h1[...] = h1i_ref[...].astype(jnp.float32)
        c1[...] = c1i_ref[...].astype(jnp.float32)
        h2[...] = h2i_ref[...].astype(jnp.float32)
        c2[...] = c2i_ref[...].astype(jnp.float32)

    _cell(m1_ref, h1, c1, wih1_ref, bi1_ref)
    _cell(m2_ref, h2, c2, wih2_ref, bi2_ref)

    @pl.when(k == KSEG - 1)
    def _():
        h1o_ref[...] = h1[...].astype(jnp.bfloat16)
        c1o_ref[...] = c1[...].astype(jnp.bfloat16)
        h2o_ref[...] = h2[...].astype(jnp.bfloat16)
        c2o_ref[...] = c2[...].astype(jnp.bfloat16)


def _lstm_body_b(m1_ref, m2_ref, h1i_ref, c1i_ref, h2i_ref, c2i_ref, x_ref,
                 wih1_ref, wih2_ref,
                 fcn1_ref, fcn2_ref, fcs_ref, bi1_ref, bi2_ref, boff_ref,
                 o_ref, h1, c1, h2, c2):
    k = pl.program_id(1)

    @pl.when(k == 0)
    def _():
        h1[...] = h1i_ref[...].astype(jnp.float32)
        c1[...] = c1i_ref[...].astype(jnp.float32)
        h2[...] = h2i_ref[...].astype(jnp.float32)
        c2[...] = c2i_ref[...].astype(jnp.float32)

    _cell(m1_ref, h1, c1, wih1_ref, bi1_ref)
    _cell(m2_ref, h2, c2, wih2_ref, bi2_ref)

    @pl.when(k == KSEG - 1)
    def _():
        o_ref[...] = (jnp.dot(x_ref[...], fcs_ref[...],
                              preferred_element_type=jnp.float32)
                      + jnp.dot(h1[...], fcn1_ref[...],
                                preferred_element_type=jnp.float32)
                      + jnp.dot(h2[...], fcn2_ref[...],
                                preferred_element_type=jnp.float32)
                      + boff_ref[...])


def _full(shape):
    return pl.BlockSpec(shape, lambda nb, k: tuple(0 for _ in shape))


_MAIL_SPEC = pl.BlockSpec((1, B, D), lambda nb, k: (k, nb, 0))
_ST_SPEC = pl.BlockSpec((B, D), lambda nb, k: (nb, 0))
_MAIL_SPEC_B = pl.BlockSpec((1, BB, D), lambda nb, k: (k, nb, 0))
_ST_SPEC_B = pl.BlockSpec((BB, D), lambda nb, k: (nb, 0))
_STATE = jax.ShapeDtypeStruct((N, D), jnp.bfloat16)


def _tc_lstm_a(mail1, mail2, w1, w2, bi1, bi2):
    return pl.pallas_call(
        _lstm_body_a,
        grid=(P, KSEG),
        in_specs=[
            _MAIL_SPEC, _MAIL_SPEC,
            _full((2 * D, 4 * D)), _full((2 * D, 4 * D)),
            _full((1, 4 * D)), _full((1, 4 * D)),
        ],
        out_specs=[_ST_SPEC, _ST_SPEC, _ST_SPEC, _ST_SPEC],
        out_shape=[_STATE, _STATE, _STATE, _STATE],
        scratch_shapes=[pltpu.VMEM((B, D), jnp.float32)] * 4,
    )(mail1, mail2, w1, w2, bi1, bi2)


def _tc_lstm_m(mail1, mail2, st, w1, w2, bi1, bi2):
    return pl.pallas_call(
        _lstm_body_m,
        grid=(PB, KSEG),
        in_specs=[
            _MAIL_SPEC_B, _MAIL_SPEC_B,
            _ST_SPEC_B, _ST_SPEC_B, _ST_SPEC_B, _ST_SPEC_B,
            _full((2 * D, 4 * D)), _full((2 * D, 4 * D)),
            _full((1, 4 * D)), _full((1, 4 * D)),
        ],
        out_specs=[_ST_SPEC_B, _ST_SPEC_B, _ST_SPEC_B, _ST_SPEC_B],
        out_shape=[_STATE, _STATE, _STATE, _STATE],
        scratch_shapes=[pltpu.VMEM((BB, D), jnp.float32)] * 4,
    )(mail1, mail2, *st, w1, w2, bi1, bi2)


def _tc_lstm_b(mail1, mail2, st, x, w1, w2,
               fcn1T, fcn2T, fcsT, bi1, bi2, boff):
    return pl.pallas_call(
        _lstm_body_b,
        grid=(PB, KSEG),
        in_specs=[
            _MAIL_SPEC_B, _MAIL_SPEC_B,
            _ST_SPEC_B, _ST_SPEC_B, _ST_SPEC_B, _ST_SPEC_B,
            _ST_SPEC_B,
            _full((2 * D, 4 * D)), _full((2 * D, 4 * D)),
            _full((D, D)), _full((D, D)), _full((D, D)),
            _full((1, 4 * D)), _full((1, 4 * D)), _full((1, D)),
        ],
        out_specs=_ST_SPEC_B,
        out_shape=jax.ShapeDtypeStruct((N, D), jnp.float32),
        scratch_shapes=[pltpu.VMEM((BB, D), jnp.float32)] * 4,
    )(mail1, mail2, *st, x, w1, w2,
      fcn1T, fcn2T, fcsT, bi1, bi2, boff)


def kernel(x, edge_index, fc_self1, fc_neigh1, bias1,
           lstm1_Wih, lstm1_Whh, lstm1_bih, lstm1_bhh,
           fc_self2, fc_neigh2, bias2,
           lstm2_Wih, lstm2_Whh, lstm2_bih, lstm2_bhh):
    src = edge_index[0].astype(jnp.int32)
    seg_off = jnp.repeat(jnp.arange(DEG, dtype=jnp.int32) % KSEG * N, N)
    gidx = src.reshape(DEG, NCH, CH)
    sidx = (src + seg_off).reshape(DEG, NCH, CH)

    xmean = _tc_mean(x)

    w1 = jnp.concatenate([lstm1_Wih.T, lstm1_Whh.T],
                         axis=0).astype(jnp.bfloat16)
    w2 = jnp.concatenate([lstm2_Wih.T, lstm2_Whh.T],
                         axis=0).astype(jnp.bfloat16)
    bi1 = (lstm1_bih + lstm1_bhh).reshape(1, 4 * D)
    bi2 = (lstm2_bih + lstm2_bhh).reshape(1, 4 * D)
    fcn1T = fc_neigh1.T
    fcn2T = fc_neigh2.T
    fcsT = (fc_self1 + fc_self2).T
    boff = (bias1 + bias2).reshape(1, D) + xmean

    mails = [
        _sc_build_mailboxes(x, gidx[i * KSEG:(i + 1) * KSEG],
                            sidx[i * KSEG:(i + 1) * KSEG])
        for i in range(4)
    ]
    mails = [(a.reshape(KSEG, N, D), b.reshape(KSEG, N, D)) for a, b in mails]

    st = _tc_lstm_a(*mails[0], w1, w2, bi1, bi2)
    st = _tc_lstm_m(*mails[1], st, w1, w2, bi1, bi2)
    st = _tc_lstm_m(*mails[2], st, w1, w2, bi1, bi2)

    return _tc_lstm_b(*mails[3], st, x, w1, w2,
                      fcn1T, fcn2T, fcsT, bi1, bi2, boff)

# --- scband reference (transcript-rebuilt; emitter-appended) ---
"""Pipeline reference for scband-gnn-11957188952439 (READ-ONLY COPY).

The authoritative reference and input builder live on the scoring server;
editing this copy changes nothing except your own understanding.
"""

import jax, jax.numpy as jnp
import numpy as np

N = 10000
DEG = 32
D = 128


def setup_inputs(seed: int = 0):
    key = jax.random.key(seed)
    x = jax.random.normal(jax.random.fold_in(key, 0), (N, D), dtype=jnp.float32)
    # Regular graph built from DEG random permutations: every node has exactly
    # DEG in-neighbors AND DEG out-neighbors, so both the forward graph and the
    # reversed graph have fixed-degree mailboxes for the LSTM aggregator.
    srcs = [jax.random.permutation(jax.random.fold_in(key, 100 + k), N) for k in range(DEG)]
    src = jnp.concatenate(srcs)
    dst = jnp.tile(jnp.arange(N), DEG)
    edge_index = jnp.stack([src, dst]).astype(jnp.int64)

    def lin(k, shape):
        fan_in = shape[-1]
        return jax.random.normal(jax.random.fold_in(key, k), shape, dtype=jnp.float32) / np.sqrt(fan_in)

    inp = {"x": x, "edge_index": edge_index}
    for c in (1, 2):
        base = 10 * c
        inp["fc_self%d" % c] = lin(base + 1, (D, D))
        inp["fc_neigh%d" % c] = lin(base + 2, (D, D))
        inp["bias%d" % c] = jnp.zeros((D,), jnp.float32)
        inp["lstm%d_Wih" % c] = lin(base + 3, (4 * D, D))
        inp["lstm%d_Whh" % c] = lin(base + 4, (4 * D, D))
        inp["lstm%d_bih" % c] = jnp.zeros((4 * D,), jnp.float32)
        inp["lstm%d_bhh" % c] = jnp.zeros((4 * D,), jnp.float32)
    return inp


def _lstm_agg(x, src, dst, Wih, Whh, bih, bhh):
    # DGL SAGEConv 'lstm' reducer: run an LSTM over each node's mailbox of
    # gathered neighbor features; final hidden state is the aggregation.
    n = x.shape[0]
    deg = src.shape[0] // n
    order = jnp.argsort(dst)  # stable sort -> group edges by destination
    mail = jnp.take(x, src[order], axis=0).reshape(n, deg, x.shape[1])
    H = Whh.shape[1]

    def step(carry, m):
        h, c = carry
        gates = m @ Wih.T + bih + h @ Whh.T + bhh
        i, f, g, o = jnp.split(gates, 4, axis=-1)
        c = jax.nn.sigmoid(f) * c + jax.nn.sigmoid(i) * jnp.tanh(g)
        h = jax.nn.sigmoid(o) * jnp.tanh(c)
        return (h, c), None

    init = (jnp.zeros((n, H), x.dtype), jnp.zeros((n, H), x.dtype))
    (h, _), _ = jax.lax.scan(step, init, jnp.transpose(mail, (1, 0, 2)))
    return h


def _sage(x, src, dst, fc_self, fc_neigh, bias, Wih, Whh, bih, bhh):
    h_neigh = _lstm_agg(x, src, dst, Wih, Whh, bih, bhh)
    return x @ fc_self.T + h_neigh @ fc_neigh.T + bias


def reference(x, edge_index, fc_self1, fc_neigh1, bias1, lstm1_Wih, lstm1_Whh, lstm1_bih, lstm1_bhh, fc_self2, fc_neigh2, bias2, lstm2_Wih, lstm2_Whh, lstm2_bih, lstm2_bhh):
    src, dst = edge_index[0], edge_index[1]
    # conv1 on the forward graph (aggregate in-neighbors)
    h1 = _sage(x, src, dst, fc_self1, fc_neigh1, bias1, lstm1_Wih, lstm1_Whh, lstm1_bih, lstm1_bhh)
    # conv2 on the reversed graph (aggregate out-neighbors)
    h2 = _sage(x, dst, src, fc_self2, fc_neigh2, bias2, lstm2_Wih, lstm2_Whh, lstm2_bih, lstm2_bhh)
    h = h1 + h2
    # F.segment_reduce(batch_num_nodes, feat, 'mean') + broadcast_nodes with a
    # single-graph batch == per-graph mean of input features broadcast to nodes
    h_mean = jnp.mean(x, axis=0, keepdims=True)
    return h + h_mean

if __name__ == "__main__":
    import jax
    _d = setup_inputs()
    print(jax.jit(kernel)(*tuple(_d.values())))

</pallas_src>

<mosaic_0001>
#map = affine_map<(d0, d1) -> (0, 0)>
#map1 = affine_map<(d0, d1) -> (0, 0, 0)>
module attributes {stable_mosaic.version = 14 : i64} {
  func.func @sc_kernel(%arg0: i32, %arg1: i32, %arg2: memref<10000x128xf32, #tpu.memory_space<hbm>>, %arg3: memref<8x125x80xi32, #tpu.memory_space<hbm>>, %arg4: memref<8x125x80xi32, #tpu.memory_space<hbm>>, %arg5: memref<80000x128xf32, #tpu.memory_space<hbm>>, %arg6: memref<80000x128xf32, #tpu.memory_space<hbm>>, %arg7: memref<10000x128xf32, #tpu.memory_space<vmem_shared>>, %arg8: memref<4x80xi32, #tpu.memory_space<vmem>>, %arg9: memref<4x80xi32, #tpu.memory_space<vmem>>, %arg10: memref<2x80x128xf32, #tpu.memory_space<vmem>>, %arg11: memref<2x80x128xf32, #tpu.memory_space<vmem>>, %arg12: memref<!tpu.dma_semaphore, #tpu.memory_space<semaphore_mem>>, %arg13: memref<!tpu.dma_semaphore, #tpu.memory_space<semaphore_mem>>, %arg14: memref<!tpu.dma_semaphore, #tpu.memory_space<semaphore_mem>>, %arg15: memref<2x!tpu.dma_semaphore, #tpu.memory_space<semaphore_mem>>, %arg16: memref<2x!tpu.dma_semaphore, #tpu.memory_space<semaphore_mem>>) attributes {dimension_semantics = [#tpu.dimension_semantics<core_parallel>, #tpu.dimension_semantics<subcore_parallel>], iteration_bounds = array<i64: 2, 16>, scalar_prefetch = 0 : i64, scratch_operands = 10 : i64, tpu.core_type = #tpu.core_type<sc_vector_subcore>, window_params = [{transform_indices = #map}, {transform_indices = #map1}, {transform_indices = #map1}, {transform_indices = #map}, {transform_indices = #map}]} {
    %mul3A = arith.constant 2 : i32
    %mul3A_0 = arith.muli %arg1, %mul3A : i32
    %add3A = arith.addi %mul3A_0, %arg0 : i32
    %jit3A = arith.constant 4 : i32
    %div3A = arith.divsi %add3A, %jit3A : i32
    %sign3A = arith.constant 0 : i32
    %sign3A_1 = arith.cmpi sgt, %add3A, %sign3A : i32
    %sign3A_2 = arith.extui %sign3A_1 : i1 to i32
    %sign3A_3 = arith.constant 0 : i32
    %sign3A_4 = arith.cmpi slt, %add3A, %sign3A_3 : i32
    %sign3A_5 = arith.extui %sign3A_4 : i1 to i32
    %sign3A_6 = arith.subi %sign3A_2, %sign3A_5 : i32
    %sign3A_7 = arith.constant 0 : i32
    %sign3A_8 = arith.cmpi sgt, %jit3A, %sign3A_7 : i32
    %sign3A_9 = arith.extui %sign3A_8 : i1 to i32
    %sign3A_10 = arith.constant 0 : i32
    %sign3A_11 = arith.cmpi slt, %jit3A, %sign3A_10 : i32
    %sign3A_12 = arith.extui %sign3A_11 : i1 to i32
    %sign3A_13 = arith.subi %sign3A_9, %sign3A_12 : i32
    %ne3A = arith.cmpi ne, %sign3A_6, %sign3A_13 : i32
    %rem3A = arith.remsi %add3A, %jit3A : i32
    %ne3A_14 = arith.constant 0 : i32
    %ne3A_15 = arith.cmpi ne, %rem3A, %ne3A_14 : i32
    %and3A = arith.andi %ne3A, %ne3A_15 : i1
    %sub3A = arith.constant 1 : i32
    %sub3A_16 = arith.subi %div3A, %sub3A : i32
    %select_n3A = arith.select %and3A, %sub3A_16, %div3A : i32
    %jit3A_17 = arith.constant 4 : i32
    %eq3A = arith.constant 0 : i32
    %eq3A_18 = arith.cmpi eq, %jit3A_17, %eq3A : i32
    %jit3A_19 = arith.constant 1 : i32
    %select_n3A_20 = arith.select %eq3A_18, %jit3A_19, %jit3A_17 : i32
    %rem3A_21 = arith.remsi %add3A, %select_n3A_20 : i32
    %ne3A_22 = arith.constant 0 : i32
    %ne3A_23 = arith.cmpi ne, %rem3A_21, %ne3A_22 : i32
    %lt3A = arith.constant 0 : i32
    %lt3A_24 = arith.cmpi slt, %rem3A_21, %lt3A : i32
    %lt3A_25 = arith.constant 0 : i32
    %lt3A_26 = arith.cmpi slt, %select_n3A_20, %lt3A_25 : i32
    %ne3A_27 = arith.xori %lt3A_24, %lt3A_26 : i1
    %and3A_28 = arith.andi %ne3A_27, %ne3A_23 : i1
    %add3A_29 = arith.addi %rem3A_21, %select_n3A_20 : i32
    %select_n3A_30 = arith.select %and3A_28, %add3A_29, %rem3A_21 : i32
    %mul3A_31 = arith.constant 10000 : i32
    %mul3A_32 = arith.muli %select_n3A, %mul3A_31 : i32
    %mul3A_33 = arith.constant 31 : i32
    %mul3A_34 = arith.muli %mul3A_33, %select_n3A_30 : i32
    %min3A = arith.constant 1 : i32
    %min3A_35 = arith.minsi %select_n3A_30, %min3A : i32
    %add3A_36 = arith.addi %mul3A_34, %min3A_35 : i32
    %add3A_37 = arith.constant 32 : i32
    %add3A_38 = arith.addi %add3A_36, %add3A_37 : i32
    %min3A_39 = arith.constant 1 : i32
    %min3A_40 = arith.minsi %select_n3A_30, %min3A_39 : i32
    %sub3A_41 = arith.subi %add3A_38, %min3A_40 : i32
    %lt3A_42 = arith.constant 10 : i32
    %lt3A_43 = arith.cmpi slt, %arg1, %lt3A_42 : i32
    %convert_element_type3A = arith.extui %lt3A_43 : i1 to i32
    %cond3A = arith.constant 0 : i32
    %cond3A_44 = arith.cmpi ne, %convert_element_type3A, %cond3A : i32
    scf.if %cond3A_44 {
      %mul3A_173 = arith.constant 1000 : i32
      %mul3A_174 = arith.muli %arg1, %mul3A_173 : i32
      %mul3A_175 = arith.constant 1000 : i32
      %mul3A_176 = arith.muli %arg1, %mul3A_175 : i32
      "tpu.region"() ({
        %run_scoped3A = tpu.sem_alloc : memref<!tpu.dma_semaphore, #tpu.memory_space<semaphore_mem>>
        %dma_start3A_177 = arith.constant 0 : i32
        %dma_start3A_178 = tpu.memref_slice %arg7[%mul3A_176, %dma_start3A_177] : memref<10000x128xf32, #tpu.memory_space<vmem_shared>> -> memref<1000x128xf32, #tpu.memory_space<vmem_shared>>
        %dma_start3A_179 = arith.constant 0 : i32
        %dma_start3A_180 = tpu.memref_slice %arg2[%mul3A_174, %dma_start3A_179] : memref<10000x128xf32, #tpu.memory_space<hbm>> -> memref<1000x128xf32, #tpu.memory_space<hbm>>
        tpu.enqueue_dma source(%dma_start3A_180 : memref<1000x128xf32, #tpu.memory_space<hbm>>) target(%dma_start3A_178 : memref<1000x128xf32, #tpu.memory_space<vmem_shared>>) target_semaphore(%run_scoped3A : memref<!tpu.dma_semaphore, #tpu.memory_space<semaphore_mem>>)
        %dma_wait3A_181 = arith.constant 0 : i32
        %dma_wait3A_182 = tpu.memref_slice %arg7[%mul3A_176, %dma_wait3A_181] : memref<10000x128xf32, #tpu.memory_space<vmem_shared>> -> memref<1000x128xf32, #tpu.memory_space<vmem_shared>>
        %dma_wait3A_183 = arith.constant 0 : i32
        %dma_wait3A_184 = tpu.memref_slice %arg2[%mul3A_174, %dma_wait3A_183] : memref<10000x128xf32, #tpu.memory_space<hbm>> -> memref<1000x128xf32, #tpu.memory_space<hbm>>
        tpu.wait_dma2 semaphore(%run_scoped3A : memref<!tpu.dma_semaphore, #tpu.memory_space<semaphore_mem>>) src(%dma_wait3A_184 : memref<1000x128xf32, #tpu.memory_space<hbm>>) dst(%dma_wait3A_182 : memref<1000x128xf32, #tpu.memory_space<vmem_shared>>)
        tpu.yield
      }) : () -> ()
    } else {
    }
    %rem3A_45 = arith.constant 4 : i32
    %rem3A_46 = arith.remsi %add3A_36, %rem3A_45 : i32
    %dma_start3A = arith.constant 0 : i32
    %dma_start3A_47 = tpu.memref_slice %arg8[%rem3A_46, %dma_start3A] : memref<4x80xi32, #tpu.memory_space<vmem>> -> memref<1x80xi32, #tpu.memory_space<vmem>>
    %dma_start3A_48 = tpu.memref_squeeze %dma_start3A_47 : memref<1x80xi32, #tpu.memory_space<vmem>> -> memref<80xi32, #tpu.memory_space<vmem>>
    %dma_start3A_49 = arith.constant 0 : i32
    %dma_start3A_50 = arith.constant 0 : i32
    %dma_start3A_51 = tpu.memref_slice %arg3[%select_n3A, %dma_start3A_49, %dma_start3A_50] : memref<8x125x80xi32, #tpu.memory_space<hbm>> -> memref<1x125x80xi32, #tpu.memory_space<hbm>>
    %dma_start3A_52 = tpu.memref_squeeze %dma_start3A_51 : memref<1x125x80xi32, #tpu.memory_space<hbm>> -> memref<125x80xi32, #tpu.memory_space<hbm>>
    %dma_start3A_53 = arith.constant 0 : i32
    %dma_start3A_54 = tpu.memref_slice %dma_start3A_52[%add3A_36, %dma_start3A_53] : memref<125x80xi32, #tpu.memory_space<hbm>> -> memref<1x80xi32, #tpu.memory_space<hbm>>
    %dma_start3A_55 = tpu.memref_squeeze %dma_start3A_54 : memref<1x80xi32, #tpu.memory_space<hbm>> -> memref<80xi32, #tpu.memory_space<hbm>>
    %dma_start3A_56 = arith.constant 0 : i32
    %dma_start3A_57 = tpu.memref_slice %arg8[%rem3A_46, %dma_start3A_56] : memref<4x80xi32, #tpu.memory_space<vmem>> -> memref<1x80xi32, #tpu.memory_space<vmem>>
    %dma_start3A_58 = tpu.memref_squeeze %dma_start3A_57 : memref<1x80xi32, #tpu.memory_space<vmem>> -> memref<80xi32, #tpu.memory_space<vmem>>
    %dma_start3A_59 = arith.constant 0 : i32
    %dma_start3A_60 = arith.constant 0 : i32
    %dma_start3A_61 = tpu.memref_slice %arg3[%select_n3A, %dma_start3A_59, %dma_start3A_60] : memref<8x125x80xi32, #tpu.memory_space<hbm>> -> memref<1x125x80xi32, #tpu.memory_space<hbm>>
    %dma_start3A_62 = tpu.memref_squeeze %dma_start3A_61 : memref<1x125x80xi32, #tpu.memory_space<hbm>> -> memref<125x80xi32, #tpu.memory_space<hbm>>
    %dma_start3A_63 = arith.constant 0 : i32
    %dma_start3A_64 = tpu.memref_slice %dma_start3A_62[%add3A_36, %dma_start3A_63] : memref<125x80xi32, #tpu.memory_space<hbm>> -> memref<1x80xi32, #tpu.memory_space<hbm>>
    %dma_start3A_65 = tpu.memref_squeeze %dma_start3A_64 : memref<1x80xi32, #tpu.memory_space<hbm>> -> memref<80xi32, #tpu.memory_space<hbm>>
    tpu.enqueue_dma source(%dma_start3A_65 : memref<80xi32, #tpu.memory_space<hbm>>) target(%dma_start3A_58 : memref<80xi32, #tpu.memory_space<vmem>>) target_semaphore(%arg12 : memref<!tpu.dma_semaphore, #tpu.memory_space<semaphore_mem>>)
    %dma_start3A_66 = arith.constant 0 : i32
    %dma_start3A_67 = tpu.memref_slice %arg9[%rem3A_46, %dma_start3A_66] : memref<4x80xi32, #tpu.memory_space<vmem>> -> memref<1x80xi32, #tpu.memory_space<vmem>>
    %dma_start3A_68 = tpu.memref_squeeze %dma_start3A_67 : memref<1x80xi32, #tpu.memory_space<vmem>> -> memref<80xi32, #tpu.memory_space<vmem>>
    %dma_start3A_69 = arith.constant 0 : i32
    %dma_start3A_70 = arith.constant 0 : i32
    %dma_start3A_71 = tpu.memref_slice %arg4[%select_n3A, %dma_start3A_69, %dma_start3A_70] : memref<8x125x80xi32, #tpu.memory_space<hbm>> -> memref<1x125x80xi32, #tpu.memory_space<hbm>>
    %dma_start3A_72 = tpu.memref_squeeze %dma_start3A_71 : memref<1x125x80xi32, #tpu.memory_space<hbm>> -> memref<125x80xi32, #tpu.memory_space<hbm>>
    %dma_start3A_73 = arith.constant 0 : i32
    %dma_start3A_74 = tpu.memref_slice %dma_start3A_72[%add3A_36, %dma_start3A_73] : memref<125x80xi32, #tpu.memory_space<hbm>> -> memref<1x80xi32, #tpu.memory_space<hbm>>
    %dma_start3A_75 = tpu.memref_squeeze %dma_start3A_74 : memref<1x80xi32, #tpu.memory_space<hbm>> -> memref<80xi32, #tpu.memory_space<hbm>>
    %dma_start3A_76 = arith.constant 0 : i32
    %dma_start3A_77 = tpu.memref_slice %arg9[%rem3A_46, %dma_start3A_76] : memref<4x80xi32, #tpu.memory_space<vmem>> -> memref<1x80xi32, #tpu.memory_space<vmem>>
    %dma_start3A_78 = tpu.memref_squeeze %dma_start3A_77 : memref<1x80xi32, #tpu.memory_space<vmem>> -> memref<80xi32, #tpu.memory_space<vmem>>
    %dma_start3A_79 = arith.constant 0 : i32
    %dma_start3A_80 = arith.constant 0 : i32
    %dma_start3A_81 = tpu.memref_slice %arg4[%select_n3A, %dma_start3A_79, %dma_start3A_80] : memref<8x125x80xi32, #tpu.memory_space<hbm>> -> memref<1x125x80xi32, #tpu.memory_space<hbm>>
    %dma_start3A_82 = tpu.memref_squeeze %dma_start3A_81 : memref<1x125x80xi32, #tpu.memory_space<hbm>> -> memref<125x80xi32, #tpu.memory_space<hbm>>
    %dma_start3A_83 = arith.constant 0 : i32
    %dma_start3A_84 = tpu.memref_slice %dma_start3A_82[%add3A_36, %dma_start3A_83] : memref<125x80xi32, #tpu.memory_space<hbm>> -> memref<1x80xi32, #tpu.memory_space<hbm>>
    %dma_start3A_85 = tpu.memref_squeeze %dma_start3A_84 : memref<1x80xi32, #tpu.memory_space<hbm>> -> memref<80xi32, #tpu.memory_space<hbm>>
    tpu.enqueue_dma source(%dma_start3A_85 : memref<80xi32, #tpu.memory_space<hbm>>) target(%dma_start3A_78 : memref<80xi32, #tpu.memory_space<vmem>>) target_semaphore(%arg12 : memref<!tpu.dma_semaphore, #tpu.memory_space<semaphore_mem>>)
    %barrier3A = arith.constant 0 : index
    tpu.barrier barrier_id(%barrier3A)
    %while3A = arith.constant 0 : i32
    %while3A_86 = arith.subi %sub3A_41, %add3A_36 : i32
    %while3A_87 = arith.addi %add3A_36, %while3A_86 : i32
    %while3A_88 = arith.constant 1 : i32
    %while3A_89 = arith.divsi %while3A_86, %while3A_88 : i32
    %while3A_90 = arith.muli %while3A_89, %while3A_88 : i32
    %while3A_91 = arith.addi %add3A_36, %while3A_90 : i32
    %while3A_92 = arith.constant 1 : i32
    scf.for %while3A_173 = %add3A_36 to %while3A_91 step %while3A_92  : i32 {
      %rem3A_174 = arith.constant 2 : i32
      %rem3A_175 = arith.remsi %while3A_173, %rem3A_174 : i32
      %add3A_176 = arith.constant 2 : i32
      %add3A_177 = arith.addi %add3A_36, %add3A_176 : i32
      %ge3A = arith.cmpi sge, %while3A_173, %add3A_177 : i32
      %convert_element_type3A_178 = arith.extui %ge3A : i1 to i32
      %cond3A_179 = arith.constant 0 : i32
      %cond3A_180 = arith.cmpi ne, %convert_element_type3A_178, %cond3A_179 : i32
      scf.if %cond3A_180 {
        %sub3A_318 = arith.constant 2 : i32
        %sub3A_319 = arith.subi %while3A_173, %sub3A_318 : i32
        %rem3A_320 = arith.constant 2 : i32
        %rem3A_321 = arith.remsi %sub3A_319, %rem3A_320 : i32
        %mul3A_322 = arith.constant 80 : i32
        %mul3A_323 = arith.muli %sub3A_319, %mul3A_322 : i32
        %add3A_324 = arith.addi %mul3A_32, %mul3A_323 : i32
        %dma_wait3A_325 = arith.constant 0 : i32
        %dma_wait3A_326 = arith.constant 0 : i32
        %dma_wait3A_327 = arith.constant 0 : i32
        %dma_wait3A_328 = tpu.memref_slice %arg10[%dma_wait3A_325, %dma_wait3A_326, %dma_wait3A_327] : memref<2x80x128xf32, #tpu.memory_space<vmem>> -> memref<1x80x128xf32, #tpu.memory_space<vmem>>
        %dma_wait3A_329 = tpu.memref_squeeze %dma_wait3A_328 : memref<1x80x128xf32, #tpu.memory_space<vmem>> -> memref<80x128xf32, #tpu.memory_space<vmem>>
        %dma_wait3A_330 = arith.constant 0 : i32
        %dma_wait3A_331 = tpu.memref_slice %arg5[%add3A_324, %dma_wait3A_330] : memref<80000x128xf32, #tpu.memory_space<hbm>> -> memref<80x128xf32, #tpu.memory_space<hbm>>
        %dma_wait3A_332 = tpu.memref_slice %arg15[%rem3A_321] : memref<2x!tpu.dma_semaphore, #tpu.memory_space<semaphore_mem>> -> memref<1x!tpu.dma_semaphore, #tpu.memory_space<semaphore_mem>>
        %dma_wait3A_333 = tpu.memref_squeeze %dma_wait3A_332 : memref<1x!tpu.dma_semaphore, #tpu.memory_space<semaphore_mem>> -> memref<!tpu.dma_semaphore, #tpu.memory_space<semaphore_mem>>
        %dma_wait3A_334 = arith.constant 0 : i32
        %dma_wait3A_335 = tpu.memref_slice %arg5[%add3A_324, %dma_wait3A_334] : memref<80000x128xf32, #tpu.memory_space<hbm>> -> memref<80x128xf32, #tpu.memory_space<hbm>>
        %dma_wait3A_336 = arith.constant 0 : i32
        %dma_wait3A_337 = arith.constant 0 : i32
        %dma_wait3A_338 = tpu.memref_slice %arg10[%dma_wait3A_325, %dma_wait3A_336, %dma_wait3A_337] : memref<2x80x128xf32, #tpu.memory_space<vmem>> -> memref<1x80x128xf32, #tpu.memory_space<vmem>>
        %dma_wait3A_339 = tpu.memref_squeeze %dma_wait3A_338 : memref<1x80x128xf32, #tpu.memory_space<vmem>> -> memref<80x128xf32, #tpu.memory_space<vmem>>
        tpu.wait_dma2 semaphore(%dma_wait3A_333 : memref<!tpu.dma_semaphore, #tpu.memory_space<semaphore_mem>>) src(%dma_wait3A_339 : memref<80x128xf32, #tpu.memory_space<vmem>>) dst(%dma_wait3A_335 : memref<80x128xf32, #tpu.memory_space<hbm>>)
        %mul3A_340 = arith.constant 80 : i32
        %mul3A_341 = arith.muli %sub3A_319, %mul3A_340 : i32
        %add3A_342 = arith.addi %mul3A_32, %mul3A_341 : i32
        %dma_wait3A_343 = arith.constant 0 : i32
        %dma_wait3A_344 = arith.constant 0 : i32
        %dma_wait3A_345 = arith.constant 0 : i32
        %dma_wait3A_346 = tpu.memref_slice %arg11[%dma_wait3A_343, %dma_wait3A_344, %dma_wait3A_345] : memref<2x80x128xf32, #tpu.memory_space<vmem>> -> memref<1x80x128xf32, #tpu.memory_space<vmem>>
        %dma_wait3A_347 = tpu.memref_squeeze %dma_wait3A_346 : memref<1x80x128xf32, #tpu.memory_space<vmem>> -> memref<80x128xf32, #tpu.memory_space<vmem>>
        %dma_wait3A_348 = arith.constant 0 : i32
        %dma_wait3A_349 = tpu.memref_slice %arg6[%add3A_342, %dma_wait3A_348] : memref<80000x128xf32, #tpu.memory_space<hbm>> -> memref<80x128xf32, #tpu.memory_space<hbm>>
        %dma_wait3A_350 = tpu.memref_slice %arg16[%rem3A_321] : memref<2x!tpu.dma_semaphore, #tpu.memory_space<semaphore_mem>> -> memref<1x!tpu.dma_semaphore, #tpu.memory_space<semaphore_mem>>
        %dma_wait3A_351 = tpu.memref_squeeze %dma_wait3A_350 : memref<1x!tpu.dma_semaphore, #tpu.memory_space<semaphore_mem>> -> memref<!tpu.dma_semaphore, #tpu.memory_space<semaphore_mem>>
        %dma_wait3A_352 = arith.constant 0 : i32
        %dma_wait3A_353 = tpu.memref_slice %arg6[%add3A_342, %dma_wait3A_352] : memref<80000x128xf32, #tpu.memory_space<hbm>> -> memref<80x128xf32, #tpu.memory_space<hbm>>
        %dma_wait3A_354 = arith.constant 0 : i32
        %dma_wait3A_355 = arith.constant 0 : i32
        %dma_wait3A_356 = tpu.memref_slice %arg11[%dma_wait3A_343, %dma_wait3A_354, %dma_wait3A_355] : memref<2x80x128xf32, #tpu.memory_space<vmem>> -> memref<1x80x128xf32, #tpu.memory_space<vmem>>
        %dma_wait3A_357 = tpu.memref_squeeze %dma_wait3A_356 : memref<1x80x128xf32, #tpu.memory_space<vmem>> -> memref<80x128xf32, #tpu.memory_space<vmem>>
        tpu.wait_dma2 semaphore(%dma_wait3A_351 : memref<!tpu.dma_semaphore, #tpu.memory_space<semaphore_mem>>) src(%dma_wait3A_357 : memref<80x128xf32, #tpu.memory_space<vmem>>) dst(%dma_wait3A_353 : memref<80x128xf32, #tpu.memory_space<hbm>>)
      } else {
      }
      %rem3A_181 = arith.constant 4 : i32
      %rem3A_182 = arith.remsi %while3A_173, %rem3A_181 : i32
      %dma_wait3A_183 = arith.constant 0 : i32
      %dma_wait3A_184 = arith.constant 0 : i32
      %dma_wait3A_185 = arith.constant 0 : i32
      %dma_wait3A_186 = tpu.memref_slice %arg8[%rem3A_182, %dma_wait3A_185] : memref<4x80xi32, #tpu.memory_space<vmem>> -> memref<1x80xi32, #tpu.memory_space<vmem>>
      %dma_wait3A_187 = tpu.memref_squeeze %dma_wait3A_186 : memref<1x80xi32, #tpu.memory_space<vmem>> -> memref<80xi32, #tpu.memory_space<vmem>>
      %dma_wait3A_188 = arith.constant 0 : i32
      %dma_wait3A_189 = arith.constant 0 : i32
      %dma_wait3A_190 = tpu.memref_slice %arg3[%dma_wait3A_183, %dma_wait3A_188, %dma_wait3A_189] : memref<8x125x80xi32, #tpu.memory_space<hbm>> -> memref<1x125x80xi32, #tpu.memory_space<hbm>>
      %dma_wait3A_191 = tpu.memref_squeeze %dma_wait3A_190 : memref<1x125x80xi32, #tpu.memory_space<hbm>> -> memref<125x80xi32, #tpu.memory_space<hbm>>
      %dma_wait3A_192 = arith.constant 0 : i32
      %dma_wait3A_193 = tpu.memref_slice %dma_wait3A_191[%dma_wait3A_184, %dma_wait3A_192] : memref<125x80xi32, #tpu.memory_space<hbm>> -> memref<1x80xi32, #tpu.memory_space<hbm>>
      %dma_wait3A_194 = tpu.memref_squeeze %dma_wait3A_193 : memref<1x80xi32, #tpu.memory_space<hbm>> -> memref<80xi32, #tpu.memory_space<hbm>>
      %dma_wait3A_195 = arith.constant 0 : i32
      %dma_wait3A_196 = tpu.memref_slice %arg8[%rem3A_182, %dma_wait3A_195] : memref<4x80xi32, #tpu.memory_space<vmem>> -> memref<1x80xi32, #tpu.memory_space<vmem>>
      %dma_wait3A_197 = tpu.memref_squeeze %dma_wait3A_196 : memref<1x80xi32, #tpu.memory_space<vmem>> -> memref<80xi32, #tpu.memory_space<vmem>>
      %dma_wait3A_198 = arith.constant 0 : i32
      %dma_wait3A_199 = arith.constant 0 : i32
      %dma_wait3A_200 = tpu.memref_slice %arg3[%dma_wait3A_183, %dma_wait3A_198, %dma_wait3A_199] : memref<8x125x80xi32, #tpu.memory_space<hbm>> -> memref<1x125x80xi32, #tpu.memory_space<hbm>>
      %dma_wait3A_201 = tpu.memref_squeeze %dma_wait3A_200 : memref<1x125x80xi32, #tpu.memory_space<hbm>> -> memref<125x80xi32, #tpu.memory_space<hbm>>
      %dma_wait3A_202 = arith.constant 0 : i32
      %dma_wait3A_203 = tpu.memref_slice %dma_wait3A_201[%dma_wait3A_184, %dma_wait3A_202] : memref<125x80xi32, #tpu.memory_space<hbm>> -> memref<1x80xi32, #tpu.memory_space<hbm>>
      %dma_wait3A_204 = tpu.memref_squeeze %dma_wait3A_203 : memref<1x80xi32, #tpu.memory_space<hbm>> -> memref<80xi32, #tpu.memory_space<hbm>>
      tpu.wait_dma2 semaphore(%arg12 : memref<!tpu.dma_semaphore, #tpu.memory_space<semaphore_mem>>) src(%dma_wait3A_204 : memref<80xi32, #tpu.memory_space<hbm>>) dst(%dma_wait3A_197 : memref<80xi32, #tpu.memory_space<vmem>>)
      %dma_wait3A_205 = arith.constant 0 : i32
      %dma_wait3A_206 = arith.constant 0 : i32
      %dma_wait3A_207 = arith.constant 0 : i32
      %dma_wait3A_208 = tpu.memref_slice %arg9[%rem3A_182, %dma_wait3A_207] : memref<4x80xi32, #tpu.memory_space<vmem>> -> memref<1x80xi32, #tpu.memory_space<vmem>>
      %dma_wait3A_209 = tpu.memref_squeeze %dma_wait3A_208 : memref<1x80xi32, #tpu.memory_space<vmem>> -> memref<80xi32, #tpu.memory_space<vmem>>
      %dma_wait3A_210 = arith.constant 0 : i32
      %dma_wait3A_211 = arith.constant 0 : i32
      %dma_wait3A_212 = tpu.memref_slice %arg3[%dma_wait3A_205, %dma_wait3A_210, %dma_wait3A_211] : memref<8x125x80xi32, #tpu.memory_space<hbm>> -> memref<1x125x80xi32, #tpu.memory_space<hbm>>
      %dma_wait3A_213 = tpu.memref_squeeze %dma_wait3A_212 : memref<1x125x80xi32, #tpu.memory_space<hbm>> -> memref<125x80xi32, #tpu.memory_space<hbm>>
      %dma_wait3A_214 = arith.constant 0 : i32
      %dma_wait3A_215 = tpu.memref_slice %dma_wait3A_213[%dma_wait3A_206, %dma_wait3A_214] : memref<125x80xi32, #tpu.memory_space<hbm>> -> memref<1x80xi32, #tpu.memory_space<hbm>>
      %dma_wait3A_216 = tpu.memref_squeeze %dma_wait3A_215 : memref<1x80xi32, #tpu.memory_space<hbm>> -> memref<80xi32, #tpu.memory_space<hbm>>
      %dma_wait3A_217 = arith.constant 0 : i32
      %dma_wait3A_218 = tpu.memref_slice %arg9[%rem3A_182, %dma_wait3A_217] : memref<4x80xi32, #tpu.memory_space<vmem>> -> memref<1x80xi32, #tpu.memory_space<vmem>>
      %dma_wait3A_219 = tpu.memref_squeeze %dma_wait3A_218 : memref<1x80xi32, #tpu.memory_space<vmem>> -> memref<80xi32, #tpu.memory_space<vmem>>
      %dma_wait3A_220 = arith.constant 0 : i32
      %dma_wait3A_221 = arith.constant 0 : i32
      %dma_wait3A_222 = tpu.memref_slice %arg3[%dma_wait3A_205, %dma_wait3A_220, %dma_wait3A_221] : memref<8x125x80xi32, #tpu.memory_space<hbm>> -> memref<1x125x80xi32, #tpu.memory_space<hbm>>
      %dma_wait3A_223 = tpu.memref_squeeze %dma_wait3A_222 : memref<1x125x80xi32, #tpu.memory_space<hbm>> -> memref<125x80xi32, #tpu.memory_space<hbm>>
      %dma_wait3A_224 = arith.constant 0 : i32
      %dma_wait3A_225 = tpu.memref_slice %dma_wait3A_223[%dma_wait3A_206, %dma_wait3A_224] : memref<125x80xi32, #tpu.memory_space<hbm>> -> memref<1x80xi32, #tpu.memory_space<hbm>>
      %dma_wait3A_226 = tpu.memref_squeeze %dma_wait3A_225 : memref<1x80xi32, #tpu.memory_space<hbm>> -> memref<80xi32, #tpu.memory_space<hbm>>
      tpu.wait_dma2 semaphore(%arg12 : memref<!tpu.dma_semaphore, #tpu.memory_space<semaphore_mem>>) src(%dma_wait3A_226 : memref<80xi32, #tpu.memory_space<hbm>>) dst(%dma_wait3A_219 : memref<80xi32, #tpu.memory_space<vmem>>)
      %add3A_227 = arith.constant 1 : i32
      %add3A_228 = arith.addi %while3A_173, %add3A_227 : i32
      %lt3A_229 = arith.cmpi slt, %add3A_228, %sub3A_41 : i32
      %convert_element_type3A_230 = arith.extui %lt3A_229 : i1 to i32
      %cond3A_231 = arith.constant 0 : i32
      %cond3A_232 = arith.cmpi ne, %convert_element_type3A_230, %cond3A_231 : i32
      scf.if %cond3A_232 {
        %add3A_318 = arith.constant 1 : i32
        %add3A_319 = arith.addi %while3A_173, %add3A_318 : i32
        %rem3A_320 = arith.constant 4 : i32
        %rem3A_321 = arith.remsi %add3A_319, %rem3A_320 : i32
        %dma_start3A_322 = arith.constant 0 : i32
        %dma_start3A_323 = tpu.memref_slice %arg8[%rem3A_321, %dma_start3A_322] : memref<4x80xi32, #tpu.memory_space<vmem>> -> memref<1x80xi32, #tpu.memory_space<vmem>>
        %dma_start3A_324 = tpu.memref_squeeze %dma_start3A_323 : memref<1x80xi32, #tpu.memory_space<vmem>> -> memref<80xi32, #tpu.memory_space<vmem>>
        %dma_start3A_325 = arith.constant 0 : i32
        %dma_start3A_326 = arith.constant 0 : i32
        %dma_start3A_327 = tpu.memref_slice %arg3[%select_n3A, %dma_start3A_325, %dma_start3A_326] : memref<8x125x80xi32, #tpu.memory_space<hbm>> -> memref<1x125x80xi32, #tpu.memory_space<hbm>>
        %dma_start3A_328 = tpu.memref_squeeze %dma_start3A_327 : memref<1x125x80xi32, #tpu.memory_space<hbm>> -> memref<125x80xi32, #tpu.memory_space<hbm>>
        %dma_start3A_329 = arith.constant 0 : i32
        %dma_start3A_330 = tpu.memref_slice %dma_start3A_328[%add3A_319, %dma_start3A_329] : memref<125x80xi32, #tpu.memory_space<hbm>> -> memref<1x80xi32, #tpu.memory_space<hbm>>
        %dma_start3A_331 = tpu.memref_squeeze %dma_start3A_330 : memref<1x80xi32, #tpu.memory_space<hbm>> -> memref<80xi32, #tpu.memory_space<hbm>>
        %dma_start3A_332 = arith.constant 0 : i32
        %dma_start3A_333 = tpu.memref_slice %arg8[%rem3A_321, %dma_start3A_332] : memref<4x80xi32, #tpu.memory_space<vmem>> -> memref<1x80xi32, #tpu.memory_space<vmem>>
        %dma_start3A_334 = tpu.memref_squeeze %dma_start3A_333 : memref<1x80xi32, #tpu.memory_space<vmem>> -> memref<80xi32, #tpu.memory_space<vmem>>
        %dma_start3A_335 = arith.constant 0 : i32
        %dma_start3A_336 = arith.constant 0 : i32
        %dma_start3A_337 = tpu.memref_slice %arg3[%select_n3A, %dma_start3A_335, %dma_start3A_336] : memref<8x125x80xi32, #tpu.memory_space<hbm>> -> memref<1x125x80xi32, #tpu.memory_space<hbm>>
        %dma_start3A_338 = tpu.memref_squeeze %dma_start3A_337 : memref<1x125x80xi32, #tpu.memory_space<hbm>> -> memref<125x80xi32, #tpu.memory_space<hbm>>
        %dma_start3A_339 = arith.constant 0 : i32
        %dma_start3A_340 = tpu.memref_slice %dma_start3A_338[%add3A_319, %dma_start3A_339] : memref<125x80xi32, #tpu.memory_space<hbm>> -> memref<1x80xi32, #tpu.memory_space<hbm>>
        %dma_start3A_341 = tpu.memref_squeeze %dma_start3A_340 : memref<1x80xi32, #tpu.memory_space<hbm>> -> memref<80xi32, #tpu.memory_space<hbm>>
        tpu.enqueue_dma source(%dma_start3A_341 : memref<80xi32, #tpu.memory_space<hbm>>) target(%dma_start3A_334 : memref<80xi32, #tpu.memory_space<vmem>>) target_semaphore(%arg12 : memref<!tpu.dma_semaphore, #tpu.memory_space<semaphore_mem>>)
        %dma_start3A_342 = arith.constant 0 : i32
        %dma_start3A_343 = tpu.memref_slice %arg9[%rem3A_321, %dma_start3A_342] : memref<4x80xi32, #tpu.memory_space<vmem>> -> memref<1x80xi32, #tpu.memory_space<vmem>>
        %dma_start3A_344 = tpu.memref_squeeze %dma_start3A_343 : memref<1x80xi32, #tpu.memory_space<vmem>> -> memref<80xi32, #tpu.memory_space<vmem>>
        %dma_start3A_345 = arith.constant 0 : i32
        %dma_start3A_346 = arith.constant 0 : i32
        %dma_start3A_347 = tpu.memref_slice %arg4[%select_n3A, %dma_start3A_345, %dma_start3A_346] : memref<8x125x80xi32, #tpu.memory_space<hbm>> -> memref<1x125x80xi32, #tpu.memory_space<hbm>>
        %dma_start3A_348 = tpu.memref_squeeze %dma_start3A_347 : memref<1x125x80xi32, #tpu.memory_space<hbm>> -> memref<125x80xi32, #tpu.memory_space<hbm>>
        %dma_start3A_349 = arith.constant 0 : i32
        %dma_start3A_350 = tpu.memref_slice %dma_start3A_348[%add3A_319, %dma_start3A_349] : memref<125x80xi32, #tpu.memory_space<hbm>> -> memref<1x80xi32, #tpu.memory_space<hbm>>
        %dma_start3A_351 = tpu.memref_squeeze %dma_start3A_350 : memref<1x80xi32, #tpu.memory_space<hbm>> -> memref<80xi32, #tpu.memory_space<hbm>>
        %dma_start3A_352 = arith.constant 0 : i32
        %dma_start3A_353 = tpu.memref_slice %arg9[%rem3A_321, %dma_start3A_352] : memref<4x80xi32, #tpu.memory_space<vmem>> -> memref<1x80xi32, #tpu.memory_space<vmem>>
        %dma_start3A_354 = tpu.memref_squeeze %dma_start3A_353 : memref<1x80xi32, #tpu.memory_space<vmem>> -> memref<80xi32, #tpu.memory_space<vmem>>
        %dma_start3A_355 = arith.constant 0 : i32
        %dma_start3A_356 = arith.constant 0 : i32
        %dma_start3A_357 = tpu.memref_slice %arg4[%select_n3A, %dma_start3A_355, %dma_start3A_356] : memref<8x125x80xi32, #tpu.memory_space<hbm>> -> memref<1x125x80xi32, #tpu.memory_space<hbm>>
        %dma_start3A_358 = tpu.memref_squeeze %dma_start3A_357 : memref<1x125x80xi32, #tpu.memory_space<hbm>> -> memref<125x80xi32, #tpu.memory_space<hbm>>
        %dma_start3A_359 = arith.constant 0 : i32
        %dma_start3A_360 = tpu.memref_slice %dma_start3A_358[%add3A_319, %dma_start3A_359] : memref<125x80xi32, #tpu.memory_space<hbm>> -> memref<1x80xi32, #tpu.memory_space<hbm>>
        %dma_start3A_361 = tpu.memref_squeeze %dma_start3A_360 : memref<1x80xi32, #tpu.memory_space<hbm>> -> memref<80xi32, #tpu.memory_space<hbm>>
        tpu.enqueue_dma source(%dma_start3A_361 : memref<80xi32, #tpu.memory_space<hbm>>) target(%dma_start3A_354 : memref<80xi32, #tpu.memory_space<vmem>>) target_semaphore(%arg12 : memref<!tpu.dma_semaphore, #tpu.memory_space<semaphore_mem>>)
      } else {
      }
      %rem3A_233 = arith.constant 4 : i32
      %rem3A_234 = arith.remsi %while3A_173, %rem3A_233 : i32
      %dma_start3A_235 = arith.constant 0 : i32
      %dma_start3A_236 = arith.constant 0 : i32
      %dma_start3A_237 = tpu.memref_slice %arg10[%rem3A_175, %dma_start3A_235, %dma_start3A_236] : memref<2x80x128xf32, #tpu.memory_space<vmem>> -> memref<1x80x128xf32, #tpu.memory_space<vmem>>
      %dma_start3A_238 = tpu.memref_squeeze %dma_start3A_237 : memref<1x80x128xf32, #tpu.memory_space<vmem>> -> memref<80x128xf32, #tpu.memory_space<vmem>>
      %dma_start3A_239 = arith.constant 0 : i32
      %dma_start3A_240 = tpu.memref_slice %arg8[%rem3A_234, %dma_start3A_239] : memref<4x80xi32, #tpu.memory_space<vmem>> -> memref<1x80xi32, #tpu.memory_space<vmem>>
      %dma_start3A_241 = tpu.memref_squeeze %dma_start3A_240 : memref<1x80xi32, #tpu.memory_space<vmem>> -> memref<80xi32, #tpu.memory_space<vmem>>
      %dma_start3A_242 = arith.constant 0 : i32
      %dma_start3A_243 = arith.constant 0 : i32
      %dma_start3A_244 = tpu.memref_slice %arg7[%dma_start3A_242, %dma_start3A_243] : memref<10000x128xf32, #tpu.memory_space<vmem_shared>> -> memref<10000x128xf32, #tpu.memory_space<vmem_shared>>
      tpu.enqueue_indirect_dma source(%dma_start3A_244 : memref<10000x128xf32, #tpu.memory_space<vmem_shared>>) target(%dma_start3A_238 : memref<80x128xf32, #tpu.memory_space<vmem>>) offsets(%dma_start3A_241 : memref<80xi32, #tpu.memory_space<vmem>>) semaphore(%arg13 : memref<!tpu.dma_semaphore, #tpu.memory_space<semaphore_mem>>)
      %mul3A_245 = arith.constant 80 : i32
      %mul3A_246 = arith.muli %while3A_173, %mul3A_245 : i32
      %dma_start3A_247 = arith.constant 0 : i32
      %dma_start3A_248 = arith.constant 0 : i32
      %dma_start3A_249 = tpu.memref_slice %arg11[%rem3A_175, %dma_start3A_247, %dma_start3A_248] : memref<2x80x128xf32, #tpu.memory_space<vmem>> -> memref<1x80x128xf32, #tpu.memory_space<vmem>>
      %dma_start3A_250 = tpu.memref_squeeze %dma_start3A_249 : memref<1x80x128xf32, #tpu.memory_space<vmem>> -> memref<80x128xf32, #tpu.memory_space<vmem>>
      %dma_start3A_251 = arith.constant 0 : i32
      %dma_start3A_252 = tpu.memref_slice %arg7[%mul3A_246, %dma_start3A_251] : memref<10000x128xf32, #tpu.memory_space<vmem_shared>> -> memref<80x128xf32, #tpu.memory_space<vmem_shared>>
      %dma_start3A_253 = arith.constant 0 : i32
      %dma_start3A_254 = arith.constant 0 : i32
      %dma_start3A_255 = tpu.memref_slice %arg11[%rem3A_175, %dma_start3A_253, %dma_start3A_254] : memref<2x80x128xf32, #tpu.memory_space<vmem>> -> memref<1x80x128xf32, #tpu.memory_space<vmem>>
      %dma_start3A_256 = tpu.memref_squeeze %dma_start3A_255 : memref<1x80x128xf32, #tpu.memory_space<vmem>> -> memref<80x128xf32, #tpu.memory_space<vmem>>
      %dma_start3A_257 = arith.constant 0 : i32
      %dma_start3A_258 = tpu.memref_slice %arg7[%mul3A_246, %dma_start3A_257] : memref<10000x128xf32, #tpu.memory_space<vmem_shared>> -> memref<80x128xf32, #tpu.memory_space<vmem_shared>>
      tpu.enqueue_dma source(%dma_start3A_258 : memref<80x128xf32, #tpu.memory_space<vmem_shared>>) target(%dma_start3A_256 : memref<80x128xf32, #tpu.memory_space<vmem>>) target_semaphore(%arg14 : memref<!tpu.dma_semaphore, #tpu.memory_space<semaphore_mem>>)
      %dma_wait3A_259 = arith.constant 0 : i32
      %dma_wait3A_260 = arith.constant 0 : i32
      %dma_wait3A_261 = tpu.memref_slice %arg10[%rem3A_175, %dma_wait3A_259, %dma_wait3A_260] : memref<2x80x128xf32, #tpu.memory_space<vmem>> -> memref<1x80x128xf32, #tpu.memory_space<vmem>>
      %dma_wait3A_262 = tpu.memref_squeeze %dma_wait3A_261 : memref<1x80x128xf32, #tpu.memory_space<vmem>> -> memref<80x128xf32, #tpu.memory_space<vmem>>
      %dma_wait3A_263 = arith.constant 0 : i32
      %dma_wait3A_264 = arith.constant 0 : i32
      %dma_wait3A_265 = tpu.memref_slice %arg2[%dma_wait3A_263, %dma_wait3A_264] : memref<10000x128xf32, #tpu.memory_space<hbm>> -> memref<80x128xf32, #tpu.memory_space<hbm>>
      %dma_wait3A_266 = arith.constant 0 : i32
      %dma_wait3A_267 = arith.constant 0 : i32
      %dma_wait3A_268 = tpu.memref_slice %arg10[%rem3A_175, %dma_wait3A_266, %dma_wait3A_267] : memref<2x80x128xf32, #tpu.memory_space<vmem>> -> memref<1x80x128xf32, #tpu.memory_space<vmem>>
      %dma_wait3A_269 = tpu.memref_squeeze %dma_wait3A_268 : memref<1x80x128xf32, #tpu.memory_space<vmem>> -> memref<80x128xf32, #tpu.memory_space<vmem>>
      %dma_wait3A_270 = arith.constant 0 : i32
      %dma_wait3A_271 = arith.constant 0 : i32
      %dma_wait3A_272 = tpu.memref_slice %arg2[%dma_wait3A_270, %dma_wait3A_271] : memref<10000x128xf32, #tpu.memory_space<hbm>> -> memref<80x128xf32, #tpu.memory_space<hbm>>
      tpu.wait_dma2 semaphore(%arg13 : memref<!tpu.dma_semaphore, #tpu.memory_space<semaphore_mem>>) src(%dma_wait3A_272 : memref<80x128xf32, #tpu.memory_space<hbm>>) dst(%dma_wait3A_269 : memref<80x128xf32, #tpu.memory_space<vmem>>)
      %dma_wait3A_273 = arith.constant 0 : i32
      %dma_wait3A_274 = arith.constant 0 : i32
      %dma_wait3A_275 = tpu.memref_slice %arg11[%rem3A_175, %dma_wait3A_273, %dma_wait3A_274] : memref<2x80x128xf32, #tpu.memory_space<vmem>> -> memref<1x80x128xf32, #tpu.memory_space<vmem>>
      %dma_wait3A_276 = tpu.memref_squeeze %dma_wait3A_275 : memref<1x80x128xf32, #tpu.memory_space<vmem>> -> memref<80x128xf32, #tpu.memory_space<vmem>>
      %dma_wait3A_277 = arith.constant 0 : i32
      %dma_wait3A_278 = arith.constant 0 : i32
      %dma_wait3A_279 = tpu.memref_slice %arg2[%dma_wait3A_277, %dma_wait3A_278] : memref<10000x128xf32, #tpu.memory_space<hbm>> -> memref<80x128xf32, #tpu.memory_space<hbm>>
      %dma_wait3A_280 = arith.constant 0 : i32
      %dma_wait3A_281 = arith.constant 0 : i32
      %dma_wait3A_282 = tpu.memref_slice %arg11[%rem3A_175, %dma_wait3A_280, %dma_wait3A_281] : memref<2x80x128xf32, #tpu.memory_space<vmem>> -> memref<1x80x128xf32, #tpu.memory_space<vmem>>
      %dma_wait3A_283 = tpu.memref_squeeze %dma_wait3A_282 : memref<1x80x128xf32, #tpu.memory_space<vmem>> -> memref<80x128xf32, #tpu.memory_space<vmem>>
      %dma_wait3A_284 = arith.constant 0 : i32
      %dma_wait3A_285 = arith.constant 0 : i32
      %dma_wait3A_286 = tpu.memref_slice %arg2[%dma_wait3A_284, %dma_wait3A_285] : memref<10000x128xf32, #tpu.memory_space<hbm>> -> memref<80x128xf32, #tpu.memory_space<hbm>>
      tpu.wait_dma2 semaphore(%arg14 : memref<!tpu.dma_semaphore, #tpu.memory_space<semaphore_mem>>) src(%dma_wait3A_286 : memref<80x128xf32, #tpu.memory_space<hbm>>) dst(%dma_wait3A_283 : memref<80x128xf32, #tpu.memory_space<vmem>>)
      %mul3A_287 = arith.constant 80 : i32
      %mul3A_288 = arith.muli %while3A_173, %mul3A_287 : i32
      %add3A_289 = arith.addi %mul3A_32, %mul3A_288 : i32
      %dma_start3A_290 = arith.constant 0 : i32
      %dma_start3A_291 = arith.constant 0 : i32
      %dma_start3A_292 = tpu.memref_slice %arg10[%rem3A_175, %dma_start3A_290, %dma_start3A_291] : memref<2x80x128xf32, #tpu.memory_space<vmem>> -> memref<1x80x128xf32, #tpu.memory_space<vmem>>
      %dma_start3A_293 = tpu.memref_squeeze %dma_start3A_292 : memref<1x80x128xf32, #tpu.memory_space<vmem>> -> memref<80x128xf32, #tpu.memory_space<vmem>>
      %dma_start3A_294 = arith.constant 0 : i32
      %dma_start3A_295 = tpu.memref_slice %arg5[%add3A_289, %dma_start3A_294] : memref<80000x128xf32, #tpu.memory_space<hbm>> -> memref<80x128xf32, #tpu.memory_space<hbm>>
      %dma_start3A_296 = tpu.memref_slice %arg15[%rem3A_175] : memref<2x!tpu.dma_semaphore, #tpu.memory_space<semaphore_mem>> -> memref<1x!tpu.dma_semaphore, #tpu.memory_space<semaphore_mem>>
      %dma_start3A_297 = tpu.memref_squeeze %dma_start3A_296 : memref<1x!tpu.dma_semaphore, #tpu.memory_space<semaphore_mem>> -> memref<!tpu.dma_semaphore, #tpu.memory_space<semaphore_mem>>
      %dma_start3A_298 = arith.constant 0 : i32
      %dma_start3A_299 = tpu.memref_slice %arg5[%add3A_289, %dma_start3A_298] : memref<80000x128xf32, #tpu.memory_space<hbm>> -> memref<80x128xf32, #tpu.memory_space<hbm>>
      %dma_start3A_300 = arith.constant 0 : i32
      %dma_start3A_301 = arith.constant 0 : i32
      %dma_start3A_302 = tpu.memref_slice %arg10[%rem3A_175, %dma_start3A_300, %dma_start3A_301] : memref<2x80x128xf32, #tpu.memory_space<vmem>> -> memref<1x80x128xf32, #tpu.memory_space<vmem>>
      %dma_start3A_303 = tpu.memref_squeeze %dma_start3A_302 : memref<1x80x128xf32, #tpu.memory_space<vmem>> -> memref<80x128xf32, #tpu.memory_space<vmem>>
      tpu.enqueue_dma source(%dma_start3A_303 : memref<80x128xf32, #tpu.memory_space<vmem>>) target(%dma_start3A_299 : memref<80x128xf32, #tpu.memory_space<hbm>>) target_semaphore(%dma_start3A_297 : memref<!tpu.dma_semaphore, #tpu.memory_space<semaphore_mem>>)
      %rem3A_304 = arith.constant 4 : i32
      %rem3A_305 = arith.remsi %while3A_173, %rem3A_304 : i32
      %dma_start3A_306 = arith.constant 0 : i32
      %dma_start3A_307 = arith.constant 0 : i32
      %dma_start3A_308 = tpu.memref_slice %arg11[%rem3A_175, %dma_start3A_306, %dma_start3A_307] : memref<2x80x128xf32, #tpu.memory_space<vmem>> -> memref<1x80x128xf32, #tpu.memory_space<vmem>>
      %dma_start3A_309 = tpu.memref_squeeze %dma_start3A_308 : memref<1x80x128xf32, #tpu.memory_space<vmem>> -> memref<80x128xf32, #tpu.memory_space<vmem>>
      %dma_start3A_310 = arith.constant 0 : i32
      %dma_start3A_311 = tpu.memref_slice %arg9[%rem3A_305, %dma_start3A_310] : memref<4x80xi32, #tpu.memory_space<vmem>> -> memref<1x80xi32, #tpu.memory_space<vmem>>
      %dma_start3A_312 = tpu.memref_squeeze %dma_start3A_311 : memref<1x80xi32, #tpu.memory_space<vmem>> -> memref<80xi32, #tpu.memory_space<vmem>>
      %dma_start3A_313 = arith.constant 0 : i32
      %dma_start3A_314 = arith.constant 0 : i32
      %dma_start3A_315 = tpu.memref_slice %arg6[%dma_start3A_313, %dma_start3A_314] : memref<80000x128xf32, #tpu.memory_space<hbm>> -> memref<80000x128xf32, #tpu.memory_space<hbm>>
      %dma_start3A_316 = tpu.memref_slice %arg16[%rem3A_175] : memref<2x!tpu.dma_semaphore, #tpu.memory_space<semaphore_mem>> -> memref<1x!tpu.dma_semaphore, #tpu.memory_space<semaphore_mem>>
      %dma_start3A_317 = tpu.memref_squeeze %dma_start3A_316 : memref<1x!tpu.dma_semaphore, #tpu.memory_space<semaphore_mem>> -> memref<!tpu.dma_semaphore, #tpu.memory_space<semaphore_mem>>
      tpu.enqueue_indirect_dma source(%dma_start3A_309 : memref<80x128xf32, #tpu.memory_space<vmem>>) target(%dma_start3A_315 : memref<80000x128xf32, #tpu.memory_space<hbm>>) offsets(%dma_start3A_312 : memref<80xi32, #tpu.memory_space<vmem>>) semaphore(%dma_start3A_317 : memref<!tpu.dma_semaphore, #tpu.memory_space<semaphore_mem>>)
    }
    %while3A_93 = arith.constant 1 : i32
    scf.for %while3A_173 = %while3A_91 to %while3A_87 step %while3A_93  : i32 {
      %rem3A_174 = arith.constant 2 : i32
      %rem3A_175 = arith.remsi %while3A_173, %rem3A_174 : i32
      %add3A_176 = arith.constant 2 : i32
      %add3A_177 = arith.addi %add3A_36, %add3A_176 : i32
      %ge3A = arith.cmpi sge, %while3A_173, %add3A_177 : i32
      %convert_element_type3A_178 = arith.extui %ge3A : i1 to i32
      %cond3A_179 = arith.constant 0 : i32
      %cond3A_180 = arith.cmpi ne, %convert_element_type3A_178, %cond3A_179 : i32
      scf.if %cond3A_180 {
        %sub3A_318 = arith.constant 2 : i32
        %sub3A_319 = arith.subi %while3A_173, %sub3A_318 : i32
        %rem3A_320 = arith.constant 2 : i32
        %rem3A_321 = arith.remsi %sub3A_319, %rem3A_320 : i32
        %mul3A_322 = arith.constant 80 : i32
        %mul3A_323 = arith.muli %sub3A_319, %mul3A_322 : i32
        %add3A_324 = arith.addi %mul3A_32, %mul3A_323 : i32
        %dma_wait3A_325 = arith.constant 0 : i32
        %dma_wait3A_326 = arith.constant 0 : i32
        %dma_wait3A_327 = arith.constant 0 : i32
        %dma_wait3A_328 = tpu.memref_slice %arg10[%dma_wait3A_325, %dma_wait3A_326, %dma_wait3A_327] : memref<2x80x128xf32, #tpu.memory_space<vmem>> -> memref<1x80x128xf32, #tpu.memory_space<vmem>>
        %dma_wait3A_329 = tpu.memref_squeeze %dma_wait3A_328 : memref<1x80x128xf32, #tpu.memory_space<vmem>> -> memref<80x128xf32, #tpu.memory_space<vmem>>
        %dma_wait3A_330 = arith.constant 0 : i32
        %dma_wait3A_331 = tpu.memref_slice %arg5[%add3A_324, %dma_wait3A_330] : memref<80000x128xf32, #tpu.memory_space<hbm>> -> memref<80x128xf32, #tpu.memory_space<hbm>>
        %dma_wait3A_332 = tpu.memref_slice %arg15[%rem3A_321] : memref<2x!tpu.dma_semaphore, #tpu.memory_space<semaphore_mem>> -> memref<1x!tpu.dma_semaphore, #tpu.memory_space<semaphore_mem>>
        %dma_wait3A_333 = tpu.memref_squeeze %dma_wait3A_332 : memref<1x!tpu.dma_semaphore, #tpu.memory_space<semaphore_mem>> -> memref<!tpu.dma_semaphore, #tpu.memory_space<semaphore_mem>>
        %dma_wait3A_334 = arith.constant 0 : i32
        %dma_wait3A_335 = tpu.memref_slice %arg5[%add3A_324, %dma_wait3A_334] : memref<80000x128xf32, #tpu.memory_space<hbm>> -> memref<80x128xf32, #tpu.memory_space<hbm>>
        %dma_wait3A_336 = arith.constant 0 : i32
        %dma_wait3A_337 = arith.constant 0 : i32
        %dma_wait3A_338 = tpu.memref_slice %arg10[%dma_wait3A_325, %dma_wait3A_336, %dma_wait3A_337] : memref<2x80x128xf32, #tpu.memory_space<vmem>> -> memref<1x80x128xf32, #tpu.memory_space<vmem>>
        %dma_wait3A_339 = tpu.memref_squeeze %dma_wait3A_338 : memref<1x80x128xf32, #tpu.memory_space<vmem>> -> memref<80x128xf32, #tpu.memory_space<vmem>>
        tpu.wait_dma2 semaphore(%dma_wait3A_333 : memref<!tpu.dma_semaphore, #tpu.memory_space<semaphore_mem>>) src(%dma_wait3A_339 : memref<80x128xf32, #tpu.memory_space<vmem>>) dst(%dma_wait3A_335 : memref<80x128xf32, #tpu.memory_space<hbm>>)
        %mul3A_340 = arith.constant 80 : i32
        %mul3A_341 = arith.muli %sub3A_319, %mul3A_340 : i32
        %add3A_342 = arith.addi %mul3A_32, %mul3A_341 : i32
        %dma_wait3A_343 = arith.constant 0 : i32
        %dma_wait3A_344 = arith.constant 0 : i32
        %dma_wait3A_345 = arith.constant 0 : i32
        %dma_wait3A_346 = tpu.memref_slice %arg11[%dma_wait3A_343, %dma_wait3A_344, %dma_wait3A_345] : memref<2x80x128xf32, #tpu.memory_space<vmem>> -> memref<1x80x128xf32, #tpu.memory_space<vmem>>
        %dma_wait3A_347 = tpu.memref_squeeze %dma_wait3A_346 : memref<1x80x128xf32, #tpu.memory_space<vmem>> -> memref<80x128xf32, #tpu.memory_space<vmem>>
        %dma_wait3A_348 = arith.constant 0 : i32
        %dma_wait3A_349 = tpu.memref_slice %arg6[%add3A_342, %dma_wait3A_348] : memref<80000x128xf32, #tpu.memory_space<hbm>> -> memref<80x128xf32, #tpu.memory_space<hbm>>
        %dma_wait3A_350 = tpu.memref_slice %arg16[%rem3A_321] : memref<2x!tpu.dma_semaphore, #tpu.memory_space<semaphore_mem>> -> memref<1x!tpu.dma_semaphore, #tpu.memory_space<semaphore_mem>>
        %dma_wait3A_351 = tpu.memref_squeeze %dma_wait3A_350 : memref<1x!tpu.dma_semaphore, #tpu.memory_space<semaphore_mem>> -> memref<!tpu.dma_semaphore, #tpu.memory_space<semaphore_mem>>
        %dma_wait3A_352 = arith.constant 0 : i32
        %dma_wait3A_353 = tpu.memref_slice %arg6[%add3A_342, %dma_wait3A_352] : memref<80000x128xf32, #tpu.memory_space<hbm>> -> memref<80x128xf32, #tpu.memory_space<hbm>>
        %dma_wait3A_354 = arith.constant 0 : i32
        %dma_wait3A_355 = arith.constant 0 : i32
        %dma_wait3A_356 = tpu.memref_slice %arg11[%dma_wait3A_343, %dma_wait3A_354, %dma_wait3A_355] : memref<2x80x128xf32, #tpu.memory_space<vmem>> -> memref<1x80x128xf32, #tpu.memory_space<vmem>>
        %dma_wait3A_357 = tpu.memref_squeeze %dma_wait3A_356 : memref<1x80x128xf32, #tpu.memory_space<vmem>> -> memref<80x128xf32, #tpu.memory_space<vmem>>
        tpu.wait_dma2 semaphore(%dma_wait3A_351 : memref<!tpu.dma_semaphore, #tpu.memory_space<semaphore_mem>>) src(%dma_wait3A_357 : memref<80x128xf32, #tpu.memory_space<vmem>>) dst(%dma_wait3A_353 : memref<80x128xf32, #tpu.memory_space<hbm>>)
      } else {
      }
      %rem3A_181 = arith.constant 4 : i32
      %rem3A_182 = arith.remsi %while3A_173, %rem3A_181 : i32
      %dma_wait3A_183 = arith.constant 0 : i32
      %dma_wait3A_184 = arith.constant 0 : i32
      %dma_wait3A_185 = arith.constant 0 : i32
      %dma_wait3A_186 = tpu.memref_slice %arg8[%rem3A_182, %dma_wait3A_185] : memref<4x80xi32, #tpu.memory_space<vmem>> -> memref<1x80xi32, #tpu.memory_space<vmem>>
      %dma_wait3A_187 = tpu.memref_squeeze %dma_wait3A_186 : memref<1x80xi32, #tpu.memory_space<vmem>> -> memref<80xi32, #tpu.memory_space<vmem>>
      %dma_wait3A_188 = arith.constant 0 : i32
      %dma_wait3A_189 = arith.constant 0 : i32
      %dma_wait3A_190 = tpu.memref_slice %arg3[%dma_wait3A_183, %dma_wait3A_188, %dma_wait3A_189] : memref<8x125x80xi32, #tpu.memory_space<hbm>> -> memref<1x125x80xi32, #tpu.memory_space<hbm>>
      %dma_wait3A_191 = tpu.memref_squeeze %dma_wait3A_190 : memref<1x125x80xi32, #tpu.memory_space<hbm>> -> memref<125x80xi32, #tpu.memory_space<hbm>>
      %dma_wait3A_192 = arith.constant 0 : i32
      %dma_wait3A_193 = tpu.memref_slice %dma_wait3A_191[%dma_wait3A_184, %dma_wait3A_192] : memref<125x80xi32, #tpu.memory_space<hbm>> -> memref<1x80xi32, #tpu.memory_space<hbm>>
      %dma_wait3A_194 = tpu.memref_squeeze %dma_wait3A_193 : memref<1x80xi32, #tpu.memory_space<hbm>> -> memref<80xi32, #tpu.memory_space<hbm>>
      %dma_wait3A_195 = arith.constant 0 : i32
      %dma_wait3A_196 = tpu.memref_slice %arg8[%rem3A_182, %dma_wait3A_195] : memref<4x80xi32, #tpu.memory_space<vmem>> -> memref<1x80xi32, #tpu.memory_space<vmem>>
      %dma_wait3A_197 = tpu.memref_squeeze %dma_wait3A_196 : memref<1x80xi32, #tpu.memory_space<vmem>> -> memref<80xi32, #tpu.memory_space<vmem>>
      %dma_wait3A_198 = arith.constant 0 : i32
      %dma_wait3A_199 = arith.constant 0 : i32
      %dma_wait3A_200 = tpu.memref_slice %arg3[%dma_wait3A_183, %dma_wait3A_198, %dma_wait3A_199] : memref<8x125x80xi32, #tpu.memory_space<hbm>> -> memref<1x125x80xi32, #tpu.memory_space<hbm>>
      %dma_wait3A_201 = tpu.memref_squeeze %dma_wait3A_200 : memref<1x125x80xi32, #tpu.memory_space<hbm>> -> memref<125x80xi32, #tpu.memory_space<hbm>>
      %dma_wait3A_202 = arith.constant 0 : i32
      %dma_wait3A_203 = tpu.memref_slice %dma_wait3A_201[%dma_wait3A_184, %dma_wait3A_202] : memref<125x80xi32, #tpu.memory_space<hbm>> -> memref<1x80xi32, #tpu.memory_space<hbm>>
      %dma_wait3A_204 = tpu.memref_squeeze %dma_wait3A_203 : memref<1x80xi32, #tpu.memory_space<hbm>> -> memref<80xi32, #tpu.memory_space<hbm>>
      tpu.wait_dma2 semaphore(%arg12 : memref<!tpu.dma_semaphore, #tpu.memory_space<semaphore_mem>>) src(%dma_wait3A_204 : memref<80xi32, #tpu.memory_space<hbm>>) dst(%dma_wait3A_197 : memref<80xi32, #tpu.memory_space<vmem>>)
      %dma_wait3A_205 = arith.constant 0 : i32
      %dma_wait3A_206 = arith.constant 0 : i32
      %dma_wait3A_207 = arith.constant 0 : i32
      %dma_wait3A_208 = tpu.memref_slice %arg9[%rem3A_182, %dma_wait3A_207] : memref<4x80xi32, #tpu.memory_space<vmem>> -> memref<1x80xi32, #tpu.memory_space<vmem>>
      %dma_wait3A_209 = tpu.memref_squeeze %dma_wait3A_208 : memref<1x80xi32, #tpu.memory_space<vmem>> -> memref<80xi32, #tpu.memory_space<vmem>>
      %dma_wait3A_210 = arith.constant 0 : i32
      %dma_wait3A_211 = arith.constant 0 : i32
      %dma_wait3A_212 = tpu.memref_slice %arg3[%dma_wait3A_205, %dma_wait3A_210, %dma_wait3A_211] : memref<8x125x80xi32, #tpu.memory_space<hbm>> -> memref<1x125x80xi32, #tpu.memory_space<hbm>>
      %dma_wait3A_213 = tpu.memref_squeeze %dma_wait3A_212 : memref<1x125x80xi32, #tpu.memory_space<hbm>> -> memref<125x80xi32, #tpu.memory_space<hbm>>
      %dma_wait3A_214 = arith.constant 0 : i32
      %dma_wait3A_215 = tpu.memref_slice %dma_wait3A_213[%dma_wait3A_206, %dma_wait3A_214] : memref<125x80xi32, #tpu.memory_space<hbm>> -> memref<1x80xi32, #tpu.memory_space<hbm>>
      %dma_wait3A_216 = tpu.memref_squeeze %dma_wait3A_215 : memref<1x80xi32, #tpu.memory_space<hbm>> -> memref<80xi32, #tpu.memory_space<hbm>>
      %dma_wait3A_217 = arith.constant 0 : i32
      %dma_wait3A_218 = tpu.memref_slice %arg9[%rem3A_182, %dma_wait3A_217] : memref<4x80xi32, #tpu.memory_space<vmem>> -> memref<1x80xi32, #tpu.memory_space<vmem>>
      %dma_wait3A_219 = tpu.memref_squeeze %dma_wait3A_218 : memref<1x80xi32, #tpu.memory_space<vmem>> -> memref<80xi32, #tpu.memory_space<vmem>>
      %dma_wait3A_220 = arith.constant 0 : i32
      %dma_wait3A_221 = arith.constant 0 : i32
      %dma_wait3A_222 = tpu.memref_slice %arg3[%dma_wait3A_205, %dma_wait3A_220, %dma_wait3A_221] : memref<8x125x80xi32, #tpu.memory_space<hbm>> -> memref<1x125x80xi32, #tpu.memory_space<hbm>>
      %dma_wait3A_223 = tpu.memref_squeeze %dma_wait3A_222 : memref<1x125x80xi32, #tpu.memory_space<hbm>> -> memref<125x80xi32, #tpu.memory_space<hbm>>
      %dma_wait3A_224 = arith.constant 0 : i32
      %dma_wait3A_225 = tpu.memref_slice %dma_wait3A_223[%dma_wait3A_206, %dma_wait3A_224] : memref<125x80xi32, #tpu.memory_space<hbm>> -> memref<1x80xi32, #tpu.memory_space<hbm>>
      %dma_wait3A_226 = tpu.memref_squeeze %dma_wait3A_225 : memref<1x80xi32, #tpu.memory_space<hbm>> -> memref<80xi32, #tpu.memory_space<hbm>>
      tpu.wait_dma2 semaphore(%arg12 : memref<!tpu.dma_semaphore, #tpu.memory_space<semaphore_mem>>) src(%dma_wait3A_226 : memref<80xi32, #tpu.memory_space<hbm>>) dst(%dma_wait3A_219 : memref<80xi32, #tpu.memory_space<vmem>>)
      %add3A_227 = arith.constant 1 : i32
      %add3A_228 = arith.addi %while3A_173, %add3A_227 : i32
      %lt3A_229 = arith.cmpi slt, %add3A_228, %sub3A_41 : i32
      %convert_element_type3A_230 = arith.extui %lt3A_229 : i1 to i32
      %cond3A_231 = arith.constant 0 : i32
      %cond3A_232 = arith.cmpi ne, %convert_element_type3A_230, %cond3A_231 : i32
      scf.if %cond3A_232 {
        %add3A_318 = arith.constant 1 : i32
        %add3A_319 = arith.addi %while3A_173, %add3A_318 : i32
        %rem3A_320 = arith.constant 4 : i32
        %rem3A_321 = arith.remsi %add3A_319, %rem3A_320 : i32
        %dma_start3A_322 = arith.constant 0 : i32
        %dma_start3A_323 = tpu.memref_slice %arg8[%rem3A_321, %dma_start3A_322] : memref<4x80xi32, #tpu.memory_space<vmem>> -> memref<1x80xi32, #tpu.memory_space<vmem>>
        %dma_start3A_324 = tpu.memref_squeeze %dma_start3A_323 : memref<1x80xi32, #tpu.memory_space<vmem>> -> memref<80xi32, #tpu.memory_space<vmem>>
        %dma_start3A_325 = arith.constant 0 : i32
        %dma_start3A_326 = arith.constant 0 : i32
        %dma_start3A_327 = tpu.memref_slice %arg3[%select_n3A, %dma_start3A_325, %dma_start3A_326] : memref<8x125x80xi32, #tpu.memory_space<hbm>> -> memref<1x125x80xi32, #tpu.memory_space<hbm>>
        %dma_start3A_328 = tpu.memref_squeeze %dma_start3A_327 : memref<1x125x80xi32, #tpu.memory_space<hbm>> -> memref<125x80xi32, #tpu.memory_space<hbm>>
        %dma_start3A_329 = arith.constant 0 : i32
        %dma_start3A_330 = tpu.memref_slice %dma_start3A_328[%add3A_319, %dma_start3A_329] : memref<125x80xi32, #tpu.memory_space<hbm>> -> memref<1x80xi32, #tpu.memory_space<hbm>>
        %dma_start3A_331 = tpu.memref_squeeze %dma_start3A_330 : memref<1x80xi32, #tpu.memory_space<hbm>> -> memref<80xi32, #tpu.memory_space<hbm>>
        %dma_start3A_332 = arith.constant 0 : i32
        %dma_start3A_333 = tpu.memref_slice %arg8[%rem3A_321, %dma_start3A_332] : memref<4x80xi32, #tpu.memory_space<vmem>> -> memref<1x80xi32, #tpu.memory_space<vmem>>
        %dma_start3A_334 = tpu.memref_squeeze %dma_start3A_333 : memref<1x80xi32, #tpu.memory_space<vmem>> -> memref<80xi32, #tpu.memory_space<vmem>>
        %dma_start3A_335 = arith.constant 0 : i32
        %dma_start3A_336 = arith.constant 0 : i32
        %dma_start3A_337 = tpu.memref_slice %arg3[%select_n3A, %dma_start3A_335, %dma_start3A_336] : memref<8x125x80xi32, #tpu.memory_space<hbm>> -> memref<1x125x80xi32, #tpu.memory_space<hbm>>
        %dma_start3A_338 = tpu.memref_squeeze %dma_start3A_337 : memref<1x125x80xi32, #tpu.memory_space<hbm>> -> memref<125x80xi32, #tpu.memory_space<hbm>>
        %dma_start3A_339 = arith.constant 0 : i32
        %dma_start3A_340 = tpu.memref_slice %dma_start3A_338[%add3A_319, %dma_start3A_339] : memref<125x80xi32, #tpu.memory_space<hbm>> -> memref<1x80xi32, #tpu.memory_space<hbm>>
        %dma_start3A_341 = tpu.memref_squeeze %dma_start3A_340 : memref<1x80xi32, #tpu.memory_space<hbm>> -> memref<80xi32, #tpu.memory_space<hbm>>
        tpu.enqueue_dma source(%dma_start3A_341 : memref<80xi32, #tpu.memory_space<hbm>>) target(%dma_start3A_334 : memref<80xi32, #tpu.memory_space<vmem>>) target_semaphore(%arg12 : memref<!tpu.dma_semaphore, #tpu.memory_space<semaphore_mem>>)
        %dma_start3A_342 = arith.constant 0 : i32
        %dma_start3A_343 = tpu.memref_slice %arg9[%rem3A_321, %dma_start3A_342] : memref<4x80xi32, #tpu.memory_space<vmem>> -> memref<1x80xi32, #tpu.memory_space<vmem>>
        %dma_start3A_344 = tpu.memref_squeeze %dma_start3A_343 : memref<1x80xi32, #tpu.memory_space<vmem>> -> memref<80xi32, #tpu.memory_space<vmem>>
        %dma_start3A_345 = arith.constant 0 : i32
        %dma_start3A_346 = arith.constant 0 : i32
        %dma_start3A_347 = tpu.memref_slice %arg4[%select_n3A, %dma_start3A_345, %dma_start3A_346] : memref<8x125x80xi32, #tpu.memory_space<hbm>> -> memref<1x125x80xi32, #tpu.memory_space<hbm>>
        %dma_start3A_348 = tpu.memref_squeeze %dma_start3A_347 : memref<1x125x80xi32, #tpu.memory_space<hbm>> -> memref<125x80xi32, #tpu.memory_space<hbm>>
        %dma_start3A_349 = arith.constant 0 : i32
        %dma_start3A_350 = tpu.memref_slice %dma_start3A_348[%add3A_319, %dma_start3A_349] : memref<125x80xi32, #tpu.memory_space<hbm>> -> memref<1x80xi32, #tpu.memory_space<hbm>>
        %dma_start3A_351 = tpu.memref_squeeze %dma_start3A_350 : memref<1x80xi32, #tpu.memory_space<hbm>> -> memref<80xi32, #tpu.memory_space<hbm>>
        %dma_start3A_352 = arith.constant 0 : i32
        %dma_start3A_353 = tpu.memref_slice %arg9[%rem3A_321, %dma_start3A_352] : memref<4x80xi32, #tpu.memory_space<vmem>> -> memref<1x80xi32, #tpu.memory_space<vmem>>
        %dma_start3A_354 = tpu.memref_squeeze %dma_start3A_353 : memref<1x80xi32, #tpu.memory_space<vmem>> -> memref<80xi32, #tpu.memory_space<vmem>>
        %dma_start3A_355 = arith.constant 0 : i32
        %dma_start3A_356 = arith.constant 0 : i32
        %dma_start3A_357 = tpu.memref_slice %arg4[%select_n3A, %dma_start3A_355, %dma_start3A_356] : memref<8x125x80xi32, #tpu.memory_space<hbm>> -> memref<1x125x80xi32, #tpu.memory_space<hbm>>
        %dma_start3A_358 = tpu.memref_squeeze %dma_start3A_357 : memref<1x125x80xi32, #tpu.memory_space<hbm>> -> memref<125x80xi32, #tpu.memory_space<hbm>>
        %dma_start3A_359 = arith.constant 0 : i32
        %dma_start3A_360 = tpu.memref_slice %dma_start3A_358[%add3A_319, %dma_start3A_359] : memref<125x80xi32, #tpu.memory_space<hbm>> -> memref<1x80xi32, #tpu.memory_space<hbm>>
        %dma_start3A_361 = tpu.memref_squeeze %dma_start3A_360 : memref<1x80xi32, #tpu.memory_space<hbm>> -> memref<80xi32, #tpu.memory_space<hbm>>
        tpu.enqueue_dma source(%dma_start3A_361 : memref<80xi32, #tpu.memory_space<hbm>>) target(%dma_start3A_354 : memref<80xi32, #tpu.memory_space<vmem>>) target_semaphore(%arg12 : memref<!tpu.dma_semaphore, #tpu.memory_space<semaphore_mem>>)
      } else {
      }
      %rem3A_233 = arith.constant 4 : i32
      %rem3A_234 = arith.remsi %while3A_173, %rem3A_233 : i32
      %dma_start3A_235 = arith.constant 0 : i32
      %dma_start3A_236 = arith.constant 0 : i32
      %dma_start3A_237 = tpu.memref_slice %arg10[%rem3A_175, %dma_start3A_235, %dma_start3A_236] : memref<2x80x128xf32, #tpu.memory_space<vmem>> -> memref<1x80x128xf32, #tpu.memory_space<vmem>>
      %dma_start3A_238 = tpu.memref_squeeze %dma_start3A_237 : memref<1x80x128xf32, #tpu.memory_space<vmem>> -> memref<80x128xf32, #tpu.memory_space<vmem>>
      %dma_start3A_239 = arith.constant 0 : i32
      %dma_start3A_240 = tpu.memref_slice %arg8[%rem3A_234, %dma_start3A_239] : memref<4x80xi32, #tpu.memory_space<vmem>> -> memref<1x80xi32, #tpu.memory_space<vmem>>
      %dma_start3A_241 = tpu.memref_squeeze %dma_start3A_240 : memref<1x80xi32, #tpu.memory_space<vmem>> -> memref<80xi32, #tpu.memory_space<vmem>>
      %dma_start3A_242 = arith.constant 0 : i32
      %dma_start3A_243 = arith.constant 0 : i32
      %dma_start3A_244 = tpu.memref_slice %arg7[%dma_start3A_242, %dma_start3A_243] : memref<10000x128xf32, #tpu.memory_space<vmem_shared>> -> memref<10000x128xf32, #tpu.memory_space<vmem_shared>>
      tpu.enqueue_indirect_dma source(%dma_start3A_244 : memref<10000x128xf32, #tpu.memory_space<vmem_shared>>) target(%dma_start3A_238 : memref<80x128xf32, #tpu.memory_space<vmem>>) offsets(%dma_start3A_241 : memref<80xi32, #tpu.memory_space<vmem>>) semaphore(%arg13 : memref<!tpu.dma_semaphore, #tpu.memory_space<semaphore_mem>>)
      %mul3A_245 = arith.constant 80 : i32
      %mul3A_246 = arith.muli %while3A_173, %mul3A_245 : i32
      %dma_start3A_247 = arith.constant 0 : i32
      %dma_start3A_248 = arith.constant 0 : i32
      %dma_start3A_249 = tpu.memref_slice %arg11[%rem3A_175, %dma_start3A_247, %dma_start3A_248] : memref<2x80x128xf32, #tpu.memory_space<vmem>> -> memref<1x80x128xf32, #tpu.memory_space<vmem>>
      %dma_start3A_250 = tpu.memref_squeeze %dma_start3A_249 : memref<1x80x128xf32, #tpu.memory_space<vmem>> -> memref<80x128xf32, #tpu.memory_space<vmem>>
      %dma_start3A_251 = arith.constant 0 : i32
      %dma_start3A_252 = tpu.memref_slice %arg7[%mul3A_246, %dma_start3A_251] : memref<10000x128xf32, #tpu.memory_space<vmem_shared>> -> memref<80x128xf32, #tpu.memory_space<vmem_shared>>
      %dma_start3A_253 = arith.constant 0 : i32
      %dma_start3A_254 = arith.constant 0 : i32
      %dma_start3A_255 = tpu.memref_slice %arg11[%rem3A_175, %dma_start3A_253, %dma_start3A_254] : memref<2x80x128xf32, #tpu.memory_space<vmem>> -> memref<1x80x128xf32, #tpu.memory_space<vmem>>
      %dma_start3A_256 = tpu.memref_squeeze %dma_start3A_255 : memref<1x80x128xf32, #tpu.memory_space<vmem>> -> memref<80x128xf32, #tpu.memory_space<vmem>>
      %dma_start3A_257 = arith.constant 0 : i32
      %dma_start3A_258 = tpu.memref_slice %arg7[%mul3A_246, %dma_start3A_257] : memref<10000x128xf32, #tpu.memory_space<vmem_shared>> -> memref<80x128xf32, #tpu.memory_space<vmem_shared>>
      tpu.enqueue_dma source(%dma_start3A_258 : memref<80x128xf32, #tpu.memory_space<vmem_shared>>) target(%dma_start3A_256 : memref<80x128xf32, #tpu.memory_space<vmem>>) target_semaphore(%arg14 : memref<!tpu.dma_semaphore, #tpu.memory_space<semaphore_mem>>)
      %dma_wait3A_259 = arith.constant 0 : i32
      %dma_wait3A_260 = arith.constant 0 : i32
      %dma_wait3A_261 = tpu.memref_slice %arg10[%rem3A_175, %dma_wait3A_259, %dma_wait3A_260] : memref<2x80x128xf32, #tpu.memory_space<vmem>> -> memref<1x80x128xf32, #tpu.memory_space<vmem>>
      %dma_wait3A_262 = tpu.memref_squeeze %dma_wait3A_261 : memref<1x80x128xf32, #tpu.memory_space<vmem>> -> memref<80x128xf32, #tpu.memory_space<vmem>>
      %dma_wait3A_263 = arith.constant 0 : i32
      %dma_wait3A_264 = arith.constant 0 : i32
      %dma_wait3A_265 = tpu.memref_slice %arg2[%dma_wait3A_263, %dma_wait3A_264] : memref<10000x128xf32, #tpu.memory_space<hbm>> -> memref<80x128xf32, #tpu.memory_space<hbm>>
      %dma_wait3A_266 = arith.constant 0 : i32
      %dma_wait3A_267 = arith.constant 0 : i32
      %dma_wait3A_268 = tpu.memref_slice %arg10[%rem3A_175, %dma_wait3A_266, %dma_wait3A_267] : memref<2x80x128xf32, #tpu.memory_space<vmem>> -> memref<1x80x128xf32, #tpu.memory_space<vmem>>
      %dma_wait3A_269 = tpu.memref_squeeze %dma_wait3A_268 : memref<1x80x128xf32, #tpu.memory_space<vmem>> -> memref<80x128xf32, #tpu.memory_space<vmem>>
      %dma_wait3A_270 = arith.constant 0 : i32
      %dma_wait3A_271 = arith.constant 0 : i32
      %dma_wait3A_272 = tpu.memref_slice %arg2[%dma_wait3A_270, %dma_wait3A_271] : memref<10000x128xf32, #tpu.memory_space<hbm>> -> memref<80x128xf32, #tpu.memory_space<hbm>>
      tpu.wait_dma2 semaphore(%arg13 : memref<!tpu.dma_semaphore, #tpu.memory_space<semaphore_mem>>) src(%dma_wait3A_272 : memref<80x128xf32, #tpu.memory_space<hbm>>) dst(%dma_wait3A_269 : memref<80x128xf32, #tpu.memory_space<vmem>>)
      %dma_wait3A_273 = arith.constant 0 : i32
      %dma_wait3A_274 = arith.constant 0 : i32
      %dma_wait3A_275 = tpu.memref_slice %arg11[%rem3A_175, %dma_wait3A_273, %dma_wait3A_274] : memref<2x80x128xf32, #tpu.memory_space<vmem>> -> memref<1x80x128xf32, #tpu.memory_space<vmem>>
      %dma_wait3A_276 = tpu.memref_squeeze %dma_wait3A_275 : memref<1x80x128xf32, #tpu.memory_space<vmem>> -> memref<80x128xf32, #tpu.memory_space<vmem>>
      %dma_wait3A_277 = arith.constant 0 : i32
      %dma_wait3A_278 = arith.constant 0 : i32
      %dma_wait3A_279 = tpu.memref_slice %arg2[%dma_wait3A_277, %dma_wait3A_278] : memref<10000x128xf32, #tpu.memory_space<hbm>> -> memref<80x128xf32, #tpu.memory_space<hbm>>
      %dma_wait3A_280 = arith.constant 0 : i32
      %dma_wait3A_281 = arith.constant 0 : i32
      %dma_wait3A_282 = tpu.memref_slice %arg11[%rem3A_175, %dma_wait3A_280, %dma_wait3A_281] : memref<2x80x128xf32, #tpu.memory_space<vmem>> -> memref<1x80x128xf32, #tpu.memory_space<vmem>>
      %dma_wait3A_283 = tpu.memref_squeeze %dma_wait3A_282 : memref<1x80x128xf32, #tpu.memory_space<vmem>> -> memref<80x128xf32, #tpu.memory_space<vmem>>
      %dma_wait3A_284 = arith.constant 0 : i32
      %dma_wait3A_285 = arith.constant 0 : i32
      %dma_wait3A_286 = tpu.memref_slice %arg2[%dma_wait3A_284, %dma_wait3A_285] : memref<10000x128xf32, #tpu.memory_space<hbm>> -> memref<80x128xf32, #tpu.memory_space<hbm>>
      tpu.wait_dma2 semaphore(%arg14 : memref<!tpu.dma_semaphore, #tpu.memory_space<semaphore_mem>>) src(%dma_wait3A_286 : memref<80x128xf32, #tpu.memory_space<hbm>>) dst(%dma_wait3A_283 : memref<80x128xf32, #tpu.memory_space<vmem>>)
      %mul3A_287 = arith.constant 80 : i32
      %mul3A_288 = arith.muli %while3A_173, %mul3A_287 : i32
      %add3A_289 = arith.addi %mul3A_32, %mul3A_288 : i32
      %dma_start3A_290 = arith.constant 0 : i32
      %dma_start3A_291 = arith.constant 0 : i32
      %dma_start3A_292 = tpu.memref_slice %arg10[%rem3A_175, %dma_start3A_290, %dma_start3A_291] : memref<2x80x128xf32, #tpu.memory_space<vmem>> -> memref<1x80x128xf32, #tpu.memory_space<vmem>>
      %dma_start3A_293 = tpu.memref_squeeze %dma_start3A_292 : memref<1x80x128xf32, #tpu.memory_space<vmem>> -> memref<80x128xf32, #tpu.memory_space<vmem>>
      %dma_start3A_294 = arith.constant 0 : i32
      %dma_start3A_295 = tpu.memref_slice %arg5[%add3A_289, %dma_start3A_294] : memref<80000x128xf32, #tpu.memory_space<hbm>> -> memref<80x128xf32, #tpu.memory_space<hbm>>
      %dma_start3A_296 = tpu.memref_slice %arg15[%rem3A_175] : memref<2x!tpu.dma_semaphore, #tpu.memory_space<semaphore_mem>> -> memref<1x!tpu.dma_semaphore, #tpu.memory_space<semaphore_mem>>
      %dma_start3A_297 = tpu.memref_squeeze %dma_start3A_296 : memref<1x!tpu.dma_semaphore, #tpu.memory_space<semaphore_mem>> -> memref<!tpu.dma_semaphore, #tpu.memory_space<semaphore_mem>>
      %dma_start3A_298 = arith.constant 0 : i32
      %dma_start3A_299 = tpu.memref_slice %arg5[%add3A_289, %dma_start3A_298] : memref<80000x128xf32, #tpu.memory_space<hbm>> -> memref<80x128xf32, #tpu.memory_space<hbm>>
      %dma_start3A_300 = arith.constant 0 : i32
      %dma_start3A_301 = arith.constant 0 : i32
      %dma_start3A_302 = tpu.memref_slice %arg10[%rem3A_175, %dma_start3A_300, %dma_start3A_301] : memref<2x80x128xf32, #tpu.memory_space<vmem>> -> memref<1x80x128xf32, #tpu.memory_space<vmem>>
      %dma_start3A_303 = tpu.memref_squeeze %dma_start3A_302 : memref<1x80x128xf32, #tpu.memory_space<vmem>> -> memref<80x128xf32, #tpu.memory_space<vmem>>
      tpu.enqueue_dma source(%dma_start3A_303 : memref<80x128xf32, #tpu.memory_space<vmem>>) target(%dma_start3A_299 : memref<80x128xf32, #tpu.memory_space<hbm>>) target_semaphore(%dma_start3A_297 : memref<!tpu.dma_semaphore, #tpu.memory_space<semaphore_mem>>)
      %rem3A_304 = arith.constant 4 : i32
      %rem3A_305 = arith.remsi %while3A_173, %rem3A_304 : i32
      %dma_start3A_306 = arith.constant 0 : i32
      %dma_start3A_307 = arith.constant 0 : i32
      %dma_start3A_308 = tpu.memref_slice %arg11[%rem3A_175, %dma_start3A_306, %dma_start3A_307] : memref<2x80x128xf32, #tpu.memory_space<vmem>> -> memref<1x80x128xf32, #tpu.memory_space<vmem>>
      %dma_start3A_309 = tpu.memref_squeeze %dma_start3A_308 : memref<1x80x128xf32, #tpu.memory_space<vmem>> -> memref<80x128xf32, #tpu.memory_space<vmem>>
      %dma_start3A_310 = arith.constant 0 : i32
      %dma_start3A_311 = tpu.memref_slice %arg9[%rem3A_305, %dma_start3A_310] : memref<4x80xi32, #tpu.memory_space<vmem>> -> memref<1x80xi32, #tpu.memory_space<vmem>>
      %dma_start3A_312 = tpu.memref_squeeze %dma_start3A_311 : memref<1x80xi32, #tpu.memory_space<vmem>> -> memref<80xi32, #tpu.memory_space<vmem>>
      %dma_start3A_313 = arith.constant 0 : i32
      %dma_start3A_314 = arith.constant 0 : i32
      %dma_start3A_315 = tpu.memref_slice %arg6[%dma_start3A_313, %dma_start3A_314] : memref<80000x128xf32, #tpu.memory_space<hbm>> -> memref<80000x128xf32, #tpu.memory_space<hbm>>
      %dma_start3A_316 = tpu.memref_slice %arg16[%rem3A_175] : memref<2x!tpu.dma_semaphore, #tpu.memory_space<semaphore_mem>> -> memref<1x!tpu.dma_semaphore, #tpu.memory_space<semaphore_mem>>
      %dma_start3A_317 = tpu.memref_squeeze %dma_start3A_316 : memref<1x!tpu.dma_semaphore, #tpu.memory_space<semaphore_mem>> -> memref<!tpu.dma_semaphore, #tpu.memory_space<semaphore_mem>>
      tpu.enqueue_indirect_dma source(%dma_start3A_309 : memref<80x128xf32, #tpu.memory_space<vmem>>) target(%dma_start3A_315 : memref<80000x128xf32, #tpu.memory_space<hbm>>) offsets(%dma_start3A_312 : memref<80xi32, #tpu.memory_space<vmem>>) semaphore(%dma_start3A_317 : memref<!tpu.dma_semaphore, #tpu.memory_space<semaphore_mem>>)
    }
    %sub3A_94 = arith.constant 2 : i32
    %sub3A_95 = arith.subi %sub3A_41, %sub3A_94 : i32
    %rem3A_96 = arith.constant 2 : i32
    %rem3A_97 = arith.remsi %sub3A_95, %rem3A_96 : i32
    %mul3A_98 = arith.constant 80 : i32
    %mul3A_99 = arith.muli %sub3A_95, %mul3A_98 : i32
    %add3A_100 = arith.addi %mul3A_32, %mul3A_99 : i32
    %dma_wait3A = arith.constant 0 : i32
    %dma_wait3A_101 = arith.constant 0 : i32
    %dma_wait3A_102 = arith.constant 0 : i32
    %dma_wait3A_103 = tpu.memref_slice %arg10[%dma_wait3A, %dma_wait3A_101, %dma_wait3A_102] : memref<2x80x128xf32, #tpu.memory_space<vmem>> -> memref<1x80x128xf32, #tpu.memory_space<vmem>>
    %dma_wait3A_104 = tpu.memref_squeeze %dma_wait3A_103 : memref<1x80x128xf32, #tpu.memory_space<vmem>> -> memref<80x128xf32, #tpu.memory_space<vmem>>
    %dma_wait3A_105 = arith.constant 0 : i32
    %dma_wait3A_106 = tpu.memref_slice %arg5[%add3A_100, %dma_wait3A_105] : memref<80000x128xf32, #tpu.memory_space<hbm>> -> memref<80x128xf32, #tpu.memory_space<hbm>>
    %dma_wait3A_107 = tpu.memref_slice %arg15[%rem3A_97] : memref<2x!tpu.dma_semaphore, #tpu.memory_space<semaphore_mem>> -> memref<1x!tpu.dma_semaphore, #tpu.memory_space<semaphore_mem>>
    %dma_wait3A_108 = tpu.memref_squeeze %dma_wait3A_107 : memref<1x!tpu.dma_semaphore, #tpu.memory_space<semaphore_mem>> -> memref<!tpu.dma_semaphore, #tpu.memory_space<semaphore_mem>>
    %dma_wait3A_109 = arith.constant 0 : i32
    %dma_wait3A_110 = tpu.memref_slice %arg5[%add3A_100, %dma_wait3A_109] : memref<80000x128xf32, #tpu.memory_space<hbm>> -> memref<80x128xf32, #tpu.memory_space<hbm>>
    %dma_wait3A_111 = arith.constant 0 : i32
    %dma_wait3A_112 = arith.constant 0 : i32
    %dma_wait3A_113 = tpu.memref_slice %arg10[%dma_wait3A, %dma_wait3A_111, %dma_wait3A_112] : memref<2x80x128xf32, #tpu.memory_space<vmem>> -> memref<1x80x128xf32, #tpu.memory_space<vmem>>
    %dma_wait3A_114 = tpu.memref_squeeze %dma_wait3A_113 : memref<1x80x128xf32, #tpu.memory_space<vmem>> -> memref<80x128xf32, #tpu.memory_space<vmem>>
    tpu.wait_dma2 semaphore(%dma_wait3A_108 : memref<!tpu.dma_semaphore, #tpu.memory_space<semaphore_mem>>) src(%dma_wait3A_114 : memref<80x128xf32, #tpu.memory_space<vmem>>) dst(%dma_wait3A_110 : memref<80x128xf32, #tpu.memory_space<hbm>>)
    %mul3A_115 = arith.constant 80 : i32
    %mul3A_116 = arith.muli %sub3A_95, %mul3A_115 : i32
    %add3A_117 = arith.addi %mul3A_32, %mul3A_116 : i32
    %dma_wait3A_118 = arith.constant 0 : i32
    %dma_wait3A_119 = arith.constant 0 : i32
    %dma_wait3A_120 = arith.constant 0 : i32
    %dma_wait3A_121 = tpu.memref_slice %arg11[%dma_wait3A_118, %dma_wait3A_119, %dma_wait3A_120] : memref<2x80x128xf32, #tpu.memory_space<vmem>> -> memref<1x80x128xf32, #tpu.memory_space<vmem>>
    %dma_wait3A_122 = tpu.memref_squeeze %dma_wait3A_121 : memref<1x80x128xf32, #tpu.memory_space<vmem>> -> memref<80x128xf32, #tpu.memory_space<vmem>>
    %dma_wait3A_123 = arith.constant 0 : i32
    %dma_wait3A_124 = tpu.memref_slice %arg6[%add3A_117, %dma_wait3A_123] : memref<80000x128xf32, #tpu.memory_space<hbm>> -> memref<80x128xf32, #tpu.memory_space<hbm>>
    %dma_wait3A_125 = tpu.memref_slice %arg16[%rem3A_97] : memref<2x!tpu.dma_semaphore, #tpu.memory_space<semaphore_mem>> -> memref<1x!tpu.dma_semaphore, #tpu.memory_space<semaphore_mem>>
    %dma_wait3A_126 = tpu.memref_squeeze %dma_wait3A_125 : memref<1x!tpu.dma_semaphore, #tpu.memory_space<semaphore_mem>> -> memref<!tpu.dma_semaphore, #tpu.memory_space<semaphore_mem>>
    %dma_wait3A_127 = arith.constant 0 : i32
    %dma_wait3A_128 = tpu.memref_slice %arg6[%add3A_117, %dma_wait3A_127] : memref<80000x128xf32, #tpu.memory_space<hbm>> -> memref<80x128xf32, #tpu.memory_space<hbm>>
    %dma_wait3A_129 = arith.constant 0 : i32
    %dma_wait3A_130 = arith.constant 0 : i32
    %dma_wait3A_131 = tpu.memref_slice %arg11[%dma_wait3A_118, %dma_wait3A_129, %dma_wait3A_130] : memref<2x80x128xf32, #tpu.memory_space<vmem>> -> memref<1x80x128xf32, #tpu.memory_space<vmem>>
    %dma_wait3A_132 = tpu.memref_squeeze %dma_wait3A_131 : memref<1x80x128xf32, #tpu.memory_space<vmem>> -> memref<80x128xf32, #tpu.memory_space<vmem>>
    tpu.wait_dma2 semaphore(%dma_wait3A_126 : memref<!tpu.dma_semaphore, #tpu.memory_space<semaphore_mem>>) src(%dma_wait3A_132 : memref<80x128xf32, #tpu.memory_space<vmem>>) dst(%dma_wait3A_128 : memref<80x128xf32, #tpu.memory_space<hbm>>)
    %sub3A_133 = arith.constant 1 : i32
    %sub3A_134 = arith.subi %sub3A_41, %sub3A_133 : i32
    %rem3A_135 = arith.constant 2 : i32
    %rem3A_136 = arith.remsi %sub3A_134, %rem3A_135 : i32
    %mul3A_137 = arith.constant 80 : i32
    %mul3A_138 = arith.muli %sub3A_134, %mul3A_137 : i32
    %add3A_139 = arith.addi %mul3A_32, %mul3A_138 : i32
    %dma_wait3A_140 = arith.constant 0 : i32
    %dma_wait3A_141 = arith.constant 0 : i32
    %dma_wait3A_142 = arith.constant 0 : i32
    %dma_wait3A_143 = tpu.memref_slice %arg10[%dma_wait3A_140, %dma_wait3A_141, %dma_wait3A_142] : memref<2x80x128xf32, #tpu.memory_space<vmem>> -> memref<1x80x128xf32, #tpu.memory_space<vmem>>
    %dma_wait3A_144 = tpu.memref_squeeze %dma_wait3A_143 : memref<1x80x128xf32, #tpu.memory_space<vmem>> -> memref<80x128xf32, #tpu.memory_space<vmem>>
    %dma_wait3A_145 = arith.constant 0 : i32
    %dma_wait3A_146 = tpu.memref_slice %arg5[%add3A_139, %dma_wait3A_145] : memref<80000x128xf32, #tpu.memory_space<hbm>> -> memref<80x128xf32, #tpu.memory_space<hbm>>
    %dma_wait3A_147 = tpu.memref_slice %arg15[%rem3A_136] : memref<2x!tpu.dma_semaphore, #tpu.memory_space<semaphore_mem>> -> memref<1x!tpu.dma_semaphore, #tpu.memory_space<semaphore_mem>>
    %dma_wait3A_148 = tpu.memref_squeeze %dma_wait3A_147 : memref<1x!tpu.dma_semaphore, #tpu.memory_space<semaphore_mem>> -> memref<!tpu.dma_semaphore, #tpu.memory_space<semaphore_mem>>
    %dma_wait3A_149 = arith.constant 0 : i32
    %dma_wait3A_150 = tpu.memref_slice %arg5[%add3A_139, %dma_wait3A_149] : memref<80000x128xf32, #tpu.memory_space<hbm>> -> memref<80x128xf32, #tpu.memory_space<hbm>>
    %dma_wait3A_151 = arith.constant 0 : i32
    %dma_wait3A_152 = arith.constant 0 : i32
    %dma_wait3A_153 = tpu.memref_slice %arg10[%dma_wait3A_140, %dma_wait3A_151, %dma_wait3A_152] : memref<2x80x128xf32, #tpu.memory_space<vmem>> -> memref<1x80x128xf32, #tpu.memory_space<vmem>>
    %dma_wait3A_154 = tpu.memref_squeeze %dma_wait3A_153 : memref<1x80x128xf32, #tpu.memory_space<vmem>> -> memref<80x128xf32, #tpu.memory_space<vmem>>
    tpu.wait_dma2 semaphore(%dma_wait3A_148 : memref<!tpu.dma_semaphore, #tpu.memory_space<semaphore_mem>>) src(%dma_wait3A_154 : memref<80x128xf32, #tpu.memory_space<vmem>>) dst(%dma_wait3A_150 : memref<80x128xf32, #tpu.memory_space<hbm>>)
    %mul3A_155 = arith.constant 80 : i32
    %mul3A_156 = arith.muli %sub3A_134, %mul3A_155 : i32
    %add3A_157 = arith.addi %mul3A_32, %mul3A_156 : i32
    %dma_wait3A_158 = arith.constant 0 : i32
    %dma_wait3A_159 = arith.constant 0 : i32
    %dma_wait3A_160 = arith.constant 0 : i32
    %dma_wait3A_161 = tpu.memref_slice %arg11[%dma_wait3A_158, %dma_wait3A_159, %dma_wait3A_160] : memref<2x80x128xf32, #tpu.memory_space<vmem>> -> memref<1x80x128xf32, #tpu.memory_space<vmem>>
    %dma_wait3A_162 = tpu.memref_squeeze %dma_wait3A_161 : memref<1x80x128xf32, #tpu.memory_space<vmem>> -> memref<80x128xf32, #tpu.memory_space<vmem>>
    %dma_wait3A_163 = arith.constant 0 : i32
    %dma_wait3A_164 = tpu.memref_slice %arg6[%add3A_157, %dma_wait3A_163] : memref<80000x128xf32, #tpu.memory_space<hbm>> -> memref<80x128xf32, #tpu.memory_space<hbm>>
    %dma_wait3A_165 = tpu.memref_slice %arg16[%rem3A_136] : memref<2x!tpu.dma_semaphore, #tpu.memory_space<semaphore_mem>> -> memref<1x!tpu.dma_semaphore, #tpu.memory_space<semaphore_mem>>
    %dma_wait3A_166 = tpu.memref_squeeze %dma_wait3A_165 : memref<1x!tpu.dma_semaphore, #tpu.memory_space<semaphore_mem>> -> memref<!tpu.dma_semaphore, #tpu.memory_space<semaphore_mem>>
    %dma_wait3A_167 = arith.constant 0 : i32
    %dma_wait3A_168 = tpu.memref_slice %arg6[%add3A_157, %dma_wait3A_167] : memref<80000x128xf32, #tpu.memory_space<hbm>> -> memref<80x128xf32, #tpu.memory_space<hbm>>
    %dma_wait3A_169 = arith.constant 0 : i32
    %dma_wait3A_170 = arith.constant 0 : i32
    %dma_wait3A_171 = tpu.memref_slice %arg11[%dma_wait3A_158, %dma_wait3A_169, %dma_wait3A_170] : memref<2x80x128xf32, #tpu.memory_space<vmem>> -> memref<1x80x128xf32, #tpu.memory_space<vmem>>
    %dma_wait3A_172 = tpu.memref_squeeze %dma_wait3A_171 : memref<1x80x128xf32, #tpu.memory_space<vmem>> -> memref<80x128xf32, #tpu.memory_space<vmem>>
    tpu.wait_dma2 semaphore(%dma_wait3A_166 : memref<!tpu.dma_semaphore, #tpu.memory_space<semaphore_mem>>) src(%dma_wait3A_172 : memref<80x128xf32, #tpu.memory_space<vmem>>) dst(%dma_wait3A_168 : memref<80x128xf32, #tpu.memory_space<hbm>>)
    return
  }
}

#map = affine_map<(d0, d1) -> (0, 0)>
#map1 = affine_map<(d0, d1) -> (0, 0, 0)>
module attributes {stable_mosaic.version = 14 : i64} {
  func.func @sc_kernel(%arg0: i32, %arg1: i32, %arg2: memref<10000x128xf32, #tpu.memory_space<hbm>>, %arg3: memref<8x125x80xi32, #tpu.memory_space<hbm>>, %arg4: memref<8x125x80xi32, #tpu.memory_space<hbm>>, %arg5: memref<80000x128xf32, #tpu.memory_space<hbm>>, %arg6: memref<80000x128xf32, #tpu.memory_space<hbm>>, %arg7: memref<10000x128xf32, #tpu.memory_space<vmem_shared>>, %arg8: memref<4x80xi32, #tpu.memory_space<vmem>>, %arg9: memref<4x80xi32, #tpu.memory_space<vmem>>, %arg10: memref<2x80x128xf32, #tpu.memory_space<vmem>>, %arg11: memref<2x80x128xf32, #tpu.memory_space<vmem>>, %arg12: memref<!tpu.dma_semaphore, #tpu.memory_space<semaphore_mem>>, %arg13: memref<!tpu.dma_semaphore, #tpu.memory_space<semaphore_mem>>, %arg14: memref<!tpu.dma_semaphore, #tpu.memory_space<semaphore_mem>>, %arg15: memref<2x!tpu.dma_semaphore, #tpu.memory_space<semaphore_mem>>, %arg16: memref<2x!tpu.dma_semaphore, #tpu.memory_space<semaphore_mem>>) attributes {dimension_semantics = [#tpu.dimension_semantics<core_parallel>, #tpu.dimension_semantics<subcore_parallel>], iteration_bounds = array<i64: 2, 16>, scalar_prefetch = 0 : i64, scratch_operands = 10 : i64, tpu.core_type = #tpu.core_type<sc_vector_subcore>, window_params = [{transform_indices = #map}, {transform_indices = #map1}, {transform_indices = #map1}, {transform_indices = #map}, {transform_indices = #map}]} {
    %mul3A = arith.constant 2 : i32
    %mul3A_0 = arith.muli %arg1, %mul3A : i32
    %add3A = arith.addi %mul3A_0, %arg0 : i32
    %jit3A = arith.constant 4 : i32
    %div3A = arith.divsi %add3A, %jit3A : i32
    %sign3A = arith.constant 0 : i32
    %sign3A_1 = arith.cmpi sgt, %add3A, %sign3A : i32
    %sign3A_2 = arith.extui %sign3A_1 : i1 to i32
    %sign3A_3 = arith.constant 0 : i32
    %sign3A_4 = arith.cmpi slt, %add3A, %sign3A_3 : i32
    %sign3A_5 = arith.extui %sign3A_4 : i1 to i32
    %sign3A_6 = arith.subi %sign3A_2, %sign3A_5 : i32
    %sign3A_7 = arith.constant 0 : i32
    %sign3A_8 = arith.cmpi sgt, %jit3A, %sign3A_7 : i32
    %sign3A_9 = arith.extui %sign3A_8 : i1 to i32
    %sign3A_10 = arith.constant 0 : i32
    %sign3A_11 = arith.cmpi slt, %jit3A, %sign3A_10 : i32
    %sign3A_12 = arith.extui %sign3A_11 : i1 to i32
    %sign3A_13 = arith.subi %sign3A_9, %sign3A_12 : i32
    %ne3A = arith.cmpi ne, %sign3A_6, %sign3A_13 : i32
    %rem3A = arith.remsi %add3A, %jit3A : i32
    %ne3A_14 = arith.constant 0 : i32
    %ne3A_15 = arith.cmpi ne, %rem3A, %ne3A_14 : i32
    %and3A = arith.andi %ne3A, %ne3A_15 : i1
    %sub3A = arith.constant 1 : i32
    %sub3A_16 = arith.subi %div3A, %sub3A : i32
    %select_n3A = arith.select %and3A, %sub3A_16, %div3A : i32
    %jit3A_17 = arith.constant 4 : i32
    %eq3A = arith.constant 0 : i32
    %eq3A_18 = arith.cmpi eq, %jit3A_17, %eq3A : i32
    %jit3A_19 = arith.constant 1 : i32
    %select_n3A_20 = arith.select %eq3A_18, %jit3A_19, %jit3A_17 : i32
    %rem3A_21 = arith.remsi %add3A, %select_n3A_20 : i32
    %ne3A_22 = arith.constant 0 : i32
    %ne3A_23 = arith.cmpi ne, %rem3A_21, %ne3A_22 : i32
    %lt3A = arith.constant 0 : i32
    %lt3A_24 = arith.cmpi slt, %rem3A_21, %lt3A : i32
    %lt3A_25 = arith.constant 0 : i32
    %lt3A_26 = arith.cmpi slt, %select_n3A_20, %lt3A_25 : i32
    %ne3A_27 = arith.xori %lt3A_24, %lt3A_26 : i1
    %and3A_28 = arith.andi %ne3A_27, %ne3A_23 : i1
    %add3A_29 = arith.addi %rem3A_21, %select_n3A_20 : i32
    %select_n3A_30 = arith.select %and3A_28, %add3A_29, %rem3A_21 : i32
    %mul3A_31 = arith.constant 10000 : i32
    %mul3A_32 = arith.muli %select_n3A, %mul3A_31 : i32
    %mul3A_33 = arith.constant 31 : i32
    %mul3A_34 = arith.muli %mul3A_33, %select_n3A_30 : i32
    %min3A = arith.constant 1 : i32
    %min3A_35 = arith.minsi %select_n3A_30, %min3A : i32
    %add3A_36 = arith.addi %mul3A_34, %min3A_35 : i32
    %add3A_37 = arith.constant 32 : i32
    %add3A_38 = arith.addi %add3A_36, %add3A_37 : i32
    %min3A_39 = arith.constant 1 : i32
    %min3A_40 = arith.minsi %select_n3A_30, %min3A_39 : i32
    %sub3A_41 = arith.subi %add3A_38, %min3A_40 : i32
    %lt3A_42 = arith.constant 10 : i32
    %lt3A_43 = arith.cmpi slt, %arg1, %lt3A_42 : i32
    %convert_element_type3A = arith.extui %lt3A_43 : i1 to i32
    %cond3A = arith.constant 0 : i32
    %cond3A_44 = arith.cmpi ne, %convert_element_type3A, %cond3A : i32
    scf.if %cond3A_44 {
      %mul3A_173 = arith.constant 1000 : i32
      %mul3A_174 = arith.muli %arg1, %mul3A_173 : i32
      %mul3A_175 = arith.constant 1000 : i32
      %mul3A_176 = arith.muli %arg1, %mul3A_175 : i32
      "tpu.region"() ({
        %run_scoped3A = tpu.sem_alloc : memref<!tpu.dma_semaphore, #tpu.memory_space<semaphore_mem>>
        %dma_start3A_177 = arith.constant 0 : i32
        %dma_start3A_178 = tpu.memref_slice %arg7[%mul3A_176, %dma_start3A_177] : memref<10000x128xf32, #tpu.memory_space<vmem_shared>> -> memref<1000x128xf32, #tpu.memory_space<vmem_shared>>
        %dma_start3A_179 = arith.constant 0 : i32
        %dma_start3A_180 = tpu.memref_slice %arg2[%mul3A_174, %dma_start3A_179] : memref<10000x128xf32, #tpu.memory_space<hbm>> -> memref<1000x128xf32, #tpu.memory_space<hbm>>
        tpu.enqueue_dma source(%dma_start3A_180 : memref<1000x128xf32, #tpu.memory_space<hbm>>) target(%dma_start3A_178 : memref<1000x128xf32, #tpu.memory_space<vmem_shared>>) target_semaphore(%run_scoped3A : memref<!tpu.dma_semaphore, #tpu.memory_space<semaphore_mem>>)
        %dma_wait3A_181 = arith.constant 0 : i32
        %dma_wait3A_182 = tpu.memref_slice %arg7[%mul3A_176, %dma_wait3A_181] : memref<10000x128xf32, #tpu.memory_space<vmem_shared>> -> memref<1000x128xf32, #tpu.memory_space<vmem_shared>>
        %dma_wait3A_183 = arith.constant 0 : i32
        %dma_wait3A_184 = tpu.memref_slice %arg2[%mul3A_174, %dma_wait3A_183] : memref<10000x128xf32, #tpu.memory_space<hbm>> -> memref<1000x128xf32, #tpu.memory_space<hbm>>
        tpu.wait_dma2 semaphore(%run_scoped3A : memref<!tpu.dma_semaphore, #tpu.memory_space<semaphore_mem>>) src(%dma_wait3A_184 : memref<1000x128xf32, #tpu.memory_space<hbm>>) dst(%dma_wait3A_182 : memref<1000x128xf32, #tpu.memory_space<vmem_shared>>)
        tpu.yield
      }) : () -> ()
    } else {
    }
    %rem3A_45 = arith.constant 4 : i32
    %rem3A_46 = arith.remsi %add3A_36, %rem3A_45 : i32
    %dma_start3A = arith.constant 0 : i32
    %dma_start3A_47 = tpu.memref_slice %arg8[%rem3A_46, %dma_start3A] : memref<4x80xi32, #tpu.memory_space<vmem>> -> memref<1x80xi32, #tpu.memory_space<vmem>>
    %dma_start3A_48 = tpu.memref_squeeze %dma_start3A_47 : memref<1x80xi32, #tpu.memory_space<vmem>> -> memref<80xi32, #tpu.memory_space<vmem>>
    %dma_start3A_49 = arith.constant 0 : i32
    %dma_start3A_50 = arith.constant 0 : i32
    %dma_start3A_51 = tpu.memref_slice %arg3[%select_n3A, %dma_start3A_49, %dma_start3A_50] : memref<8x125x80xi32, #tpu.memory_space<hbm>> -> memref<1x125x80xi32, #tpu.memory_space<hbm>>
    %dma_start3A_52 = tpu.memref_squeeze %dma_start3A_51 : memref<1x125x80xi32, #tpu.memory_space<hbm>> -> memref<125x80xi32, #tpu.memory_space<hbm>>
    %dma_start3A_53 = arith.constant 0 : i32
    %dma_start3A_54 = tpu.memref_slice %dma_start3A_52[%add3A_36, %dma_start3A_53] : memref<125x80xi32, #tpu.memory_space<hbm>> -> memref<1x80xi32, #tpu.memory_space<hbm>>
    %dma_start3A_55 = tpu.memref_squeeze %dma_start3A_54 : memref<1x80xi32, #tpu.memory_space<hbm>> -> memref<80xi32, #tpu.memory_space<hbm>>
    %dma_start3A_56 = arith.constant 0 : i32
    %dma_start3A_57 = tpu.memref_slice %arg8[%rem3A_46, %dma_start3A_56] : memref<4x80xi32, #tpu.memory_space<vmem>> -> memref<1x80xi32, #tpu.memory_space<vmem>>
    %dma_start3A_58 = tpu.memref_squeeze %dma_start3A_57 : memref<1x80xi32, #tpu.memory_space<vmem>> -> memref<80xi32, #tpu.memory_space<vmem>>
    %dma_start3A_59 = arith.constant 0 : i32
    %dma_start3A_60 = arith.constant 0 : i32
    %dma_start3A_61 = tpu.memref_slice %arg3[%select_n3A, %dma_start3A_59, %dma_start3A_60] : memref<8x125x80xi32, #tpu.memory_space<hbm>> -> memref<1x125x80xi32, #tpu.memory_space<hbm>>
    %dma_start3A_62 = tpu.memref_squeeze %dma_start3A_61 : memref<1x125x80xi32, #tpu.memory_space<hbm>> -> memref<125x80xi32, #tpu.memory_space<hbm>>
    %dma_start3A_63 = arith.constant 0 : i32
    %dma_start3A_64 = tpu.memref_slice %dma_start3A_62[%add3A_36, %dma_start3A_63] : memref<125x80xi32, #tpu.memory_space<hbm>> -> memref<1x80xi32, #tpu.memory_space<hbm>>
    %dma_start3A_65 = tpu.memref_squeeze %dma_start3A_64 : memref<1x80xi32, #tpu.memory_space<hbm>> -> memref<80xi32, #tpu.memory_space<hbm>>
    tpu.enqueue_dma source(%dma_start3A_65 : memref<80xi32, #tpu.memory_space<hbm>>) target(%dma_start3A_58 : memref<80xi32, #tpu.memory_space<vmem>>) target_semaphore(%arg12 : memref<!tpu.dma_semaphore, #tpu.memory_space<semaphore_mem>>)
    %dma_start3A_66 = arith.constant 0 : i32
    %dma_start3A_67 = tpu.memref_slice %arg9[%rem3A_46, %dma_start3A_66] : memref<4x80xi32, #tpu.memory_space<vmem>> -> memref<1x80xi32, #tpu.memory_space<vmem>>
    %dma_start3A_68 = tpu.memref_squeeze %dma_start3A_67 : memref<1x80xi32, #tpu.memory_space<vmem>> -> memref<80xi32, #tpu.memory_space<vmem>>
    %dma_start3A_69 = arith.constant 0 : i32
    %dma_start3A_70 = arith.constant 0 : i32
    %dma_start3A_71 = tpu.memref_slice %arg4[%select_n3A, %dma_start3A_69, %dma_start3A_70] : memref<8x125x80xi32, #tpu.memory_space<hbm>> -> memref<1x125x80xi32, #tpu.memory_space<hbm>>
    %dma_start3A_72 = tpu.memref_squeeze %dma_start3A_71 : memref<1x125x80xi32, #tpu.memory_space<hbm>> -> memref<125x80xi32, #tpu.memory_space<hbm>>
    %dma_start3A_73 = arith.constant 0 : i32
    %dma_start3A_74 = tpu.memref_slice %dma_start3A_72[%add3A_36, %dma_start3A_73] : memref<125x80xi32, #tpu.memory_space<hbm>> -> memref<1x80xi32, #tpu.memory_space<hbm>>
    %dma_start3A_75 = tpu.memref_squeeze %dma_start3A_74 : memref<1x80xi32, #tpu.memory_space<hbm>> -> memref<80xi32, #tpu.memory_space<hbm>>
    %dma_start3A_76 = arith.constant 0 : i32
    %dma_start3A_77 = tpu.memref_slice %arg9[%rem3A_46, %dma_start3A_76] : memref<4x80xi32, #tpu.memory_space<vmem>> -> memref<1x80xi32, #tpu.memory_space<vmem>>
    %dma_start3A_78 = tpu.memref_squeeze %dma_start3A_77 : memref<1x80xi32, #tpu.memory_space<vmem>> -> memref<80xi32, #tpu.memory_space<vmem>>
    %dma_start3A_79 = arith.constant 0 : i32
    %dma_start3A_80 = arith.constant 0 : i32
    %dma_start3A_81 = tpu.memref_slice %arg4[%select_n3A, %dma_start3A_79, %dma_start3A_80] : memref<8x125x80xi32, #tpu.memory_space<hbm>> -> memref<1x125x80xi32, #tpu.memory_space<hbm>>
    %dma_start3A_82 = tpu.memref_squeeze %dma_start3A_81 : memref<1x125x80xi32, #tpu.memory_space<hbm>> -> memref<125x80xi32, #tpu.memory_space<hbm>>
    %dma_start3A_83 = arith.constant 0 : i32
    %dma_start3A_84 = tpu.memref_slice %dma_start3A_82[%add3A_36, %dma_start3A_83] : memref<125x80xi32, #tpu.memory_space<hbm>> -> memref<1x80xi32, #tpu.memory_space<hbm>>
    %dma_start3A_85 = tpu.memref_squeeze %dma_start3A_84 : memref<1x80xi32, #tpu.memory_space<hbm>> -> memref<80xi32, #tpu.memory_space<hbm>>
    tpu.enqueue_dma source(%dma_start3A_85 : memref<80xi32, #tpu.memory_space<hbm>>) target(%dma_start3A_78 : memref<80xi32, #tpu.memory_space<vmem>>) target_semaphore(%arg12 : memref<!tpu.dma_semaphore, #tpu.memory_space<semaphore_mem>>)
    %barrier3A = arith.constant 0 : index
    tpu.barrier barrier_id(%barrier3A)
    %while3A = arith.constant 0 : i32
    %while3A_86 = arith.subi %sub3A_41, %add3A_36 : i32
    %while3A_87 = arith.addi %add3A_36, %while3A_86 : i32
    %while3A_88 = arith.constant 1 : i32
    %while3A_89 = arith.divsi %while3A_86, %while3A_88 : i32
    %while3A_90 = arith.muli %while3A_89, %while3A_88 : i32
    %while3A_91 = arith.addi %add3A_36, %while3A_90 : i32
    %while3A_92 = arith.constant 1 : i32
    scf.for %while3A_173 = %add3A_36 to %while3A_91 step %while3A_92  : i32 {
      %rem3A_174 = arith.constant 2 : i32
      %rem3A_175 = arith.remsi %while3A_173, %rem3A_174 : i32
      %add3A_176 = arith.constant 2 : i32
      %add3A_177 = arith.addi %add3A_36, %add3A_176 : i32
      %ge3A = arith.cmpi sge, %while3A_173, %add3A_177 : i32
      %convert_element_type3A_178 = arith.extui %ge3A : i1 to i32
      %cond3A_179 = arith.constant 0 : i32
      %cond3A_180 = arith.cmpi ne, %convert_element_type3A_178, %cond3A_179 : i32
      scf.if %cond3A_180 {
        %sub3A_318 = arith.constant 2 : i32
        %sub3A_319 = arith.subi %while3A_173, %sub3A_318 : i32
        %rem3A_320 = arith.constant 2 : i32
        %rem3A_321 = arith.remsi %sub3A_319, %rem3A_320 : i32
        %mul3A_322 = arith.constant 80 : i32
        %mul3A_323 = arith.muli %sub3A_319, %mul3A_322 : i32
        %add3A_324 = arith.addi %mul3A_32, %mul3A_323 : i32
        %dma_wait3A_325 = arith.constant 0 : i32
        %dma_wait3A_326 = arith.constant 0 : i32
        %dma_wait3A_327 = arith.constant 0 : i32
        %dma_wait3A_328 = tpu.memref_slice %arg10[%dma_wait3A_325, %dma_wait3A_326, %dma_wait3A_327] : memref<2x80x128xf32, #tpu.memory_space<vmem>> -> memref<1x80x128xf32, #tpu.memory_space<vmem>>
        %dma_wait3A_329 = tpu.memref_squeeze %dma_wait3A_328 : memref<1x80x128xf32, #tpu.memory_space<vmem>> -> memref<80x128xf32, #tpu.memory_space<vmem>>
        %dma_wait3A_330 = arith.constant 0 : i32
        %dma_wait3A_331 = tpu.memref_slice %arg5[%add3A_324, %dma_wait3A_330] : memref<80000x128xf32, #tpu.memory_space<hbm>> -> memref<80x128xf32, #tpu.memory_space<hbm>>
        %dma_wait3A_332 = tpu.memref_slice %arg15[%rem3A_321] : memref<2x!tpu.dma_semaphore, #tpu.memory_space<semaphore_mem>> -> memref<1x!tpu.dma_semaphore, #tpu.memory_space<semaphore_mem>>
        %dma_wait3A_333 = tpu.memref_squeeze %dma_wait3A_332 : memref<1x!tpu.dma_semaphore, #tpu.memory_space<semaphore_mem>> -> memref<!tpu.dma_semaphore, #tpu.memory_space<semaphore_mem>>
        %dma_wait3A_334 = arith.constant 0 : i32
        %dma_wait3A_335 = tpu.memref_slice %arg5[%add3A_324, %dma_wait3A_334] : memref<80000x128xf32, #tpu.memory_space<hbm>> -> memref<80x128xf32, #tpu.memory_space<hbm>>
        %dma_wait3A_336 = arith.constant 0 : i32
        %dma_wait3A_337 = arith.constant 0 : i32
        %dma_wait3A_338 = tpu.memref_slice %arg10[%dma_wait3A_325, %dma_wait3A_336, %dma_wait3A_337] : memref<2x80x128xf32, #tpu.memory_space<vmem>> -> memref<1x80x128xf32, #tpu.memory_space<vmem>>
        %dma_wait3A_339 = tpu.memref_squeeze %dma_wait3A_338 : memref<1x80x128xf32, #tpu.memory_space<vmem>> -> memref<80x128xf32, #tpu.memory_space<vmem>>
        tpu.wait_dma2 semaphore(%dma_wait3A_333 : memref<!tpu.dma_semaphore, #tpu.memory_space<semaphore_mem>>) src(%dma_wait3A_339 : memref<80x128xf32, #tpu.memory_space<vmem>>) dst(%dma_wait3A_335 : memref<80x128xf32, #tpu.memory_space<hbm>>)
        %mul3A_340 = arith.constant 80 : i32
        %mul3A_341 = arith.muli %sub3A_319, %mul3A_340 : i32
        %add3A_342 = arith.addi %mul3A_32, %mul3A_341 : i32
        %dma_wait3A_343 = arith.constant 0 : i32
        %dma_wait3A_344 = arith.constant 0 : i32
        %dma_wait3A_345 = arith.constant 0 : i32
        %dma_wait3A_346 = tpu.memref_slice %arg11[%dma_wait3A_343, %dma_wait3A_344, %dma_wait3A_345] : memref<2x80x128xf32, #tpu.memory_space<vmem>> -> memref<1x80x128xf32, #tpu.memory_space<vmem>>
        %dma_wait3A_347 = tpu.memref_squeeze %dma_wait3A_346 : memref<1x80x128xf32, #tpu.memory_space<vmem>> -> memref<80x128xf32, #tpu.memory_space<vmem>>
        %dma_wait3A_348 = arith.constant 0 : i32
        %dma_wait3A_349 = tpu.memref_slice %arg6[%add3A_342, %dma_wait3A_348] : memref<80000x128xf32, #tpu.memory_space<hbm>> -> memref<80x128xf32, #tpu.memory_space<hbm>>
        %dma_wait3A_350 = tpu.memref_slice %arg16[%rem3A_321] : memref<2x!tpu.dma_semaphore, #tpu.memory_space<semaphore_mem>> -> memref<1x!tpu.dma_semaphore, #tpu.memory_space<semaphore_mem>>
        %dma_wait3A_351 = tpu.memref_squeeze %dma_wait3A_350 : memref<1x!tpu.dma_semaphore, #tpu.memory_space<semaphore_mem>> -> memref<!tpu.dma_semaphore, #tpu.memory_space<semaphore_mem>>
        %dma_wait3A_352 = arith.constant 0 : i32
        %dma_wait3A_353 = tpu.memref_slice %arg6[%add3A_342, %dma_wait3A_352] : memref<80000x128xf32, #tpu.memory_space<hbm>> -> memref<80x128xf32, #tpu.memory_space<hbm>>
        %dma_wait3A_354 = arith.constant 0 : i32
        %dma_wait3A_355 = arith.constant 0 : i32
        %dma_wait3A_356 = tpu.memref_slice %arg11[%dma_wait3A_343, %dma_wait3A_354, %dma_wait3A_355] : memref<2x80x128xf32, #tpu.memory_space<vmem>> -> memref<1x80x128xf32, #tpu.memory_space<vmem>>
        %dma_wait3A_357 = tpu.memref_squeeze %dma_wait3A_356 : memref<1x80x128xf32, #tpu.memory_space<vmem>> -> memref<80x128xf32, #tpu.memory_space<vmem>>
        tpu.wait_dma2 semaphore(%dma_wait3A_351 : memref<!tpu.dma_semaphore, #tpu.memory_space<semaphore_mem>>) src(%dma_wait3A_357 : memref<80x128xf32, #tpu.memory_space<vmem>>) dst(%dma_wait3A_353 : memref<80x128xf32, #tpu.memory_space<hbm>>)
      } else {
      }
      %rem3A_181 = arith.constant 4 : i32
      %rem3A_182 = arith.remsi %while3A_173, %rem3A_181 : i32
      %dma_wait3A_183 = arith.constant 0 : i32
      %dma_wait3A_184 = arith.constant 0 : i32
      %dma_wait3A_185 = arith.constant 0 : i32
      %dma_wait3A_186 = tpu.memref_slice %arg8[%rem3A_182, %dma_wait3A_185] : memref<4x80xi32, #tpu.memory_space<vmem>> -> memref<1x80xi32, #tpu.memory_space<vmem>>
      %dma_wait3A_187 = tpu.memref_squeeze %dma_wait3A_186 : memref<1x80xi32, #tpu.memory_space<vmem>> -> memref<80xi32, #tpu.memory_space<vmem>>
      %dma_wait3A_188 = arith.constant 0 : i32
      %dma_wait3A_189 = arith.constant 0 : i32
      %dma_wait3A_190 = tpu.memref_slice %arg3[%dma_wait3A_183, %dma_wait3A_188, %dma_wait3A_189] : memref<8x125x80xi32, #tpu.memory_space<hbm>> -> memref<1x125x80xi32, #tpu.memory_space<hbm>>
      %dma_wait3A_191 = tpu.memref_squeeze %dma_wait3A_190 : memref<1x125x80xi32, #tpu.memory_space<hbm>> -> memref<125x80xi32, #tpu.memory_space<hbm>>
      %dma_wait3A_192 = arith.constant 0 : i32
      %dma_wait3A_193 = tpu.memref_slice %dma_wait3A_191[%dma_wait3A_184, %dma_wait3A_192] : memref<125x80xi32, #tpu.memory_space<hbm>> -> memref<1x80xi32, #tpu.memory_space<hbm>>
      %dma_wait3A_194 = tpu.memref_squeeze %dma_wait3A_193 : memref<1x80xi32, #tpu.memory_space<hbm>> -> memref<80xi32, #tpu.memory_space<hbm>>
      %dma_wait3A_195 = arith.constant 0 : i32
      %dma_wait3A_196 = tpu.memref_slice %arg8[%rem3A_182, %dma_wait3A_195] : memref<4x80xi32, #tpu.memory_space<vmem>> -> memref<1x80xi32, #tpu.memory_space<vmem>>
      %dma_wait3A_197 = tpu.memref_squeeze %dma_wait3A_196 : memref<1x80xi32, #tpu.memory_space<vmem>> -> memref<80xi32, #tpu.memory_space<vmem>>
      %dma_wait3A_198 = arith.constant 0 : i32
      %dma_wait3A_199 = arith.constant 0 : i32
      %dma_wait3A_200 = tpu.memref_slice %arg3[%dma_wait3A_183, %dma_wait3A_198, %dma_wait3A_199] : memref<8x125x80xi32, #tpu.memory_space<hbm>> -> memref<1x125x80xi32, #tpu.memory_space<hbm>>
      %dma_wait3A_201 = tpu.memref_squeeze %dma_wait3A_200 : memref<1x125x80xi32, #tpu.memory_space<hbm>> -> memref<125x80xi32, #tpu.memory_space<hbm>>
      %dma_wait3A_202 = arith.constant 0 : i32
      %dma_wait3A_203 = tpu.memref_slice %dma_wait3A_201[%dma_wait3A_184, %dma_wait3A_202] : memref<125x80xi32, #tpu.memory_space<hbm>> -> memref<1x80xi32, #tpu.memory_space<hbm>>
      %dma_wait3A_204 = tpu.memref_squeeze %dma_wait3A_203 : memref<1x80xi32, #tpu.memory_space<hbm>> -> memref<80xi32, #tpu.memory_space<hbm>>
      tpu.wait_dma2 semaphore(%arg12 : memref<!tpu.dma_semaphore, #tpu.memory_space<semaphore_mem>>) src(%dma_wait3A_204 : memref<80xi32, #tpu.memory_space<hbm>>) dst(%dma_wait3A_197 : memref<80xi32, #tpu.memory_space<vmem>>)
      %dma_wait3A_205 = arith.constant 0 : i32
      %dma_wait3A_206 = arith.constant 0 : i32
      %dma_wait3A_207 = arith.constant 0 : i32
      %dma_wait3A_208 = tpu.memref_slice %arg9[%rem3A_182, %dma_wait3A_207] : memref<4x80xi32, #tpu.memory_space<vmem>> -> memref<1x80xi32, #tpu.memory_space<vmem>>
      %dma_wait3A_209 = tpu.memref_squeeze %dma_wait3A_208 : memref<1x80xi32, #tpu.memory_space<vmem>> -> memref<80xi32, #tpu.memory_space<vmem>>
      %dma_wait3A_210 = arith.constant 0 : i32
      %dma_wait3A_211 = arith.constant 0 : i32
      %dma_wait3A_212 = tpu.memref_slice %arg3[%dma_wait3A_205, %dma_wait3A_210, %dma_wait3A_211] : memref<8x125x80xi32, #tpu.memory_space<hbm>> -> memref<1x125x80xi32, #tpu.memory_space<hbm>>
      %dma_wait3A_213 = tpu.memref_squeeze %dma_wait3A_212 : memref<1x125x80xi32, #tpu.memory_space<hbm>> -> memref<125x80xi32, #tpu.memory_space<hbm>>
      %dma_wait3A_214 = arith.constant 0 : i32
      %dma_wait3A_215 = tpu.memref_slice %dma_wait3A_213[%dma_wait3A_206, %dma_wait3A_214] : memref<125x80xi32, #tpu.memory_space<hbm>> -> memref<1x80xi32, #tpu.memory_space<hbm>>
      %dma_wait3A_216 = tpu.memref_squeeze %dma_wait3A_215 : memref<1x80xi32, #tpu.memory_space<hbm>> -> memref<80xi32, #tpu.memory_space<hbm>>
      %dma_wait3A_217 = arith.constant 0 : i32
      %dma_wait3A_218 = tpu.memref_slice %arg9[%rem3A_182, %dma_wait3A_217] : memref<4x80xi32, #tpu.memory_space<vmem>> -> memref<1x80xi32, #tpu.memory_space<vmem>>
      %dma_wait3A_219 = tpu.memref_squeeze %dma_wait3A_218 : memref<1x80xi32, #tpu.memory_space<vmem>> -> memref<80xi32, #tpu.memory_space<vmem>>
      %dma_wait3A_220 = arith.constant 0 : i32
      %dma_wait3A_221 = arith.constant 0 : i32
      %dma_wait3A_222 = tpu.memref_slice %arg3[%dma_wait3A_205, %dma_wait3A_220, %dma_wait3A_221] : memref<8x125x80xi32, #tpu.memory_space<hbm>> -> memref<1x125x80xi32, #tpu.memory_space<hbm>>
      %dma_wait3A_223 = tpu.memref_squeeze %dma_wait3A_222 : memref<1x125x80xi32, #tpu.memory_space<hbm>> -> memref<125x80xi32, #tpu.memory_space<hbm>>
      %dma_wait3A_224 = arith.constant 0 : i32
      %dma_wait3A_225 = tpu.memref_slice %dma_wait3A_223[%dma_wait3A_206, %dma_wait3A_224] : memref<125x80xi32, #tpu.memory_space<hbm>> -> memref<1x80xi32, #tpu.memory_space<hbm>>
      %dma_wait3A_226 = tpu.memref_squeeze %dma_wait3A_225 : memref<1x80xi32, #tpu.memory_space<hbm>> -> memref<80xi32, #tpu.memory_space<hbm>>
      tpu.wait_dma2 semaphore(%arg12 : memref<!tpu.dma_semaphore, #tpu.memory_space<semaphore_mem>>) src(%dma_wait3A_226 : memref<80xi32, #tpu.memory_space<hbm>>) dst(%dma_wait3A_219 : memref<80xi32, #tpu.memory_space<vmem>>)
      %add3A_227 = arith.constant 1 : i32
      %add3A_228 = arith.addi %while3A_173, %add3A_227 : i32
      %lt3A_229 = arith.cmpi slt, %add3A_228, %sub3A_41 : i32
      %convert_element_type3A_230 = arith.extui %lt3A_229 : i1 to i32
      %cond3A_231 = arith.constant 0 : i32
      %cond3A_232 = arith.cmpi ne, %convert_element_type3A_230, %cond3A_231 : i32
      scf.if %cond3A_232 {
        %add3A_318 = arith.constant 1 : i32
        %add3A_319 = arith.addi %while3A_173, %add3A_318 : i32
        %rem3A_320 = arith.constant 4 : i32
        %rem3A_321 = arith.remsi %add3A_319, %rem3A_320 : i32
        %dma_start3A_322 = arith.constant 0 : i32
        %dma_start3A_323 = tpu.memref_slice %arg8[%rem3A_321, %dma_start3A_322] : memref<4x80xi32, #tpu.memory_space<vmem>> -> memref<1x80xi32, #tpu.memory_space<vmem>>
        %dma_start3A_324 = tpu.memref_squeeze %dma_start3A_323 : memref<1x80xi32, #tpu.memory_space<vmem>> -> memref<80xi32, #tpu.memory_space<vmem>>
        %dma_start3A_325 = arith.constant 0 : i32
        %dma_start3A_326 = arith.constant 0 : i32
        %dma_start3A_327 = tpu.memref_slice %arg3[%select_n3A, %dma_start3A_325, %dma_start3A_326] : memref<8x125x80xi32, #tpu.memory_space<hbm>> -> memref<1x125x80xi32, #tpu.memory_space<hbm>>
        %dma_start3A_328 = tpu.memref_squeeze %dma_start3A_327 : memref<1x125x80xi32, #tpu.memory_space<hbm>> -> memref<125x80xi32, #tpu.memory_space<hbm>>
        %dma_start3A_329 = arith.constant 0 : i32
        %dma_start3A_330 = tpu.memref_slice %dma_start3A_328[%add3A_319, %dma_start3A_329] : memref<125x80xi32, #tpu.memory_space<hbm>> -> memref<1x80xi32, #tpu.memory_space<hbm>>
        %dma_start3A_331 = tpu.memref_squeeze %dma_start3A_330 : memref<1x80xi32, #tpu.memory_space<hbm>> -> memref<80xi32, #tpu.memory_space<hbm>>
        %dma_start3A_332 = arith.constant 0 : i32
        %dma_start3A_333 = tpu.memref_slice %arg8[%rem3A_321, %dma_start3A_332] : memref<4x80xi32, #tpu.memory_space<vmem>> -> memref<1x80xi32, #tpu.memory_space<vmem>>
        %dma_start3A_334 = tpu.memref_squeeze %dma_start3A_333 : memref<1x80xi32, #tpu.memory_space<vmem>> -> memref<80xi32, #tpu.memory_space<vmem>>
        %dma_start3A_335 = arith.constant 0 : i32
        %dma_start3A_336 = arith.constant 0 : i32
        %dma_start3A_337 = tpu.memref_slice %arg3[%select_n3A, %dma_start3A_335, %dma_start3A_336] : memref<8x125x80xi32, #tpu.memory_space<hbm>> -> memref<1x125x80xi32, #tpu.memory_space<hbm>>
        %dma_start3A_338 = tpu.memref_squeeze %dma_start3A_337 : memref<1x125x80xi32, #tpu.memory_space<hbm>> -> memref<125x80xi32, #tpu.memory_space<hbm>>
        %dma_start3A_339 = arith.constant 0 : i32
        %dma_start3A_340 = tpu.memref_slice %dma_start3A_338[%add3A_319, %dma_start3A_339] : memref<125x80xi32, #tpu.memory_space<hbm>> -> memref<1x80xi32, #tpu.memory_space<hbm>>
        %dma_start3A_341 = tpu.memref_squeeze %dma_start3A_340 : memref<1x80xi32, #tpu.memory_space<hbm>> -> memref<80xi32, #tpu.memory_space<hbm>>
        tpu.enqueue_dma source(%dma_start3A_341 : memref<80xi32, #tpu.memory_space<hbm>>) target(%dma_start3A_334 : memref<80xi32, #tpu.memory_space<vmem>>) target_semaphore(%arg12 : memref<!tpu.dma_semaphore, #tpu.memory_space<semaphore_mem>>)
        %dma_start3A_342 = arith.constant 0 : i32
        %dma_start3A_343 = tpu.memref_slice %arg9[%rem3A_321, %dma_start3A_342] : memref<4x80xi32, #tpu.memory_space<vmem>> -> memref<1x80xi32, #tpu.memory_space<vmem>>
        %dma_start3A_344 = tpu.memref_squeeze %dma_start3A_343 : memref<1x80xi32, #tpu.memory_space<vmem>> -> memref<80xi32, #tpu.memory_space<vmem>>
        %dma_start3A_345 = arith.constant 0 : i32
        %dma_start3A_346 = arith.constant 0 : i32
        %dma_start3A_347 = tpu.memref_slice %arg4[%select_n3A, %dma_start3A_345, %dma_start3A_346] : memref<8x125x80xi32, #tpu.memory_space<hbm>> -> memref<1x125x80xi32, #tpu.memory_space<hbm>>
        %dma_start3A_348 = tpu.memref_squeeze %dma_start3A_347 : memref<1x125x80xi32, #tpu.memory_space<hbm>> -> memref<125x80xi32, #tpu.memory_space<hbm>>
        %dma_start3A_349 = arith.constant 0 : i32
        %dma_start3A_350 = tpu.memref_slice %dma_start3A_348[%add3A_319, %dma_start3A_349] : memref<125x80xi32, #tpu.memory_space<hbm>> -> memref<1x80xi32, #tpu.memory_space<hbm>>
        %dma_start3A_351 = tpu.memref_squeeze %dma_start3A_350 : memref<1x80xi32, #tpu.memory_space<hbm>> -> memref<80xi32, #tpu.memory_space<hbm>>
        %dma_start3A_352 = arith.constant 0 : i32
        %dma_start3A_353 = tpu.memref_slice %arg9[%rem3A_321, %dma_start3A_352] : memref<4x80xi32, #tpu.memory_space<vmem>> -> memref<1x80xi32, #tpu.memory_space<vmem>>
        %dma_start3A_354 = tpu.memref_squeeze %dma_start3A_353 : memref<1x80xi32, #tpu.memory_space<vmem>> -> memref<80xi32, #tpu.memory_space<vmem>>
        %dma_start3A_355 = arith.constant 0 : i32
        %dma_start3A_356 = arith.constant 0 : i32
        %dma_start3A_357 = tpu.memref_slice %arg4[%select_n3A, %dma_start3A_355, %dma_start3A_356] : memref<8x125x80xi32, #tpu.memory_space<hbm>> -> memref<1x125x80xi32, #tpu.memory_space<hbm>>
        %dma_start3A_358 = tpu.memref_squeeze %dma_start3A_357 : memref<1x125x80xi32, #tpu.memory_space<hbm>> -> memref<125x80xi32, #tpu.memory_space<hbm>>
        %dma_start3A_359 = arith.constant 0 : i32
        %dma_start3A_360 = tpu.memref_slice %dma_start3A_358[%add3A_319, %dma_start3A_359] : memref<125x80xi32, #tpu.memory_space<hbm>> -> memref<1x80xi32, #tpu.memory_space<hbm>>
        %dma_start3A_361 = tpu.memref_squeeze %dma_start3A_360 : memref<1x80xi32, #tpu.memory_space<hbm>> -> memref<80xi32, #tpu.memory_space<hbm>>
        tpu.enqueue_dma source(%dma_start3A_361 : memref<80xi32, #tpu.memory_space<hbm>>) target(%dma_start3A_354 : memref<80xi32, #tpu.memory_space<vmem>>) target_semaphore(%arg12 : memref<!tpu.dma_semaphore, #tpu.memory_space<semaphore_mem>>)
      } else {
      }
      %rem3A_233 = arith.constant 4 : i32
      %rem3A_234 = arith.remsi %while3A_173, %rem3A_233 : i32
      %dma_start3A_235 = arith.constant 0 : i32
      %dma_start3A_236 = arith.constant 0 : i32
      %dma_start3A_237 = tpu.memref_slice %arg10[%rem3A_175, %dma_start3A_235, %dma_start3A_236] : memref<2x80x128xf32, #tpu.memory_space<vmem>> -> memref<1x80x128xf32, #tpu.memory_space<vmem>>
      %dma_start3A_238 = tpu.memref_squeeze %dma_start3A_237 : memref<1x80x128xf32, #tpu.memory_space<vmem>> -> memref<80x128xf32, #tpu.memory_space<vmem>>
      %dma_start3A_239 = arith.constant 0 : i32
      %dma_start3A_240 = tpu.memref_slice %arg8[%rem3A_234, %dma_start3A_239] : memref<4x80xi32, #tpu.memory_space<vmem>> -> memref<1x80xi32, #tpu.memory_space<vmem>>
      %dma_start3A_241 = tpu.memref_squeeze %dma_start3A_240 : memref<1x80xi32, #tpu.memory_space<vmem>> -> memref<80xi32, #tpu.memory_space<vmem>>
      %dma_start3A_242 = arith.constant 0 : i32
      %dma_start3A_243 = arith.constant 0 : i32
      %dma_start3A_244 = tpu.memref_slice %arg7[%dma_start3A_242, %dma_start3A_243] : memref<10000x128xf32, #tpu.memory_space<vmem_shared>> -> memref<10000x128xf32, #tpu.memory_space<vmem_shared>>
      tpu.enqueue_indirect_dma source(%dma_start3A_244 : memref<10000x128xf32, #tpu.memory_space<vmem_shared>>) target(%dma_start3A_238 : memref<80x128xf32, #tpu.memory_space<vmem>>) offsets(%dma_start3A_241 : memref<80xi32, #tpu.memory_space<vmem>>) semaphore(%arg13 : memref<!tpu.dma_semaphore, #tpu.memory_space<semaphore_mem>>)
      %mul3A_245 = arith.constant 80 : i32
      %mul3A_246 = arith.muli %while3A_173, %mul3A_245 : i32
      %dma_start3A_247 = arith.constant 0 : i32
      %dma_start3A_248 = arith.constant 0 : i32
      %dma_start3A_249 = tpu.memref_slice %arg11[%rem3A_175, %dma_start3A_247, %dma_start3A_248] : memref<2x80x128xf32, #tpu.memory_space<vmem>> -> memref<1x80x128xf32, #tpu.memory_space<vmem>>
      %dma_start3A_250 = tpu.memref_squeeze %dma_start3A_249 : memref<1x80x128xf32, #tpu.memory_space<vmem>> -> memref<80x128xf32, #tpu.memory_space<vmem>>
      %dma_start3A_251 = arith.constant 0 : i32
      %dma_start3A_252 = tpu.memref_slice %arg7[%mul3A_246, %dma_start3A_251] : memref<10000x128xf32, #tpu.memory_space<vmem_shared>> -> memref<80x128xf32, #tpu.memory_space<vmem_shared>>
      %dma_start3A_253 = arith.constant 0 : i32
      %dma_start3A_254 = arith.constant 0 : i32
      %dma_start3A_255 = tpu.memref_slice %arg11[%rem3A_175, %dma_start3A_253, %dma_start3A_254] : memref<2x80x128xf32, #tpu.memory_space<vmem>> -> memref<1x80x128xf32, #tpu.memory_space<vmem>>
      %dma_start3A_256 = tpu.memref_squeeze %dma_start3A_255 : memref<1x80x128xf32, #tpu.memory_space<vmem>> -> memref<80x128xf32, #tpu.memory_space<vmem>>
      %dma_start3A_257 = arith.constant 0 : i32
      %dma_start3A_258 = tpu.memref_slice %arg7[%mul3A_246, %dma_start3A_257] : memref<10000x128xf32, #tpu.memory_space<vmem_shared>> -> memref<80x128xf32, #tpu.memory_space<vmem_shared>>
      tpu.enqueue_dma source(%dma_start3A_258 : memref<80x128xf32, #tpu.memory_space<vmem_shared>>) target(%dma_start3A_256 : memref<80x128xf32, #tpu.memory_space<vmem>>) target_semaphore(%arg14 : memref<!tpu.dma_semaphore, #tpu.memory_space<semaphore_mem>>)
      %dma_wait3A_259 = arith.constant 0 : i32
      %dma_wait3A_260 = arith.constant 0 : i32
      %dma_wait3A_261 = tpu.memref_slice %arg10[%rem3A_175, %dma_wait3A_259, %dma_wait3A_260] : memref<2x80x128xf32, #tpu.memory_space<vmem>> -> memref<1x80x128xf32, #tpu.memory_space<vmem>>
      %dma_wait3A_262 = tpu.memref_squeeze %dma_wait3A_261 : memref<1x80x128xf32, #tpu.memory_space<vmem>> -> memref<80x128xf32, #tpu.memory_space<vmem>>
      %dma_wait3A_263 = arith.constant 0 : i32
      %dma_wait3A_264 = arith.constant 0 : i32
      %dma_wait3A_265 = tpu.memref_slice %arg2[%dma_wait3A_263, %dma_wait3A_264] : memref<10000x128xf32, #tpu.memory_space<hbm>> -> memref<80x128xf32, #tpu.memory_space<hbm>>
      %dma_wait3A_266 = arith.constant 0 : i32
      %dma_wait3A_267 = arith.constant 0 : i32
      %dma_wait3A_268 = tpu.memref_slice %arg10[%rem3A_175, %dma_wait3A_266, %dma_wait3A_267] : memref<2x80x128xf32, #tpu.memory_space<vmem>> -> memref<1x80x128xf32, #tpu.memory_space<vmem>>
      %dma_wait3A_269 = tpu.memref_squeeze %dma_wait3A_268 : memref<1x80x128xf32, #tpu.memory_space<vmem>> -> memref<80x128xf32, #tpu.memory_space<vmem>>
      %dma_wait3A_270 = arith.constant 0 : i32
      %dma_wait3A_271 = arith.constant 0 : i32
      %dma_wait3A_272 = tpu.memref_slice %arg2[%dma_wait3A_270, %dma_wait3A_271] : memref<10000x128xf32, #tpu.memory_space<hbm>> -> memref<80x128xf32, #tpu.memory_space<hbm>>
      tpu.wait_dma2 semaphore(%arg13 : memref<!tpu.dma_semaphore, #tpu.memory_space<semaphore_mem>>) src(%dma_wait3A_272 : memref<80x128xf32, #tpu.memory_space<hbm>>) dst(%dma_wait3A_269 : memref<80x128xf32, #tpu.memory_space<vmem>>)
      %dma_wait3A_273 = arith.constant 0 : i32
      %dma_wait3A_274 = arith.constant 0 : i32
      %dma_wait3A_275 = tpu.memref_slice %arg11[%rem3A_175, %dma_wait3A_273, %dma_wait3A_274] : memref<2x80x128xf32, #tpu.memory_space<vmem>> -> memref<1x80x128xf32, #tpu.memory_space<vmem>>
      %dma_wait3A_276 = tpu.memref_squeeze %dma_wait3A_275 : memref<1x80x128xf32, #tpu.memory_space<vmem>> -> memref<80x128xf32, #tpu.memory_space<vmem>>
      %dma_wait3A_277 = arith.constant 0 : i32
      %dma_wait3A_278 = arith.constant 0 : i32
      %dma_wait3A_279 = tpu.memref_slice %arg2[%dma_wait3A_277, %dma_wait3A_278] : memref<10000x128xf32, #tpu.memory_space<hbm>> -> memref<80x128xf32, #tpu.memory_space<hbm>>
      %dma_wait3A_280 = arith.constant 0 : i32
      %dma_wait3A_281 = arith.constant 0 : i32
      %dma_wait3A_282 = tpu.memref_slice %arg11[%rem3A_175, %dma_wait3A_280, %dma_wait3A_281] : memref<2x80x128xf32, #tpu.memory_space<vmem>> -> memref<1x80x128xf32, #tpu.memory_space<vmem>>
      %dma_wait3A_283 = tpu.memref_squeeze %dma_wait3A_282 : memref<1x80x128xf32, #tpu.memory_space<vmem>> -> memref<80x128xf32, #tpu.memory_space<vmem>>
      %dma_wait3A_284 = arith.constant 0 : i32
      %dma_wait3A_285 = arith.constant 0 : i32
      %dma_wait3A_286 = tpu.memref_slice %arg2[%dma_wait3A_284, %dma_wait3A_285] : memref<10000x128xf32, #tpu.memory_space<hbm>> -> memref<80x128xf32, #tpu.memory_space<hbm>>
      tpu.wait_dma2 semaphore(%arg14 : memref<!tpu.dma_semaphore, #tpu.memory_space<semaphore_mem>>) src(%dma_wait3A_286 : memref<80x128xf32, #tpu.memory_space<hbm>>) dst(%dma_wait3A_283 : memref<80x128xf32, #tpu.memory_space<vmem>>)
      %mul3A_287 = arith.constant 80 : i32
      %mul3A_288 = arith.muli %while3A_173, %mul3A_287 : i32
      %add3A_289 = arith.addi %mul3A_32, %mul3A_288 : i32
      %dma_start3A_290 = arith.constant 0 : i32
      %dma_start3A_291 = arith.constant 0 : i32
      %dma_start3A_292 = tpu.memref_slice %arg10[%rem3A_175, %dma_start3A_290, %dma_start3A_291] : memref<2x80x128xf32, #tpu.memory_space<vmem>> -> memref<1x80x128xf32, #tpu.memory_space<vmem>>
      %dma_start3A_293 = tpu.memref_squeeze %dma_start3A_292 : memref<1x80x128xf32, #tpu.memory_space<vmem>> -> memref<80x128xf32, #tpu.memory_space<vmem>>
      %dma_start3A_294 = arith.constant 0 : i32
      %dma_start3A_295 = tpu.memref_slice %arg5[%add3A_289, %dma_start3A_294] : memref<80000x128xf32, #tpu.memory_space<hbm>> -> memref<80x128xf32, #tpu.memory_space<hbm>>
      %dma_start3A_296 = tpu.memref_slice %arg15[%rem3A_175] : memref<2x!tpu.dma_semaphore, #tpu.memory_space<semaphore_mem>> -> memref<1x!tpu.dma_semaphore, #tpu.memory_space<semaphore_mem>>
      %dma_start3A_297 = tpu.memref_squeeze %dma_start3A_296 : memref<1x!tpu.dma_semaphore, #tpu.memory_space<semaphore_mem>> -> memref<!tpu.dma_semaphore, #tpu.memory_space<semaphore_mem>>
      %dma_start3A_298 = arith.constant 0 : i32
      %dma_start3A_299 = tpu.memref_slice %arg5[%add3A_289, %dma_start3A_298] : memref<80000x128xf32, #tpu.memory_space<hbm>> -> memref<80x128xf32, #tpu.memory_space<hbm>>
      %dma_start3A_300 = arith.constant 0 : i32
      %dma_start3A_301 = arith.constant 0 : i32
      %dma_start3A_302 = tpu.memref_slice %arg10[%rem3A_175, %dma_start3A_300, %dma_start3A_301] : memref<2x80x128xf32, #tpu.memory_space<vmem>> -> memref<1x80x128xf32, #tpu.memory_space<vmem>>
      %dma_start3A_303 = tpu.memref_squeeze %dma_start3A_302 : memref<1x80x128xf32, #tpu.memory_space<vmem>> -> memref<80x128xf32, #tpu.memory_space<vmem>>
      tpu.enqueue_dma source(%dma_start3A_303 : memref<80x128xf32, #tpu.memory_space<vmem>>) target(%dma_start3A_299 : memref<80x128xf32, #tpu.memory_space<hbm>>) target_semaphore(%dma_start3A_297 : memref<!tpu.dma_semaphore, #tpu.memory_space<semaphore_mem>>)
      %rem3A_304 = arith.constant 4 : i32
      %rem3A_305 = arith.remsi %while3A_173, %rem3A_304 : i32
      %dma_start3A_306 = arith.constant 0 : i32
      %dma_start3A_307 = arith.constant 0 : i32
      %dma_start3A_308 = tpu.memref_slice %arg11[%rem3A_175, %dma_start3A_306, %dma_start3A_307] : memref<2x80x128xf32, #tpu.memory_space<vmem>> -> memref<1x80x128xf32, #tpu.memory_space<vmem>>
      %dma_start3A_309 = tpu.memref_squeeze %dma_start3A_308 : memref<1x80x128xf32, #tpu.memory_space<vmem>> -> memref<80x128xf32, #tpu.memory_space<vmem>>
      %dma_start3A_310 = arith.constant 0 : i32
      %dma_start3A_311 = tpu.memref_slice %arg9[%rem3A_305, %dma_start3A_310] : memref<4x80xi32, #tpu.memory_space<vmem>> -> memref<1x80xi32, #tpu.memory_space<vmem>>
      %dma_start3A_312 = tpu.memref_squeeze %dma_start3A_311 : memref<1x80xi32, #tpu.memory_space<vmem>> -> memref<80xi32, #tpu.memory_space<vmem>>
      %dma_start3A_313 = arith.constant 0 : i32
      %dma_start3A_314 = arith.constant 0 : i32
      %dma_start3A_315 = tpu.memref_slice %arg6[%dma_start3A_313, %dma_start3A_314] : memref<80000x128xf32, #tpu.memory_space<hbm>> -> memref<80000x128xf32, #tpu.memory_space<hbm>>
      %dma_start3A_316 = tpu.memref_slice %arg16[%rem3A_175] : memref<2x!tpu.dma_semaphore, #tpu.memory_space<semaphore_mem>> -> memref<1x!tpu.dma_semaphore, #tpu.memory_space<semaphore_mem>>
      %dma_start3A_317 = tpu.memref_squeeze %dma_start3A_316 : memref<1x!tpu.dma_semaphore, #tpu.memory_space<semaphore_mem>> -> memref<!tpu.dma_semaphore, #tpu.memory_space<semaphore_mem>>
      tpu.enqueue_indirect_dma source(%dma_start3A_309 : memref<80x128xf32, #tpu.memory_space<vmem>>) target(%dma_start3A_315 : memref<80000x128xf32, #tpu.memory_space<hbm>>) offsets(%dma_start3A_312 : memref<80xi32, #tpu.memory_space<vmem>>) semaphore(%dma_start3A_317 : memref<!tpu.dma_semaphore, #tpu.memory_space<semaphore_mem>>)
    }
    %while3A_93 = arith.constant 1 : i32
    scf.for %while3A_173 = %while3A_91 to %while3A_87 step %while3A_93  : i32 {
      %rem3A_174 = arith.constant 2 : i32
      %rem3A_175 = arith.remsi %while3A_173, %rem3A_174 : i32
      %add3A_176 = arith.constant 2 : i32
      %add3A_177 = arith.addi %add3A_36, %add3A_176 : i32
      %ge3A = arith.cmpi sge, %while3A_173, %add3A_177 : i32
      %convert_element_type3A_178 = arith.extui %ge3A : i1 to i32
      %cond3A_179 = arith.constant 0 : i32
      %cond3A_180 = arith.cmpi ne, %convert_element_type3A_178, %cond3A_179 : i32
      scf.if %cond3A_180 {
        %sub3A_318 = arith.constant 2 : i32
        %sub3A_319 = arith.subi %while3A_173, %sub3A_318 : i32
        %rem3A_320 = arith.constant 2 : i32
        %rem3A_321 = arith.remsi %sub3A_319, %rem3A_320 : i32
        %mul3A_322 = arith.constant 80 : i32
        %mul3A_323 = arith.muli %sub3A_319, %mul3A_322 : i32
        %add3A_324 = arith.addi %mul3A_32, %mul3A_323 : i32
        %dma_wait3A_325 = arith.constant 0 : i32
        %dma_wait3A_326 = arith.constant 0 : i32
        %dma_wait3A_327 = arith.constant 0 : i32
        %dma_wait3A_328 = tpu.memref_slice %arg10[%dma_wait3A_325, %dma_wait3A_326, %dma_wait3A_327] : memref<2x80x128xf32, #tpu.memory_space<vmem>> -> memref<1x80x128xf32, #tpu.memory_space<vmem>>
        %dma_wait3A_329 = tpu.memref_squeeze %dma_wait3A_328 : memref<1x80x128xf32, #tpu.memory_space<vmem>> -> memref<80x128xf32, #tpu.memory_space<vmem>>
        %dma_wait3A_330 = arith.constant 0 : i32
        %dma_wait3A_331 = tpu.memref_slice %arg5[%add3A_324, %dma_wait3A_330] : memref<80000x128xf32, #tpu.memory_space<hbm>> -> memref<80x128xf32, #tpu.memory_space<hbm>>
        %dma_wait3A_332 = tpu.memref_slice %arg15[%rem3A_321] : memref<2x!tpu.dma_semaphore, #tpu.memory_space<semaphore_mem>> -> memref<1x!tpu.dma_semaphore, #tpu.memory_space<semaphore_mem>>
        %dma_wait3A_333 = tpu.memref_squeeze %dma_wait3A_332 : memref<1x!tpu.dma_semaphore, #tpu.memory_space<semaphore_mem>> -> memref<!tpu.dma_semaphore, #tpu.memory_space<semaphore_mem>>
        %dma_wait3A_334 = arith.constant 0 : i32
        %dma_wait3A_335 = tpu.memref_slice %arg5[%add3A_324, %dma_wait3A_334] : memref<80000x128xf32, #tpu.memory_space<hbm>> -> memref<80x128xf32, #tpu.memory_space<hbm>>
        %dma_wait3A_336 = arith.constant 0 : i32
        %dma_wait3A_337 = arith.constant 0 : i32
        %dma_wait3A_338 = tpu.memref_slice %arg10[%dma_wait3A_325, %dma_wait3A_336, %dma_wait3A_337] : memref<2x80x128xf32, #tpu.memory_space<vmem>> -> memref<1x80x128xf32, #tpu.memory_space<vmem>>
        %dma_wait3A_339 = tpu.memref_squeeze %dma_wait3A_338 : memref<1x80x128xf32, #tpu.memory_space<vmem>> -> memref<80x128xf32, #tpu.memory_space<vmem>>
        tpu.wait_dma2 semaphore(%dma_wait3A_333 : memref<!tpu.dma_semaphore, #tpu.memory_space<semaphore_mem>>) src(%dma_wait3A_339 : memref<80x128xf32, #tpu.memory_space<vmem>>) dst(%dma_wait3A_335 : memref<80x128xf32, #tpu.memory_space<hbm>>)
        %mul3A_340 = arith.constant 80 : i32
        %mul3A_341 = arith.muli %sub3A_319, %mul3A_340 : i32
        %add3A_342 = arith.addi %mul3A_32, %mul3A_341 : i32
        %dma_wait3A_343 = arith.constant 0 : i32
        %dma_wait3A_344 = arith.constant 0 : i32
        %dma_wait3A_345 = arith.constant 0 : i32
        %dma_wait3A_346 = tpu.memref_slice %arg11[%dma_wait3A_343, %dma_wait3A_344, %dma_wait3A_345] : memref<2x80x128xf32, #tpu.memory_space<vmem>> -> memref<1x80x128xf32, #tpu.memory_space<vmem>>
        %dma_wait3A_347 = tpu.memref_squeeze %dma_wait3A_346 : memref<1x80x128xf32, #tpu.memory_space<vmem>> -> memref<80x128xf32, #tpu.memory_space<vmem>>
        %dma_wait3A_348 = arith.constant 0 : i32
        %dma_wait3A_349 = tpu.memref_slice %arg6[%add3A_342, %dma_wait3A_348] : memref<80000x128xf32, #tpu.memory_space<hbm>> -> memref<80x128xf32, #tpu.memory_space<hbm>>
        %dma_wait3A_350 = tpu.memref_slice %arg16[%rem3A_321] : memref<2x!tpu.dma_semaphore, #tpu.memory_space<semaphore_mem>> -> memref<1x!tpu.dma_semaphore, #tpu.memory_space<semaphore_mem>>
        %dma_wait3A_351 = tpu.memref_squeeze %dma_wait3A_350 : memref<1x!tpu.dma_semaphore, #tpu.memory_space<semaphore_mem>> -> memref<!tpu.dma_semaphore, #tpu.memory_space<semaphore_mem>>
        %dma_wait3A_352 = arith.constant 0 : i32
        %dma_wait3A_353 = tpu.memref_slice %arg6[%add3A_342, %dma_wait3A_352] : memref<80000x128xf32, #tpu.memory_space<hbm>> -> memref<80x128xf32, #tpu.memory_space<hbm>>
        %dma_wait3A_354 = arith.constant 0 : i32
        %dma_wait3A_355 = arith.constant 0 : i32
        %dma_wait3A_356 = tpu.memref_slice %arg11[%dma_wait3A_343, %dma_wait3A_354, %dma_wait3A_355] : memref<2x80x128xf32, #tpu.memory_space<vmem>> -> memref<1x80x128xf32, #tpu.memory_space<vmem>>
        %dma_wait3A_357 = tpu.memref_squeeze %dma_wait3A_356 : memref<1x80x128xf32, #tpu.memory_space<vmem>> -> memref<80x128xf32, #tpu.memory_space<vmem>>
        tpu.wait_dma2 semaphore(%dma_wait3A_351 : memref<!tpu.dma_semaphore, #tpu.memory_space<semaphore_mem>>) src(%dma_wait3A_357 : memref<80x128xf32, #tpu.memory_space<vmem>>) dst(%dma_wait3A_353 : memref<80x128xf32, #tpu.memory_space<hbm>>)
      } else {
      }
      %rem3A_181 = arith.constant 4 : i32
      %rem3A_182 = arith.remsi %while3A_173, %rem3A_181 : i32
      %dma_wait3A_183 = arith.constant 0 : i32
      %dma_wait3A_184 = arith.constant 0 : i32
      %dma_wait3A_185 = arith.constant 0 : i32
      %dma_wait3A_186 = tpu.memref_slice %arg8[%rem3A_182, %dma_wait3A_185] : memref<4x80xi32, #tpu.memory_space<vmem>> -> memref<1x80xi32, #tpu.memory_space<vmem>>
      %dma_wait3A_187 = tpu.memref_squeeze %dma_wait3A_186 : memref<1x80xi32, #tpu.memory_space<vmem>> -> memref<80xi32, #tpu.memory_space<vmem>>
      %dma_wait3A_188 = arith.constant 0 : i32
      %dma_wait3A_189 = arith.constant 0 : i32
      %dma_wait3A_190 = tpu.memref_slice %arg3[%dma_wait3A_183, %dma_wait3A_188, %dma_wait3A_189] : memref<8x125x80xi32, #tpu.memory_space<hbm>> -> memref<1x125x80xi32, #tpu.memory_space<hbm>>
      %dma_wait3A_191 = tpu.memref_squeeze %dma_wait3A_190 : memref<1x125x80xi32, #tpu.memory_space<hbm>> -> memref<125x80xi32, #tpu.memory_space<hbm>>
      %dma_wait3A_192 = arith.constant 0 : i32
      %dma_wait3A_193 = tpu.memref_slice %dma_wait3A_191[%dma_wait3A_184, %dma_wait3A_192] : memref<125x80xi32, #tpu.memory_space<hbm>> -> memref<1x80xi32, #tpu.memory_space<hbm>>
      %dma_wait3A_194 = tpu.memref_squeeze %dma_wait3A_193 : memref<1x80xi32, #tpu.memory_space<hbm>> -> memref<80xi32, #tpu.memory_space<hbm>>
      %dma_wait3A_195 = arith.constant 0 : i32
      %dma_wait3A_196 = tpu.memref_slice %arg8[%rem3A_182, %dma_wait3A_195] : memref<4x80xi32, #tpu.memory_space<vmem>> -> memref<1x80xi32, #tpu.memory_space<vmem>>
      %dma_wait3A_197 = tpu.memref_squeeze %dma_wait3A_196 : memref<1x80xi32, #tpu.memory_space<vmem>> -> memref<80xi32, #tpu.memory_space<vmem>>
      %dma_wait3A_198 = arith.constant 0 : i32
      %dma_wait3A_199 = arith.constant 0 : i32
      %dma_wait3A_200 = tpu.memref_slice %arg3[%dma_wait3A_183, %dma_wait3A_198, %dma_wait3A_199] : memref<8x125x80xi32, #tpu.memory_space<hbm>> -> memref<1x125x80xi32, #tpu.memory_space<hbm>>
      %dma_wait3A_201 = tpu.memref_squeeze %dma_wait3A_200 : memref<1x125x80xi32, #tpu.memory_space<hbm>> -> memref<125x80xi32, #tpu.memory_space<hbm>>
      %dma_wait3A_202 = arith.constant 0 : i32
      %dma_wait3A_203 = tpu.memref_slice %dma_wait3A_201[%dma_wait3A_184, %dma_wait3A_202] : memref<125x80xi32, #tpu.memory_space<hbm>> -> memref<1x80xi32, #tpu.memory_space<hbm>>
      %dma_wait3A_204 = tpu.memref_squeeze %dma_wait3A_203 : memref<1x80xi32, #tpu.memory_space<hbm>> -> memref<80xi32, #tpu.memory_space<hbm>>
      tpu.wait_dma2 semaphore(%arg12 : memref<!tpu.dma_semaphore, #tpu.memory_space<semaphore_mem>>) src(%dma_wait3A_204 : memref<80xi32, #tpu.memory_space<hbm>>) dst(%dma_wait3A_197 : memref<80xi32, #tpu.memory_space<vmem>>)
      %dma_wait3A_205 = arith.constant 0 : i32
      %dma_wait3A_206 = arith.constant 0 : i32
      %dma_wait3A_207 = arith.constant 0 : i32
      %dma_wait3A_208 = tpu.memref_slice %arg9[%rem3A_182, %dma_wait3A_207] : memref<4x80xi32, #tpu.memory_space<vmem>> -> memref<1x80xi32, #tpu.memory_space<vmem>>
      %dma_wait3A_209 = tpu.memref_squeeze %dma_wait3A_208 : memref<1x80xi32, #tpu.memory_space<vmem>> -> memref<80xi32, #tpu.memory_space<vmem>>
      %dma_wait3A_210 = arith.constant 0 : i32
      %dma_wait3A_211 = arith.constant 0 : i32
      %dma_wait3A_212 = tpu.memref_slice %arg3[%dma_wait3A_205, %dma_wait3A_210, %dma_wait3A_211] : memref<8x125x80xi32, #tpu.memory_space<hbm>> -> memref<1x125x80xi32, #tpu.memory_space<hbm>>
      %dma_wait3A_213 = tpu.memref_squeeze %dma_wait3A_212 : memref<1x125x80xi32, #tpu.memory_space<hbm>> -> memref<125x80xi32, #tpu.memory_space<hbm>>
      %dma_wait3A_214 = arith.constant 0 : i32
      %dma_wait3A_215 = tpu.memref_slice %dma_wait3A_213[%dma_wait3A_206, %dma_wait3A_214] : memref<125x80xi32, #tpu.memory_space<hbm>> -> memref<1x80xi32, #tpu.memory_space<hbm>>
      %dma_wait3A_216 = tpu.memref_squeeze %dma_wait3A_215 : memref<1x80xi32, #tpu.memory_space<hbm>> -> memref<80xi32, #tpu.memory_space<hbm>>
      %dma_wait3A_217 = arith.constant 0 : i32
      %dma_wait3A_218 = tpu.memref_slice %arg9[%rem3A_182, %dma_wait3A_217] : memref<4x80xi32, #tpu.memory_space<vmem>> -> memref<1x80xi32, #tpu.memory_space<vmem>>
      %dma_wait3A_219 = tpu.memref_squeeze %dma_wait3A_218 : memref<1x80xi32, #tpu.memory_space<vmem>> -> memref<80xi32, #tpu.memory_space<vmem>>
      %dma_wait3A_220 = arith.constant 0 : i32
      %dma_wait3A_221 = arith.constant 0 : i32
      %dma_wait3A_222 = tpu.memref_slice %arg3[%dma_wait3A_205, %dma_wait3A_220, %dma_wait3A_221] : memref<8x125x80xi32, #tpu.memory_space<hbm>> -> memref<1x125x80xi32, #tpu.memory_space<hbm>>
      %dma_wait3A_223 = tpu.memref_squeeze %dma_wait3A_222 : memref<1x125x80xi32, #tpu.memory_space<hbm>> -> memref<125x80xi32, #tpu.memory_space<hbm>>
      %dma_wait3A_224 = arith.constant 0 : i32
      %dma_wait3A_225 = tpu.memref_slice %dma_wait3A_223[%dma_wait3A_206, %dma_wait3A_224] : memref<125x80xi32, #tpu.memory_space<hbm>> -> memref<1x80xi32, #tpu.memory_space<hbm>>
      %dma_wait3A_226 = tpu.memref_squeeze %dma_wait3A_225 : memref<1x80xi32, #tpu.memory_space<hbm>> -> memref<80xi32, #tpu.memory_space<hbm>>
      tpu.wait_dma2 semaphore(%arg12 : memref<!tpu.dma_semaphore, #tpu.memory_space<semaphore_mem>>) src(%dma_wait3A_226 : memref<80xi32, #tpu.memory_space<hbm>>) dst(%dma_wait3A_219 : memref<80xi32, #tpu.memory_space<vmem>>)
      %add3A_227 = arith.constant 1 : i32
      %add3A_228 = arith.addi %while3A_173, %add3A_227 : i32
      %lt3A_229 = arith.cmpi slt, %add3A_228, %sub3A_41 : i32
      %convert_element_type3A_230 = arith.extui %lt3A_229 : i1 to i32
      %cond3A_231 = arith.constant 0 : i32
      %cond3A_232 = arith.cmpi ne, %convert_element_type3A_230, %cond3A_231 : i32
      scf.if %cond3A_232 {
        %add3A_318 = arith.constant 1 : i32
        %add3A_319 = arith.addi %while3A_173, %add3A_318 : i32
        %rem3A_320 = arith.constant 4 : i32
        %rem3A_321 = arith.remsi %add3A_319, %rem3A_320 : i32
        %dma_start3A_322 = arith.constant 0 : i32
        %dma_start3A_323 = tpu.memref_slice %arg8[%rem3A_321, %dma_start3A_322] : memref<4x80xi32, #tpu.memory_space<vmem>> -> memref<1x80xi32, #tpu.memory_space<vmem>>
        %dma_start3A_324 = tpu.memref_squeeze %dma_start3A_323 : memref<1x80xi32, #tpu.memory_space<vmem>> -> memref<80xi32, #tpu.memory_space<vmem>>
        %dma_start3A_325 = arith.constant 0 : i32
        %dma_start3A_326 = arith.constant 0 : i32
        %dma_start3A_327 = tpu.memref_slice %arg3[%select_n3A, %dma_start3A_325, %dma_start3A_326] : memref<8x125x80xi32, #tpu.memory_space<hbm>> -> memref<1x125x80xi32, #tpu.memory_space<hbm>>
        %dma_start3A_328 = tpu.memref_squeeze %dma_start3A_327 : memref<1x125x80xi32, #tpu.memory_space<hbm>> -> memref<125x80xi32, #tpu.memory_space<hbm>>
        %dma_start3A_329 = arith.constant 0 : i32
        %dma_start3A_330 = tpu.memref_slice %dma_start3A_328[%add3A_319, %dma_start3A_329] : memref<125x80xi32, #tpu.memory_space<hbm>> -> memref<1x80xi32, #tpu.memory_space<hbm>>
        %dma_start3A_331 = tpu.memref_squeeze %dma_start3A_330 : memref<1x80xi32, #tpu.memory_space<hbm>> -> memref<80xi32, #tpu.memory_space<hbm>>
        %dma_start3A_332 = arith.constant 0 : i32
        %dma_start3A_333 = tpu.memref_slice %arg8[%rem3A_321, %dma_start3A_332] : memref<4x80xi32, #tpu.memory_space<vmem>> -> memref<1x80xi32, #tpu.memory_space<vmem>>
        %dma_start3A_334 = tpu.memref_squeeze %dma_start3A_333 : memref<1x80xi32, #tpu.memory_space<vmem>> -> memref<80xi32, #tpu.memory_space<vmem>>
        %dma_start3A_335 = arith.constant 0 : i32
        %dma_start3A_336 = arith.constant 0 : i32
        %dma_start3A_337 = tpu.memref_slice %arg3[%select_n3A, %dma_start3A_335, %dma_start3A_336] : memref<8x125x80xi32, #tpu.memory_space<hbm>> -> memref<1x125x80xi32, #tpu.memory_space<hbm>>
        %dma_start3A_338 = tpu.memref_squeeze %dma_start3A_337 : memref<1x125x80xi32, #tpu.memory_space<hbm>> -> memref<125x80xi32, #tpu.memory_space<hbm>>
        %dma_start3A_339 = arith.constant 0 : i32
        %dma_start3A_340 = tpu.memref_slice %dma_start3A_338[%add3A_319, %dma_start3A_339] : memref<125x80xi32, #tpu.memory_space<hbm>> -> memref<1x80xi32, #tpu.memory_space<hbm>>
        %dma_start3A_341 = tpu.memref_squeeze %dma_start3A_340 : memref<1x80xi32, #tpu.memory_space<hbm>> -> memref<80xi32, #tpu.memory_space<hbm>>
        tpu.enqueue_dma source(%dma_start3A_341 : memref<80xi32, #tpu.memory_space<hbm>>) target(%dma_start3A_334 : memref<80xi32, #tpu.memory_space<vmem>>) target_semaphore(%arg12 : memref<!tpu.dma_semaphore, #tpu.memory_space<semaphore_mem>>)
        %dma_start3A_342 = arith.constant 0 : i32
        %dma_start3A_343 = tpu.memref_slice %arg9[%rem3A_321, %dma_start3A_342] : memref<4x80xi32, #tpu.memory_space<vmem>> -> memref<1x80xi32, #tpu.memory_space<vmem>>
        %dma_start3A_344 = tpu.memref_squeeze %dma_start3A_343 : memref<1x80xi32, #tpu.memory_space<vmem>> -> memref<80xi32, #tpu.memory_space<vmem>>
        %dma_start3A_345 = arith.constant 0 : i32
        %dma_start3A_346 = arith.constant 0 : i32
        %dma_start3A_347 = tpu.memref_slice %arg4[%select_n3A, %dma_start3A_345, %dma_start3A_346] : memref<8x125x80xi32, #tpu.memory_space<hbm>> -> memref<1x125x80xi32, #tpu.memory_space<hbm>>
        %dma_start3A_348 = tpu.memref_squeeze %dma_start3A_347 : memref<1x125x80xi32, #tpu.memory_space<hbm>> -> memref<125x80xi32, #tpu.memory_space<hbm>>
        %dma_start3A_349 = arith.constant 0 : i32
        %dma_start3A_350 = tpu.memref_slice %dma_start3A_348[%add3A_319, %dma_start3A_349] : memref<125x80xi32, #tpu.memory_space<hbm>> -> memref<1x80xi32, #tpu.memory_space<hbm>>
        %dma_start3A_351 = tpu.memref_squeeze %dma_start3A_350 : memref<1x80xi32, #tpu.memory_space<hbm>> -> memref<80xi32, #tpu.memory_space<hbm>>
        %dma_start3A_352 = arith.constant 0 : i32
        %dma_start3A_353 = tpu.memref_slice %arg9[%rem3A_321, %dma_start3A_352] : memref<4x80xi32, #tpu.memory_space<vmem>> -> memref<1x80xi32, #tpu.memory_space<vmem>>
        %dma_start3A_354 = tpu.memref_squeeze %dma_start3A_353 : memref<1x80xi32, #tpu.memory_space<vmem>> -> memref<80xi32, #tpu.memory_space<vmem>>
        %dma_start3A_355 = arith.constant 0 : i32
        %dma_start3A_356 = arith.constant 0 : i32
        %dma_start3A_357 = tpu.memref_slice %arg4[%select_n3A, %dma_start3A_355, %dma_start3A_356] : memref<8x125x80xi32, #tpu.memory_space<hbm>> -> memref<1x125x80xi32, #tpu.memory_space<hbm>>
        %dma_start3A_358 = tpu.memref_squeeze %dma_start3A_357 : memref<1x125x80xi32, #tpu.memory_space<hbm>> -> memref<125x80xi32, #tpu.memory_space<hbm>>
        %dma_start3A_359 = arith.constant 0 : i32
        %dma_start3A_360 = tpu.memref_slice %dma_start3A_358[%add3A_319, %dma_start3A_359] : memref<125x80xi32, #tpu.memory_space<hbm>> -> memref<1x80xi32, #tpu.memory_space<hbm>>
        %dma_start3A_361 = tpu.memref_squeeze %dma_start3A_360 : memref<1x80xi32, #tpu.memory_space<hbm>> -> memref<80xi32, #tpu.memory_space<hbm>>
        tpu.enqueue_dma source(%dma_start3A_361 : memref<80xi32, #tpu.memory_space<hbm>>) target(%dma_start3A_354 : memref<80xi32, #tpu.memory_space<vmem>>) target_semaphore(%arg12 : memref<!tpu.dma_semaphore, #tpu.memory_space<semaphore_mem>>)
      } else {
      }
      %rem3A_233 = arith.constant 4 : i32
      %rem3A_234 = arith.remsi %while3A_173, %rem3A_233 : i32
      %dma_start3A_235 = arith.constant 0 : i32
      %dma_start3A_236 = arith.constant 0 : i32
      %dma_start3A_237 = tpu.memref_slice %arg10[%rem3A_175, %dma_start3A_235, %dma_start3A_236] : memref<2x80x128xf32, #tpu.memory_space<vmem>> -> memref<1x80x128xf32, #tpu.memory_space<vmem>>
      %dma_start3A_238 = tpu.memref_squeeze %dma_start3A_237 : memref<1x80x128xf32, #tpu.memory_space<vmem>> -> memref<80x128xf32, #tpu.memory_space<vmem>>
      %dma_start3A_239 = arith.constant 0 : i32
      %dma_start3A_240 = tpu.memref_slice %arg8[%rem3A_234, %dma_start3A_239] : memref<4x80xi32, #tpu.memory_space<vmem>> -> memref<1x80xi32, #tpu.memory_space<vmem>>
      %dma_start3A_241 = tpu.memref_squeeze %dma_start3A_240 : memref<1x80xi32, #tpu.memory_space<vmem>> -> memref<80xi32, #tpu.memory_space<vmem>>
      %dma_start3A_242 = arith.constant 0 : i32
      %dma_start3A_243 = arith.constant 0 : i32
      %dma_start3A_244 = tpu.memref_slice %arg7[%dma_start3A_242, %dma_start3A_243] : memref<10000x128xf32, #tpu.memory_space<vmem_shared>> -> memref<10000x128xf32, #tpu.memory_space<vmem_shared>>
      tpu.enqueue_indirect_dma source(%dma_start3A_244 : memref<10000x128xf32, #tpu.memory_space<vmem_shared>>) target(%dma_start3A_238 : memref<80x128xf32, #tpu.memory_space<vmem>>) offsets(%dma_start3A_241 : memref<80xi32, #tpu.memory_space<vmem>>) semaphore(%arg13 : memref<!tpu.dma_semaphore, #tpu.memory_space<semaphore_mem>>)
      %mul3A_245 = arith.constant 80 : i32
      %mul3A_246 = arith.muli %while3A_173, %mul3A_245 : i32
      %dma_start3A_247 = arith.constant 0 : i32
      %dma_start3A_248 = arith.constant 0 : i32
      %dma_start3A_249 = tpu.memref_slice %arg11[%rem3A_175, %dma_start3A_247, %dma_start3A_248] : memref<2x80x128xf32, #tpu.memory_space<vmem>> -> memref<1x80x128xf32, #tpu.memory_space<vmem>>
      %dma_start3A_250 = tpu.memref_squeeze %dma_start3A_249 : memref<1x80x128xf32, #tpu.memory_space<vmem>> -> memref<80x128xf32, #tpu.memory_space<vmem>>
      %dma_start3A_251 = arith.constant 0 : i32
      %dma_start3A_252 = tpu.memref_slice %arg7[%mul3A_246, %dma_start3A_251] : memref<10000x128xf32, #tpu.memory_space<vmem_shared>> -> memref<80x128xf32, #tpu.memory_space<vmem_shared>>
      %dma_start3A_253 = arith.constant 0 : i32
      %dma_start3A_254 = arith.constant 0 : i32
      %dma_start3A_255 = tpu.memref_slice %arg11[%rem3A_175, %dma_start3A_253, %dma_start3A_254] : memref<2x80x128xf32, #tpu.memory_space<vmem>> -> memref<1x80x128xf32, #tpu.memory_space<vmem>>
      %dma_start3A_256 = tpu.memref_squeeze %dma_start3A_255 : memref<1x80x128xf32, #tpu.memory_space<vmem>> -> memref<80x128xf32, #tpu.memory_space<vmem>>
      %dma_start3A_257 = arith.constant 0 : i32
      %dma_start3A_258 = tpu.memref_slice %arg7[%mul3A_246, %dma_start3A_257] : memref<10000x128xf32, #tpu.memory_space<vmem_shared>> -> memref<80x128xf32, #tpu.memory_space<vmem_shared>>
      tpu.enqueue_dma source(%dma_start3A_258 : memref<80x128xf32, #tpu.memory_space<vmem_shared>>) target(%dma_start3A_256 : memref<80x128xf32, #tpu.memory_space<vmem>>) target_semaphore(%arg14 : memref<!tpu.dma_semaphore, #tpu.memory_space<semaphore_mem>>)
      %dma_wait3A_259 = arith.constant 0 : i32
      %dma_wait3A_260 = arith.constant 0 : i32
      %dma_wait3A_261 = tpu.memref_slice %arg10[%rem3A_175, %dma_wait3A_259, %dma_wait3A_260] : memref<2x80x128xf32, #tpu.memory_space<vmem>> -> memref<1x80x128xf32, #tpu.memory_space<vmem>>
      %dma_wait3A_262 = tpu.memref_squeeze %dma_wait3A_261 : memref<1x80x128xf32, #tpu.memory_space<vmem>> -> memref<80x128xf32, #tpu.memory_space<vmem>>
      %dma_wait3A_263 = arith.constant 0 : i32
      %dma_wait3A_264 = arith.constant 0 : i32
      %dma_wait3A_265 = tpu.memref_slice %arg2[%dma_wait3A_263, %dma_wait3A_264] : memref<10000x128xf32, #tpu.memory_space<hbm>> -> memref<80x128xf32, #tpu.memory_space<hbm>>
      %dma_wait3A_266 = arith.constant 0 : i32
      %dma_wait3A_267 = arith.constant 0 : i32
      %dma_wait3A_268 = tpu.memref_slice %arg10[%rem3A_175, %dma_wait3A_266, %dma_wait3A_267] : memref<2x80x128xf32, #tpu.memory_space<vmem>> -> memref<1x80x128xf32, #tpu.memory_space<vmem>>
      %dma_wait3A_269 = tpu.memref_squeeze %dma_wait3A_268 : memref<1x80x128xf32, #tpu.memory_space<vmem>> -> memref<80x128xf32, #tpu.memory_space<vmem>>
      %dma_wait3A_270 = arith.constant 0 : i32
      %dma_wait3A_271 = arith.constant 0 : i32
      %dma_wait3A_272 = tpu.memref_slice %arg2[%dma_wait3A_270, %dma_wait3A_271] : memref<10000x128xf32, #tpu.memory_space<hbm>> -> memref<80x128xf32, #tpu.memory_space<hbm>>
      tpu.wait_dma2 semaphore(%arg13 : memref<!tpu.dma_semaphore, #tpu.memory_space<semaphore_mem>>) src(%dma_wait3A_272 : memref<80x128xf32, #tpu.memory_space<hbm>>) dst(%dma_wait3A_269 : memref<80x128xf32, #tpu.memory_space<vmem>>)
      %dma_wait3A_273 = arith.constant 0 : i32
      %dma_wait3A_274 = arith.constant 0 : i32
      %dma_wait3A_275 = tpu.memref_slice %arg11[%rem3A_175, %dma_wait3A_273, %dma_wait3A_274] : memref<2x80x128xf32, #tpu.memory_space<vmem>> -> memref<1x80x128xf32, #tpu.memory_space<vmem>>
      %dma_wait3A_276 = tpu.memref_squeeze %dma_wait3A_275 : memref<1x80x128xf32, #tpu.memory_space<vmem>> -> memref<80x128xf32, #tpu.memory_space<vmem>>
      %dma_wait3A_277 = arith.constant 0 : i32
      %dma_wait3A_278 = arith.constant 0 : i32
      %dma_wait3A_279 = tpu.memref_slice %arg2[%dma_wait3A_277, %dma_wait3A_278] : memref<10000x128xf32, #tpu.memory_space<hbm>> -> memref<80x128xf32, #tpu.memory_space<hbm>>
      %dma_wait3A_280 = arith.constant 0 : i32
      %dma_wait3A_281 = arith.constant 0 : i32
      %dma_wait3A_282 = tpu.memref_slice %arg11[%rem3A_175, %dma_wait3A_280, %dma_wait3A_281] : memref<2x80x128xf32, #tpu.memory_space<vmem>> -> memref<1x80x128xf32, #tpu.memory_space<vmem>>
      %dma_wait3A_283 = tpu.memref_squeeze %dma_wait3A_282 : memref<1x80x128xf32, #tpu.memory_space<vmem>> -> memref<80x128xf32, #tpu.memory_space<vmem>>
      %dma_wait3A_284 = arith.constant 0 : i32
      %dma_wait3A_285 = arith.constant 0 : i32
      %dma_wait3A_286 = tpu.memref_slice %arg2[%dma_wait3A_284, %dma_wait3A_285] : memref<10000x128xf32, #tpu.memory_space<hbm>> -> memref<80x128xf32, #tpu.memory_space<hbm>>
      tpu.wait_dma2 semaphore(%arg14 : memref<!tpu.dma_semaphore, #tpu.memory_space<semaphore_mem>>) src(%dma_wait3A_286 : memref<80x128xf32, #tpu.memory_space<hbm>>) dst(%dma_wait3A_283 : memref<80x128xf32, #tpu.memory_space<vmem>>)
      %mul3A_287 = arith.constant 80 : i32
      %mul3A_288 = arith.muli %while3A_173, %mul3A_287 : i32
      %add3A_289 = arith.addi %mul3A_32, %mul3A_288 : i32
      %dma_start3A_290 = arith.constant 0 : i32
      %dma_start3A_291 = arith.constant 0 : i32
      %dma_start3A_292 = tpu.memref_slice %arg10[%rem3A_175, %dma_start3A_290, %dma_start3A_291] : memref<2x80x128xf32, #tpu.memory_space<vmem>> -> memref<1x80x128xf32, #tpu.memory_space<vmem>>
      %dma_start3A_293 = tpu.memref_squeeze %dma_start3A_292 : memref<1x80x128xf32, #tpu.memory_space<vmem>> -> memref<80x128xf32, #tpu.memory_space<vmem>>
      %dma_start3A_294 = arith.constant 0 : i32
      %dma_start3A_295 = tpu.memref_slice %arg5[%add3A_289, %dma_start3A_294] : memref<80000x128xf32, #tpu.memory_space<hbm>> -> memref<80x128xf32, #tpu.memory_space<hbm>>
      %dma_start3A_296 = tpu.memref_slice %arg15[%rem3A_175] : memref<2x!tpu.dma_semaphore, #tpu.memory_space<semaphore_mem>> -> memref<1x!tpu.dma_semaphore, #tpu.memory_space<semaphore_mem>>
      %dma_start3A_297 = tpu.memref_squeeze %dma_start3A_296 : memref<1x!tpu.dma_semaphore, #tpu.memory_space<semaphore_mem>> -> memref<!tpu.dma_semaphore, #tpu.memory_space<semaphore_mem>>
      %dma_start3A_298 = arith.constant 0 : i32
      %dma_start3A_299 = tpu.memref_slice %arg5[%add3A_289, %dma_start3A_298] : memref<80000x128xf32, #tpu.memory_space<hbm>> -> memref<80x128xf32, #tpu.memory_space<hbm>>
      %dma_start3A_300 = arith.constant 0 : i32
      %dma_start3A_301 = arith.constant 0 : i32
      %dma_start3A_302 = tpu.memref_slice %arg10[%rem3A_175, %dma_start3A_300, %dma_start3A_301] : memref<2x80x128xf32, #tpu.memory_space<vmem>> -> memref<1x80x128xf32, #tpu.memory_space<vmem>>
      %dma_start3A_303 = tpu.memref_squeeze %dma_start3A_302 : memref<1x80x128xf32, #tpu.memory_space<vmem>> -> memref<80x128xf32, #tpu.memory_space<vmem>>
      tpu.enqueue_dma source(%dma_start3A_303 : memref<80x128xf32, #tpu.memory_space<vmem>>) target(%dma_start3A_299 : memref<80x128xf32, #tpu.memory_space<hbm>>) target_semaphore(%dma_start3A_297 : memref<!tpu.dma_semaphore, #tpu.memory_space<semaphore_mem>>)
      %rem3A_304 = arith.constant 4 : i32
      %rem3A_305 = arith.remsi %while3A_173, %rem3A_304 : i32
      %dma_start3A_306 = arith.constant 0 : i32
      %dma_start3A_307 = arith.constant 0 : i32
      %dma_start3A_308 = tpu.memref_slice %arg11[%rem3A_175, %dma_start3A_306, %dma_start3A_307] : memref<2x80x128xf32, #tpu.memory_space<vmem>> -> memref<1x80x128xf32, #tpu.memory_space<vmem>>
      %dma_start3A_309 = tpu.memref_squeeze %dma_start3A_308 : memref<1x80x128xf32, #tpu.memory_space<vmem>> -> memref<80x128xf32, #tpu.memory_space<vmem>>
      %dma_start3A_310 = arith.constant 0 : i32
      %dma_start3A_311 = tpu.memref_slice %arg9[%rem3A_305, %dma_start3A_310] : memref<4x80xi32, #tpu.memory_space<vmem>> -> memref<1x80xi32, #tpu.memory_space<vmem>>
      %dma_start3A_312 = tpu.memref_squeeze %dma_start3A_311 : memref<1x80xi32, #tpu.memory_space<vmem>> -> memref<80xi32, #tpu.memory_space<vmem>>
      %dma_start3A_313 = arith.constant 0 : i32
      %dma_start3A_314 = arith.constant 0 : i32
      %dma_start3A_315 = tpu.memref_slice %arg6[%dma_start3A_313, %dma_start3A_314] : memref<80000x128xf32, #tpu.memory_space<hbm>> -> memref<80000x128xf32, #tpu.memory_space<hbm>>
      %dma_start3A_316 = tpu.memref_slice %arg16[%rem3A_175] : memref<2x!tpu.dma_semaphore, #tpu.memory_space<semaphore_mem>> -> memref<1x!tpu.dma_semaphore, #tpu.memory_space<semaphore_mem>>
      %dma_start3A_317 = tpu.memref_squeeze %dma_start3A_316 : memref<1x!tpu.dma_semaphore, #tpu.memory_space<semaphore_mem>> -> memref<!tpu.dma_semaphore, #tpu.memory_space<semaphore_mem>>
      tpu.enqueue_indirect_dma source(%dma_start3A_309 : memref<80x128xf32, #tpu.memory_space<vmem>>) target(%dma_start3A_315 : memref<80000x128xf32, #tpu.memory_space<hbm>>) offsets(%dma_start3A_312 : memref<80xi32, #tpu.memory_space<vmem>>) semaphore(%dma_start3A_317 : memref<!tpu.dma_semaphore, #tpu.memory_space<semaphore_mem>>)
    }
    %sub3A_94 = arith.constant 2 : i32
    %sub3A_95 = arith.subi %sub3A_41, %sub3A_94 : i32
    %rem3A_96 = arith.constant 2 : i32
    %rem3A_97 = arith.remsi %sub3A_95, %rem3A_96 : i32
    %mul3A_98 = arith.constant 80 : i32
    %mul3A_99 = arith.muli %sub3A_95, %mul3A_98 : i32
    %add3A_100 = arith.addi %mul3A_32, %mul3A_99 : i32
    %dma_wait3A = arith.constant 0 : i32
    %dma_wait3A_101 = arith.constant 0 : i32
    %dma_wait3A_102 = arith.constant 0 : i32
    %dma_wait3A_103 = tpu.memref_slice %arg10[%dma_wait3A, %dma_wait3A_101, %dma_wait3A_102] : memref<2x80x128xf32, #tpu.memory_space<vmem>> -> memref<1x80x128xf32, #tpu.memory_space<vmem>>
    %dma_wait3A_104 = tpu.memref_squeeze %dma_wait3A_103 : memref<1x80x128xf32, #tpu.memory_space<vmem>> -> memref<80x128xf32, #tpu.memory_space<vmem>>
    %dma_wait3A_105 = arith.constant 0 : i32
    %dma_wait3A_106 = tpu.memref_slice %arg5[%add3A_100, %dma_wait3A_105] : memref<80000x128xf32, #tpu.memory_space<hbm>> -> memref<80x128xf32, #tpu.memory_space<hbm>>
    %dma_wait3A_107 = tpu.memref_slice %arg15[%rem3A_97] : memref<2x!tpu.dma_semaphore, #tpu.memory_space<semaphore_mem>> -> memref<1x!tpu.dma_semaphore, #tpu.memory_space<semaphore_mem>>
    %dma_wait3A_108 = tpu.memref_squeeze %dma_wait3A_107 : memref<1x!tpu.dma_semaphore, #tpu.memory_space<semaphore_mem>> -> memref<!tpu.dma_semaphore, #tpu.memory_space<semaphore_mem>>
    %dma_wait3A_109 = arith.constant 0 : i32
    %dma_wait3A_110 = tpu.memref_slice %arg5[%add3A_100, %dma_wait3A_109] : memref<80000x128xf32, #tpu.memory_space<hbm>> -> memref<80x128xf32, #tpu.memory_space<hbm>>
    %dma_wait3A_111 = arith.constant 0 : i32
    %dma_wait3A_112 = arith.constant 0 : i32
    %dma_wait3A_113 = tpu.memref_slice %arg10[%dma_wait3A, %dma_wait3A_111, %dma_wait3A_112] : memref<2x80x128xf32, #tpu.memory_space<vmem>> -> memref<1x80x128xf32, #tpu.memory_space<vmem>>
    %dma_wait3A_114 = tpu.memref_squeeze %dma_wait3A_113 : memref<1x80x128xf32, #tpu.memory_space<vmem>> -> memref<80x128xf32, #tpu.memory_space<vmem>>
    tpu.wait_dma2 semaphore(%dma_wait3A_108 : memref<!tpu.dma_semaphore, #tpu.memory_space<semaphore_mem>>) src(%dma_wait3A_114 : memref<80x128xf32, #tpu.memory_space<vmem>>) dst(%dma_wait3A_110 : memref<80x128xf32, #tpu.memory_space<hbm>>)
    %mul3A_115 = arith.constant 80 : i32
    %mul3A_116 = arith.muli %sub3A_95, %mul3A_115 : i32
    %add3A_117 = arith.addi %mul3A_32, %mul3A_116 : i32
    %dma_wait3A_118 = arith.constant 0 : i32
    %dma_wait3A_119 = arith.constant 0 : i32
    %dma_wait3A_120 = arith.constant 0 : i32
    %dma_wait3A_121 = tpu.memref_slice %arg11[%dma_wait3A_118, %dma_wait3A_119, %dma_wait3A_120] : memref<2x80x128xf32, #tpu.memory_space<vmem>> -> memref<1x80x128xf32, #tpu.memory_space<vmem>>
    %dma_wait3A_122 = tpu.memref_squeeze %dma_wait3A_121 : memref<1x80x128xf32, #tpu.memory_space<vmem>> -> memref<80x128xf32, #tpu.memory_space<vmem>>
    %dma_wait3A_123 = arith.constant 0 : i32
    %dma_wait3A_124 = tpu.memref_slice %arg6[%add3A_117, %dma_wait3A_123] : memref<80000x128xf32, #tpu.memory_space<hbm>> -> memref<80x128xf32, #tpu.memory_space<hbm>>
    %dma_wait3A_125 = tpu.memref_slice %arg16[%rem3A_97] : memref<2x!tpu.dma_semaphore, #tpu.memory_space<semaphore_mem>> -> memref<1x!tpu.dma_semaphore, #tpu.memory_space<semaphore_mem>>
    %dma_wait3A_126 = tpu.memref_squeeze %dma_wait3A_125 : memref<1x!tpu.dma_semaphore, #tpu.memory_space<semaphore_mem>> -> memref<!tpu.dma_semaphore, #tpu.memory_space<semaphore_mem>>
    %dma_wait3A_127 = arith.constant 0 : i32
    %dma_wait3A_128 = tpu.memref_slice %arg6[%add3A_117, %dma_wait3A_127] : memref<80000x128xf32, #tpu.memory_space<hbm>> -> memref<80x128xf32, #tpu.memory_space<hbm>>
    %dma_wait3A_129 = arith.constant 0 : i32
    %dma_wait3A_130 = arith.constant 0 : i32
    %dma_wait3A_131 = tpu.memref_slice %arg11[%dma_wait3A_118, %dma_wait3A_129, %dma_wait3A_130] : memref<2x80x128xf32, #tpu.memory_space<vmem>> -> memref<1x80x128xf32, #tpu.memory_space<vmem>>
    %dma_wait3A_132 = tpu.memref_squeeze %dma_wait3A_131 : memref<1x80x128xf32, #tpu.memory_space<vmem>> -> memref<80x128xf32, #tpu.memory_space<vmem>>
    tpu.wait_dma2 semaphore(%dma_wait3A_126 : memref<!tpu.dma_semaphore, #tpu.memory_space<semaphore_mem>>) src(%dma_wait3A_132 : memref<80x128xf32, #tpu.memory_space<vmem>>) dst(%dma_wait3A_128 : memref<80x128xf32, #tpu.memory_space<hbm>>)
    %sub3A_133 = arith.constant 1 : i32
    %sub3A_134 = arith.subi %sub3A_41, %sub3A_133 : i32
    %rem3A_135 = arith.constant 2 : i32
    %rem3A_136 = arith.remsi %sub3A_134, %rem3A_135 : i32
    %mul3A_137 = arith.constant 80 : i32
    %mul3A_138 = arith.muli %sub3A_134, %mul3A_137 : i32
    %add3A_139 = arith.addi %mul3A_32, %mul3A_138 : i32
    %dma_wait3A_140 = arith.constant 0 : i32
    %dma_wait3A_141 = arith.constant 0 : i32
    %dma_wait3A_142 = arith.constant 0 : i32
    %dma_wait3A_143 = tpu.memref_slice %arg10[%dma_wait3A_140, %dma_wait3A_141, %dma_wait3A_142] : memref<2x80x128xf32, #tpu.memory_space<vmem>> -> memref<1x80x128xf32, #tpu.memory_space<vmem>>
    %dma_wait3A_144 = tpu.memref_squeeze %dma_wait3A_143 : memref<1x80x128xf32, #tpu.memory_space<vmem>> -> memref<80x128xf32, #tpu.memory_space<vmem>>
    %dma_wait3A_145 = arith.constant 0 : i32
    %dma_wait3A_146 = tpu.memref_slice %arg5[%add3A_139, %dma_wait3A_145] : memref<80000x128xf32, #tpu.memory_space<hbm>> -> memref<80x128xf32, #tpu.memory_space<hbm>>
    %dma_wait3A_147 = tpu.memref_slice %arg15[%rem3A_136] : memref<2x!tpu.dma_semaphore, #tpu.memory_space<semaphore_mem>> -> memref<1x!tpu.dma_semaphore, #tpu.memory_space<semaphore_mem>>
    %dma_wait3A_148 = tpu.memref_squeeze %dma_wait3A_147 : memref<1x!tpu.dma_semaphore, #tpu.memory_space<semaphore_mem>> -> memref<!tpu.dma_semaphore, #tpu.memory_space<semaphore_mem>>
    %dma_wait3A_149 = arith.constant 0 : i32
    %dma_wait3A_150 = tpu.memref_slice %arg5[%add3A_139, %dma_wait3A_149] : memref<80000x128xf32, #tpu.memory_space<hbm>> -> memref<80x128xf32, #tpu.memory_space<hbm>>
    %dma_wait3A_151 = arith.constant 0 : i32
    %dma_wait3A_152 = arith.constant 0 : i32
    %dma_wait3A_153 = tpu.memref_slice %arg10[%dma_wait3A_140, %dma_wait3A_151, %dma_wait3A_152] : memref<2x80x128xf32, #tpu.memory_space<vmem>> -> memref<1x80x128xf32, #tpu.memory_space<vmem>>
    %dma_wait3A_154 = tpu.memref_squeeze %dma_wait3A_153 : memref<1x80x128xf32, #tpu.memory_space<vmem>> -> memref<80x128xf32, #tpu.memory_space<vmem>>
    tpu.wait_dma2 semaphore(%dma_wait3A_148 : memref<!tpu.dma_semaphore, #tpu.memory_space<semaphore_mem>>) src(%dma_wait3A_154 : memref<80x128xf32, #tpu.memory_space<vmem>>) dst(%dma_wait3A_150 : memref<80x128xf32, #tpu.memory_space<hbm>>)
    %mul3A_155 = arith.constant 80 : i32
    %mul3A_156 = arith.muli %sub3A_134, %mul3A_155 : i32
    %add3A_157 = arith.addi %mul3A_32, %mul3A_156 : i32
    %dma_wait3A_158 = arith.constant 0 : i32
    %dma_wait3A_159 = arith.constant 0 : i32
    %dma_wait3A_160 = arith.constant 0 : i32
    %dma_wait3A_161 = tpu.memref_slice %arg11[%dma_wait3A_158, %dma_wait3A_159, %dma_wait3A_160] : memref<2x80x128xf32, #tpu.memory_space<vmem>> -> memref<1x80x128xf32, #tpu.memory_space<vmem>>
    %dma_wait3A_162 = tpu.memref_squeeze %dma_wait3A_161 : memref<1x80x128xf32, #tpu.memory_space<vmem>> -> memref<80x128xf32, #tpu.memory_space<vmem>>
    %dma_wait3A_163 = arith.constant 0 : i32
    %dma_wait3A_164 = tpu.memref_slice %arg6[%add3A_157, %dma_wait3A_163] : memref<80000x128xf32, #tpu.memory_space<hbm>> -> memref<80x128xf32, #tpu.memory_space<hbm>>
    %dma_wait3A_165 = tpu.memref_slice %arg16[%rem3A_136] : memref<2x!tpu.dma_semaphore, #tpu.memory_space<semaphore_mem>> -> memref<1x!tpu.dma_semaphore, #tpu.memory_space<semaphore_mem>>
    %dma_wait3A_166 = tpu.memref_squeeze %dma_wait3A_165 : memref<1x!tpu.dma_semaphore, #tpu.memory_space<semaphore_mem>> -> memref<!tpu.dma_semaphore, #tpu.memory_space<semaphore_mem>>
    %dma_wait3A_167 = arith.constant 0 : i32
    %dma_wait3A_168 = tpu.memref_slice %arg6[%add3A_157, %dma_wait3A_167] : memref<80000x128xf32, #tpu.memory_space<hbm>> -> memref<80x128xf32, #tpu.memory_space<hbm>>
    %dma_wait3A_169 = arith.constant 0 : i32
    %dma_wait3A_170 = arith.constant 0 : i32
    %dma_wait3A_171 = tpu.memref_slice %arg11[%dma_wait3A_158, %dma_wait3A_169, %dma_wait3A_170] : memref<2x80x128xf32, #tpu.memory_space<vmem>> -> memref<1x80x128xf32, #tpu.memory_space<vmem>>
    %dma_wait3A_172 = tpu.memref_squeeze %dma_wait3A_171 : memref<1x80x128xf32, #tpu.memory_space<vmem>> -> memref<80x128xf32, #tpu.memory_space<vmem>>
    tpu.wait_dma2 semaphore(%dma_wait3A_166 : memref<!tpu.dma_semaphore, #tpu.memory_space<semaphore_mem>>) src(%dma_wait3A_172 : memref<80x128xf32, #tpu.memory_space<vmem>>) dst(%dma_wait3A_168 : memref<80x128xf32, #tpu.memory_space<hbm>>)
    return
  }
}

#map = affine_map<(d0, d1) -> (0, 0)>
#map1 = affine_map<(d0, d1) -> (0, 0, 0)>
module attributes {stable_mosaic.version = 14 : i64} {
  func.func @sc_kernel(%arg0: i32, %arg1: i32, %arg2: memref<10000x128xf32, #tpu.memory_space<hbm>>, %arg3: memref<8x125x80xi32, #tpu.memory_space<hbm>>, %arg4: memref<8x125x80xi32, #tpu.memory_space<hbm>>, %arg5: memref<80000x128xf32, #tpu.memory_space<hbm>>, %arg6: memref<80000x128xf32, #tpu.memory_space<hbm>>, %arg7: memref<10000x128xf32, #tpu.memory_space<vmem_shared>>, %arg8: memref<4x80xi32, #tpu.memory_space<vmem>>, %arg9: memref<4x80xi32, #tpu.memory_space<vmem>>, %arg10: memref<2x80x128xf32, #tpu.memory_space<vmem>>, %arg11: memref<2x80x128xf32, #tpu.memory_space<vmem>>, %arg12: memref<!tpu.dma_semaphore, #tpu.memory_space<semaphore_mem>>, %arg13: memref<!tpu.dma_semaphore, #tpu.memory_space<semaphore_mem>>, %arg14: memref<!tpu.dma_semaphore, #tpu.memory_space<semaphore_mem>>, %arg15: memref<2x!tpu.dma_semaphore, #tpu.memory_space<semaphore_mem>>, %arg16: memref<2x!tpu.dma_semaphore, #tpu.memory_space<semaphore_mem>>) attributes {dimension_semantics = [#tpu.dimension_semantics<core_parallel>, #tpu.dimension_semantics<subcore_parallel>], iteration_bounds = array<i64: 2, 16>, scalar_prefetch = 0 : i64, scratch_operands = 10 : i64, tpu.core_type = #tpu.core_type<sc_vector_subcore>, window_params = [{transform_indices = #map}, {transform_indices = #map1}, {transform_indices = #map1}, {transform_indices = #map}, {transform_indices = #map}]} {
    %mul3A = arith.constant 2 : i32
    %mul3A_0 = arith.muli %arg1, %mul3A : i32
    %add3A = arith.addi %mul3A_0, %arg0 : i32
    %jit3A = arith.constant 4 : i32
    %div3A = arith.divsi %add3A, %jit3A : i32
    %sign3A = arith.constant 0 : i32
    %sign3A_1 = arith.cmpi sgt, %add3A, %sign3A : i32
    %sign3A_2 = arith.extui %sign3A_1 : i1 to i32
    %sign3A_3 = arith.constant 0 : i32
    %sign3A_4 = arith.cmpi slt, %add3A, %sign3A_3 : i32
    %sign3A_5 = arith.extui %sign3A_4 : i1 to i32
    %sign3A_6 = arith.subi %sign3A_2, %sign3A_5 : i32
    %sign3A_7 = arith.constant 0 : i32
    %sign3A_8 = arith.cmpi sgt, %jit3A, %sign3A_7 : i32
    %sign3A_9 = arith.extui %sign3A_8 : i1 to i32
    %sign3A_10 = arith.constant 0 : i32
    %sign3A_11 = arith.cmpi slt, %jit3A, %sign3A_10 : i32
    %sign3A_12 = arith.extui %sign3A_11 : i1 to i32
    %sign3A_13 = arith.subi %sign3A_9, %sign3A_12 : i32
    %ne3A = arith.cmpi ne, %sign3A_6, %sign3A_13 : i32
    %rem3A = arith.remsi %add3A, %jit3A : i32
    %ne3A_14 = arith.constant 0 : i32
    %ne3A_15 = arith.cmpi ne, %rem3A, %ne3A_14 : i32
    %and3A = arith.andi %ne3A, %ne3A_15 : i1
    %sub3A = arith.constant 1 : i32
    %sub3A_16 = arith.subi %div3A, %sub3A : i32
    %select_n3A = arith.select %and3A, %sub3A_16, %div3A : i32
    %jit3A_17 = arith.constant 4 : i32
    %eq3A = arith.constant 0 : i32
    %eq3A_18 = arith.cmpi eq, %jit3A_17, %eq3A : i32
    %jit3A_19 = arith.constant 1 : i32
    %select_n3A_20 = arith.select %eq3A_18, %jit3A_19, %jit3A_17 : i32
    %rem3A_21 = arith.remsi %add3A, %select_n3A_20 : i32
    %ne3A_22 = arith.constant 0 : i32
    %ne3A_23 = arith.cmpi ne, %rem3A_21, %ne3A_22 : i32
    %lt3A = arith.constant 0 : i32
    %lt3A_24 = arith.cmpi slt, %rem3A_21, %lt3A : i32
    %lt3A_25 = arith.constant 0 : i32
    %lt3A_26 = arith.cmpi slt, %select_n3A_20, %lt3A_25 : i32
    %ne3A_27 = arith.xori %lt3A_24, %lt3A_26 : i1
    %and3A_28 = arith.andi %ne3A_27, %ne3A_23 : i1
    %add3A_29 = arith.addi %rem3A_21, %select_n3A_20 : i32
    %select_n3A_30 = arith.select %and3A_28, %add3A_29, %rem3A_21 : i32
    %mul3A_31 = arith.constant 10000 : i32
    %mul3A_32 = arith.muli %select_n3A, %mul3A_31 : i32
    %mul3A_33 = arith.constant 31 : i32
    %mul3A_34 = arith.muli %mul3A_33, %select_n3A_30 : i32
    %min3A = arith.constant 1 : i32
    %min3A_35 = arith.minsi %select_n3A_30, %min3A : i32
    %add3A_36 = arith.addi %mul3A_34, %min3A_35 : i32
    %add3A_37 = arith.constant 32 : i32
    %add3A_38 = arith.addi %add3A_36, %add3A_37 : i32
    %min3A_39 = arith.constant 1 : i32
    %min3A_40 = arith.minsi %select_n3A_30, %min3A_39 : i32
    %sub3A_41 = arith.subi %add3A_38, %min3A_40 : i32
    %lt3A_42 = arith.constant 10 : i32
    %lt3A_43 = arith.cmpi slt, %arg1, %lt3A_42 : i32
    %convert_element_type3A = arith.extui %lt3A_43 : i1 to i32
    %cond3A = arith.constant 0 : i32
    %cond3A_44 = arith.cmpi ne, %convert_element_type3A, %cond3A : i32
    scf.if %cond3A_44 {
      %mul3A_173 = arith.constant 1000 : i32
      %mul3A_174 = arith.muli %arg1, %mul3A_173 : i32
      %mul3A_175 = arith.constant 1000 : i32
      %mul3A_176 = arith.muli %arg1, %mul3A_175 : i32
      "tpu.region"() ({
        %run_scoped3A = tpu.sem_alloc : memref<!tpu.dma_semaphore, #tpu.memory_space<semaphore_mem>>
        %dma_start3A_177 = arith.constant 0 : i32
        %dma_start3A_178 = tpu.memref_slice %arg7[%mul3A_176, %dma_start3A_177] : memref<10000x128xf32, #tpu.memory_space<vmem_shared>> -> memref<1000x128xf32, #tpu.memory_space<vmem_shared>>
        %dma_start3A_179 = arith.constant 0 : i32
        %dma_start3A_180 = tpu.memref_slice %arg2[%mul3A_174, %dma_start3A_179] : memref<10000x128xf32, #tpu.memory_space<hbm>> -> memref<1000x128xf32, #tpu.memory_space<hbm>>
        tpu.enqueue_dma source(%dma_start3A_180 : memref<1000x128xf32, #tpu.memory_space<hbm>>) target(%dma_start3A_178 : memref<1000x128xf32, #tpu.memory_space<vmem_shared>>) target_semaphore(%run_scoped3A : memref<!tpu.dma_semaphore, #tpu.memory_space<semaphore_mem>>)
        %dma_wait3A_181 = arith.constant 0 : i32
        %dma_wait3A_182 = tpu.memref_slice %arg7[%mul3A_176, %dma_wait3A_181] : memref<10000x128xf32, #tpu.memory_space<vmem_shared>> -> memref<1000x128xf32, #tpu.memory_space<vmem_shared>>
        %dma_wait3A_183 = arith.constant 0 : i32
        %dma_wait3A_184 = tpu.memref_slice %arg2[%mul3A_174, %dma_wait3A_183] : memref<10000x128xf32, #tpu.memory_space<hbm>> -> memref<1000x128xf32, #tpu.memory_space<hbm>>
        tpu.wait_dma2 semaphore(%run_scoped3A : memref<!tpu.dma_semaphore, #tpu.memory_space<semaphore_mem>>) src(%dma_wait3A_184 : memref<1000x128xf32, #tpu.memory_space<hbm>>) dst(%dma_wait3A_182 : memref<1000x128xf32, #tpu.memory_space<vmem_shared>>)
        tpu.yield
      }) : () -> ()
    } else {
    }
    %rem3A_45 = arith.constant 4 : i32
    %rem3A_46 = arith.remsi %add3A_36, %rem3A_45 : i32
    %dma_start3A = arith.constant 0 : i32
    %dma_start3A_47 = tpu.memref_slice %arg8[%rem3A_46, %dma_start3A] : memref<4x80xi32, #tpu.memory_space<vmem>> -> memref<1x80xi32, #tpu.memory_space<vmem>>
    %dma_start3A_48 = tpu.memref_squeeze %dma_start3A_47 : memref<1x80xi32, #tpu.memory_space<vmem>> -> memref<80xi32, #tpu.memory_space<vmem>>
    %dma_start3A_49 = arith.constant 0 : i32
    %dma_start3A_50 = arith.constant 0 : i32
    %dma_start3A_51 = tpu.memref_slice %arg3[%select_n3A, %dma_start3A_49, %dma_start3A_50] : memref<8x125x80xi32, #tpu.memory_space<hbm>> -> memref<1x125x80xi32, #tpu.memory_space<hbm>>
    %dma_start3A_52 = tpu.memref_squeeze %dma_start3A_51 : memref<1x125x80xi32, #tpu.memory_space<hbm>> -> memref<125x80xi32, #tpu.memory_space<hbm>>
    %dma_start3A_53 = arith.constant 0 : i32
    %dma_start3A_54 = tpu.memref_slice %dma_start3A_52[%add3A_36, %dma_start3A_53] : memref<125x80xi32, #tpu.memory_space<hbm>> -> memref<1x80xi32, #tpu.memory_space<hbm>>
    %dma_start3A_55 = tpu.memref_squeeze %dma_start3A_54 : memref<1x80xi32, #tpu.memory_space<hbm>> -> memref<80xi32, #tpu.memory_space<hbm>>
    %dma_start3A_56 = arith.constant 0 : i32
    %dma_start3A_57 = tpu.memref_slice %arg8[%rem3A_46, %dma_start3A_56] : memref<4x80xi32, #tpu.memory_space<vmem>> -> memref<1x80xi32, #tpu.memory_space<vmem>>
    %dma_start3A_58 = tpu.memref_squeeze %dma_start3A_57 : memref<1x80xi32, #tpu.memory_space<vmem>> -> memref<80xi32, #tpu.memory_space<vmem>>
    %dma_start3A_59 = arith.constant 0 : i32
    %dma_start3A_60 = arith.constant 0 : i32
    %dma_start3A_61 = tpu.memref_slice %arg3[%select_n3A, %dma_start3A_59, %dma_start3A_60] : memref<8x125x80xi32, #tpu.memory_space<hbm>> -> memref<1x125x80xi32, #tpu.memory_space<hbm>>
    %dma_start3A_62 = tpu.memref_squeeze %dma_start3A_61 : memref<1x125x80xi32, #tpu.memory_space<hbm>> -> memref<125x80xi32, #tpu.memory_space<hbm>>
    %dma_start3A_63 = arith.constant 0 : i32
    %dma_start3A_64 = tpu.memref_slice %dma_start3A_62[%add3A_36, %dma_start3A_63] : memref<125x80xi32, #tpu.memory_space<hbm>> -> memref<1x80xi32, #tpu.memory_space<hbm>>
    %dma_start3A_65 = tpu.memref_squeeze %dma_start3A_64 : memref<1x80xi32, #tpu.memory_space<hbm>> -> memref<80xi32, #tpu.memory_space<hbm>>
    tpu.enqueue_dma source(%dma_start3A_65 : memref<80xi32, #tpu.memory_space<hbm>>) target(%dma_start3A_58 : memref<80xi32, #tpu.memory_space<vmem>>) target_semaphore(%arg12 : memref<!tpu.dma_semaphore, #tpu.memory_space<semaphore_mem>>)
    %dma_start3A_66 = arith.constant 0 : i32
    %dma_start3A_67 = tpu.memref_slice %arg9[%rem3A_46, %dma_start3A_66] : memref<4x80xi32, #tpu.memory_space<vmem>> -> memref<1x80xi32, #tpu.memory_space<vmem>>
    %dma_start3A_68 = tpu.memref_squeeze %dma_start3A_67 : memref<1x80xi32, #tpu.memory_space<vmem>> -> memref<80xi32, #tpu.memory_space<vmem>>
    %dma_start3A_69 = arith.constant 0 : i32
    %dma_start3A_70 = arith.constant 0 : i32
    %dma_start3A_71 = tpu.memref_slice %arg4[%select_n3A, %dma_start3A_69, %dma_start3A_70] : memref<8x125x80xi32, #tpu.memory_space<hbm>> -> memref<1x125x80xi32, #tpu.memory_space<hbm>>
    %dma_start3A_72 = tpu.memref_squeeze %dma_start3A_71 : memref<1x125x80xi32, #tpu.memory_space<hbm>> -> memref<125x80xi32, #tpu.memory_space<hbm>>
    %dma_start3A_73 = arith.constant 0 : i32
    %dma_start3A_74 = tpu.memref_slice %dma_start3A_72[%add3A_36, %dma_start3A_73] : memref<125x80xi32, #tpu.memory_space<hbm>> -> memref<1x80xi32, #tpu.memory_space<hbm>>
    %dma_start3A_75 = tpu.memref_squeeze %dma_start3A_74 : memref<1x80xi32, #tpu.memory_space<hbm>> -> memref<80xi32, #tpu.memory_space<hbm>>
    %dma_start3A_76 = arith.constant 0 : i32
    %dma_start3A_77 = tpu.memref_slice %arg9[%rem3A_46, %dma_start3A_76] : memref<4x80xi32, #tpu.memory_space<vmem>> -> memref<1x80xi32, #tpu.memory_space<vmem>>
    %dma_start3A_78 = tpu.memref_squeeze %dma_start3A_77 : memref<1x80xi32, #tpu.memory_space<vmem>> -> memref<80xi32, #tpu.memory_space<vmem>>
    %dma_start3A_79 = arith.constant 0 : i32
    %dma_start3A_80 = arith.constant 0 : i32
    %dma_start3A_81 = tpu.memref_slice %arg4[%select_n3A, %dma_start3A_79, %dma_start3A_80] : memref<8x125x80xi32, #tpu.memory_space<hbm>> -> memref<1x125x80xi32, #tpu.memory_space<hbm>>
    %dma_start3A_82 = tpu.memref_squeeze %dma_start3A_81 : memref<1x125x80xi32, #tpu.memory_space<hbm>> -> memref<125x80xi32, #tpu.memory_space<hbm>>
    %dma_start3A_83 = arith.constant 0 : i32
    %dma_start3A_84 = tpu.memref_slice %dma_start3A_82[%add3A_36, %dma_start3A_83] : memref<125x80xi32, #tpu.memory_space<hbm>> -> memref<1x80xi32, #tpu.memory_space<hbm>>
    %dma_start3A_85 = tpu.memref_squeeze %dma_start3A_84 : memref<1x80xi32, #tpu.memory_space<hbm>> -> memref<80xi32, #tpu.memory_space<hbm>>
    tpu.enqueue_dma source(%dma_start3A_85 : memref<80xi32, #tpu.memory_space<hbm>>) target(%dma_start3A_78 : memref<80xi32, #tpu.memory_space<vmem>>) target_semaphore(%arg12 : memref<!tpu.dma_semaphore, #tpu.memory_space<semaphore_mem>>)
    %barrier3A = arith.constant 0 : index
    tpu.barrier barrier_id(%barrier3A)
    %while3A = arith.constant 0 : i32
    %while3A_86 = arith.subi %sub3A_41, %add3A_36 : i32
    %while3A_87 = arith.addi %add3A_36, %while3A_86 : i32
    %while3A_88 = arith.constant 1 : i32
    %while3A_89 = arith.divsi %while3A_86, %while3A_88 : i32
    %while3A_90 = arith.muli %while3A_89, %while3A_88 : i32
    %while3A_91 = arith.addi %add3A_36, %while3A_90 : i32
    %while3A_92 = arith.constant 1 : i32
    scf.for %while3A_173 = %add3A_36 to %while3A_91 step %while3A_92  : i32 {
      %rem3A_174 = arith.constant 2 : i32
      %rem3A_175 = arith.remsi %while3A_173, %rem3A_174 : i32
      %add3A_176 = arith.constant 2 : i32
      %add3A_177 = arith.addi %add3A_36, %add3A_176 : i32
      %ge3A = arith.cmpi sge, %while3A_173, %add3A_177 : i32
      %convert_element_type3A_178 = arith.extui %ge3A : i1 to i32
      %cond3A_179 = arith.constant 0 : i32
      %cond3A_180 = arith.cmpi ne, %convert_element_type3A_178, %cond3A_179 : i32
      scf.if %cond3A_180 {
        %sub3A_318 = arith.constant 2 : i32
        %sub3A_319 = arith.subi %while3A_173, %sub3A_318 : i32
        %rem3A_320 = arith.constant 2 : i32
        %rem3A_321 = arith.remsi %sub3A_319, %rem3A_320 : i32
        %mul3A_322 = arith.constant 80 : i32
        %mul3A_323 = arith.muli %sub3A_319, %mul3A_322 : i32
        %add3A_324 = arith.addi %mul3A_32, %mul3A_323 : i32
        %dma_wait3A_325 = arith.constant 0 : i32
        %dma_wait3A_326 = arith.constant 0 : i32
        %dma_wait3A_327 = arith.constant 0 : i32
        %dma_wait3A_328 = tpu.memref_slice %arg10[%dma_wait3A_325, %dma_wait3A_326, %dma_wait3A_327] : memref<2x80x128xf32, #tpu.memory_space<vmem>> -> memref<1x80x128xf32, #tpu.memory_space<vmem>>
        %dma_wait3A_329 = tpu.memref_squeeze %dma_wait3A_328 : memref<1x80x128xf32, #tpu.memory_space<vmem>> -> memref<80x128xf32, #tpu.memory_space<vmem>>
        %dma_wait3A_330 = arith.constant 0 : i32
        %dma_wait3A_331 = tpu.memref_slice %arg5[%add3A_324, %dma_wait3A_330] : memref<80000x128xf32, #tpu.memory_space<hbm>> -> memref<80x128xf32, #tpu.memory_space<hbm>>
        %dma_wait3A_332 = tpu.memref_slice %arg15[%rem3A_321] : memref<2x!tpu.dma_semaphore, #tpu.memory_space<semaphore_mem>> -> memref<1x!tpu.dma_semaphore, #tpu.memory_space<semaphore_mem>>
        %dma_wait3A_333 = tpu.memref_squeeze %dma_wait3A_332 : memref<1x!tpu.dma_semaphore, #tpu.memory_space<semaphore_mem>> -> memref<!tpu.dma_semaphore, #tpu.memory_space<semaphore_mem>>
        %dma_wait3A_334 = arith.constant 0 : i32
        %dma_wait3A_335 = tpu.memref_slice %arg5[%add3A_324, %dma_wait3A_334] : memref<80000x128xf32, #tpu.memory_space<hbm>> -> memref<80x128xf32, #tpu.memory_space<hbm>>
        %dma_wait3A_336 = arith.constant 0 : i32
        %dma_wait3A_337 = arith.constant 0 : i32
        %dma_wait3A_338 = tpu.memref_slice %arg10[%dma_wait3A_325, %dma_wait3A_336, %dma_wait3A_337] : memref<2x80x128xf32, #tpu.memory_space<vmem>> -> memref<1x80x128xf32, #tpu.memory_space<vmem>>
        %dma_wait3A_339 = tpu.memref_squeeze %dma_wait3A_338 : memref<1x80x128xf32, #tpu.memory_space<vmem>> -> memref<80x128xf32, #tpu.memory_space<vmem>>
        tpu.wait_dma2 semaphore(%dma_wait3A_333 : memref<!tpu.dma_semaphore, #tpu.memory_space<semaphore_mem>>) src(%dma_wait3A_339 : memref<80x128xf32, #tpu.memory_space<vmem>>) dst(%dma_wait3A_335 : memref<80x128xf32, #tpu.memory_space<hbm>>)
        %mul3A_340 = arith.constant 80 : i32
        %mul3A_341 = arith.muli %sub3A_319, %mul3A_340 : i32
        %add3A_342 = arith.addi %mul3A_32, %mul3A_341 : i32
        %dma_wait3A_343 = arith.constant 0 : i32
        %dma_wait3A_344 = arith.constant 0 : i32
        %dma_wait3A_345 = arith.constant 0 : i32
        %dma_wait3A_346 = tpu.memref_slice %arg11[%dma_wait3A_343, %dma_wait3A_344, %dma_wait3A_345] : memref<2x80x128xf32, #tpu.memory_space<vmem>> -> memref<1x80x128xf32, #tpu.memory_space<vmem>>
        %dma_wait3A_347 = tpu.memref_squeeze %dma_wait3A_346 : memref<1x80x128xf32, #tpu.memory_space<vmem>> -> memref<80x128xf32, #tpu.memory_space<vmem>>
        %dma_wait3A_348 = arith.constant 0 : i32
        %dma_wait3A_349 = tpu.memref_slice %arg6[%add3A_342, %dma_wait3A_348] : memref<80000x128xf32, #tpu.memory_space<hbm>> -> memref<80x128xf32, #tpu.memory_space<hbm>>
        %dma_wait3A_350 = tpu.memref_slice %arg16[%rem3A_321] : memref<2x!tpu.dma_semaphore, #tpu.memory_space<semaphore_mem>> -> memref<1x!tpu.dma_semaphore, #tpu.memory_space<semaphore_mem>>
        %dma_wait3A_351 = tpu.memref_squeeze %dma_wait3A_350 : memref<1x!tpu.dma_semaphore, #tpu.memory_space<semaphore_mem>> -> memref<!tpu.dma_semaphore, #tpu.memory_space<semaphore_mem>>
        %dma_wait3A_352 = arith.constant 0 : i32
        %dma_wait3A_353 = tpu.memref_slice %arg6[%add3A_342, %dma_wait3A_352] : memref<80000x128xf32, #tpu.memory_space<hbm>> -> memref<80x128xf32, #tpu.memory_space<hbm>>
        %dma_wait3A_354 = arith.constant 0 : i32
        %dma_wait3A_355 = arith.constant 0 : i32
        %dma_wait3A_356 = tpu.memref_slice %arg11[%dma_wait3A_343, %dma_wait3A_354, %dma_wait3A_355] : memref<2x80x128xf32, #tpu.memory_space<vmem>> -> memref<1x80x128xf32, #tpu.memory_space<vmem>>
        %dma_wait3A_357 = tpu.memref_squeeze %dma_wait3A_356 : memref<1x80x128xf32, #tpu.memory_space<vmem>> -> memref<80x128xf32, #tpu.memory_space<vmem>>
        tpu.wait_dma2 semaphore(%dma_wait3A_351 : memref<!tpu.dma_semaphore, #tpu.memory_space<semaphore_mem>>) src(%dma_wait3A_357 : memref<80x128xf32, #tpu.memory_space<vmem>>) dst(%dma_wait3A_353 : memref<80x128xf32, #tpu.memory_space<hbm>>)
      } else {
      }
      %rem3A_181 = arith.constant 4 : i32
      %rem3A_182 = arith.remsi %while3A_173, %rem3A_181 : i32
      %dma_wait3A_183 = arith.constant 0 : i32
      %dma_wait3A_184 = arith.constant 0 : i32
      %dma_wait3A_185 = arith.constant 0 : i32
      %dma_wait3A_186 = tpu.memref_slice %arg8[%rem3A_182, %dma_wait3A_185] : memref<4x80xi32, #tpu.memory_space<vmem>> -> memref<1x80xi32, #tpu.memory_space<vmem>>
      %dma_wait3A_187 = tpu.memref_squeeze %dma_wait3A_186 : memref<1x80xi32, #tpu.memory_space<vmem>> -> memref<80xi32, #tpu.memory_space<vmem>>
      %dma_wait3A_188 = arith.constant 0 : i32
      %dma_wait3A_189 = arith.constant 0 : i32
      %dma_wait3A_190 = tpu.memref_slice %arg3[%dma_wait3A_183, %dma_wait3A_188, %dma_wait3A_189] : memref<8x125x80xi32, #tpu.memory_space<hbm>> -> memref<1x125x80xi32, #tpu.memory_space<hbm>>
      %dma_wait3A_191 = tpu.memref_squeeze %dma_wait3A_190 : memref<1x125x80xi32, #tpu.memory_space<hbm>> -> memref<125x80xi32, #tpu.memory_space<hbm>>
      %dma_wait3A_192 = arith.constant 0 : i32
      %dma_wait3A_193 = tpu.memref_slice %dma_wait3A_191[%dma_wait3A_184, %dma_wait3A_192] : memref<125x80xi32, #tpu.memory_space<hbm>> -> memref<1x80xi32, #tpu.memory_space<hbm>>
      %dma_wait3A_194 = tpu.memref_squeeze %dma_wait3A_193 : memref<1x80xi32, #tpu.memory_space<hbm>> -> memref<80xi32, #tpu.memory_space<hbm>>
      %dma_wait3A_195 = arith.constant 0 : i32
      %dma_wait3A_196 = tpu.memref_slice %arg8[%rem3A_182, %dma_wait3A_195] : memref<4x80xi32, #tpu.memory_space<vmem>> -> memref<1x80xi32, #tpu.memory_space<vmem>>
      %dma_wait3A_197 = tpu.memref_squeeze %dma_wait3A_196 : memref<1x80xi32, #tpu.memory_space<vmem>> -> memref<80xi32, #tpu.memory_space<vmem>>
      %dma_wait3A_198 = arith.constant 0 : i32
      %dma_wait3A_199 = arith.constant 0 : i32
      %dma_wait3A_200 = tpu.memref_slice %arg3[%dma_wait3A_183, %dma_wait3A_198, %dma_wait3A_199] : memref<8x125x80xi32, #tpu.memory_space<hbm>> -> memref<1x125x80xi32, #tpu.memory_space<hbm>>
      %dma_wait3A_201 = tpu.memref_squeeze %dma_wait3A_200 : memref<1x125x80xi32, #tpu.memory_space<hbm>> -> memref<125x80xi32, #tpu.memory_space<hbm>>
      %dma_wait3A_202 = arith.constant 0 : i32
      %dma_wait3A_203 = tpu.memref_slice %dma_wait3A_201[%dma_wait3A_184, %dma_wait3A_202] : memref<125x80xi32, #tpu.memory_space<hbm>> -> memref<1x80xi32, #tpu.memory_space<hbm>>
      %dma_wait3A_204 = tpu.memref_squeeze %dma_wait3A_203 : memref<1x80xi32, #tpu.memory_space<hbm>> -> memref<80xi32, #tpu.memory_space<hbm>>
      tpu.wait_dma2 semaphore(%arg12 : memref<!tpu.dma_semaphore, #tpu.memory_space<semaphore_mem>>) src(%dma_wait3A_204 : memref<80xi32, #tpu.memory_space<hbm>>) dst(%dma_wait3A_197 : memref<80xi32, #tpu.memory_space<vmem>>)
      %dma_wait3A_205 = arith.constant 0 : i32
      %dma_wait3A_206 = arith.constant 0 : i32
      %dma_wait3A_207 = arith.constant 0 : i32
      %dma_wait3A_208 = tpu.memref_slice %arg9[%rem3A_182, %dma_wait3A_207] : memref<4x80xi32, #tpu.memory_space<vmem>> -> memref<1x80xi32, #tpu.memory_space<vmem>>
      %dma_wait3A_209 = tpu.memref_squeeze %dma_wait3A_208 : memref<1x80xi32, #tpu.memory_space<vmem>> -> memref<80xi32, #tpu.memory_space<vmem>>
      %dma_wait3A_210 = arith.constant 0 : i32
      %dma_wait3A_211 = arith.constant 0 : i32
      %dma_wait3A_212 = tpu.memref_slice %arg3[%dma_wait3A_205, %dma_wait3A_210, %dma_wait3A_211] : memref<8x125x80xi32, #tpu.memory_space<hbm>> -> memref<1x125x80xi32, #tpu.memory_space<hbm>>
      %dma_wait3A_213 = tpu.memref_squeeze %dma_wait3A_212 : memref<1x125x80xi32, #tpu.memory_space<hbm>> -> memref<125x80xi32, #tpu.memory_space<hbm>>
      %dma_wait3A_214 = arith.constant 0 : i32
      %dma_wait3A_215 = tpu.memref_slice %dma_wait3A_213[%dma_wait3A_206, %dma_wait3A_214] : memref<125x80xi32, #tpu.memory_space<hbm>> -> memref<1x80xi32, #tpu.memory_space<hbm>>
      %dma_wait3A_216 = tpu.memref_squeeze %dma_wait3A_215 : memref<1x80xi32, #tpu.memory_space<hbm>> -> memref<80xi32, #tpu.memory_space<hbm>>
      %dma_wait3A_217 = arith.constant 0 : i32
      %dma_wait3A_218 = tpu.memref_slice %arg9[%rem3A_182, %dma_wait3A_217] : memref<4x80xi32, #tpu.memory_space<vmem>> -> memref<1x80xi32, #tpu.memory_space<vmem>>
      %dma_wait3A_219 = tpu.memref_squeeze %dma_wait3A_218 : memref<1x80xi32, #tpu.memory_space<vmem>> -> memref<80xi32, #tpu.memory_space<vmem>>
      %dma_wait3A_220 = arith.constant 0 : i32
      %dma_wait3A_221 = arith.constant 0 : i32
      %dma_wait3A_222 = tpu.memref_slice %arg3[%dma_wait3A_205, %dma_wait3A_220, %dma_wait3A_221] : memref<8x125x80xi32, #tpu.memory_space<hbm>> -> memref<1x125x80xi32, #tpu.memory_space<hbm>>
      %dma_wait3A_223 = tpu.memref_squeeze %dma_wait3A_222 : memref<1x125x80xi32, #tpu.memory_space<hbm>> -> memref<125x80xi32, #tpu.memory_space<hbm>>
      %dma_wait3A_224 = arith.constant 0 : i32
      %dma_wait3A_225 = tpu.memref_slice %dma_wait3A_223[%dma_wait3A_206, %dma_wait3A_224] : memref<125x80xi32, #tpu.memory_space<hbm>> -> memref<1x80xi32, #tpu.memory_space<hbm>>
      %dma_wait3A_226 = tpu.memref_squeeze %dma_wait3A_225 : memref<1x80xi32, #tpu.memory_space<hbm>> -> memref<80xi32, #tpu.memory_space<hbm>>
      tpu.wait_dma2 semaphore(%arg12 : memref<!tpu.dma_semaphore, #tpu.memory_space<semaphore_mem>>) src(%dma_wait3A_226 : memref<80xi32, #tpu.memory_space<hbm>>) dst(%dma_wait3A_219 : memref<80xi32, #tpu.memory_space<vmem>>)
      %add3A_227 = arith.constant 1 : i32
      %add3A_228 = arith.addi %while3A_173, %add3A_227 : i32
      %lt3A_229 = arith.cmpi slt, %add3A_228, %sub3A_41 : i32
      %convert_element_type3A_230 = arith.extui %lt3A_229 : i1 to i32
      %cond3A_231 = arith.constant 0 : i32
      %cond3A_232 = arith.cmpi ne, %convert_element_type3A_230, %cond3A_231 : i32
      scf.if %cond3A_232 {
        %add3A_318 = arith.constant 1 : i32
        %add3A_319 = arith.addi %while3A_173, %add3A_318 : i32
        %rem3A_320 = arith.constant 4 : i32
        %rem3A_321 = arith.remsi %add3A_319, %rem3A_320 : i32
        %dma_start3A_322 = arith.constant 0 : i32
        %dma_start3A_323 = tpu.memref_slice %arg8[%rem3A_321, %dma_start3A_322] : memref<4x80xi32, #tpu.memory_space<vmem>> -> memref<1x80xi32, #tpu.memory_space<vmem>>
        %dma_start3A_324 = tpu.memref_squeeze %dma_start3A_323 : memref<1x80xi32, #tpu.memory_space<vmem>> -> memref<80xi32, #tpu.memory_space<vmem>>
        %dma_start3A_325 = arith.constant 0 : i32
        %dma_start3A_326 = arith.constant 0 : i32
        %dma_start3A_327 = tpu.memref_slice %arg3[%select_n3A, %dma_start3A_325, %dma_start3A_326] : memref<8x125x80xi32, #tpu.memory_space<hbm>> -> memref<1x125x80xi32, #tpu.memory_space<hbm>>
        %dma_start3A_328 = tpu.memref_squeeze %dma_start3A_327 : memref<1x125x80xi32, #tpu.memory_space<hbm>> -> memref<125x80xi32, #tpu.memory_space<hbm>>
        %dma_start3A_329 = arith.constant 0 : i32
        %dma_start3A_330 = tpu.memref_slice %dma_start3A_328[%add3A_319, %dma_start3A_329] : memref<125x80xi32, #tpu.memory_space<hbm>> -> memref<1x80xi32, #tpu.memory_space<hbm>>
        %dma_start3A_331 = tpu.memref_squeeze %dma_start3A_330 : memref<1x80xi32, #tpu.memory_space<hbm>> -> memref<80xi32, #tpu.memory_space<hbm>>
        %dma_start3A_332 = arith.constant 0 : i32
        %dma_start3A_333 = tpu.memref_slice %arg8[%rem3A_321, %dma_start3A_332] : memref<4x80xi32, #tpu.memory_space<vmem>> -> memref<1x80xi32, #tpu.memory_space<vmem>>
        %dma_start3A_334 = tpu.memref_squeeze %dma_start3A_333 : memref<1x80xi32, #tpu.memory_space<vmem>> -> memref<80xi32, #tpu.memory_space<vmem>>
        %dma_start3A_335 = arith.constant 0 : i32
        %dma_start3A_336 = arith.constant 0 : i32
        %dma_start3A_337 = tpu.memref_slice %arg3[%select_n3A, %dma_start3A_335, %dma_start3A_336] : memref<8x125x80xi32, #tpu.memory_space<hbm>> -> memref<1x125x80xi32, #tpu.memory_space<hbm>>
        %dma_start3A_338 = tpu.memref_squeeze %dma_start3A_337 : memref<1x125x80xi32, #tpu.memory_space<hbm>> -> memref<125x80xi32, #tpu.memory_space<hbm>>
        %dma_start3A_339 = arith.constant 0 : i32
        %dma_start3A_340 = tpu.memref_slice %dma_start3A_338[%add3A_319, %dma_start3A_339] : memref<125x80xi32, #tpu.memory_space<hbm>> -> memref<1x80xi32, #tpu.memory_space<hbm>>
        %dma_start3A_341 = tpu.memref_squeeze %dma_start3A_340 : memref<1x80xi32, #tpu.memory_space<hbm>> -> memref<80xi32, #tpu.memory_space<hbm>>
        tpu.enqueue_dma source(%dma_start3A_341 : memref<80xi32, #tpu.memory_space<hbm>>) target(%dma_start3A_334 : memref<80xi32, #tpu.memory_space<vmem>>) target_semaphore(%arg12 : memref<!tpu.dma_semaphore, #tpu.memory_space<semaphore_mem>>)
        %dma_start3A_342 = arith.constant 0 : i32
        %dma_start3A_343 = tpu.memref_slice %arg9[%rem3A_321, %dma_start3A_342] : memref<4x80xi32, #tpu.memory_space<vmem>> -> memref<1x80xi32, #tpu.memory_space<vmem>>
        %dma_start3A_344 = tpu.memref_squeeze %dma_start3A_343 : memref<1x80xi32, #tpu.memory_space<vmem>> -> memref<80xi32, #tpu.memory_space<vmem>>
        %dma_start3A_345 = arith.constant 0 : i32
        %dma_start3A_346 = arith.constant 0 : i32
        %dma_start3A_347 = tpu.memref_slice %arg4[%select_n3A, %dma_start3A_345, %dma_start3A_346] : memref<8x125x80xi32, #tpu.memory_space<hbm>> -> memref<1x125x80xi32, #tpu.memory_space<hbm>>
        %dma_start3A_348 = tpu.memref_squeeze %dma_start3A_347 : memref<1x125x80xi32, #tpu.memory_space<hbm>> -> memref<125x80xi32, #tpu.memory_space<hbm>>
        %dma_start3A_349 = arith.constant 0 : i32
        %dma_start3A_350 = tpu.memref_slice %dma_start3A_348[%add3A_319, %dma_start3A_349] : memref<125x80xi32, #tpu.memory_space<hbm>> -> memref<1x80xi32, #tpu.memory_space<hbm>>
        %dma_start3A_351 = tpu.memref_squeeze %dma_start3A_350 : memref<1x80xi32, #tpu.memory_space<hbm>> -> memref<80xi32, #tpu.memory_space<hbm>>
        %dma_start3A_352 = arith.constant 0 : i32
        %dma_start3A_353 = tpu.memref_slice %arg9[%rem3A_321, %dma_start3A_352] : memref<4x80xi32, #tpu.memory_space<vmem>> -> memref<1x80xi32, #tpu.memory_space<vmem>>
        %dma_start3A_354 = tpu.memref_squeeze %dma_start3A_353 : memref<1x80xi32, #tpu.memory_space<vmem>> -> memref<80xi32, #tpu.memory_space<vmem>>
        %dma_start3A_355 = arith.constant 0 : i32
        %dma_start3A_356 = arith.constant 0 : i32
        %dma_start3A_357 = tpu.memref_slice %arg4[%select_n3A, %dma_start3A_355, %dma_start3A_356] : memref<8x125x80xi32, #tpu.memory_space<hbm>> -> memref<1x125x80xi32, #tpu.memory_space<hbm>>
        %dma_start3A_358 = tpu.memref_squeeze %dma_start3A_357 : memref<1x125x80xi32, #tpu.memory_space<hbm>> -> memref<125x80xi32, #tpu.memory_space<hbm>>
        %dma_start3A_359 = arith.constant 0 : i32
        %dma_start3A_360 = tpu.memref_slice %dma_start3A_358[%add3A_319, %dma_start3A_359] : memref<125x80xi32, #tpu.memory_space<hbm>> -> memref<1x80xi32, #tpu.memory_space<hbm>>
        %dma_start3A_361 = tpu.memref_squeeze %dma_start3A_360 : memref<1x80xi32, #tpu.memory_space<hbm>> -> memref<80xi32, #tpu.memory_space<hbm>>
        tpu.enqueue_dma source(%dma_start3A_361 : memref<80xi32, #tpu.memory_space<hbm>>) target(%dma_start3A_354 : memref<80xi32, #tpu.memory_space<vmem>>) target_semaphore(%arg12 : memref<!tpu.dma_semaphore, #tpu.memory_space<semaphore_mem>>)
      } else {
      }
      %rem3A_233 = arith.constant 4 : i32
      %rem3A_234 = arith.remsi %while3A_173, %rem3A_233 : i32
      %dma_start3A_235 = arith.constant 0 : i32
      %dma_start3A_236 = arith.constant 0 : i32
      %dma_start3A_237 = tpu.memref_slice %arg10[%rem3A_175, %dma_start3A_235, %dma_start3A_236] : memref<2x80x128xf32, #tpu.memory_space<vmem>> -> memref<1x80x128xf32, #tpu.memory_space<vmem>>
      %dma_start3A_238 = tpu.memref_squeeze %dma_start3A_237 : memref<1x80x128xf32, #tpu.memory_space<vmem>> -> memref<80x128xf32, #tpu.memory_space<vmem>>
      %dma_start3A_239 = arith.constant 0 : i32
      %dma_start3A_240 = tpu.memref_slice %arg8[%rem3A_234, %dma_start3A_239] : memref<4x80xi32, #tpu.memory_space<vmem>> -> memref<1x80xi32, #tpu.memory_space<vmem>>
      %dma_start3A_241 = tpu.memref_squeeze %dma_start3A_240 : memref<1x80xi32, #tpu.memory_space<vmem>> -> memref<80xi32, #tpu.memory_space<vmem>>
      %dma_start3A_242 = arith.constant 0 : i32
      %dma_start3A_243 = arith.constant 0 : i32
      %dma_start3A_244 = tpu.memref_slice %arg7[%dma_start3A_242, %dma_start3A_243] : memref<10000x128xf32, #tpu.memory_space<vmem_shared>> -> memref<10000x128xf32, #tpu.memory_space<vmem_shared>>
      tpu.enqueue_indirect_dma source(%dma_start3A_244 : memref<10000x128xf32, #tpu.memory_space<vmem_shared>>) target(%dma_start3A_238 : memref<80x128xf32, #tpu.memory_space<vmem>>) offsets(%dma_start3A_241 : memref<80xi32, #tpu.memory_space<vmem>>) semaphore(%arg13 : memref<!tpu.dma_semaphore, #tpu.memory_space<semaphore_mem>>)
      %mul3A_245 = arith.constant 80 : i32
      %mul3A_246 = arith.muli %while3A_173, %mul3A_245 : i32
      %dma_start3A_247 = arith.constant 0 : i32
      %dma_start3A_248 = arith.constant 0 : i32
      %dma_start3A_249 = tpu.memref_slice %arg11[%rem3A_175, %dma_start3A_247, %dma_start3A_248] : memref<2x80x128xf32, #tpu.memory_space<vmem>> -> memref<1x80x128xf32, #tpu.memory_space<vmem>>
      %dma_start3A_250 = tpu.memref_squeeze %dma_start3A_249 : memref<1x80x128xf32, #tpu.memory_space<vmem>> -> memref<80x128xf32, #tpu.memory_space<vmem>>
      %dma_start3A_251 = arith.constant 0 : i32
      %dma_start3A_252 = tpu.memref_slice %arg7[%mul3A_246, %dma_start3A_251] : memref<10000x128xf32, #tpu.memory_space<vmem_shared>> -> memref<80x128xf32, #tpu.memory_space<vmem_shared>>
      %dma_start3A_253 = arith.constant 0 : i32
      %dma_start3A_254 = arith.constant 0 : i32
      %dma_start3A_255 = tpu.memref_slice %arg11[%rem3A_175, %dma_start3A_253, %dma_start3A_254] : memref<2x80x128xf32, #tpu.memory_space<vmem>> -> memref<1x80x128xf32, #tpu.memory_space<vmem>>
      %dma_start3A_256 = tpu.memref_squeeze %dma_start3A_255 : memref<1x80x128xf32, #tpu.memory_space<vmem>> -> memref<80x128xf32, #tpu.memory_space<vmem>>
      %dma_start3A_257 = arith.constant 0 : i32
      %dma_start3A_258 = tpu.memref_slice %arg7[%mul3A_246, %dma_start3A_257] : memref<10000x128xf32, #tpu.memory_space<vmem_shared>> -> memref<80x128xf32, #tpu.memory_space<vmem_shared>>
      tpu.enqueue_dma source(%dma_start3A_258 : memref<80x128xf32, #tpu.memory_space<vmem_shared>>) target(%dma_start3A_256 : memref<80x128xf32, #tpu.memory_space<vmem>>) target_semaphore(%arg14 : memref<!tpu.dma_semaphore, #tpu.memory_space<semaphore_mem>>)
      %dma_wait3A_259 = arith.constant 0 : i32
      %dma_wait3A_260 = arith.constant 0 : i32
      %dma_wait3A_261 = tpu.memref_slice %arg10[%rem3A_175, %dma_wait3A_259, %dma_wait3A_260] : memref<2x80x128xf32, #tpu.memory_space<vmem>> -> memref<1x80x128xf32, #tpu.memory_space<vmem>>
      %dma_wait3A_262 = tpu.memref_squeeze %dma_wait3A_261 : memref<1x80x128xf32, #tpu.memory_space<vmem>> -> memref<80x128xf32, #tpu.memory_space<vmem>>
      %dma_wait3A_263 = arith.constant 0 : i32
      %dma_wait3A_264 = arith.constant 0 : i32
      %dma_wait3A_265 = tpu.memref_slice %arg2[%dma_wait3A_263, %dma_wait3A_264] : memref<10000x128xf32, #tpu.memory_space<hbm>> -> memref<80x128xf32, #tpu.memory_space<hbm>>
      %dma_wait3A_266 = arith.constant 0 : i32
      %dma_wait3A_267 = arith.constant 0 : i32
      %dma_wait3A_268 = tpu.memref_slice %arg10[%rem3A_175, %dma_wait3A_266, %dma_wait3A_267] : memref<2x80x128xf32, #tpu.memory_space<vmem>> -> memref<1x80x128xf32, #tpu.memory_space<vmem>>
      %dma_wait3A_269 = tpu.memref_squeeze %dma_wait3A_268 : memref<1x80x128xf32, #tpu.memory_space<vmem>> -> memref<80x128xf32, #tpu.memory_space<vmem>>
      %dma_wait3A_270 = arith.constant 0 : i32
      %dma_wait3A_271 = arith.constant 0 : i32
      %dma_wait3A_272 = tpu.memref_slice %arg2[%dma_wait3A_270, %dma_wait3A_271] : memref<10000x128xf32, #tpu.memory_space<hbm>> -> memref<80x128xf32, #tpu.memory_space<hbm>>
      tpu.wait_dma2 semaphore(%arg13 : memref<!tpu.dma_semaphore, #tpu.memory_space<semaphore_mem>>) src(%dma_wait3A_272 : memref<80x128xf32, #tpu.memory_space<hbm>>) dst(%dma_wait3A_269 : memref<80x128xf32, #tpu.memory_space<vmem>>)
      %dma_wait3A_273 = arith.constant 0 : i32
      %dma_wait3A_274 = arith.constant 0 : i32
      %dma_wait3A_275 = tpu.memref_slice %arg11[%rem3A_175, %dma_wait3A_273, %dma_wait3A_274] : memref<2x80x128xf32, #tpu.memory_space<vmem>> -> memref<1x80x128xf32, #tpu.memory_space<vmem>>
      %dma_wait3A_276 = tpu.memref_squeeze %dma_wait3A_275 : memref<1x80x128xf32, #tpu.memory_space<vmem>> -> memref<80x128xf32, #tpu.memory_space<vmem>>
      %dma_wait3A_277 = arith.constant 0 : i32
      %dma_wait3A_278 = arith.constant 0 : i32
      %dma_wait3A_279 = tpu.memref_slice %arg2[%dma_wait3A_277, %dma_wait3A_278] : memref<10000x128xf32, #tpu.memory_space<hbm>> -> memref<80x128xf32, #tpu.memory_space<hbm>>
      %dma_wait3A_280 = arith.constant 0 : i32
      %dma_wait3A_281 = arith.constant 0 : i32
      %dma_wait3A_282 = tpu.memref_slice %arg11[%rem3A_175, %dma_wait3A_280, %dma_wait3A_281] : memref<2x80x128xf32, #tpu.memory_space<vmem>> -> memref<1x80x128xf32, #tpu.memory_space<vmem>>
      %dma_wait3A_283 = tpu.memref_squeeze %dma_wait3A_282 : memref<1x80x128xf32, #tpu.memory_space<vmem>> -> memref<80x128xf32, #tpu.memory_space<vmem>>
      %dma_wait3A_284 = arith.constant 0 : i32
      %dma_wait3A_285 = arith.constant 0 : i32
      %dma_wait3A_286 = tpu.memref_slice %arg2[%dma_wait3A_284, %dma_wait3A_285] : memref<10000x128xf32, #tpu.memory_space<hbm>> -> memref<80x128xf32, #tpu.memory_space<hbm>>
      tpu.wait_dma2 semaphore(%arg14 : memref<!tpu.dma_semaphore, #tpu.memory_space<semaphore_mem>>) src(%dma_wait3A_286 : memref<80x128xf32, #tpu.memory_space<hbm>>) dst(%dma_wait3A_283 : memref<80x128xf32, #tpu.memory_space<vmem>>)
      %mul3A_287 = arith.constant 80 : i32
      %mul3A_288 = arith.muli %while3A_173, %mul3A_287 : i32
      %add3A_289 = arith.addi %mul3A_32, %mul3A_288 : i32
      %dma_start3A_290 = arith.constant 0 : i32
      %dma_start3A_291 = arith.constant 0 : i32
      %dma_start3A_292 = tpu.memref_slice %arg10[%rem3A_175, %dma_start3A_290, %dma_start3A_291] : memref<2x80x128xf32, #tpu.memory_space<vmem>> -> memref<1x80x128xf32, #tpu.memory_space<vmem>>
      %dma_start3A_293 = tpu.memref_squeeze %dma_start3A_292 : memref<1x80x128xf32, #tpu.memory_space<vmem>> -> memref<80x128xf32, #tpu.memory_space<vmem>>
      %dma_start3A_294 = arith.constant 0 : i32
      %dma_start3A_295 = tpu.memref_slice %arg5[%add3A_289, %dma_start3A_294] : memref<80000x128xf32, #tpu.memory_space<hbm>> -> memref<80x128xf32, #tpu.memory_space<hbm>>
      %dma_start3A_296 = tpu.memref_slice %arg15[%rem3A_175] : memref<2x!tpu.dma_semaphore, #tpu.memory_space<semaphore_mem>> -> memref<1x!tpu.dma_semaphore, #tpu.memory_space<semaphore_mem>>
      %dma_start3A_297 = tpu.memref_squeeze %dma_start3A_296 : memref<1x!tpu.dma_semaphore, #tpu.memory_space<semaphore_mem>> -> memref<!tpu.dma_semaphore, #tpu.memory_space<semaphore_mem>>
      %dma_start3A_298 = arith.constant 0 : i32
      %dma_start3A_299 = tpu.memref_slice %arg5[%add3A_289, %dma_start3A_298] : memref<80000x128xf32, #tpu.memory_space<hbm>> -> memref<80x128xf32, #tpu.memory_space<hbm>>
      %dma_start3A_300 = arith.constant 0 : i32
      %dma_start3A_301 = arith.constant 0 : i32
      %dma_start3A_302 = tpu.memref_slice %arg10[%rem3A_175, %dma_start3A_300, %dma_start3A_301] : memref<2x80x128xf32, #tpu.memory_space<vmem>> -> memref<1x80x128xf32, #tpu.memory_space<vmem>>
      %dma_start3A_303 = tpu.memref_squeeze %dma_start3A_302 : memref<1x80x128xf32, #tpu.memory_space<vmem>> -> memref<80x128xf32, #tpu.memory_space<vmem>>
      tpu.enqueue_dma source(%dma_start3A_303 : memref<80x128xf32, #tpu.memory_space<vmem>>) target(%dma_start3A_299 : memref<80x128xf32, #tpu.memory_space<hbm>>) target_semaphore(%dma_start3A_297 : memref<!tpu.dma_semaphore, #tpu.memory_space<semaphore_mem>>)
      %rem3A_304 = arith.constant 4 : i32
      %rem3A_305 = arith.remsi %while3A_173, %rem3A_304 : i32
      %dma_start3A_306 = arith.constant 0 : i32
      %dma_start3A_307 = arith.constant 0 : i32
      %dma_start3A_308 = tpu.memref_slice %arg11[%rem3A_175, %dma_start3A_306, %dma_start3A_307] : memref<2x80x128xf32, #tpu.memory_space<vmem>> -> memref<1x80x128xf32, #tpu.memory_space<vmem>>
      %dma_start3A_309 = tpu.memref_squeeze %dma_start3A_308 : memref<1x80x128xf32, #tpu.memory_space<vmem>> -> memref<80x128xf32, #tpu.memory_space<vmem>>
      %dma_start3A_310 = arith.constant 0 : i32
      %dma_start3A_311 = tpu.memref_slice %arg9[%rem3A_305, %dma_start3A_310] : memref<4x80xi32, #tpu.memory_space<vmem>> -> memref<1x80xi32, #tpu.memory_space<vmem>>
      %dma_start3A_312 = tpu.memref_squeeze %dma_start3A_311 : memref<1x80xi32, #tpu.memory_space<vmem>> -> memref<80xi32, #tpu.memory_space<vmem>>
      %dma_start3A_313 = arith.constant 0 : i32
      %dma_start3A_314 = arith.constant 0 : i32
      %dma_start3A_315 = tpu.memref_slice %arg6[%dma_start3A_313, %dma_start3A_314] : memref<80000x128xf32, #tpu.memory_space<hbm>> -> memref<80000x128xf32, #tpu.memory_space<hbm>>
      %dma_start3A_316 = tpu.memref_slice %arg16[%rem3A_175] : memref<2x!tpu.dma_semaphore, #tpu.memory_space<semaphore_mem>> -> memref<1x!tpu.dma_semaphore, #tpu.memory_space<semaphore_mem>>
      %dma_start3A_317 = tpu.memref_squeeze %dma_start3A_316 : memref<1x!tpu.dma_semaphore, #tpu.memory_space<semaphore_mem>> -> memref<!tpu.dma_semaphore, #tpu.memory_space<semaphore_mem>>
      tpu.enqueue_indirect_dma source(%dma_start3A_309 : memref<80x128xf32, #tpu.memory_space<vmem>>) target(%dma_start3A_315 : memref<80000x128xf32, #tpu.memory_space<hbm>>) offsets(%dma_start3A_312 : memref<80xi32, #tpu.memory_space<vmem>>) semaphore(%dma_start3A_317 : memref<!tpu.dma_semaphore, #tpu.memory_space<semaphore_mem>>)
    }
    %while3A_93 = arith.constant 1 : i32
    scf.for %while3A_173 = %while3A_91 to %while3A_87 step %while3A_93  : i32 {
      %rem3A_174 = arith.constant 2 : i32
      %rem3A_175 = arith.remsi %while3A_173, %rem3A_174 : i32
      %add3A_176 = arith.constant 2 : i32
      %add3A_177 = arith.addi %add3A_36, %add3A_176 : i32
      %ge3A = arith.cmpi sge, %while3A_173, %add3A_177 : i32
      %convert_element_type3A_178 = arith.extui %ge3A : i1 to i32
      %cond3A_179 = arith.constant 0 : i32
      %cond3A_180 = arith.cmpi ne, %convert_element_type3A_178, %cond3A_179 : i32
      scf.if %cond3A_180 {
        %sub3A_318 = arith.constant 2 : i32
        %sub3A_319 = arith.subi %while3A_173, %sub3A_318 : i32
        %rem3A_320 = arith.constant 2 : i32
        %rem3A_321 = arith.remsi %sub3A_319, %rem3A_320 : i32
        %mul3A_322 = arith.constant 80 : i32
        %mul3A_323 = arith.muli %sub3A_319, %mul3A_322 : i32
        %add3A_324 = arith.addi %mul3A_32, %mul3A_323 : i32
        %dma_wait3A_325 = arith.constant 0 : i32
        %dma_wait3A_326 = arith.constant 0 : i32
        %dma_wait3A_327 = arith.constant 0 : i32
        %dma_wait3A_328 = tpu.memref_slice %arg10[%dma_wait3A_325, %dma_wait3A_326, %dma_wait3A_327] : memref<2x80x128xf32, #tpu.memory_space<vmem>> -> memref<1x80x128xf32, #tpu.memory_space<vmem>>
        %dma_wait3A_329 = tpu.memref_squeeze %dma_wait3A_328 : memref<1x80x128xf32, #tpu.memory_space<vmem>> -> memref<80x128xf32, #tpu.memory_space<vmem>>
        %dma_wait3A_330 = arith.constant 0 : i32
        %dma_wait3A_331 = tpu.memref_slice %arg5[%add3A_324, %dma_wait3A_330] : memref<80000x128xf32, #tpu.memory_space<hbm>> -> memref<80x128xf32, #tpu.memory_space<hbm>>
        %dma_wait3A_332 = tpu.memref_slice %arg15[%rem3A_321] : memref<2x!tpu.dma_semaphore, #tpu.memory_space<semaphore_mem>> -> memref<1x!tpu.dma_semaphore, #tpu.memory_space<semaphore_mem>>
        %dma_wait3A_333 = tpu.memref_squeeze %dma_wait3A_332 : memref<1x!tpu.dma_semaphore, #tpu.memory_space<semaphore_mem>> -> memref<!tpu.dma_semaphore, #tpu.memory_space<semaphore_mem>>
        %dma_wait3A_334 = arith.constant 0 : i32
        %dma_wait3A_335 = tpu.memref_slice %arg5[%add3A_324, %dma_wait3A_334] : memref<80000x128xf32, #tpu.memory_space<hbm>> -> memref<80x128xf32, #tpu.memory_space<hbm>>
        %dma_wait3A_336 = arith.constant 0 : i32
        %dma_wait3A_337 = arith.constant 0 : i32
        %dma_wait3A_338 = tpu.memref_slice %arg10[%dma_wait3A_325, %dma_wait3A_336, %dma_wait3A_337] : memref<2x80x128xf32, #tpu.memory_space<vmem>> -> memref<1x80x128xf32, #tpu.memory_space<vmem>>
        %dma_wait3A_339 = tpu.memref_squeeze %dma_wait3A_338 : memref<1x80x128xf32, #tpu.memory_space<vmem>> -> memref<80x128xf32, #tpu.memory_space<vmem>>
        tpu.wait_dma2 semaphore(%dma_wait3A_333 : memref<!tpu.dma_semaphore, #tpu.memory_space<semaphore_mem>>) src(%dma_wait3A_339 : memref<80x128xf32, #tpu.memory_space<vmem>>) dst(%dma_wait3A_335 : memref<80x128xf32, #tpu.memory_space<hbm>>)
        %mul3A_340 = arith.constant 80 : i32
        %mul3A_341 = arith.muli %sub3A_319, %mul3A_340 : i32
        %add3A_342 = arith.addi %mul3A_32, %mul3A_341 : i32
        %dma_wait3A_343 = arith.constant 0 : i32
        %dma_wait3A_344 = arith.constant 0 : i32
        %dma_wait3A_345 = arith.constant 0 : i32
        %dma_wait3A_346 = tpu.memref_slice %arg11[%dma_wait3A_343, %dma_wait3A_344, %dma_wait3A_345] : memref<2x80x128xf32, #tpu.memory_space<vmem>> -> memref<1x80x128xf32, #tpu.memory_space<vmem>>
        %dma_wait3A_347 = tpu.memref_squeeze %dma_wait3A_346 : memref<1x80x128xf32, #tpu.memory_space<vmem>> -> memref<80x128xf32, #tpu.memory_space<vmem>>
        %dma_wait3A_348 = arith.constant 0 : i32
        %dma_wait3A_349 = tpu.memref_slice %arg6[%add3A_342, %dma_wait3A_348] : memref<80000x128xf32, #tpu.memory_space<hbm>> -> memref<80x128xf32, #tpu.memory_space<hbm>>
        %dma_wait3A_350 = tpu.memref_slice %arg16[%rem3A_321] : memref<2x!tpu.dma_semaphore, #tpu.memory_space<semaphore_mem>> -> memref<1x!tpu.dma_semaphore, #tpu.memory_space<semaphore_mem>>
        %dma_wait3A_351 = tpu.memref_squeeze %dma_wait3A_350 : memref<1x!tpu.dma_semaphore, #tpu.memory_space<semaphore_mem>> -> memref<!tpu.dma_semaphore, #tpu.memory_space<semaphore_mem>>
        %dma_wait3A_352 = arith.constant 0 : i32
        %dma_wait3A_353 = tpu.memref_slice %arg6[%add3A_342, %dma_wait3A_352] : memref<80000x128xf32, #tpu.memory_space<hbm>> -> memref<80x128xf32, #tpu.memory_space<hbm>>
        %dma_wait3A_354 = arith.constant 0 : i32
        %dma_wait3A_355 = arith.constant 0 : i32
        %dma_wait3A_356 = tpu.memref_slice %arg11[%dma_wait3A_343, %dma_wait3A_354, %dma_wait3A_355] : memref<2x80x128xf32, #tpu.memory_space<vmem>> -> memref<1x80x128xf32, #tpu.memory_space<vmem>>
        %dma_wait3A_357 = tpu.memref_squeeze %dma_wait3A_356 : memref<1x80x128xf32, #tpu.memory_space<vmem>> -> memref<80x128xf32, #tpu.memory_space<vmem>>
        tpu.wait_dma2 semaphore(%dma_wait3A_351 : memref<!tpu.dma_semaphore, #tpu.memory_space<semaphore_mem>>) src(%dma_wait3A_357 : memref<80x128xf32, #tpu.memory_space<vmem>>) dst(%dma_wait3A_353 : memref<80x128xf32, #tpu.memory_space<hbm>>)
      } else {
      }
      %rem3A_181 = arith.constant 4 : i32
      %rem3A_182 = arith.remsi %while3A_173, %rem3A_181 : i32
      %dma_wait3A_183 = arith.constant 0 : i32
      %dma_wait3A_184 = arith.constant 0 : i32
      %dma_wait3A_185 = arith.constant 0 : i32
      %dma_wait3A_186 = tpu.memref_slice %arg8[%rem3A_182, %dma_wait3A_185] : memref<4x80xi32, #tpu.memory_space<vmem>> -> memref<1x80xi32, #tpu.memory_space<vmem>>
      %dma_wait3A_187 = tpu.memref_squeeze %dma_wait3A_186 : memref<1x80xi32, #tpu.memory_space<vmem>> -> memref<80xi32, #tpu.memory_space<vmem>>
      %dma_wait3A_188 = arith.constant 0 : i32
      %dma_wait3A_189 = arith.constant 0 : i32
      %dma_wait3A_190 = tpu.memref_slice %arg3[%dma_wait3A_183, %dma_wait3A_188, %dma_wait3A_189] : memref<8x125x80xi32, #tpu.memory_space<hbm>> -> memref<1x125x80xi32, #tpu.memory_space<hbm>>
      %dma_wait3A_191 = tpu.memref_squeeze %dma_wait3A_190 : memref<1x125x80xi32, #tpu.memory_space<hbm>> -> memref<125x80xi32, #tpu.memory_space<hbm>>
      %dma_wait3A_192 = arith.constant 0 : i32
      %dma_wait3A_193 = tpu.memref_slice %dma_wait3A_191[%dma_wait3A_184, %dma_wait3A_192] : memref<125x80xi32, #tpu.memory_space<hbm>> -> memref<1x80xi32, #tpu.memory_space<hbm>>
      %dma_wait3A_194 = tpu.memref_squeeze %dma_wait3A_193 : memref<1x80xi32, #tpu.memory_space<hbm>> -> memref<80xi32, #tpu.memory_space<hbm>>
      %dma_wait3A_195 = arith.constant 0 : i32
      %dma_wait3A_196 = tpu.memref_slice %arg8[%rem3A_182, %dma_wait3A_195] : memref<4x80xi32, #tpu.memory_space<vmem>> -> memref<1x80xi32, #tpu.memory_space<vmem>>
      %dma_wait3A_197 = tpu.memref_squeeze %dma_wait3A_196 : memref<1x80xi32, #tpu.memory_space<vmem>> -> memref<80xi32, #tpu.memory_space<vmem>>
      %dma_wait3A_198 = arith.constant 0 : i32
      %dma_wait3A_199 = arith.constant 0 : i32
      %dma_wait3A_200 = tpu.memref_slice %arg3[%dma_wait3A_183, %dma_wait3A_198, %dma_wait3A_199] : memref<8x125x80xi32, #tpu.memory_space<hbm>> -> memref<1x125x80xi32, #tpu.memory_space<hbm>>
      %dma_wait3A_201 = tpu.memref_squeeze %dma_wait3A_200 : memref<1x125x80xi32, #tpu.memory_space<hbm>> -> memref<125x80xi32, #tpu.memory_space<hbm>>
      %dma_wait3A_202 = arith.constant 0 : i32
      %dma_wait3A_203 = tpu.memref_slice %dma_wait3A_201[%dma_wait3A_184, %dma_wait3A_202] : memref<125x80xi32, #tpu.memory_space<hbm>> -> memref<1x80xi32, #tpu.memory_space<hbm>>
      %dma_wait3A_204 = tpu.memref_squeeze %dma_wait3A_203 : memref<1x80xi32, #tpu.memory_space<hbm>> -> memref<80xi32, #tpu.memory_space<hbm>>
      tpu.wait_dma2 semaphore(%arg12 : memref<!tpu.dma_semaphore, #tpu.memory_space<semaphore_mem>>) src(%dma_wait3A_204 : memref<80xi32, #tpu.memory_space<hbm>>) dst(%dma_wait3A_197 : memref<80xi32, #tpu.memory_space<vmem>>)
      %dma_wait3A_205 = arith.constant 0 : i32
      %dma_wait3A_206 = arith.constant 0 : i32
      %dma_wait3A_207 = arith.constant 0 : i32
      %dma_wait3A_208 = tpu.memref_slice %arg9[%rem3A_182, %dma_wait3A_207] : memref<4x80xi32, #tpu.memory_space<vmem>> -> memref<1x80xi32, #tpu.memory_space<vmem>>
      %dma_wait3A_209 = tpu.memref_squeeze %dma_wait3A_208 : memref<1x80xi32, #tpu.memory_space<vmem>> -> memref<80xi32, #tpu.memory_space<vmem>>
      %dma_wait3A_210 = arith.constant 0 : i32
      %dma_wait3A_211 = arith.constant 0 : i32
      %dma_wait3A_212 = tpu.memref_slice %arg3[%dma_wait3A_205, %dma_wait3A_210, %dma_wait3A_211] : memref<8x125x80xi32, #tpu.memory_space<hbm>> -> memref<1x125x80xi32, #tpu.memory_space<hbm>>
      %dma_wait3A_213 = tpu.memref_squeeze %dma_wait3A_212 : memref<1x125x80xi32, #tpu.memory_space<hbm>> -> memref<125x80xi32, #tpu.memory_space<hbm>>
      %dma_wait3A_214 = arith.constant 0 : i32
      %dma_wait3A_215 = tpu.memref_slice %dma_wait3A_213[%dma_wait3A_206, %dma_wait3A_214] : memref<125x80xi32, #tpu.memory_space<hbm>> -> memref<1x80xi32, #tpu.memory_space<hbm>>
      %dma_wait3A_216 = tpu.memref_squeeze %dma_wait3A_215 : memref<1x80xi32, #tpu.memory_space<hbm>> -> memref<80xi32, #tpu.memory_space<hbm>>
      %dma_wait3A_217 = arith.constant 0 : i32
      %dma_wait3A_218 = tpu.memref_slice %arg9[%rem3A_182, %dma_wait3A_217] : memref<4x80xi32, #tpu.memory_space<vmem>> -> memref<1x80xi32, #tpu.memory_space<vmem>>
      %dma_wait3A_219 = tpu.memref_squeeze %dma_wait3A_218 : memref<1x80xi32, #tpu.memory_space<vmem>> -> memref<80xi32, #tpu.memory_space<vmem>>
      %dma_wait3A_220 = arith.constant 0 : i32
      %dma_wait3A_221 = arith.constant 0 : i32
      %dma_wait3A_222 = tpu.memref_slice %arg3[%dma_wait3A_205, %dma_wait3A_220, %dma_wait3A_221] : memref<8x125x80xi32, #tpu.memory_space<hbm>> -> memref<1x125x80xi32, #tpu.memory_space<hbm>>
      %dma_wait3A_223 = tpu.memref_squeeze %dma_wait3A_222 : memref<1x125x80xi32, #tpu.memory_space<hbm>> -> memref<125x80xi32, #tpu.memory_space<hbm>>
      %dma_wait3A_224 = arith.constant 0 : i32
      %dma_wait3A_225 = tpu.memref_slice %dma_wait3A_223[%dma_wait3A_206, %dma_wait3A_224] : memref<125x80xi32, #tpu.memory_space<hbm>> -> memref<1x80xi32, #tpu.memory_space<hbm>>
      %dma_wait3A_226 = tpu.memref_squeeze %dma_wait3A_225 : memref<1x80xi32, #tpu.memory_space<hbm>> -> memref<80xi32, #tpu.memory_space<hbm>>
      tpu.wait_dma2 semaphore(%arg12 : memref<!tpu.dma_semaphore, #tpu.memory_space<semaphore_mem>>) src(%dma_wait3A_226 : memref<80xi32, #tpu.memory_space<hbm>>) dst(%dma_wait3A_219 : memref<80xi32, #tpu.memory_space<vmem>>)
      %add3A_227 = arith.constant 1 : i32
      %add3A_228 = arith.addi %while3A_173, %add3A_227 : i32
      %lt3A_229 = arith.cmpi slt, %add3A_228, %sub3A_41 : i32
      %convert_element_type3A_230 = arith.extui %lt3A_229 : i1 to i32
      %cond3A_231 = arith.constant 0 : i32
      %cond3A_232 = arith.cmpi ne, %convert_element_type3A_230, %cond3A_231 : i32
      scf.if %cond3A_232 {
        %add3A_318 = arith.constant 1 : i32
        %add3A_319 = arith.addi %while3A_173, %add3A_318 : i32
        %rem3A_320 = arith.constant 4 : i32
        %rem3A_321 = arith.remsi %add3A_319, %rem3A_320 : i32
        %dma_start3A_322 = arith.constant 0 : i32
        %dma_start3A_323 = tpu.memref_slice %arg8[%rem3A_321, %dma_start3A_322] : memref<4x80xi32, #tpu.memory_space<vmem>> -> memref<1x80xi32, #tpu.memory_space<vmem>>
        %dma_start3A_324 = tpu.memref_squeeze %dma_start3A_323 : memref<1x80xi32, #tpu.memory_space<vmem>> -> memref<80xi32, #tpu.memory_space<vmem>>
        %dma_start3A_325 = arith.constant 0 : i32
        %dma_start3A_326 = arith.constant 0 : i32
        %dma_start3A_327 = tpu.memref_slice %arg3[%select_n3A, %dma_start3A_325, %dma_start3A_326] : memref<8x125x80xi32, #tpu.memory_space<hbm>> -> memref<1x125x80xi32, #tpu.memory_space<hbm>>
        %dma_start3A_328 = tpu.memref_squeeze %dma_start3A_327 : memref<1x125x80xi32, #tpu.memory_space<hbm>> -> memref<125x80xi32, #tpu.memory_space<hbm>>
        %dma_start3A_329 = arith.constant 0 : i32
        %dma_start3A_330 = tpu.memref_slice %dma_start3A_328[%add3A_319, %dma_start3A_329] : memref<125x80xi32, #tpu.memory_space<hbm>> -> memref<1x80xi32, #tpu.memory_space<hbm>>
        %dma_start3A_331 = tpu.memref_squeeze %dma_start3A_330 : memref<1x80xi32, #tpu.memory_space<hbm>> -> memref<80xi32, #tpu.memory_space<hbm>>
        %dma_start3A_332 = arith.constant 0 : i32
        %dma_start3A_333 = tpu.memref_slice %arg8[%rem3A_321, %dma_start3A_332] : memref<4x80xi32, #tpu.memory_space<vmem>> -> memref<1x80xi32, #tpu.memory_space<vmem>>
        %dma_start3A_334 = tpu.memref_squeeze %dma_start3A_333 : memref<1x80xi32, #tpu.memory_space<vmem>> -> memref<80xi32, #tpu.memory_space<vmem>>
        %dma_start3A_335 = arith.constant 0 : i32
        %dma_start3A_336 = arith.constant 0 : i32
        %dma_start3A_337 = tpu.memref_slice %arg3[%select_n3A, %dma_start3A_335, %dma_start3A_336] : memref<8x125x80xi32, #tpu.memory_space<hbm>> -> memref<1x125x80xi32, #tpu.memory_space<hbm>>
        %dma_start3A_338 = tpu.memref_squeeze %dma_start3A_337 : memref<1x125x80xi32, #tpu.memory_space<hbm>> -> memref<125x80xi32, #tpu.memory_space<hbm>>
        %dma_start3A_339 = arith.constant 0 : i32
        %dma_start3A_340 = tpu.memref_slice %dma_start3A_338[%add3A_319, %dma_start3A_339] : memref<125x80xi32, #tpu.memory_space<hbm>> -> memref<1x80xi32, #tpu.memory_space<hbm>>
        %dma_start3A_341 = tpu.memref_squeeze %dma_start3A_340 : memref<1x80xi32, #tpu.memory_space<hbm>> -> memref<80xi32, #tpu.memory_space<hbm>>
        tpu.enqueue_dma source(%dma_start3A_341 : memref<80xi32, #tpu.memory_space<hbm>>) target(%dma_start3A_334 : memref<80xi32, #tpu.memory_space<vmem>>) target_semaphore(%arg12 : memref<!tpu.dma_semaphore, #tpu.memory_space<semaphore_mem>>)
        %dma_start3A_342 = arith.constant 0 : i32
        %dma_start3A_343 = tpu.memref_slice %arg9[%rem3A_321, %dma_start3A_342] : memref<4x80xi32, #tpu.memory_space<vmem>> -> memref<1x80xi32, #tpu.memory_space<vmem>>
        %dma_start3A_344 = tpu.memref_squeeze %dma_start3A_343 : memref<1x80xi32, #tpu.memory_space<vmem>> -> memref<80xi32, #tpu.memory_space<vmem>>
        %dma_start3A_345 = arith.constant 0 : i32
        %dma_start3A_346 = arith.constant 0 : i32
        %dma_start3A_347 = tpu.memref_slice %arg4[%select_n3A, %dma_start3A_345, %dma_start3A_346] : memref<8x125x80xi32, #tpu.memory_space<hbm>> -> memref<1x125x80xi32, #tpu.memory_space<hbm>>
        %dma_start3A_348 = tpu.memref_squeeze %dma_start3A_347 : memref<1x125x80xi32, #tpu.memory_space<hbm>> -> memref<125x80xi32, #tpu.memory_space<hbm>>
        %dma_start3A_349 = arith.constant 0 : i32
        %dma_start3A_350 = tpu.memref_slice %dma_start3A_348[%add3A_319, %dma_start3A_349] : memref<125x80xi32, #tpu.memory_space<hbm>> -> memref<1x80xi32, #tpu.memory_space<hbm>>
        %dma_start3A_351 = tpu.memref_squeeze %dma_start3A_350 : memref<1x80xi32, #tpu.memory_space<hbm>> -> memref<80xi32, #tpu.memory_space<hbm>>
        %dma_start3A_352 = arith.constant 0 : i32
        %dma_start3A_353 = tpu.memref_slice %arg9[%rem3A_321, %dma_start3A_352] : memref<4x80xi32, #tpu.memory_space<vmem>> -> memref<1x80xi32, #tpu.memory_space<vmem>>
        %dma_start3A_354 = tpu.memref_squeeze %dma_start3A_353 : memref<1x80xi32, #tpu.memory_space<vmem>> -> memref<80xi32, #tpu.memory_space<vmem>>
        %dma_start3A_355 = arith.constant 0 : i32
        %dma_start3A_356 = arith.constant 0 : i32
        %dma_start3A_357 = tpu.memref_slice %arg4[%select_n3A, %dma_start3A_355, %dma_start3A_356] : memref<8x125x80xi32, #tpu.memory_space<hbm>> -> memref<1x125x80xi32, #tpu.memory_space<hbm>>
        %dma_start3A_358 = tpu.memref_squeeze %dma_start3A_357 : memref<1x125x80xi32, #tpu.memory_space<hbm>> -> memref<125x80xi32, #tpu.memory_space<hbm>>
        %dma_start3A_359 = arith.constant 0 : i32
        %dma_start3A_360 = tpu.memref_slice %dma_start3A_358[%add3A_319, %dma_start3A_359] : memref<125x80xi32, #tpu.memory_space<hbm>> -> memref<1x80xi32, #tpu.memory_space<hbm>>
        %dma_start3A_361 = tpu.memref_squeeze %dma_start3A_360 : memref<1x80xi32, #tpu.memory_space<hbm>> -> memref<80xi32, #tpu.memory_space<hbm>>
        tpu.enqueue_dma source(%dma_start3A_361 : memref<80xi32, #tpu.memory_space<hbm>>) target(%dma_start3A_354 : memref<80xi32, #tpu.memory_space<vmem>>) target_semaphore(%arg12 : memref<!tpu.dma_semaphore, #tpu.memory_space<semaphore_mem>>)
      } else {
      }
      %rem3A_233 = arith.constant 4 : i32
      %rem3A_234 = arith.remsi %while3A_173, %rem3A_233 : i32
      %dma_start3A_235 = arith.constant 0 : i32
      %dma_start3A_236 = arith.constant 0 : i32
      %dma_start3A_237 = tpu.memref_slice %arg10[%rem3A_175, %dma_start3A_235, %dma_start3A_236] : memref<2x80x128xf32, #tpu.memory_space<vmem>> -> memref<1x80x128xf32, #tpu.memory_space<vmem>>
      %dma_start3A_238 = tpu.memref_squeeze %dma_start3A_237 : memref<1x80x128xf32, #tpu.memory_space<vmem>> -> memref<80x128xf32, #tpu.memory_space<vmem>>
      %dma_start3A_239 = arith.constant 0 : i32
      %dma_start3A_240 = tpu.memref_slice %arg8[%rem3A_234, %dma_start3A_239] : memref<4x80xi32, #tpu.memory_space<vmem>> -> memref<1x80xi32, #tpu.memory_space<vmem>>
      %dma_start3A_241 = tpu.memref_squeeze %dma_start3A_240 : memref<1x80xi32, #tpu.memory_space<vmem>> -> memref<80xi32, #tpu.memory_space<vmem>>
      %dma_start3A_242 = arith.constant 0 : i32
      %dma_start3A_243 = arith.constant 0 : i32
      %dma_start3A_244 = tpu.memref_slice %arg7[%dma_start3A_242, %dma_start3A_243] : memref<10000x128xf32, #tpu.memory_space<vmem_shared>> -> memref<10000x128xf32, #tpu.memory_space<vmem_shared>>
      tpu.enqueue_indirect_dma source(%dma_start3A_244 : memref<10000x128xf32, #tpu.memory_space<vmem_shared>>) target(%dma_start3A_238 : memref<80x128xf32, #tpu.memory_space<vmem>>) offsets(%dma_start3A_241 : memref<80xi32, #tpu.memory_space<vmem>>) semaphore(%arg13 : memref<!tpu.dma_semaphore, #tpu.memory_space<semaphore_mem>>)
      %mul3A_245 = arith.constant 80 : i32
      %mul3A_246 = arith.muli %while3A_173, %mul3A_245 : i32
      %dma_start3A_247 = arith.constant 0 : i32
      %dma_start3A_248 = arith.constant 0 : i32
      %dma_start3A_249 = tpu.memref_slice %arg11[%rem3A_175, %dma_start3A_247, %dma_start3A_248] : memref<2x80x128xf32, #tpu.memory_space<vmem>> -> memref<1x80x128xf32, #tpu.memory_space<vmem>>
      %dma_start3A_250 = tpu.memref_squeeze %dma_start3A_249 : memref<1x80x128xf32, #tpu.memory_space<vmem>> -> memref<80x128xf32, #tpu.memory_space<vmem>>
      %dma_start3A_251 = arith.constant 0 : i32
      %dma_start3A_252 = tpu.memref_slice %arg7[%mul3A_246, %dma_start3A_251] : memref<10000x128xf32, #tpu.memory_space<vmem_shared>> -> memref<80x128xf32, #tpu.memory_space<vmem_shared>>
      %dma_start3A_253 = arith.constant 0 : i32
      %dma_start3A_254 = arith.constant 0 : i32
      %dma_start3A_255 = tpu.memref_slice %arg11[%rem3A_175, %dma_start3A_253, %dma_start3A_254] : memref<2x80x128xf32, #tpu.memory_space<vmem>> -> memref<1x80x128xf32, #tpu.memory_space<vmem>>
      %dma_start3A_256 = tpu.memref_squeeze %dma_start3A_255 : memref<1x80x128xf32, #tpu.memory_space<vmem>> -> memref<80x128xf32, #tpu.memory_space<vmem>>
      %dma_start3A_257 = arith.constant 0 : i32
      %dma_start3A_258 = tpu.memref_slice %arg7[%mul3A_246, %dma_start3A_257] : memref<10000x128xf32, #tpu.memory_space<vmem_shared>> -> memref<80x128xf32, #tpu.memory_space<vmem_shared>>
      tpu.enqueue_dma source(%dma_start3A_258 : memref<80x128xf32, #tpu.memory_space<vmem_shared>>) target(%dma_start3A_256 : memref<80x128xf32, #tpu.memory_space<vmem>>) target_semaphore(%arg14 : memref<!tpu.dma_semaphore, #tpu.memory_space<semaphore_mem>>)
      %dma_wait3A_259 = arith.constant 0 : i32
      %dma_wait3A_260 = arith.constant 0 : i32
      %dma_wait3A_261 = tpu.memref_slice %arg10[%rem3A_175, %dma_wait3A_259, %dma_wait3A_260] : memref<2x80x128xf32, #tpu.memory_space<vmem>> -> memref<1x80x128xf32, #tpu.memory_space<vmem>>
      %dma_wait3A_262 = tpu.memref_squeeze %dma_wait3A_261 : memref<1x80x128xf32, #tpu.memory_space<vmem>> -> memref<80x128xf32, #tpu.memory_space<vmem>>
      %dma_wait3A_263 = arith.constant 0 : i32
      %dma_wait3A_264 = arith.constant 0 : i32
      %dma_wait3A_265 = tpu.memref_slice %arg2[%dma_wait3A_263, %dma_wait3A_264] : memref<10000x128xf32, #tpu.memory_space<hbm>> -> memref<80x128xf32, #tpu.memory_space<hbm>>
      %dma_wait3A_266 = arith.constant 0 : i32
      %dma_wait3A_267 = arith.constant 0 : i32
      %dma_wait3A_268 = tpu.memref_slice %arg10[%rem3A_175, %dma_wait3A_266, %dma_wait3A_267] : memref<2x80x128xf32, #tpu.memory_space<vmem>> -> memref<1x80x128xf32, #tpu.memory_space<vmem>>
      %dma_wait3A_269 = tpu.memref_squeeze %dma_wait3A_268 : memref<1x80x128xf32, #tpu.memory_space<vmem>> -> memref<80x128xf32, #tpu.memory_space<vmem>>
      %dma_wait3A_270 = arith.constant 0 : i32
      %dma_wait3A_271 = arith.constant 0 : i32
      %dma_wait3A_272 = tpu.memref_slice %arg2[%dma_wait3A_270, %dma_wait3A_271] : memref<10000x128xf32, #tpu.memory_space<hbm>> -> memref<80x128xf32, #tpu.memory_space<hbm>>
      tpu.wait_dma2 semaphore(%arg13 : memref<!tpu.dma_semaphore, #tpu.memory_space<semaphore_mem>>) src(%dma_wait3A_272 : memref<80x128xf32, #tpu.memory_space<hbm>>) dst(%dma_wait3A_269 : memref<80x128xf32, #tpu.memory_space<vmem>>)
      %dma_wait3A_273 = arith.constant 0 : i32
      %dma_wait3A_274 = arith.constant 0 : i32
      %dma_wait3A_275 = tpu.memref_slice %arg11[%rem3A_175, %dma_wait3A_273, %dma_wait3A_274] : memref<2x80x128xf32, #tpu.memory_space<vmem>> -> memref<1x80x128xf32, #tpu.memory_space<vmem>>
      %dma_wait3A_276 = tpu.memref_squeeze %dma_wait3A_275 : memref<1x80x128xf32, #tpu.memory_space<vmem>> -> memref<80x128xf32, #tpu.memory_space<vmem>>
      %dma_wait3A_277 = arith.constant 0 : i32
      %dma_wait3A_278 = arith.constant 0 : i32
      %dma_wait3A_279 = tpu.memref_slice %arg2[%dma_wait3A_277, %dma_wait3A_278] : memref<10000x128xf32, #tpu.memory_space<hbm>> -> memref<80x128xf32, #tpu.memory_space<hbm>>
      %dma_wait3A_280 = arith.constant 0 : i32
      %dma_wait3A_281 = arith.constant 0 : i32
      %dma_wait3A_282 = tpu.memref_slice %arg11[%rem3A_175, %dma_wait3A_280, %dma_wait3A_281] : memref<2x80x128xf32, #tpu.memory_space<vmem>> -> memref<1x80x128xf32, #tpu.memory_space<vmem>>
      %dma_wait3A_283 = tpu.memref_squeeze %dma_wait3A_282 : memref<1x80x128xf32, #tpu.memory_space<vmem>> -> memref<80x128xf32, #tpu.memory_space<vmem>>
      %dma_wait3A_284 = arith.constant 0 : i32
      %dma_wait3A_285 = arith.constant 0 : i32
      %dma_wait3A_286 = tpu.memref_slice %arg2[%dma_wait3A_284, %dma_wait3A_285] : memref<10000x128xf32, #tpu.memory_space<hbm>> -> memref<80x128xf32, #tpu.memory_space<hbm>>
      tpu.wait_dma2 semaphore(%arg14 : memref<!tpu.dma_semaphore, #tpu.memory_space<semaphore_mem>>) src(%dma_wait3A_286 : memref<80x128xf32, #tpu.memory_space<hbm>>) dst(%dma_wait3A_283 : memref<80x128xf32, #tpu.memory_space<vmem>>)
      %mul3A_287 = arith.constant 80 : i32
      %mul3A_288 = arith.muli %while3A_173, %mul3A_287 : i32
      %add3A_289 = arith.addi %mul3A_32, %mul3A_288 : i32
      %dma_start3A_290 = arith.constant 0 : i32
      %dma_start3A_291 = arith.constant 0 : i32
      %dma_start3A_292 = tpu.memref_slice %arg10[%rem3A_175, %dma_start3A_290, %dma_start3A_291] : memref<2x80x128xf32, #tpu.memory_space<vmem>> -> memref<1x80x128xf32, #tpu.memory_space<vmem>>
      %dma_start3A_293 = tpu.memref_squeeze %dma_start3A_292 : memref<1x80x128xf32, #tpu.memory_space<vmem>> -> memref<80x128xf32, #tpu.memory_space<vmem>>
      %dma_start3A_294 = arith.constant 0 : i32
      %dma_start3A_295 = tpu.memref_slice %arg5[%add3A_289, %dma_start3A_294] : memref<80000x128xf32, #tpu.memory_space<hbm>> -> memref<80x128xf32, #tpu.memory_space<hbm>>
      %dma_start3A_296 = tpu.memref_slice %arg15[%rem3A_175] : memref<2x!tpu.dma_semaphore, #tpu.memory_space<semaphore_mem>> -> memref<1x!tpu.dma_semaphore, #tpu.memory_space<semaphore_mem>>
      %dma_start3A_297 = tpu.memref_squeeze %dma_start3A_296 : memref<1x!tpu.dma_semaphore, #tpu.memory_space<semaphore_mem>> -> memref<!tpu.dma_semaphore, #tpu.memory_space<semaphore_mem>>
      %dma_start3A_298 = arith.constant 0 : i32
      %dma_start3A_299 = tpu.memref_slice %arg5[%add3A_289, %dma_start3A_298] : memref<80000x128xf32, #tpu.memory_space<hbm>> -> memref<80x128xf32, #tpu.memory_space<hbm>>
      %dma_start3A_300 = arith.constant 0 : i32
      %dma_start3A_301 = arith.constant 0 : i32
      %dma_start3A_302 = tpu.memref_slice %arg10[%rem3A_175, %dma_start3A_300, %dma_start3A_301] : memref<2x80x128xf32, #tpu.memory_space<vmem>> -> memref<1x80x128xf32, #tpu.memory_space<vmem>>
      %dma_start3A_303 = tpu.memref_squeeze %dma_start3A_302 : memref<1x80x128xf32, #tpu.memory_space<vmem>> -> memref<80x128xf32, #tpu.memory_space<vmem>>
      tpu.enqueue_dma source(%dma_start3A_303 : memref<80x128xf32, #tpu.memory_space<vmem>>) target(%dma_start3A_299 : memref<80x128xf32, #tpu.memory_space<hbm>>) target_semaphore(%dma_start3A_297 : memref<!tpu.dma_semaphore, #tpu.memory_space<semaphore_mem>>)
      %rem3A_304 = arith.constant 4 : i32
      %rem3A_305 = arith.remsi %while3A_173, %rem3A_304 : i32
      %dma_start3A_306 = arith.constant 0 : i32
      %dma_start3A_307 = arith.constant 0 : i32
      %dma_start3A_308 = tpu.memref_slice %arg11[%rem3A_175, %dma_start3A_306, %dma_start3A_307] : memref<2x80x128xf32, #tpu.memory_space<vmem>> -> memref<1x80x128xf32, #tpu.memory_space<vmem>>
      %dma_start3A_309 = tpu.memref_squeeze %dma_start3A_308 : memref<1x80x128xf32, #tpu.memory_space<vmem>> -> memref<80x128xf32, #tpu.memory_space<vmem>>
      %dma_start3A_310 = arith.constant 0 : i32
      %dma_start3A_311 = tpu.memref_slice %arg9[%rem3A_305, %dma_start3A_310] : memref<4x80xi32, #tpu.memory_space<vmem>> -> memref<1x80xi32, #tpu.memory_space<vmem>>
      %dma_start3A_312 = tpu.memref_squeeze %dma_start3A_311 : memref<1x80xi32, #tpu.memory_space<vmem>> -> memref<80xi32, #tpu.memory_space<vmem>>
      %dma_start3A_313 = arith.constant 0 : i32
      %dma_start3A_314 = arith.constant 0 : i32
      %dma_start3A_315 = tpu.memref_slice %arg6[%dma_start3A_313, %dma_start3A_314] : memref<80000x128xf32, #tpu.memory_space<hbm>> -> memref<80000x128xf32, #tpu.memory_space<hbm>>
      %dma_start3A_316 = tpu.memref_slice %arg16[%rem3A_175] : memref<2x!tpu.dma_semaphore, #tpu.memory_space<semaphore_mem>> -> memref<1x!tpu.dma_semaphore, #tpu.memory_space<semaphore_mem>>
      %dma_start3A_317 = tpu.memref_squeeze %dma_start3A_316 : memref<1x!tpu.dma_semaphore, #tpu.memory_space<semaphore_mem>> -> memref<!tpu.dma_semaphore, #tpu.memory_space<semaphore_mem>>
      tpu.enqueue_indirect_dma source(%dma_start3A_309 : memref<80x128xf32, #tpu.memory_space<vmem>>) target(%dma_start3A_315 : memref<80000x128xf32, #tpu.memory_space<hbm>>) offsets(%dma_start3A_312 : memref<80xi32, #tpu.memory_space<vmem>>) semaphore(%dma_start3A_317 : memref<!tpu.dma_semaphore, #tpu.memory_space<semaphore_mem>>)
    }
    %sub3A_94 = arith.constant 2 : i32
    %sub3A_95 = arith.subi %sub3A_41, %sub3A_94 : i32
    %rem3A_96 = arith.constant 2 : i32
    %rem3A_97 = arith.remsi %sub3A_95, %rem3A_96 : i32
    %mul3A_98 = arith.constant 80 : i32
    %mul3A_99 = arith.muli %sub3A_95, %mul3A_98 : i32
    %add3A_100 = arith.addi %mul3A_32, %mul3A_99 : i32
    %dma_wait3A = arith.constant 0 : i32
    %dma_wait3A_101 = arith.constant 0 : i32
    %dma_wait3A_102 = arith.constant 0 : i32
    %dma_wait3A_103 = tpu.memref_slice %arg10[%dma_wait3A, %dma_wait3A_101, %dma_wait3A_102] : memref<2x80x128xf32, #tpu.memory_space<vmem>> -> memref<1x80x128xf32, #tpu.memory_space<vmem>>
    %dma_wait3A_104 = tpu.memref_squeeze %dma_wait3A_103 : memref<1x80x128xf32, #tpu.memory_space<vmem>> -> memref<80x128xf32, #tpu.memory_space<vmem>>
    %dma_wait3A_105 = arith.constant 0 : i32
    %dma_wait3A_106 = tpu.memref_slice %arg5[%add3A_100, %dma_wait3A_105] : memref<80000x128xf32, #tpu.memory_space<hbm>> -> memref<80x128xf32, #tpu.memory_space<hbm>>
    %dma_wait3A_107 = tpu.memref_slice %arg15[%rem3A_97] : memref<2x!tpu.dma_semaphore, #tpu.memory_space<semaphore_mem>> -> memref<1x!tpu.dma_semaphore, #tpu.memory_space<semaphore_mem>>
    %dma_wait3A_108 = tpu.memref_squeeze %dma_wait3A_107 : memref<1x!tpu.dma_semaphore, #tpu.memory_space<semaphore_mem>> -> memref<!tpu.dma_semaphore, #tpu.memory_space<semaphore_mem>>
    %dma_wait3A_109 = arith.constant 0 : i32
    %dma_wait3A_110 = tpu.memref_slice %arg5[%add3A_100, %dma_wait3A_109] : memref<80000x128xf32, #tpu.memory_space<hbm>> -> memref<80x128xf32, #tpu.memory_space<hbm>>
    %dma_wait3A_111 = arith.constant 0 : i32
    %dma_wait3A_112 = arith.constant 0 : i32
    %dma_wait3A_113 = tpu.memref_slice %arg10[%dma_wait3A, %dma_wait3A_111, %dma_wait3A_112] : memref<2x80x128xf32, #tpu.memory_space<vmem>> -> memref<1x80x128xf32, #tpu.memory_space<vmem>>
    %dma_wait3A_114 = tpu.memref_squeeze %dma_wait3A_113 : memref<1x80x128xf32, #tpu.memory_space<vmem>> -> memref<80x128xf32, #tpu.memory_space<vmem>>
    tpu.wait_dma2 semaphore(%dma_wait3A_108 : memref<!tpu.dma_semaphore, #tpu.memory_space<semaphore_mem>>) src(%dma_wait3A_114 : memref<80x128xf32, #tpu.memory_space<vmem>>) dst(%dma_wait3A_110 : memref<80x128xf32, #tpu.memory_space<hbm>>)
    %mul3A_115 = arith.constant 80 : i32
    %mul3A_116 = arith.muli %sub3A_95, %mul3A_115 : i32
    %add3A_117 = arith.addi %mul3A_32, %mul3A_116 : i32
    %dma_wait3A_118 = arith.constant 0 : i32
    %dma_wait3A_119 = arith.constant 0 : i32
    %dma_wait3A_120 = arith.constant 0 : i32
    %dma_wait3A_121 = tpu.memref_slice %arg11[%dma_wait3A_118, %dma_wait3A_119, %dma_wait3A_120] : memref<2x80x128xf32, #tpu.memory_space<vmem>> -> memref<1x80x128xf32, #tpu.memory_space<vmem>>
    %dma_wait3A_122 = tpu.memref_squeeze %dma_wait3A_121 : memref<1x80x128xf32, #tpu.memory_space<vmem>> -> memref<80x128xf32, #tpu.memory_space<vmem>>
    %dma_wait3A_123 = arith.constant 0 : i32
    %dma_wait3A_124 = tpu.memref_slice %arg6[%add3A_117, %dma_wait3A_123] : memref<80000x128xf32, #tpu.memory_space<hbm>> -> memref<80x128xf32, #tpu.memory_space<hbm>>
    %dma_wait3A_125 = tpu.memref_slice %arg16[%rem3A_97] : memref<2x!tpu.dma_semaphore, #tpu.memory_space<semaphore_mem>> -> memref<1x!tpu.dma_semaphore, #tpu.memory_space<semaphore_mem>>
    %dma_wait3A_126 = tpu.memref_squeeze %dma_wait3A_125 : memref<1x!tpu.dma_semaphore, #tpu.memory_space<semaphore_mem>> -> memref<!tpu.dma_semaphore, #tpu.memory_space<semaphore_mem>>
    %dma_wait3A_127 = arith.constant 0 : i32
    %dma_wait3A_128 = tpu.memref_slice %arg6[%add3A_117, %dma_wait3A_127] : memref<80000x128xf32, #tpu.memory_space<hbm>> -> memref<80x128xf32, #tpu.memory_space<hbm>>
    %dma_wait3A_129 = arith.constant 0 : i32
    %dma_wait3A_130 = arith.constant 0 : i32
    %dma_wait3A_131 = tpu.memref_slice %arg11[%dma_wait3A_118, %dma_wait3A_129, %dma_wait3A_130] : memref<2x80x128xf32, #tpu.memory_space<vmem>> -> memref<1x80x128xf32, #tpu.memory_space<vmem>>
    %dma_wait3A_132 = tpu.memref_squeeze %dma_wait3A_131 : memref<1x80x128xf32, #tpu.memory_space<vmem>> -> memref<80x128xf32, #tpu.memory_space<vmem>>
    tpu.wait_dma2 semaphore(%dma_wait3A_126 : memref<!tpu.dma_semaphore, #tpu.memory_space<semaphore_mem>>) src(%dma_wait3A_132 : memref<80x128xf32, #tpu.memory_space<vmem>>) dst(%dma_wait3A_128 : memref<80x128xf32, #tpu.memory_space<hbm>>)
    %sub3A_133 = arith.constant 1 : i32
    %sub3A_134 = arith.subi %sub3A_41, %sub3A_133 : i32
    %rem3A_135 = arith.constant 2 : i32
    %rem3A_136 = arith.remsi %sub3A_134, %rem3A_135 : i32
    %mul3A_137 = arith.constant 80 : i32
    %mul3A_138 = arith.muli %sub3A_134, %mul3A_137 : i32
    %add3A_139 = arith.addi %mul3A_32, %mul3A_138 : i32
    %dma_wait3A_140 = arith.constant 0 : i32
    %dma_wait3A_141 = arith.constant 0 : i32
    %dma_wait3A_142 = arith.constant 0 : i32
    %dma_wait3A_143 = tpu.memref_slice %arg10[%dma_wait3A_140, %dma_wait3A_141, %dma_wait3A_142] : memref<2x80x128xf32, #tpu.memory_space<vmem>> -> memref<1x80x128xf32, #tpu.memory_space<vmem>>
    %dma_wait3A_144 = tpu.memref_squeeze %dma_wait3A_143 : memref<1x80x128xf32, #tpu.memory_space<vmem>> -> memref<80x128xf32, #tpu.memory_space<vmem>>
    %dma_wait3A_145 = arith.constant 0 : i32
    %dma_wait3A_146 = tpu.memref_slice %arg5[%add3A_139, %dma_wait3A_145] : memref<80000x128xf32, #tpu.memory_space<hbm>> -> memref<80x128xf32, #tpu.memory_space<hbm>>
    %dma_wait3A_147 = tpu.memref_slice %arg15[%rem3A_136] : memref<2x!tpu.dma_semaphore, #tpu.memory_space<semaphore_mem>> -> memref<1x!tpu.dma_semaphore, #tpu.memory_space<semaphore_mem>>
    %dma_wait3A_148 = tpu.memref_squeeze %dma_wait3A_147 : memref<1x!tpu.dma_semaphore, #tpu.memory_space<semaphore_mem>> -> memref<!tpu.dma_semaphore, #tpu.memory_space<semaphore_mem>>
    %dma_wait3A_149 = arith.constant 0 : i32
    %dma_wait3A_150 = tpu.memref_slice %arg5[%add3A_139, %dma_wait3A_149] : memref<80000x128xf32, #tpu.memory_space<hbm>> -> memref<80x128xf32, #tpu.memory_space<hbm>>
    %dma_wait3A_151 = arith.constant 0 : i32
    %dma_wait3A_152 = arith.constant 0 : i32
    %dma_wait3A_153 = tpu.memref_slice %arg10[%dma_wait3A_140, %dma_wait3A_151, %dma_wait3A_152] : memref<2x80x128xf32, #tpu.memory_space<vmem>> -> memref<1x80x128xf32, #tpu.memory_space<vmem>>
    %dma_wait3A_154 = tpu.memref_squeeze %dma_wait3A_153 : memref<1x80x128xf32, #tpu.memory_space<vmem>> -> memref<80x128xf32, #tpu.memory_space<vmem>>
    tpu.wait_dma2 semaphore(%dma_wait3A_148 : memref<!tpu.dma_semaphore, #tpu.memory_space<semaphore_mem>>) src(%dma_wait3A_154 : memref<80x128xf32, #tpu.memory_space<vmem>>) dst(%dma_wait3A_150 : memref<80x128xf32, #tpu.memory_space<hbm>>)
    %mul3A_155 = arith.constant 80 : i32
    %mul3A_156 = arith.muli %sub3A_134, %mul3A_155 : i32
    %add3A_157 = arith.addi %mul3A_32, %mul3A_156 : i32
    %dma_wait3A_158 = arith.constant 0 : i32
    %dma_wait3A_159 = arith.constant 0 : i32
    %dma_wait3A_160 = arith.constant 0 : i32
    %dma_wait3A_161 = tpu.memref_slice %arg11[%dma_wait3A_158, %dma_wait3A_159, %dma_wait3A_160] : memref<2x80x128xf32, #tpu.memory_space<vmem>> -> memref<1x80x128xf32, #tpu.memory_space<vmem>>
    %dma_wait3A_162 = tpu.memref_squeeze %dma_wait3A_161 : memref<1x80x128xf32, #tpu.memory_space<vmem>> -> memref<80x128xf32, #tpu.memory_space<vmem>>
    %dma_wait3A_163 = arith.constant 0 : i32
    %dma_wait3A_164 = tpu.memref_slice %arg6[%add3A_157, %dma_wait3A_163] : memref<80000x128xf32, #tpu.memory_space<hbm>> -> memref<80x128xf32, #tpu.memory_space<hbm>>
    %dma_wait3A_165 = tpu.memref_slice %arg16[%rem3A_136] : memref<2x!tpu.dma_semaphore, #tpu.memory_space<semaphore_mem>> -> memref<1x!tpu.dma_semaphore, #tpu.memory_space<semaphore_mem>>
    %dma_wait3A_166 = tpu.memref_squeeze %dma_wait3A_165 : memref<1x!tpu.dma_semaphore, #tpu.memory_space<semaphore_mem>> -> memref<!tpu.dma_semaphore, #tpu.memory_space<semaphore_mem>>
    %dma_wait3A_167 = arith.constant 0 : i32
    %dma_wait3A_168 = tpu.memref_slice %arg6[%add3A_157, %dma_wait3A_167] : memref<80000x128xf32, #tpu.memory_space<hbm>> -> memref<80x128xf32, #tpu.memory_space<hbm>>
    %dma_wait3A_169 = arith.constant 0 : i32
    %dma_wait3A_170 = arith.constant 0 : i32
    %dma_wait3A_171 = tpu.memref_slice %arg11[%dma_wait3A_158, %dma_wait3A_169, %dma_wait3A_170] : memref<2x80x128xf32, #tpu.memory_space<vmem>> -> memref<1x80x128xf32, #tpu.memory_space<vmem>>
    %dma_wait3A_172 = tpu.memref_squeeze %dma_wait3A_171 : memref<1x80x128xf32, #tpu.memory_space<vmem>> -> memref<80x128xf32, #tpu.memory_space<vmem>>
    tpu.wait_dma2 semaphore(%dma_wait3A_166 : memref<!tpu.dma_semaphore, #tpu.memory_space<semaphore_mem>>) src(%dma_wait3A_172 : memref<80x128xf32, #tpu.memory_space<vmem>>) dst(%dma_wait3A_168 : memref<80x128xf32, #tpu.memory_space<hbm>>)
    return
  }
}

#map = affine_map<(d0, d1) -> (0, 0)>
#map1 = affine_map<(d0, d1) -> (0, 0, 0)>
module attributes {stable_mosaic.version = 14 : i64} {
  func.func @sc_kernel(%arg0: i32, %arg1: i32, %arg2: memref<10000x128xf32, #tpu.memory_space<hbm>>, %arg3: memref<8x125x80xi32, #tpu.memory_space<hbm>>, %arg4: memref<8x125x80xi32, #tpu.memory_space<hbm>>, %arg5: memref<80000x128xf32, #tpu.memory_space<hbm>>, %arg6: memref<80000x128xf32, #tpu.memory_space<hbm>>, %arg7: memref<10000x128xf32, #tpu.memory_space<vmem_shared>>, %arg8: memref<4x80xi32, #tpu.memory_space<vmem>>, %arg9: memref<4x80xi32, #tpu.memory_space<vmem>>, %arg10: memref<2x80x128xf32, #tpu.memory_space<vmem>>, %arg11: memref<2x80x128xf32, #tpu.memory_space<vmem>>, %arg12: memref<!tpu.dma_semaphore, #tpu.memory_space<semaphore_mem>>, %arg13: memref<!tpu.dma_semaphore, #tpu.memory_space<semaphore_mem>>, %arg14: memref<!tpu.dma_semaphore, #tpu.memory_space<semaphore_mem>>, %arg15: memref<2x!tpu.dma_semaphore, #tpu.memory_space<semaphore_mem>>, %arg16: memref<2x!tpu.dma_semaphore, #tpu.memory_space<semaphore_mem>>) attributes {dimension_semantics = [#tpu.dimension_semantics<core_parallel>, #tpu.dimension_semantics<subcore_parallel>], iteration_bounds = array<i64: 2, 16>, scalar_prefetch = 0 : i64, scratch_operands = 10 : i64, tpu.core_type = #tpu.core_type<sc_vector_subcore>, window_params = [{transform_indices = #map}, {transform_indices = #map1}, {transform_indices = #map1}, {transform_indices = #map}, {transform_indices = #map}]} {
    %mul3A = arith.constant 2 : i32
    %mul3A_0 = arith.muli %arg1, %mul3A : i32
    %add3A = arith.addi %mul3A_0, %arg0 : i32
    %jit3A = arith.constant 4 : i32
    %div3A = arith.divsi %add3A, %jit3A : i32
    %sign3A = arith.constant 0 : i32
    %sign3A_1 = arith.cmpi sgt, %add3A, %sign3A : i32
    %sign3A_2 = arith.extui %sign3A_1 : i1 to i32
    %sign3A_3 = arith.constant 0 : i32
    %sign3A_4 = arith.cmpi slt, %add3A, %sign3A_3 : i32
    %sign3A_5 = arith.extui %sign3A_4 : i1 to i32
    %sign3A_6 = arith.subi %sign3A_2, %sign3A_5 : i32
    %sign3A_7 = arith.constant 0 : i32
    %sign3A_8 = arith.cmpi sgt, %jit3A, %sign3A_7 : i32
    %sign3A_9 = arith.extui %sign3A_8 : i1 to i32
    %sign3A_10 = arith.constant 0 : i32
    %sign3A_11 = arith.cmpi slt, %jit3A, %sign3A_10 : i32
    %sign3A_12 = arith.extui %sign3A_11 : i1 to i32
    %sign3A_13 = arith.subi %sign3A_9, %sign3A_12 : i32
    %ne3A = arith.cmpi ne, %sign3A_6, %sign3A_13 : i32
    %rem3A = arith.remsi %add3A, %jit3A : i32
    %ne3A_14 = arith.constant 0 : i32
    %ne3A_15 = arith.cmpi ne, %rem3A, %ne3A_14 : i32
    %and3A = arith.andi %ne3A, %ne3A_15 : i1
    %sub3A = arith.constant 1 : i32
    %sub3A_16 = arith.subi %div3A, %sub3A : i32
    %select_n3A = arith.select %and3A, %sub3A_16, %div3A : i32
    %jit3A_17 = arith.constant 4 : i32
    %eq3A = arith.constant 0 : i32
    %eq3A_18 = arith.cmpi eq, %jit3A_17, %eq3A : i32
    %jit3A_19 = arith.constant 1 : i32
    %select_n3A_20 = arith.select %eq3A_18, %jit3A_19, %jit3A_17 : i32
    %rem3A_21 = arith.remsi %add3A, %select_n3A_20 : i32
    %ne3A_22 = arith.constant 0 : i32
    %ne3A_23 = arith.cmpi ne, %rem3A_21, %ne3A_22 : i32
    %lt3A = arith.constant 0 : i32
    %lt3A_24 = arith.cmpi slt, %rem3A_21, %lt3A : i32
    %lt3A_25 = arith.constant 0 : i32
    %lt3A_26 = arith.cmpi slt, %select_n3A_20, %lt3A_25 : i32
    %ne3A_27 = arith.xori %lt3A_24, %lt3A_26 : i1
    %and3A_28 = arith.andi %ne3A_27, %ne3A_23 : i1
    %add3A_29 = arith.addi %rem3A_21, %select_n3A_20 : i32
    %select_n3A_30 = arith.select %and3A_28, %add3A_29, %rem3A_21 : i32
    %mul3A_31 = arith.constant 10000 : i32
    %mul3A_32 = arith.muli %select_n3A, %mul3A_31 : i32
    %mul3A_33 = arith.constant 31 : i32
    %mul3A_34 = arith.muli %mul3A_33, %select_n3A_30 : i32
    %min3A = arith.constant 1 : i32
    %min3A_35 = arith.minsi %select_n3A_30, %min3A : i32
    %add3A_36 = arith.addi %mul3A_34, %min3A_35 : i32
    %add3A_37 = arith.constant 32 : i32
    %add3A_38 = arith.addi %add3A_36, %add3A_37 : i32
    %min3A_39 = arith.constant 1 : i32
    %min3A_40 = arith.minsi %select_n3A_30, %min3A_39 : i32
    %sub3A_41 = arith.subi %add3A_38, %min3A_40 : i32
    %lt3A_42 = arith.constant 10 : i32
    %lt3A_43 = arith.cmpi slt, %arg1, %lt3A_42 : i32
    %convert_element_type3A = arith.extui %lt3A_43 : i1 to i32
    %cond3A = arith.constant 0 : i32
    %cond3A_44 = arith.cmpi ne, %convert_element_type3A, %cond3A : i32
    scf.if %cond3A_44 {
      %mul3A_173 = arith.constant 1000 : i32
      %mul3A_174 = arith.muli %arg1, %mul3A_173 : i32
      %mul3A_175 = arith.constant 1000 : i32
      %mul3A_176 = arith.muli %arg1, %mul3A_175 : i32
      "tpu.region"() ({
        %run_scoped3A = tpu.sem_alloc : memref<!tpu.dma_semaphore, #tpu.memory_space<semaphore_mem>>
        %dma_start3A_177 = arith.constant 0 : i32
        %dma_start3A_178 = tpu.memref_slice %arg7[%mul3A_176, %dma_start3A_177] : memref<10000x128xf32, #tpu.memory_space<vmem_shared>> -> memref<1000x128xf32, #tpu.memory_space<vmem_shared>>
        %dma_start3A_179 = arith.constant 0 : i32
        %dma_start3A_180 = tpu.memref_slice %arg2[%mul3A_174, %dma_start3A_179] : memref<10000x128xf32, #tpu.memory_space<hbm>> -> memref<1000x128xf32, #tpu.memory_space<hbm>>
        tpu.enqueue_dma source(%dma_start3A_180 : memref<1000x128xf32, #tpu.memory_space<hbm>>) target(%dma_start3A_178 : memref<1000x128xf32, #tpu.memory_space<vmem_shared>>) target_semaphore(%run_scoped3A : memref<!tpu.dma_semaphore, #tpu.memory_space<semaphore_mem>>)
        %dma_wait3A_181 = arith.constant 0 : i32
        %dma_wait3A_182 = tpu.memref_slice %arg7[%mul3A_176, %dma_wait3A_181] : memref<10000x128xf32, #tpu.memory_space<vmem_shared>> -> memref<1000x128xf32, #tpu.memory_space<vmem_shared>>
        %dma_wait3A_183 = arith.constant 0 : i32
        %dma_wait3A_184 = tpu.memref_slice %arg2[%mul3A_174, %dma_wait3A_183] : memref<10000x128xf32, #tpu.memory_space<hbm>> -> memref<1000x128xf32, #tpu.memory_space<hbm>>
        tpu.wait_dma2 semaphore(%run_scoped3A : memref<!tpu.dma_semaphore, #tpu.memory_space<semaphore_mem>>) src(%dma_wait3A_184 : memref<1000x128xf32, #tpu.memory_space<hbm>>) dst(%dma_wait3A_182 : memref<1000x128xf32, #tpu.memory_space<vmem_shared>>)
        tpu.yield
      }) : () -> ()
    } else {
    }
    %rem3A_45 = arith.constant 4 : i32
    %rem3A_46 = arith.remsi %add3A_36, %rem3A_45 : i32
    %dma_start3A = arith.constant 0 : i32
    %dma_start3A_47 = tpu.memref_slice %arg8[%rem3A_46, %dma_start3A] : memref<4x80xi32, #tpu.memory_space<vmem>> -> memref<1x80xi32, #tpu.memory_space<vmem>>
    %dma_start3A_48 = tpu.memref_squeeze %dma_start3A_47 : memref<1x80xi32, #tpu.memory_space<vmem>> -> memref<80xi32, #tpu.memory_space<vmem>>
    %dma_start3A_49 = arith.constant 0 : i32
    %dma_start3A_50 = arith.constant 0 : i32
    %dma_start3A_51 = tpu.memref_slice %arg3[%select_n3A, %dma_start3A_49, %dma_start3A_50] : memref<8x125x80xi32, #tpu.memory_space<hbm>> -> memref<1x125x80xi32, #tpu.memory_space<hbm>>
    %dma_start3A_52 = tpu.memref_squeeze %dma_start3A_51 : memref<1x125x80xi32, #tpu.memory_space<hbm>> -> memref<125x80xi32, #tpu.memory_space<hbm>>
    %dma_start3A_53 = arith.constant 0 : i32
    %dma_start3A_54 = tpu.memref_slice %dma_start3A_52[%add3A_36, %dma_start3A_53] : memref<125x80xi32, #tpu.memory_space<hbm>> -> memref<1x80xi32, #tpu.memory_space<hbm>>
    %dma_start3A_55 = tpu.memref_squeeze %dma_start3A_54 : memref<1x80xi32, #tpu.memory_space<hbm>> -> memref<80xi32, #tpu.memory_space<hbm>>
    %dma_start3A_56 = arith.constant 0 : i32
    %dma_start3A_57 = tpu.memref_slice %arg8[%rem3A_46, %dma_start3A_56] : memref<4x80xi32, #tpu.memory_space<vmem>> -> memref<1x80xi32, #tpu.memory_space<vmem>>
    %dma_start3A_58 = tpu.memref_squeeze %dma_start3A_57 : memref<1x80xi32, #tpu.memory_space<vmem>> -> memref<80xi32, #tpu.memory_space<vmem>>
    %dma_start3A_59 = arith.constant 0 : i32
    %dma_start3A_60 = arith.constant 0 : i32
    %dma_start3A_61 = tpu.memref_slice %arg3[%select_n3A, %dma_start3A_59, %dma_start3A_60] : memref<8x125x80xi32, #tpu.memory_space<hbm>> -> memref<1x125x80xi32, #tpu.memory_space<hbm>>
    %dma_start3A_62 = tpu.memref_squeeze %dma_start3A_61 : memref<1x125x80xi32, #tpu.memory_space<hbm>> -> memref<125x80xi32, #tpu.memory_space<hbm>>
    %dma_start3A_63 = arith.constant 0 : i32
    %dma_start3A_64 = tpu.memref_slice %dma_start3A_62[%add3A_36, %dma_start3A_63] : memref<125x80xi32, #tpu.memory_space<hbm>> -> memref<1x80xi32, #tpu.memory_space<hbm>>
    %dma_start3A_65 = tpu.memref_squeeze %dma_start3A_64 : memref<1x80xi32, #tpu.memory_space<hbm>> -> memref<80xi32, #tpu.memory_space<hbm>>
    tpu.enqueue_dma source(%dma_start3A_65 : memref<80xi32, #tpu.memory_space<hbm>>) target(%dma_start3A_58 : memref<80xi32, #tpu.memory_space<vmem>>) target_semaphore(%arg12 : memref<!tpu.dma_semaphore, #tpu.memory_space<semaphore_mem>>)
    %dma_start3A_66 = arith.constant 0 : i32
    %dma_start3A_67 = tpu.memref_slice %arg9[%rem3A_46, %dma_start3A_66] : memref<4x80xi32, #tpu.memory_space<vmem>> -> memref<1x80xi32, #tpu.memory_space<vmem>>
    %dma_start3A_68 = tpu.memref_squeeze %dma_start3A_67 : memref<1x80xi32, #tpu.memory_space<vmem>> -> memref<80xi32, #tpu.memory_space<vmem>>
    %dma_start3A_69 = arith.constant 0 : i32
    %dma_start3A_70 = arith.constant 0 : i32
    %dma_start3A_71 = tpu.memref_slice %arg4[%select_n3A, %dma_start3A_69, %dma_start3A_70] : memref<8x125x80xi32, #tpu.memory_space<hbm>> -> memref<1x125x80xi32, #tpu.memory_space<hbm>>
    %dma_start3A_72 = tpu.memref_squeeze %dma_start3A_71 : memref<1x125x80xi32, #tpu.memory_space<hbm>> -> memref<125x80xi32, #tpu.memory_space<hbm>>
    %dma_start3A_73 = arith.constant 0 : i32
    %dma_start3A_74 = tpu.memref_slice %dma_start3A_72[%add3A_36, %dma_start3A_73] : memref<125x80xi32, #tpu.memory_space<hbm>> -> memref<1x80xi32, #tpu.memory_space<hbm>>
    %dma_start3A_75 = tpu.memref_squeeze %dma_start3A_74 : memref<1x80xi32, #tpu.memory_space<hbm>> -> memref<80xi32, #tpu.memory_space<hbm>>
    %dma_start3A_76 = arith.constant 0 : i32
    %dma_start3A_77 = tpu.memref_slice %arg9[%rem3A_46, %dma_start3A_76] : memref<4x80xi32, #tpu.memory_space<vmem>> -> memref<1x80xi32, #tpu.memory_space<vmem>>
    %dma_start3A_78 = tpu.memref_squeeze %dma_start3A_77 : memref<1x80xi32, #tpu.memory_space<vmem>> -> memref<80xi32, #tpu.memory_space<vmem>>
    %dma_start3A_79 = arith.constant 0 : i32
    %dma_start3A_80 = arith.constant 0 : i32
    %dma_start3A_81 = tpu.memref_slice %arg4[%select_n3A, %dma_start3A_79, %dma_start3A_80] : memref<8x125x80xi32, #tpu.memory_space<hbm>> -> memref<1x125x80xi32, #tpu.memory_space<hbm>>
    %dma_start3A_82 = tpu.memref_squeeze %dma_start3A_81 : memref<1x125x80xi32, #tpu.memory_space<hbm>> -> memref<125x80xi32, #tpu.memory_space<hbm>>
    %dma_start3A_83 = arith.constant 0 : i32
    %dma_start3A_84 = tpu.memref_slice %dma_start3A_82[%add3A_36, %dma_start3A_83] : memref<125x80xi32, #tpu.memory_space<hbm>> -> memref<1x80xi32, #tpu.memory_space<hbm>>
    %dma_start3A_85 = tpu.memref_squeeze %dma_start3A_84 : memref<1x80xi32, #tpu.memory_space<hbm>> -> memref<80xi32, #tpu.memory_space<hbm>>
    tpu.enqueue_dma source(%dma_start3A_85 : memref<80xi32, #tpu.memory_space<hbm>>) target(%dma_start3A_78 : memref<80xi32, #tpu.memory_space<vmem>>) target_semaphore(%arg12 : memref<!tpu.dma_semaphore, #tpu.memory_space<semaphore_mem>>)
    %barrier3A = arith.constant 0 : index
    tpu.barrier barrier_id(%barrier3A)
    %while3A = arith.constant 0 : i32
    %while3A_86 = arith.subi %sub3A_41, %add3A_36 : i32
    %while3A_87 = arith.addi %add3A_36, %while3A_86 : i32
    %while3A_88 = arith.constant 1 : i32
    %while3A_89 = arith.divsi %while3A_86, %while3A_88 : i32
    %while3A_90 = arith.muli %while3A_89, %while3A_88 : i32
    %while3A_91 = arith.addi %add3A_36, %while3A_90 : i32
    %while3A_92 = arith.constant 1 : i32
    scf.for %while3A_173 = %add3A_36 to %while3A_91 step %while3A_92  : i32 {
      %rem3A_174 = arith.constant 2 : i32
      %rem3A_175 = arith.remsi %while3A_173, %rem3A_174 : i32
      %add3A_176 = arith.constant 2 : i32
      %add3A_177 = arith.addi %add3A_36, %add3A_176 : i32
      %ge3A = arith.cmpi sge, %while3A_173, %add3A_177 : i32
      %convert_element_type3A_178 = arith.extui %ge3A : i1 to i32
      %cond3A_179 = arith.constant 0 : i32
      %cond3A_180 = arith.cmpi ne, %convert_element_type3A_178, %cond3A_179 : i32
      scf.if %cond3A_180 {
        %sub3A_318 = arith.constant 2 : i32
        %sub3A_319 = arith.subi %while3A_173, %sub3A_318 : i32
        %rem3A_320 = arith.constant 2 : i32
        %rem3A_321 = arith.remsi %sub3A_319, %rem3A_320 : i32
        %mul3A_322 = arith.constant 80 : i32
        %mul3A_323 = arith.muli %sub3A_319, %mul3A_322 : i32
        %add3A_324 = arith.addi %mul3A_32, %mul3A_323 : i32
        %dma_wait3A_325 = arith.constant 0 : i32
        %dma_wait3A_326 = arith.constant 0 : i32
        %dma_wait3A_327 = arith.constant 0 : i32
        %dma_wait3A_328 = tpu.memref_slice %arg10[%dma_wait3A_325, %dma_wait3A_326, %dma_wait3A_327] : memref<2x80x128xf32, #tpu.memory_space<vmem>> -> memref<1x80x128xf32, #tpu.memory_space<vmem>>
        %dma_wait3A_329 = tpu.memref_squeeze %dma_wait3A_328 : memref<1x80x128xf32, #tpu.memory_space<vmem>> -> memref<80x128xf32, #tpu.memory_space<vmem>>
        %dma_wait3A_330 = arith.constant 0 : i32
        %dma_wait3A_331 = tpu.memref_slice %arg5[%add3A_324, %dma_wait3A_330] : memref<80000x128xf32, #tpu.memory_space<hbm>> -> memref<80x128xf32, #tpu.memory_space<hbm>>
        %dma_wait3A_332 = tpu.memref_slice %arg15[%rem3A_321] : memref<2x!tpu.dma_semaphore, #tpu.memory_space<semaphore_mem>> -> memref<1x!tpu.dma_semaphore, #tpu.memory_space<semaphore_mem>>
        %dma_wait3A_333 = tpu.memref_squeeze %dma_wait3A_332 : memref<1x!tpu.dma_semaphore, #tpu.memory_space<semaphore_mem>> -> memref<!tpu.dma_semaphore, #tpu.memory_space<semaphore_mem>>
        %dma_wait3A_334 = arith.constant 0 : i32
        %dma_wait3A_335 = tpu.memref_slice %arg5[%add3A_324, %dma_wait3A_334] : memref<80000x128xf32, #tpu.memory_space<hbm>> -> memref<80x128xf32, #tpu.memory_space<hbm>>
        %dma_wait3A_336 = arith.constant 0 : i32
        %dma_wait3A_337 = arith.constant 0 : i32
        %dma_wait3A_338 = tpu.memref_slice %arg10[%dma_wait3A_325, %dma_wait3A_336, %dma_wait3A_337] : memref<2x80x128xf32, #tpu.memory_space<vmem>> -> memref<1x80x128xf32, #tpu.memory_space<vmem>>
        %dma_wait3A_339 = tpu.memref_squeeze %dma_wait3A_338 : memref<1x80x128xf32, #tpu.memory_space<vmem>> -> memref<80x128xf32, #tpu.memory_space<vmem>>
        tpu.wait_dma2 semaphore(%dma_wait3A_333 : memref<!tpu.dma_semaphore, #tpu.memory_space<semaphore_mem>>) src(%dma_wait3A_339 : memref<80x128xf32, #tpu.memory_space<vmem>>) dst(%dma_wait3A_335 : memref<80x128xf32, #tpu.memory_space<hbm>>)
        %mul3A_340 = arith.constant 80 : i32
        %mul3A_341 = arith.muli %sub3A_319, %mul3A_340 : i32
        %add3A_342 = arith.addi %mul3A_32, %mul3A_341 : i32
        %dma_wait3A_343 = arith.constant 0 : i32
        %dma_wait3A_344 = arith.constant 0 : i32
        %dma_wait3A_345 = arith.constant 0 : i32
        %dma_wait3A_346 = tpu.memref_slice %arg11[%dma_wait3A_343, %dma_wait3A_344, %dma_wait3A_345] : memref<2x80x128xf32, #tpu.memory_space<vmem>> -> memref<1x80x128xf32, #tpu.memory_space<vmem>>
        %dma_wait3A_347 = tpu.memref_squeeze %dma_wait3A_346 : memref<1x80x128xf32, #tpu.memory_space<vmem>> -> memref<80x128xf32, #tpu.memory_space<vmem>>
        %dma_wait3A_348 = arith.constant 0 : i32
        %dma_wait3A_349 = tpu.memref_slice %arg6[%add3A_342, %dma_wait3A_348] : memref<80000x128xf32, #tpu.memory_space<hbm>> -> memref<80x128xf32, #tpu.memory_space<hbm>>
        %dma_wait3A_350 = tpu.memref_slice %arg16[%rem3A_321] : memref<2x!tpu.dma_semaphore, #tpu.memory_space<semaphore_mem>> -> memref<1x!tpu.dma_semaphore, #tpu.memory_space<semaphore_mem>>
        %dma_wait3A_351 = tpu.memref_squeeze %dma_wait3A_350 : memref<1x!tpu.dma_semaphore, #tpu.memory_space<semaphore_mem>> -> memref<!tpu.dma_semaphore, #tpu.memory_space<semaphore_mem>>
        %dma_wait3A_352 = arith.constant 0 : i32
        %dma_wait3A_353 = tpu.memref_slice %arg6[%add3A_342, %dma_wait3A_352] : memref<80000x128xf32, #tpu.memory_space<hbm>> -> memref<80x128xf32, #tpu.memory_space<hbm>>
        %dma_wait3A_354 = arith.constant 0 : i32
        %dma_wait3A_355 = arith.constant 0 : i32
        %dma_wait3A_356 = tpu.memref_slice %arg11[%dma_wait3A_343, %dma_wait3A_354, %dma_wait3A_355] : memref<2x80x128xf32, #tpu.memory_space<vmem>> -> memref<1x80x128xf32, #tpu.memory_space<vmem>>
        %dma_wait3A_357 = tpu.memref_squeeze %dma_wait3A_356 : memref<1x80x128xf32, #tpu.memory_space<vmem>> -> memref<80x128xf32, #tpu.memory_space<vmem>>
        tpu.wait_dma2 semaphore(%dma_wait3A_351 : memref<!tpu.dma_semaphore, #tpu.memory_space<semaphore_mem>>) src(%dma_wait3A_357 : memref<80x128xf32, #tpu.memory_space<vmem>>) dst(%dma_wait3A_353 : memref<80x128xf32, #tpu.memory_space<hbm>>)
      } else {
      }
      %rem3A_181 = arith.constant 4 : i32
      %rem3A_182 = arith.remsi %while3A_173, %rem3A_181 : i32
      %dma_wait3A_183 = arith.constant 0 : i32
      %dma_wait3A_184 = arith.constant 0 : i32
      %dma_wait3A_185 = arith.constant 0 : i32
      %dma_wait3A_186 = tpu.memref_slice %arg8[%rem3A_182, %dma_wait3A_185] : memref<4x80xi32, #tpu.memory_space<vmem>> -> memref<1x80xi32, #tpu.memory_space<vmem>>
      %dma_wait3A_187 = tpu.memref_squeeze %dma_wait3A_186 : memref<1x80xi32, #tpu.memory_space<vmem>> -> memref<80xi32, #tpu.memory_space<vmem>>
      %dma_wait3A_188 = arith.constant 0 : i32
      %dma_wait3A_189 = arith.constant 0 : i32
      %dma_wait3A_190 = tpu.memref_slice %arg3[%dma_wait3A_183, %dma_wait3A_188, %dma_wait3A_189] : memref<8x125x80xi32, #tpu.memory_space<hbm>> -> memref<1x125x80xi32, #tpu.memory_space<hbm>>
      %dma_wait3A_191 = tpu.memref_squeeze %dma_wait3A_190 : memref<1x125x80xi32, #tpu.memory_space<hbm>> -> memref<125x80xi32, #tpu.memory_space<hbm>>
      %dma_wait3A_192 = arith.constant 0 : i32
      %dma_wait3A_193 = tpu.memref_slice %dma_wait3A_191[%dma_wait3A_184, %dma_wait3A_192] : memref<125x80xi32, #tpu.memory_space<hbm>> -> memref<1x80xi32, #tpu.memory_space<hbm>>
      %dma_wait3A_194 = tpu.memref_squeeze %dma_wait3A_193 : memref<1x80xi32, #tpu.memory_space<hbm>> -> memref<80xi32, #tpu.memory_space<hbm>>
      %dma_wait3A_195 = arith.constant 0 : i32
      %dma_wait3A_196 = tpu.memref_slice %arg8[%rem3A_182, %dma_wait3A_195] : memref<4x80xi32, #tpu.memory_space<vmem>> -> memref<1x80xi32, #tpu.memory_space<vmem>>
      %dma_wait3A_197 = tpu.memref_squeeze %dma_wait3A_196 : memref<1x80xi32, #tpu.memory_space<vmem>> -> memref<80xi32, #tpu.memory_space<vmem>>
      %dma_wait3A_198 = arith.constant 0 : i32
      %dma_wait3A_199 = arith.constant 0 : i32
      %dma_wait3A_200 = tpu.memref_slice %arg3[%dma_wait3A_183, %dma_wait3A_198, %dma_wait3A_199] : memref<8x125x80xi32, #tpu.memory_space<hbm>> -> memref<1x125x80xi32, #tpu.memory_space<hbm>>
      %dma_wait3A_201 = tpu.memref_squeeze %dma_wait3A_200 : memref<1x125x80xi32, #tpu.memory_space<hbm>> -> memref<125x80xi32, #tpu.memory_space<hbm>>
      %dma_wait3A_202 = arith.constant 0 : i32
      %dma_wait3A_203 = tpu.memref_slice %dma_wait3A_201[%dma_wait3A_184, %dma_wait3A_202] : memref<125x80xi32, #tpu.memory_space<hbm>> -> memref<1x80xi32, #tpu.memory_space<hbm>>
      %dma_wait3A_204 = tpu.memref_squeeze %dma_wait3A_203 : memref<1x80xi32, #tpu.memory_space<hbm>> -> memref<80xi32, #tpu.memory_space<hbm>>
      tpu.wait_dma2 semaphore(%arg12 : memref<!tpu.dma_semaphore, #tpu.memory_space<semaphore_mem>>) src(%dma_wait3A_204 : memref<80xi32, #tpu.memory_space<hbm>>) dst(%dma_wait3A_197 : memref<80xi32, #tpu.memory_space<vmem>>)
      %dma_wait3A_205 = arith.constant 0 : i32
      %dma_wait3A_206 = arith.constant 0 : i32
      %dma_wait3A_207 = arith.constant 0 : i32
      %dma_wait3A_208 = tpu.memref_slice %arg9[%rem3A_182, %dma_wait3A_207] : memref<4x80xi32, #tpu.memory_space<vmem>> -> memref<1x80xi32, #tpu.memory_space<vmem>>
      %dma_wait3A_209 = tpu.memref_squeeze %dma_wait3A_208 : memref<1x80xi32, #tpu.memory_space<vmem>> -> memref<80xi32, #tpu.memory_space<vmem>>
      %dma_wait3A_210 = arith.constant 0 : i32
      %dma_wait3A_211 = arith.constant 0 : i32
      %dma_wait3A_212 = tpu.memref_slice %arg3[%dma_wait3A_205, %dma_wait3A_210, %dma_wait3A_211] : memref<8x125x80xi32, #tpu.memory_space<hbm>> -> memref<1x125x80xi32, #tpu.memory_space<hbm>>
      %dma_wait3A_213 = tpu.memref_squeeze %dma_wait3A_212 : memref<1x125x80xi32, #tpu.memory_space<hbm>> -> memref<125x80xi32, #tpu.memory_space<hbm>>
      %dma_wait3A_214 = arith.constant 0 : i32
      %dma_wait3A_215 = tpu.memref_slice %dma_wait3A_213[%dma_wait3A_206, %dma_wait3A_214] : memref<125x80xi32, #tpu.memory_space<hbm>> -> memref<1x80xi32, #tpu.memory_space<hbm>>
      %dma_wait3A_216 = tpu.memref_squeeze %dma_wait3A_215 : memref<1x80xi32, #tpu.memory_space<hbm>> -> memref<80xi32, #tpu.memory_space<hbm>>
      %dma_wait3A_217 = arith.constant 0 : i32
      %dma_wait3A_218 = tpu.memref_slice %arg9[%rem3A_182, %dma_wait3A_217] : memref<4x80xi32, #tpu.memory_space<vmem>> -> memref<1x80xi32, #tpu.memory_space<vmem>>
      %dma_wait3A_219 = tpu.memref_squeeze %dma_wait3A_218 : memref<1x80xi32, #tpu.memory_space<vmem>> -> memref<80xi32, #tpu.memory_space<vmem>>
      %dma_wait3A_220 = arith.constant 0 : i32
      %dma_wait3A_221 = arith.constant 0 : i32
      %dma_wait3A_222 = tpu.memref_slice %arg3[%dma_wait3A_205, %dma_wait3A_220, %dma_wait3A_221] : memref<8x125x80xi32, #tpu.memory_space<hbm>> -> memref<1x125x80xi32, #tpu.memory_space<hbm>>
      %dma_wait3A_223 = tpu.memref_squeeze %dma_wait3A_222 : memref<1x125x80xi32, #tpu.memory_space<hbm>> -> memref<125x80xi32, #tpu.memory_space<hbm>>
      %dma_wait3A_224 = arith.constant 0 : i32
      %dma_wait3A_225 = tpu.memref_slice %dma_wait3A_223[%dma_wait3A_206, %dma_wait3A_224] : memref<125x80xi32, #tpu.memory_space<hbm>> -> memref<1x80xi32, #tpu.memory_space<hbm>>
      %dma_wait3A_226 = tpu.memref_squeeze %dma_wait3A_225 : memref<1x80xi32, #tpu.memory_space<hbm>> -> memref<80xi32, #tpu.memory_space<hbm>>
      tpu.wait_dma2 semaphore(%arg12 : memref<!tpu.dma_semaphore, #tpu.memory_space<semaphore_mem>>) src(%dma_wait3A_226 : memref<80xi32, #tpu.memory_space<hbm>>) dst(%dma_wait3A_219 : memref<80xi32, #tpu.memory_space<vmem>>)
      %add3A_227 = arith.constant 1 : i32
      %add3A_228 = arith.addi %while3A_173, %add3A_227 : i32
      %lt3A_229 = arith.cmpi slt, %add3A_228, %sub3A_41 : i32
      %convert_element_type3A_230 = arith.extui %lt3A_229 : i1 to i32
      %cond3A_231 = arith.constant 0 : i32
      %cond3A_232 = arith.cmpi ne, %convert_element_type3A_230, %cond3A_231 : i32
      scf.if %cond3A_232 {
        %add3A_318 = arith.constant 1 : i32
        %add3A_319 = arith.addi %while3A_173, %add3A_318 : i32
        %rem3A_320 = arith.constant 4 : i32
        %rem3A_321 = arith.remsi %add3A_319, %rem3A_320 : i32
        %dma_start3A_322 = arith.constant 0 : i32
        %dma_start3A_323 = tpu.memref_slice %arg8[%rem3A_321, %dma_start3A_322] : memref<4x80xi32, #tpu.memory_space<vmem>> -> memref<1x80xi32, #tpu.memory_space<vmem>>
        %dma_start3A_324 = tpu.memref_squeeze %dma_start3A_323 : memref<1x80xi32, #tpu.memory_space<vmem>> -> memref<80xi32, #tpu.memory_space<vmem>>
        %dma_start3A_325 = arith.constant 0 : i32
        %dma_start3A_326 = arith.constant 0 : i32
        %dma_start3A_327 = tpu.memref_slice %arg3[%select_n3A, %dma_start3A_325, %dma_start3A_326] : memref<8x125x80xi32, #tpu.memory_space<hbm>> -> memref<1x125x80xi32, #tpu.memory_space<hbm>>
        %dma_start3A_328 = tpu.memref_squeeze %dma_start3A_327 : memref<1x125x80xi32, #tpu.memory_space<hbm>> -> memref<125x80xi32, #tpu.memory_space<hbm>>
        %dma_start3A_329 = arith.constant 0 : i32
        %dma_start3A_330 = tpu.memref_slice %dma_start3A_328[%add3A_319, %dma_start3A_329] : memref<125x80xi32, #tpu.memory_space<hbm>> -> memref<1x80xi32, #tpu.memory_space<hbm>>
        %dma_start3A_331 = tpu.memref_squeeze %dma_start3A_330 : memref<1x80xi32, #tpu.memory_space<hbm>> -> memref<80xi32, #tpu.memory_space<hbm>>
        %dma_start3A_332 = arith.constant 0 : i32
        %dma_start3A_333 = tpu.memref_slice %arg8[%rem3A_321, %dma_start3A_332] : memref<4x80xi32, #tpu.memory_space<vmem>> -> memref<1x80xi32, #tpu.memory_space<vmem>>
        %dma_start3A_334 = tpu.memref_squeeze %dma_start3A_333 : memref<1x80xi32, #tpu.memory_space<vmem>> -> memref<80xi32, #tpu.memory_space<vmem>>
        %dma_start3A_335 = arith.constant 0 : i32
        %dma_start3A_336 = arith.constant 0 : i32
        %dma_start3A_337 = tpu.memref_slice %arg3[%select_n3A, %dma_start3A_335, %dma_start3A_336] : memref<8x125x80xi32, #tpu.memory_space<hbm>> -> memref<1x125x80xi32, #tpu.memory_space<hbm>>
        %dma_start3A_338 = tpu.memref_squeeze %dma_start3A_337 : memref<1x125x80xi32, #tpu.memory_space<hbm>> -> memref<125x80xi32, #tpu.memory_space<hbm>>
        %dma_start3A_339 = arith.constant 0 : i32
        %dma_start3A_340 = tpu.memref_slice %dma_start3A_338[%add3A_319, %dma_start3A_339] : memref<125x80xi32, #tpu.memory_space<hbm>> -> memref<1x80xi32, #tpu.memory_space<hbm>>
        %dma_start3A_341 = tpu.memref_squeeze %dma_start3A_340 : memref<1x80xi32, #tpu.memory_space<hbm>> -> memref<80xi32, #tpu.memory_space<hbm>>
        tpu.enqueue_dma source(%dma_start3A_341 : memref<80xi32, #tpu.memory_space<hbm>>) target(%dma_start3A_334 : memref<80xi32, #tpu.memory_space<vmem>>) target_semaphore(%arg12 : memref<!tpu.dma_semaphore, #tpu.memory_space<semaphore_mem>>)
        %dma_start3A_342 = arith.constant 0 : i32
        %dma_start3A_343 = tpu.memref_slice %arg9[%rem3A_321, %dma_start3A_342] : memref<4x80xi32, #tpu.memory_space<vmem>> -> memref<1x80xi32, #tpu.memory_space<vmem>>
        %dma_start3A_344 = tpu.memref_squeeze %dma_start3A_343 : memref<1x80xi32, #tpu.memory_space<vmem>> -> memref<80xi32, #tpu.memory_space<vmem>>
        %dma_start3A_345 = arith.constant 0 : i32
        %dma_start3A_346 = arith.constant 0 : i32
        %dma_start3A_347 = tpu.memref_slice %arg4[%select_n3A, %dma_start3A_345, %dma_start3A_346] : memref<8x125x80xi32, #tpu.memory_space<hbm>> -> memref<1x125x80xi32, #tpu.memory_space<hbm>>
        %dma_start3A_348 = tpu.memref_squeeze %dma_start3A_347 : memref<1x125x80xi32, #tpu.memory_space<hbm>> -> memref<125x80xi32, #tpu.memory_space<hbm>>
        %dma_start3A_349 = arith.constant 0 : i32
        %dma_start3A_350 = tpu.memref_slice %dma_start3A_348[%add3A_319, %dma_start3A_349] : memref<125x80xi32, #tpu.memory_space<hbm>> -> memref<1x80xi32, #tpu.memory_space<hbm>>
        %dma_start3A_351 = tpu.memref_squeeze %dma_start3A_350 : memref<1x80xi32, #tpu.memory_space<hbm>> -> memref<80xi32, #tpu.memory_space<hbm>>
        %dma_start3A_352 = arith.constant 0 : i32
        %dma_start3A_353 = tpu.memref_slice %arg9[%rem3A_321, %dma_start3A_352] : memref<4x80xi32, #tpu.memory_space<vmem>> -> memref<1x80xi32, #tpu.memory_space<vmem>>
        %dma_start3A_354 = tpu.memref_squeeze %dma_start3A_353 : memref<1x80xi32, #tpu.memory_space<vmem>> -> memref<80xi32, #tpu.memory_space<vmem>>
        %dma_start3A_355 = arith.constant 0 : i32
        %dma_start3A_356 = arith.constant 0 : i32
        %dma_start3A_357 = tpu.memref_slice %arg4[%select_n3A, %dma_start3A_355, %dma_start3A_356] : memref<8x125x80xi32, #tpu.memory_space<hbm>> -> memref<1x125x80xi32, #tpu.memory_space<hbm>>
        %dma_start3A_358 = tpu.memref_squeeze %dma_start3A_357 : memref<1x125x80xi32, #tpu.memory_space<hbm>> -> memref<125x80xi32, #tpu.memory_space<hbm>>
        %dma_start3A_359 = arith.constant 0 : i32
        %dma_start3A_360 = tpu.memref_slice %dma_start3A_358[%add3A_319, %dma_start3A_359] : memref<125x80xi32, #tpu.memory_space<hbm>> -> memref<1x80xi32, #tpu.memory_space<hbm>>
        %dma_start3A_361 = tpu.memref_squeeze %dma_start3A_360 : memref<1x80xi32, #tpu.memory_space<hbm>> -> memref<80xi32, #tpu.memory_space<hbm>>
        tpu.enqueue_dma source(%dma_start3A_361 : memref<80xi32, #tpu.memory_space<hbm>>) target(%dma_start3A_354 : memref<80xi32, #tpu.memory_space<vmem>>) target_semaphore(%arg12 : memref<!tpu.dma_semaphore, #tpu.memory_space<semaphore_mem>>)
      } else {
      }
      %rem3A_233 = arith.constant 4 : i32
      %rem3A_234 = arith.remsi %while3A_173, %rem3A_233 : i32
      %dma_start3A_235 = arith.constant 0 : i32
      %dma_start3A_236 = arith.constant 0 : i32
      %dma_start3A_237 = tpu.memref_slice %arg10[%rem3A_175, %dma_start3A_235, %dma_start3A_236] : memref<2x80x128xf32, #tpu.memory_space<vmem>> -> memref<1x80x128xf32, #tpu.memory_space<vmem>>
      %dma_start3A_238 = tpu.memref_squeeze %dma_start3A_237 : memref<1x80x128xf32, #tpu.memory_space<vmem>> -> memref<80x128xf32, #tpu.memory_space<vmem>>
      %dma_start3A_239 = arith.constant 0 : i32
      %dma_start3A_240 = tpu.memref_slice %arg8[%rem3A_234, %dma_start3A_239] : memref<4x80xi32, #tpu.memory_space<vmem>> -> memref<1x80xi32, #tpu.memory_space<vmem>>
      %dma_start3A_241 = tpu.memref_squeeze %dma_start3A_240 : memref<1x80xi32, #tpu.memory_space<vmem>> -> memref<80xi32, #tpu.memory_space<vmem>>
      %dma_start3A_242 = arith.constant 0 : i32
      %dma_start3A_243 = arith.constant 0 : i32
      %dma_start3A_244 = tpu.memref_slice %arg7[%dma_start3A_242, %dma_start3A_243] : memref<10000x128xf32, #tpu.memory_space<vmem_shared>> -> memref<10000x128xf32, #tpu.memory_space<vmem_shared>>
      tpu.enqueue_indirect_dma source(%dma_start3A_244 : memref<10000x128xf32, #tpu.memory_space<vmem_shared>>) target(%dma_start3A_238 : memref<80x128xf32, #tpu.memory_space<vmem>>) offsets(%dma_start3A_241 : memref<80xi32, #tpu.memory_space<vmem>>) semaphore(%arg13 : memref<!tpu.dma_semaphore, #tpu.memory_space<semaphore_mem>>)
      %mul3A_245 = arith.constant 80 : i32
      %mul3A_246 = arith.muli %while3A_173, %mul3A_245 : i32
      %dma_start3A_247 = arith.constant 0 : i32
      %dma_start3A_248 = arith.constant 0 : i32
      %dma_start3A_249 = tpu.memref_slice %arg11[%rem3A_175, %dma_start3A_247, %dma_start3A_248] : memref<2x80x128xf32, #tpu.memory_space<vmem>> -> memref<1x80x128xf32, #tpu.memory_space<vmem>>
      %dma_start3A_250 = tpu.memref_squeeze %dma_start3A_249 : memref<1x80x128xf32, #tpu.memory_space<vmem>> -> memref<80x128xf32, #tpu.memory_space<vmem>>
      %dma_start3A_251 = arith.constant 0 : i32
      %dma_start3A_252 = tpu.memref_slice %arg7[%mul3A_246, %dma_start3A_251] : memref<10000x128xf32, #tpu.memory_space<vmem_shared>> -> memref<80x128xf32, #tpu.memory_space<vmem_shared>>
      %dma_start3A_253 = arith.constant 0 : i32
      %dma_start3A_254 = arith.constant 0 : i32
      %dma_start3A_255 = tpu.memref_slice %arg11[%rem3A_175, %dma_start3A_253, %dma_start3A_254] : memref<2x80x128xf32, #tpu.memory_space<vmem>> -> memref<1x80x128xf32, #tpu.memory_space<vmem>>
      %dma_start3A_256 = tpu.memref_squeeze %dma_start3A_255 : memref<1x80x128xf32, #tpu.memory_space<vmem>> -> memref<80x128xf32, #tpu.memory_space<vmem>>
      %dma_start3A_257 = arith.constant 0 : i32
      %dma_start3A_258 = tpu.memref_slice %arg7[%mul3A_246, %dma_start3A_257] : memref<10000x128xf32, #tpu.memory_space<vmem_shared>> -> memref<80x128xf32, #tpu.memory_space<vmem_shared>>
      tpu.enqueue_dma source(%dma_start3A_258 : memref<80x128xf32, #tpu.memory_space<vmem_shared>>) target(%dma_start3A_256 : memref<80x128xf32, #tpu.memory_space<vmem>>) target_semaphore(%arg14 : memref<!tpu.dma_semaphore, #tpu.memory_space<semaphore_mem>>)
      %dma_wait3A_259 = arith.constant 0 : i32
      %dma_wait3A_260 = arith.constant 0 : i32
      %dma_wait3A_261 = tpu.memref_slice %arg10[%rem3A_175, %dma_wait3A_259, %dma_wait3A_260] : memref<2x80x128xf32, #tpu.memory_space<vmem>> -> memref<1x80x128xf32, #tpu.memory_space<vmem>>
      %dma_wait3A_262 = tpu.memref_squeeze %dma_wait3A_261 : memref<1x80x128xf32, #tpu.memory_space<vmem>> -> memref<80x128xf32, #tpu.memory_space<vmem>>
      %dma_wait3A_263 = arith.constant 0 : i32
      %dma_wait3A_264 = arith.constant 0 : i32
      %dma_wait3A_265 = tpu.memref_slice %arg2[%dma_wait3A_263, %dma_wait3A_264] : memref<10000x128xf32, #tpu.memory_space<hbm>> -> memref<80x128xf32, #tpu.memory_space<hbm>>
      %dma_wait3A_266 = arith.constant 0 : i32
      %dma_wait3A_267 = arith.constant 0 : i32
      %dma_wait3A_268 = tpu.memref_slice %arg10[%rem3A_175, %dma_wait3A_266, %dma_wait3A_267] : memref<2x80x128xf32, #tpu.memory_space<vmem>> -> memref<1x80x128xf32, #tpu.memory_space<vmem>>
      %dma_wait3A_269 = tpu.memref_squeeze %dma_wait3A_268 : memref<1x80x128xf32, #tpu.memory_space<vmem>> -> memref<80x128xf32, #tpu.memory_space<vmem>>
      %dma_wait3A_270 = arith.constant 0 : i32
      %dma_wait3A_271 = arith.constant 0 : i32
      %dma_wait3A_272 = tpu.memref_slice %arg2[%dma_wait3A_270, %dma_wait3A_271] : memref<10000x128xf32, #tpu.memory_space<hbm>> -> memref<80x128xf32, #tpu.memory_space<hbm>>
      tpu.wait_dma2 semaphore(%arg13 : memref<!tpu.dma_semaphore, #tpu.memory_space<semaphore_mem>>) src(%dma_wait3A_272 : memref<80x128xf32, #tpu.memory_space<hbm>>) dst(%dma_wait3A_269 : memref<80x128xf32, #tpu.memory_space<vmem>>)
      %dma_wait3A_273 = arith.constant 0 : i32
      %dma_wait3A_274 = arith.constant 0 : i32
      %dma_wait3A_275 = tpu.memref_slice %arg11[%rem3A_175, %dma_wait3A_273, %dma_wait3A_274] : memref<2x80x128xf32, #tpu.memory_space<vmem>> -> memref<1x80x128xf32, #tpu.memory_space<vmem>>
      %dma_wait3A_276 = tpu.memref_squeeze %dma_wait3A_275 : memref<1x80x128xf32, #tpu.memory_space<vmem>> -> memref<80x128xf32, #tpu.memory_space<vmem>>
      %dma_wait3A_277 = arith.constant 0 : i32
      %dma_wait3A_278 = arith.constant 0 : i32
      %dma_wait3A_279 = tpu.memref_slice %arg2[%dma_wait3A_277, %dma_wait3A_278] : memref<10000x128xf32, #tpu.memory_space<hbm>> -> memref<80x128xf32, #tpu.memory_space<hbm>>
      %dma_wait3A_280 = arith.constant 0 : i32
      %dma_wait3A_281 = arith.constant 0 : i32
      %dma_wait3A_282 = tpu.memref_slice %arg11[%rem3A_175, %dma_wait3A_280, %dma_wait3A_281] : memref<2x80x128xf32, #tpu.memory_space<vmem>> -> memref<1x80x128xf32, #tpu.memory_space<vmem>>
      %dma_wait3A_283 = tpu.memref_squeeze %dma_wait3A_282 : memref<1x80x128xf32, #tpu.memory_space<vmem>> -> memref<80x128xf32, #tpu.memory_space<vmem>>
      %dma_wait3A_284 = arith.constant 0 : i32
      %dma_wait3A_285 = arith.constant 0 : i32
      %dma_wait3A_286 = tpu.memref_slice %arg2[%dma_wait3A_284, %dma_wait3A_285] : memref<10000x128xf32, #tpu.memory_space<hbm>> -> memref<80x128xf32, #tpu.memory_space<hbm>>
      tpu.wait_dma2 semaphore(%arg14 : memref<!tpu.dma_semaphore, #tpu.memory_space<semaphore_mem>>) src(%dma_wait3A_286 : memref<80x128xf32, #tpu.memory_space<hbm>>) dst(%dma_wait3A_283 : memref<80x128xf32, #tpu.memory_space<vmem>>)
      %mul3A_287 = arith.constant 80 : i32
      %mul3A_288 = arith.muli %while3A_173, %mul3A_287 : i32
      %add3A_289 = arith.addi %mul3A_32, %mul3A_288 : i32
      %dma_start3A_290 = arith.constant 0 : i32
      %dma_start3A_291 = arith.constant 0 : i32
      %dma_start3A_292 = tpu.memref_slice %arg10[%rem3A_175, %dma_start3A_290, %dma_start3A_291] : memref<2x80x128xf32, #tpu.memory_space<vmem>> -> memref<1x80x128xf32, #tpu.memory_space<vmem>>
      %dma_start3A_293 = tpu.memref_squeeze %dma_start3A_292 : memref<1x80x128xf32, #tpu.memory_space<vmem>> -> memref<80x128xf32, #tpu.memory_space<vmem>>
      %dma_start3A_294 = arith.constant 0 : i32
      %dma_start3A_295 = tpu.memref_slice %arg5[%add3A_289, %dma_start3A_294] : memref<80000x128xf32, #tpu.memory_space<hbm>> -> memref<80x128xf32, #tpu.memory_space<hbm>>
      %dma_start3A_296 = tpu.memref_slice %arg15[%rem3A_175] : memref<2x!tpu.dma_semaphore, #tpu.memory_space<semaphore_mem>> -> memref<1x!tpu.dma_semaphore, #tpu.memory_space<semaphore_mem>>
      %dma_start3A_297 = tpu.memref_squeeze %dma_start3A_296 : memref<1x!tpu.dma_semaphore, #tpu.memory_space<semaphore_mem>> -> memref<!tpu.dma_semaphore, #tpu.memory_space<semaphore_mem>>
      %dma_start3A_298 = arith.constant 0 : i32
      %dma_start3A_299 = tpu.memref_slice %arg5[%add3A_289, %dma_start3A_298] : memref<80000x128xf32, #tpu.memory_space<hbm>> -> memref<80x128xf32, #tpu.memory_space<hbm>>
      %dma_start3A_300 = arith.constant 0 : i32
      %dma_start3A_301 = arith.constant 0 : i32
      %dma_start3A_302 = tpu.memref_slice %arg10[%rem3A_175, %dma_start3A_300, %dma_start3A_301] : memref<2x80x128xf32, #tpu.memory_space<vmem>> -> memref<1x80x128xf32, #tpu.memory_space<vmem>>
      %dma_start3A_303 = tpu.memref_squeeze %dma_start3A_302 : memref<1x80x128xf32, #tpu.memory_space<vmem>> -> memref<80x128xf32, #tpu.memory_space<vmem>>
      tpu.enqueue_dma source(%dma_start3A_303 : memref<80x128xf32, #tpu.memory_space<vmem>>) target(%dma_start3A_299 : memref<80x128xf32, #tpu.memory_space<hbm>>) target_semaphore(%dma_start3A_297 : memref<!tpu.dma_semaphore, #tpu.memory_space<semaphore_mem>>)
      %rem3A_304 = arith.constant 4 : i32
      %rem3A_305 = arith.remsi %while3A_173, %rem3A_304 : i32
      %dma_start3A_306 = arith.constant 0 : i32
      %dma_start3A_307 = arith.constant 0 : i32
      %dma_start3A_308 = tpu.memref_slice %arg11[%rem3A_175, %dma_start3A_306, %dma_start3A_307] : memref<2x80x128xf32, #tpu.memory_space<vmem>> -> memref<1x80x128xf32, #tpu.memory_space<vmem>>
      %dma_start3A_309 = tpu.memref_squeeze %dma_start3A_308 : memref<1x80x128xf32, #tpu.memory_space<vmem>> -> memref<80x128xf32, #tpu.memory_space<vmem>>
      %dma_start3A_310 = arith.constant 0 : i32
      %dma_start3A_311 = tpu.memref_slice %arg9[%rem3A_305, %dma_start3A_310] : memref<4x80xi32, #tpu.memory_space<vmem>> -> memref<1x80xi32, #tpu.memory_space<vmem>>
      %dma_start3A_312 = tpu.memref_squeeze %dma_start3A_311 : memref<1x80xi32, #tpu.memory_space<vmem>> -> memref<80xi32, #tpu.memory_space<vmem>>
      %dma_start3A_313 = arith.constant 0 : i32
      %dma_start3A_314 = arith.constant 0 : i32
      %dma_start3A_315 = tpu.memref_slice %arg6[%dma_start3A_313, %dma_start3A_314] : memref<80000x128xf32, #tpu.memory_space<hbm>> -> memref<80000x128xf32, #tpu.memory_space<hbm>>
      %dma_start3A_316 = tpu.memref_slice %arg16[%rem3A_175] : memref<2x!tpu.dma_semaphore, #tpu.memory_space<semaphore_mem>> -> memref<1x!tpu.dma_semaphore, #tpu.memory_space<semaphore_mem>>
      %dma_start3A_317 = tpu.memref_squeeze %dma_start3A_316 : memref<1x!tpu.dma_semaphore, #tpu.memory_space<semaphore_mem>> -> memref<!tpu.dma_semaphore, #tpu.memory_space<semaphore_mem>>
      tpu.enqueue_indirect_dma source(%dma_start3A_309 : memref<80x128xf32, #tpu.memory_space<vmem>>) target(%dma_start3A_315 : memref<80000x128xf32, #tpu.memory_space<hbm>>) offsets(%dma_start3A_312 : memref<80xi32, #tpu.memory_space<vmem>>) semaphore(%dma_start3A_317 : memref<!tpu.dma_semaphore, #tpu.memory_space<semaphore_mem>>)
    }
    %while3A_93 = arith.constant 1 : i32
    scf.for %while3A_173 = %while3A_91 to %while3A_87 step %while3A_93  : i32 {
      %rem3A_174 = arith.constant 2 : i32
      %rem3A_175 = arith.remsi %while3A_173, %rem3A_174 : i32
      %add3A_176 = arith.constant 2 : i32
      %add3A_177 = arith.addi %add3A_36, %add3A_176 : i32
      %ge3A = arith.cmpi sge, %while3A_173, %add3A_177 : i32
      %convert_element_type3A_178 = arith.extui %ge3A : i1 to i32
      %cond3A_179 = arith.constant 0 : i32
      %cond3A_180 = arith.cmpi ne, %convert_element_type3A_178, %cond3A_179 : i32
      scf.if %cond3A_180 {
        %sub3A_318 = arith.constant 2 : i32
        %sub3A_319 = arith.subi %while3A_173, %sub3A_318 : i32
        %rem3A_320 = arith.constant 2 : i32
        %rem3A_321 = arith.remsi %sub3A_319, %rem3A_320 : i32
        %mul3A_322 = arith.constant 80 : i32
        %mul3A_323 = arith.muli %sub3A_319, %mul3A_322 : i32
        %add3A_324 = arith.addi %mul3A_32, %mul3A_323 : i32
        %dma_wait3A_325 = arith.constant 0 : i32
        %dma_wait3A_326 = arith.constant 0 : i32
        %dma_wait3A_327 = arith.constant 0 : i32
        %dma_wait3A_328 = tpu.memref_slice %arg10[%dma_wait3A_325, %dma_wait3A_326, %dma_wait3A_327] : memref<2x80x128xf32, #tpu.memory_space<vmem>> -> memref<1x80x128xf32, #tpu.memory_space<vmem>>
        %dma_wait3A_329 = tpu.memref_squeeze %dma_wait3A_328 : memref<1x80x128xf32, #tpu.memory_space<vmem>> -> memref<80x128xf32, #tpu.memory_space<vmem>>
        %dma_wait3A_330 = arith.constant 0 : i32
        %dma_wait3A_331 = tpu.memref_slice %arg5[%add3A_324, %dma_wait3A_330] : memref<80000x128xf32, #tpu.memory_space<hbm>> -> memref<80x128xf32, #tpu.memory_space<hbm>>
        %dma_wait3A_332 = tpu.memref_slice %arg15[%rem3A_321] : memref<2x!tpu.dma_semaphore, #tpu.memory_space<semaphore_mem>> -> memref<1x!tpu.dma_semaphore, #tpu.memory_space<semaphore_mem>>
        %dma_wait3A_333 = tpu.memref_squeeze %dma_wait3A_332 : memref<1x!tpu.dma_semaphore, #tpu.memory_space<semaphore_mem>> -> memref<!tpu.dma_semaphore, #tpu.memory_space<semaphore_mem>>
        %dma_wait3A_334 = arith.constant 0 : i32
        %dma_wait3A_335 = tpu.memref_slice %arg5[%add3A_324, %dma_wait3A_334] : memref<80000x128xf32, #tpu.memory_space<hbm>> -> memref<80x128xf32, #tpu.memory_space<hbm>>
        %dma_wait3A_336 = arith.constant 0 : i32
        %dma_wait3A_337 = arith.constant 0 : i32
        %dma_wait3A_338 = tpu.memref_slice %arg10[%dma_wait3A_325, %dma_wait3A_336, %dma_wait3A_337] : memref<2x80x128xf32, #tpu.memory_space<vmem>> -> memref<1x80x128xf32, #tpu.memory_space<vmem>>
        %dma_wait3A_339 = tpu.memref_squeeze %dma_wait3A_338 : memref<1x80x128xf32, #tpu.memory_space<vmem>> -> memref<80x128xf32, #tpu.memory_space<vmem>>
        tpu.wait_dma2 semaphore(%dma_wait3A_333 : memref<!tpu.dma_semaphore, #tpu.memory_space<semaphore_mem>>) src(%dma_wait3A_339 : memref<80x128xf32, #tpu.memory_space<vmem>>) dst(%dma_wait3A_335 : memref<80x128xf32, #tpu.memory_space<hbm>>)
        %mul3A_340 = arith.constant 80 : i32
        %mul3A_341 = arith.muli %sub3A_319, %mul3A_340 : i32
        %add3A_342 = arith.addi %mul3A_32, %mul3A_341 : i32
        %dma_wait3A_343 = arith.constant 0 : i32
        %dma_wait3A_344 = arith.constant 0 : i32
        %dma_wait3A_345 = arith.constant 0 : i32
        %dma_wait3A_346 = tpu.memref_slice %arg11[%dma_wait3A_343, %dma_wait3A_344, %dma_wait3A_345] : memref<2x80x128xf32, #tpu.memory_space<vmem>> -> memref<1x80x128xf32, #tpu.memory_space<vmem>>
        %dma_wait3A_347 = tpu.memref_squeeze %dma_wait3A_346 : memref<1x80x128xf32, #tpu.memory_space<vmem>> -> memref<80x128xf32, #tpu.memory_space<vmem>>
        %dma_wait3A_348 = arith.constant 0 : i32
        %dma_wait3A_349 = tpu.memref_slice %arg6[%add3A_342, %dma_wait3A_348] : memref<80000x128xf32, #tpu.memory_space<hbm>> -> memref<80x128xf32, #tpu.memory_space<hbm>>
        %dma_wait3A_350 = tpu.memref_slice %arg16[%rem3A_321] : memref<2x!tpu.dma_semaphore, #tpu.memory_space<semaphore_mem>> -> memref<1x!tpu.dma_semaphore, #tpu.memory_space<semaphore_mem>>
        %dma_wait3A_351 = tpu.memref_squeeze %dma_wait3A_350 : memref<1x!tpu.dma_semaphore, #tpu.memory_space<semaphore_mem>> -> memref<!tpu.dma_semaphore, #tpu.memory_space<semaphore_mem>>
        %dma_wait3A_352 = arith.constant 0 : i32
        %dma_wait3A_353 = tpu.memref_slice %arg6[%add3A_342, %dma_wait3A_352] : memref<80000x128xf32, #tpu.memory_space<hbm>> -> memref<80x128xf32, #tpu.memory_space<hbm>>
        %dma_wait3A_354 = arith.constant 0 : i32
        %dma_wait3A_355 = arith.constant 0 : i32
        %dma_wait3A_356 = tpu.memref_slice %arg11[%dma_wait3A_343, %dma_wait3A_354, %dma_wait3A_355] : memref<2x80x128xf32, #tpu.memory_space<vmem>> -> memref<1x80x128xf32, #tpu.memory_space<vmem>>
        %dma_wait3A_357 = tpu.memref_squeeze %dma_wait3A_356 : memref<1x80x128xf32, #tpu.memory_space<vmem>> -> memref<80x128xf32, #tpu.memory_space<vmem>>
        tpu.wait_dma2 semaphore(%dma_wait3A_351 : memref<!tpu.dma_semaphore, #tpu.memory_space<semaphore_mem>>) src(%dma_wait3A_357 : memref<80x128xf32, #tpu.memory_space<vmem>>) dst(%dma_wait3A_353 : memref<80x128xf32, #tpu.memory_space<hbm>>)
      } else {
      }
      %rem3A_181 = arith.constant 4 : i32
      %rem3A_182 = arith.remsi %while3A_173, %rem3A_181 : i32
      %dma_wait3A_183 = arith.constant 0 : i32
      %dma_wait3A_184 = arith.constant 0 : i32
      %dma_wait3A_185 = arith.constant 0 : i32
      %dma_wait3A_186 = tpu.memref_slice %arg8[%rem3A_182, %dma_wait3A_185] : memref<4x80xi32, #tpu.memory_space<vmem>> -> memref<1x80xi32, #tpu.memory_space<vmem>>
      %dma_wait3A_187 = tpu.memref_squeeze %dma_wait3A_186 : memref<1x80xi32, #tpu.memory_space<vmem>> -> memref<80xi32, #tpu.memory_space<vmem>>
      %dma_wait3A_188 = arith.constant 0 : i32
      %dma_wait3A_189 = arith.constant 0 : i32
      %dma_wait3A_190 = tpu.memref_slice %arg3[%dma_wait3A_183, %dma_wait3A_188, %dma_wait3A_189] : memref<8x125x80xi32, #tpu.memory_space<hbm>> -> memref<1x125x80xi32, #tpu.memory_space<hbm>>
      %dma_wait3A_191 = tpu.memref_squeeze %dma_wait3A_190 : memref<1x125x80xi32, #tpu.memory_space<hbm>> -> memref<125x80xi32, #tpu.memory_space<hbm>>
      %dma_wait3A_192 = arith.constant 0 : i32
      %dma_wait3A_193 = tpu.memref_slice %dma_wait3A_191[%dma_wait3A_184, %dma_wait3A_192] : memref<125x80xi32, #tpu.memory_space<hbm>> -> memref<1x80xi32, #tpu.memory_space<hbm>>
      %dma_wait3A_194 = tpu.memref_squeeze %dma_wait3A_193 : memref<1x80xi32, #tpu.memory_space<hbm>> -> memref<80xi32, #tpu.memory_space<hbm>>
      %dma_wait3A_195 = arith.constant 0 : i32
      %dma_wait3A_196 = tpu.memref_slice %arg8[%rem3A_182, %dma_wait3A_195] : memref<4x80xi32, #tpu.memory_space<vmem>> -> memref<1x80xi32, #tpu.memory_space<vmem>>
      %dma_wait3A_197 = tpu.memref_squeeze %dma_wait3A_196 : memref<1x80xi32, #tpu.memory_space<vmem>> -> memref<80xi32, #tpu.memory_space<vmem>>
      %dma_wait3A_198 = arith.constant 0 : i32
      %dma_wait3A_199 = arith.constant 0 : i32
      %dma_wait3A_200 = tpu.memref_slice %arg3[%dma_wait3A_183, %dma_wait3A_198, %dma_wait3A_199] : memref<8x125x80xi32, #tpu.memory_space<hbm>> -> memref<1x125x80xi32, #tpu.memory_space<hbm>>
      %dma_wait3A_201 = tpu.memref_squeeze %dma_wait3A_200 : memref<1x125x80xi32, #tpu.memory_space<hbm>> -> memref<125x80xi32, #tpu.memory_space<hbm>>
      %dma_wait3A_202 = arith.constant 0 : i32
      %dma_wait3A_203 = tpu.memref_slice %dma_wait3A_201[%dma_wait3A_184, %dma_wait3A_202] : memref<125x80xi32, #tpu.memory_space<hbm>> -> memref<1x80xi32, #tpu.memory_space<hbm>>
      %dma_wait3A_204 = tpu.memref_squeeze %dma_wait3A_203 : memref<1x80xi32, #tpu.memory_space<hbm>> -> memref<80xi32, #tpu.memory_space<hbm>>
      tpu.wait_dma2 semaphore(%arg12 : memref<!tpu.dma_semaphore, #tpu.memory_space<semaphore_mem>>) src(%dma_wait3A_204 : memref<80xi32, #tpu.memory_space<hbm>>) dst(%dma_wait3A_197 : memref<80xi32, #tpu.memory_space<vmem>>)
      %dma_wait3A_205 = arith.constant 0 : i32
      %dma_wait3A_206 = arith.constant 0 : i32
      %dma_wait3A_207 = arith.constant 0 : i32
      %dma_wait3A_208 = tpu.memref_slice %arg9[%rem3A_182, %dma_wait3A_207] : memref<4x80xi32, #tpu.memory_space<vmem>> -> memref<1x80xi32, #tpu.memory_space<vmem>>
      %dma_wait3A_209 = tpu.memref_squeeze %dma_wait3A_208 : memref<1x80xi32, #tpu.memory_space<vmem>> -> memref<80xi32, #tpu.memory_space<vmem>>
      %dma_wait3A_210 = arith.constant 0 : i32
      %dma_wait3A_211 = arith.constant 0 : i32
      %dma_wait3A_212 = tpu.memref_slice %arg3[%dma_wait3A_205, %dma_wait3A_210, %dma_wait3A_211] : memref<8x125x80xi32, #tpu.memory_space<hbm>> -> memref<1x125x80xi32, #tpu.memory_space<hbm>>
      %dma_wait3A_213 = tpu.memref_squeeze %dma_wait3A_212 : memref<1x125x80xi32, #tpu.memory_space<hbm>> -> memref<125x80xi32, #tpu.memory_space<hbm>>
      %dma_wait3A_214 = arith.constant 0 : i32
      %dma_wait3A_215 = tpu.memref_slice %dma_wait3A_213[%dma_wait3A_206, %dma_wait3A_214] : memref<125x80xi32, #tpu.memory_space<hbm>> -> memref<1x80xi32, #tpu.memory_space<hbm>>
      %dma_wait3A_216 = tpu.memref_squeeze %dma_wait3A_215 : memref<1x80xi32, #tpu.memory_space<hbm>> -> memref<80xi32, #tpu.memory_space<hbm>>
      %dma_wait3A_217 = arith.constant 0 : i32
      %dma_wait3A_218 = tpu.memref_slice %arg9[%rem3A_182, %dma_wait3A_217] : memref<4x80xi32, #tpu.memory_space<vmem>> -> memref<1x80xi32, #tpu.memory_space<vmem>>
      %dma_wait3A_219 = tpu.memref_squeeze %dma_wait3A_218 : memref<1x80xi32, #tpu.memory_space<vmem>> -> memref<80xi32, #tpu.memory_space<vmem>>
      %dma_wait3A_220 = arith.constant 0 : i32
      %dma_wait3A_221 = arith.constant 0 : i32
      %dma_wait3A_222 = tpu.memref_slice %arg3[%dma_wait3A_205, %dma_wait3A_220, %dma_wait3A_221] : memref<8x125x80xi32, #tpu.memory_space<hbm>> -> memref<1x125x80xi32, #tpu.memory_space<hbm>>
      %dma_wait3A_223 = tpu.memref_squeeze %dma_wait3A_222 : memref<1x125x80xi32, #tpu.memory_space<hbm>> -> memref<125x80xi32, #tpu.memory_space<hbm>>
      %dma_wait3A_224 = arith.constant 0 : i32
      %dma_wait3A_225 = tpu.memref_slice %dma_wait3A_223[%dma_wait3A_206, %dma_wait3A_224] : memref<125x80xi32, #tpu.memory_space<hbm>> -> memref<1x80xi32, #tpu.memory_space<hbm>>
      %dma_wait3A_226 = tpu.memref_squeeze %dma_wait3A_225 : memref<1x80xi32, #tpu.memory_space<hbm>> -> memref<80xi32, #tpu.memory_space<hbm>>
      tpu.wait_dma2 semaphore(%arg12 : memref<!tpu.dma_semaphore, #tpu.memory_space<semaphore_mem>>) src(%dma_wait3A_226 : memref<80xi32, #tpu.memory_space<hbm>>) dst(%dma_wait3A_219 : memref<80xi32, #tpu.memory_space<vmem>>)
      %add3A_227 = arith.constant 1 : i32
      %add3A_228 = arith.addi %while3A_173, %add3A_227 : i32
      %lt3A_229 = arith.cmpi slt, %add3A_228, %sub3A_41 : i32
      %convert_element_type3A_230 = arith.extui %lt3A_229 : i1 to i32
      %cond3A_231 = arith.constant 0 : i32
      %cond3A_232 = arith.cmpi ne, %convert_element_type3A_230, %cond3A_231 : i32
      scf.if %cond3A_232 {
        %add3A_318 = arith.constant 1 : i32
        %add3A_319 = arith.addi %while3A_173, %add3A_318 : i32
        %rem3A_320 = arith.constant 4 : i32
        %rem3A_321 = arith.remsi %add3A_319, %rem3A_320 : i32
        %dma_start3A_322 = arith.constant 0 : i32
        %dma_start3A_323 = tpu.memref_slice %arg8[%rem3A_321, %dma_start3A_322] : memref<4x80xi32, #tpu.memory_space<vmem>> -> memref<1x80xi32, #tpu.memory_space<vmem>>
        %dma_start3A_324 = tpu.memref_squeeze %dma_start3A_323 : memref<1x80xi32, #tpu.memory_space<vmem>> -> memref<80xi32, #tpu.memory_space<vmem>>
        %dma_start3A_325 = arith.constant 0 : i32
        %dma_start3A_326 = arith.constant 0 : i32
        %dma_start3A_327 = tpu.memref_slice %arg3[%select_n3A, %dma_start3A_325, %dma_start3A_326] : memref<8x125x80xi32, #tpu.memory_space<hbm>> -> memref<1x125x80xi32, #tpu.memory_space<hbm>>
        %dma_start3A_328 = tpu.memref_squeeze %dma_start3A_327 : memref<1x125x80xi32, #tpu.memory_space<hbm>> -> memref<125x80xi32, #tpu.memory_space<hbm>>
        %dma_start3A_329 = arith.constant 0 : i32
        %dma_start3A_330 = tpu.memref_slice %dma_start3A_328[%add3A_319, %dma_start3A_329] : memref<125x80xi32, #tpu.memory_space<hbm>> -> memref<1x80xi32, #tpu.memory_space<hbm>>
        %dma_start3A_331 = tpu.memref_squeeze %dma_start3A_330 : memref<1x80xi32, #tpu.memory_space<hbm>> -> memref<80xi32, #tpu.memory_space<hbm>>
        %dma_start3A_332 = arith.constant 0 : i32
        %dma_start3A_333 = tpu.memref_slice %arg8[%rem3A_321, %dma_start3A_332] : memref<4x80xi32, #tpu.memory_space<vmem>> -> memref<1x80xi32, #tpu.memory_space<vmem>>
        %dma_start3A_334 = tpu.memref_squeeze %dma_start3A_333 : memref<1x80xi32, #tpu.memory_space<vmem>> -> memref<80xi32, #tpu.memory_space<vmem>>
        %dma_start3A_335 = arith.constant 0 : i32
        %dma_start3A_336 = arith.constant 0 : i32
        %dma_start3A_337 = tpu.memref_slice %arg3[%select_n3A, %dma_start3A_335, %dma_start3A_336] : memref<8x125x80xi32, #tpu.memory_space<hbm>> -> memref<1x125x80xi32, #tpu.memory_space<hbm>>
        %dma_start3A_338 = tpu.memref_squeeze %dma_start3A_337 : memref<1x125x80xi32, #tpu.memory_space<hbm>> -> memref<125x80xi32, #tpu.memory_space<hbm>>
        %dma_start3A_339 = arith.constant 0 : i32
        %dma_start3A_340 = tpu.memref_slice %dma_start3A_338[%add3A_319, %dma_start3A_339] : memref<125x80xi32, #tpu.memory_space<hbm>> -> memref<1x80xi32, #tpu.memory_space<hbm>>
        %dma_start3A_341 = tpu.memref_squeeze %dma_start3A_340 : memref<1x80xi32, #tpu.memory_space<hbm>> -> memref<80xi32, #tpu.memory_space<hbm>>
        tpu.enqueue_dma source(%dma_start3A_341 : memref<80xi32, #tpu.memory_space<hbm>>) target(%dma_start3A_334 : memref<80xi32, #tpu.memory_space<vmem>>) target_semaphore(%arg12 : memref<!tpu.dma_semaphore, #tpu.memory_space<semaphore_mem>>)
        %dma_start3A_342 = arith.constant 0 : i32
        %dma_start3A_343 = tpu.memref_slice %arg9[%rem3A_321, %dma_start3A_342] : memref<4x80xi32, #tpu.memory_space<vmem>> -> memref<1x80xi32, #tpu.memory_space<vmem>>
        %dma_start3A_344 = tpu.memref_squeeze %dma_start3A_343 : memref<1x80xi32, #tpu.memory_space<vmem>> -> memref<80xi32, #tpu.memory_space<vmem>>
        %dma_start3A_345 = arith.constant 0 : i32
        %dma_start3A_346 = arith.constant 0 : i32
        %dma_start3A_347 = tpu.memref_slice %arg4[%select_n3A, %dma_start3A_345, %dma_start3A_346] : memref<8x125x80xi32, #tpu.memory_space<hbm>> -> memref<1x125x80xi32, #tpu.memory_space<hbm>>
        %dma_start3A_348 = tpu.memref_squeeze %dma_start3A_347 : memref<1x125x80xi32, #tpu.memory_space<hbm>> -> memref<125x80xi32, #tpu.memory_space<hbm>>
        %dma_start3A_349 = arith.constant 0 : i32
        %dma_start3A_350 = tpu.memref_slice %dma_start3A_348[%add3A_319, %dma_start3A_349] : memref<125x80xi32, #tpu.memory_space<hbm>> -> memref<1x80xi32, #tpu.memory_space<hbm>>
        %dma_start3A_351 = tpu.memref_squeeze %dma_start3A_350 : memref<1x80xi32, #tpu.memory_space<hbm>> -> memref<80xi32, #tpu.memory_space<hbm>>
        %dma_start3A_352 = arith.constant 0 : i32
        %dma_start3A_353 = tpu.memref_slice %arg9[%rem3A_321, %dma_start3A_352] : memref<4x80xi32, #tpu.memory_space<vmem>> -> memref<1x80xi32, #tpu.memory_space<vmem>>
        %dma_start3A_354 = tpu.memref_squeeze %dma_start3A_353 : memref<1x80xi32, #tpu.memory_space<vmem>> -> memref<80xi32, #tpu.memory_space<vmem>>
        %dma_start3A_355 = arith.constant 0 : i32
        %dma_start3A_356 = arith.constant 0 : i32
        %dma_start3A_357 = tpu.memref_slice %arg4[%select_n3A, %dma_start3A_355, %dma_start3A_356] : memref<8x125x80xi32, #tpu.memory_space<hbm>> -> memref<1x125x80xi32, #tpu.memory_space<hbm>>
        %dma_start3A_358 = tpu.memref_squeeze %dma_start3A_357 : memref<1x125x80xi32, #tpu.memory_space<hbm>> -> memref<125x80xi32, #tpu.memory_space<hbm>>
        %dma_start3A_359 = arith.constant 0 : i32
        %dma_start3A_360 = tpu.memref_slice %dma_start3A_358[%add3A_319, %dma_start3A_359] : memref<125x80xi32, #tpu.memory_space<hbm>> -> memref<1x80xi32, #tpu.memory_space<hbm>>
        %dma_start3A_361 = tpu.memref_squeeze %dma_start3A_360 : memref<1x80xi32, #tpu.memory_space<hbm>> -> memref<80xi32, #tpu.memory_space<hbm>>
        tpu.enqueue_dma source(%dma_start3A_361 : memref<80xi32, #tpu.memory_space<hbm>>) target(%dma_start3A_354 : memref<80xi32, #tpu.memory_space<vmem>>) target_semaphore(%arg12 : memref<!tpu.dma_semaphore, #tpu.memory_space<semaphore_mem>>)
      } else {
      }
      %rem3A_233 = arith.constant 4 : i32
      %rem3A_234 = arith.remsi %while3A_173, %rem3A_233 : i32
      %dma_start3A_235 = arith.constant 0 : i32
      %dma_start3A_236 = arith.constant 0 : i32
      %dma_start3A_237 = tpu.memref_slice %arg10[%rem3A_175, %dma_start3A_235, %dma_start3A_236] : memref<2x80x128xf32, #tpu.memory_space<vmem>> -> memref<1x80x128xf32, #tpu.memory_space<vmem>>
      %dma_start3A_238 = tpu.memref_squeeze %dma_start3A_237 : memref<1x80x128xf32, #tpu.memory_space<vmem>> -> memref<80x128xf32, #tpu.memory_space<vmem>>
      %dma_start3A_239 = arith.constant 0 : i32
      %dma_start3A_240 = tpu.memref_slice %arg8[%rem3A_234, %dma_start3A_239] : memref<4x80xi32, #tpu.memory_space<vmem>> -> memref<1x80xi32, #tpu.memory_space<vmem>>
      %dma_start3A_241 = tpu.memref_squeeze %dma_start3A_240 : memref<1x80xi32, #tpu.memory_space<vmem>> -> memref<80xi32, #tpu.memory_space<vmem>>
      %dma_start3A_242 = arith.constant 0 : i32
      %dma_start3A_243 = arith.constant 0 : i32
      %dma_start3A_244 = tpu.memref_slice %arg7[%dma_start3A_242, %dma_start3A_243] : memref<10000x128xf32, #tpu.memory_space<vmem_shared>> -> memref<10000x128xf32, #tpu.memory_space<vmem_shared>>
      tpu.enqueue_indirect_dma source(%dma_start3A_244 : memref<10000x128xf32, #tpu.memory_space<vmem_shared>>) target(%dma_start3A_238 : memref<80x128xf32, #tpu.memory_space<vmem>>) offsets(%dma_start3A_241 : memref<80xi32, #tpu.memory_space<vmem>>) semaphore(%arg13 : memref<!tpu.dma_semaphore, #tpu.memory_space<semaphore_mem>>)
      %mul3A_245 = arith.constant 80 : i32
      %mul3A_246 = arith.muli %while3A_173, %mul3A_245 : i32
      %dma_start3A_247 = arith.constant 0 : i32
      %dma_start3A_248 = arith.constant 0 : i32
      %dma_start3A_249 = tpu.memref_slice %arg11[%rem3A_175, %dma_start3A_247, %dma_start3A_248] : memref<2x80x128xf32, #tpu.memory_space<vmem>> -> memref<1x80x128xf32, #tpu.memory_space<vmem>>
      %dma_start3A_250 = tpu.memref_squeeze %dma_start3A_249 : memref<1x80x128xf32, #tpu.memory_space<vmem>> -> memref<80x128xf32, #tpu.memory_space<vmem>>
      %dma_start3A_251 = arith.constant 0 : i32
      %dma_start3A_252 = tpu.memref_slice %arg7[%mul3A_246, %dma_start3A_251] : memref<10000x128xf32, #tpu.memory_space<vmem_shared>> -> memref<80x128xf32, #tpu.memory_space<vmem_shared>>
      %dma_start3A_253 = arith.constant 0 : i32
      %dma_start3A_254 = arith.constant 0 : i32
      %dma_start3A_255 = tpu.memref_slice %arg11[%rem3A_175, %dma_start3A_253, %dma_start3A_254] : memref<2x80x128xf32, #tpu.memory_space<vmem>> -> memref<1x80x128xf32, #tpu.memory_space<vmem>>
      %dma_start3A_256 = tpu.memref_squeeze %dma_start3A_255 : memref<1x80x128xf32, #tpu.memory_space<vmem>> -> memref<80x128xf32, #tpu.memory_space<vmem>>
      %dma_start3A_257 = arith.constant 0 : i32
      %dma_start3A_258 = tpu.memref_slice %arg7[%mul3A_246, %dma_start3A_257] : memref<10000x128xf32, #tpu.memory_space<vmem_shared>> -> memref<80x128xf32, #tpu.memory_space<vmem_shared>>
      tpu.enqueue_dma source(%dma_start3A_258 : memref<80x128xf32, #tpu.memory_space<vmem_shared>>) target(%dma_start3A_256 : memref<80x128xf32, #tpu.memory_space<vmem>>) target_semaphore(%arg14 : memref<!tpu.dma_semaphore, #tpu.memory_space<semaphore_mem>>)
      %dma_wait3A_259 = arith.constant 0 : i32
      %dma_wait3A_260 = arith.constant 0 : i32
      %dma_wait3A_261 = tpu.memref_slice %arg10[%rem3A_175, %dma_wait3A_259, %dma_wait3A_260] : memref<2x80x128xf32, #tpu.memory_space<vmem>> -> memref<1x80x128xf32, #tpu.memory_space<vmem>>
      %dma_wait3A_262 = tpu.memref_squeeze %dma_wait3A_261 : memref<1x80x128xf32, #tpu.memory_space<vmem>> -> memref<80x128xf32, #tpu.memory_space<vmem>>
      %dma_wait3A_263 = arith.constant 0 : i32
      %dma_wait3A_264 = arith.constant 0 : i32
      %dma_wait3A_265 = tpu.memref_slice %arg2[%dma_wait3A_263, %dma_wait3A_264] : memref<10000x128xf32, #tpu.memory_space<hbm>> -> memref<80x128xf32, #tpu.memory_space<hbm>>
      %dma_wait3A_266 = arith.constant 0 : i32
      %dma_wait3A_267 = arith.constant 0 : i32
      %dma_wait3A_268 = tpu.memref_slice %arg10[%rem3A_175, %dma_wait3A_266, %dma_wait3A_267] : memref<2x80x128xf32, #tpu.memory_space<vmem>> -> memref<1x80x128xf32, #tpu.memory_space<vmem>>
      %dma_wait3A_269 = tpu.memref_squeeze %dma_wait3A_268 : memref<1x80x128xf32, #tpu.memory_space<vmem>> -> memref<80x128xf32, #tpu.memory_space<vmem>>
      %dma_wait3A_270 = arith.constant 0 : i32
      %dma_wait3A_271 = arith.constant 0 : i32
      %dma_wait3A_272 = tpu.memref_slice %arg2[%dma_wait3A_270, %dma_wait3A_271] : memref<10000x128xf32, #tpu.memory_space<hbm>> -> memref<80x128xf32, #tpu.memory_space<hbm>>
      tpu.wait_dma2 semaphore(%arg13 : memref<!tpu.dma_semaphore, #tpu.memory_space<semaphore_mem>>) src(%dma_wait3A_272 : memref<80x128xf32, #tpu.memory_space<hbm>>) dst(%dma_wait3A_269 : memref<80x128xf32, #tpu.memory_space<vmem>>)
      %dma_wait3A_273 = arith.constant 0 : i32
      %dma_wait3A_274 = arith.constant 0 : i32
      %dma_wait3A_275 = tpu.memref_slice %arg11[%rem3A_175, %dma_wait3A_273, %dma_wait3A_274] : memref<2x80x128xf32, #tpu.memory_space<vmem>> -> memref<1x80x128xf32, #tpu.memory_space<vmem>>
      %dma_wait3A_276 = tpu.memref_squeeze %dma_wait3A_275 : memref<1x80x128xf32, #tpu.memory_space<vmem>> -> memref<80x128xf32, #tpu.memory_space<vmem>>
      %dma_wait3A_277 = arith.constant 0 : i32
      %dma_wait3A_278 = arith.constant 0 : i32
      %dma_wait3A_279 = tpu.memref_slice %arg2[%dma_wait3A_277, %dma_wait3A_278] : memref<10000x128xf32, #tpu.memory_space<hbm>> -> memref<80x128xf32, #tpu.memory_space<hbm>>
      %dma_wait3A_280 = arith.constant 0 : i32
      %dma_wait3A_281 = arith.constant 0 : i32
      %dma_wait3A_282 = tpu.memref_slice %arg11[%rem3A_175, %dma_wait3A_280, %dma_wait3A_281] : memref<2x80x128xf32, #tpu.memory_space<vmem>> -> memref<1x80x128xf32, #tpu.memory_space<vmem>>
      %dma_wait3A_283 = tpu.memref_squeeze %dma_wait3A_282 : memref<1x80x128xf32, #tpu.memory_space<vmem>> -> memref<80x128xf32, #tpu.memory_space<vmem>>
      %dma_wait3A_284 = arith.constant 0 : i32
      %dma_wait3A_285 = arith.constant 0 : i32
      %dma_wait3A_286 = tpu.memref_slice %arg2[%dma_wait3A_284, %dma_wait3A_285] : memref<10000x128xf32, #tpu.memory_space<hbm>> -> memref<80x128xf32, #tpu.memory_space<hbm>>
      tpu.wait_dma2 semaphore(%arg14 : memref<!tpu.dma_semaphore, #tpu.memory_space<semaphore_mem>>) src(%dma_wait3A_286 : memref<80x128xf32, #tpu.memory_space<hbm>>) dst(%dma_wait3A_283 : memref<80x128xf32, #tpu.memory_space<vmem>>)
      %mul3A_287 = arith.constant 80 : i32
      %mul3A_288 = arith.muli %while3A_173, %mul3A_287 : i32
      %add3A_289 = arith.addi %mul3A_32, %mul3A_288 : i32
      %dma_start3A_290 = arith.constant 0 : i32
      %dma_start3A_291 = arith.constant 0 : i32
      %dma_start3A_292 = tpu.memref_slice %arg10[%rem3A_175, %dma_start3A_290, %dma_start3A_291] : memref<2x80x128xf32, #tpu.memory_space<vmem>> -> memref<1x80x128xf32, #tpu.memory_space<vmem>>
      %dma_start3A_293 = tpu.memref_squeeze %dma_start3A_292 : memref<1x80x128xf32, #tpu.memory_space<vmem>> -> memref<80x128xf32, #tpu.memory_space<vmem>>
      %dma_start3A_294 = arith.constant 0 : i32
      %dma_start3A_295 = tpu.memref_slice %arg5[%add3A_289, %dma_start3A_294] : memref<80000x128xf32, #tpu.memory_space<hbm>> -> memref<80x128xf32, #tpu.memory_space<hbm>>
      %dma_start3A_296 = tpu.memref_slice %arg15[%rem3A_175] : memref<2x!tpu.dma_semaphore, #tpu.memory_space<semaphore_mem>> -> memref<1x!tpu.dma_semaphore, #tpu.memory_space<semaphore_mem>>
      %dma_start3A_297 = tpu.memref_squeeze %dma_start3A_296 : memref<1x!tpu.dma_semaphore, #tpu.memory_space<semaphore_mem>> -> memref<!tpu.dma_semaphore, #tpu.memory_space<semaphore_mem>>
      %dma_start3A_298 = arith.constant 0 : i32
      %dma_start3A_299 = tpu.memref_slice %arg5[%add3A_289, %dma_start3A_298] : memref<80000x128xf32, #tpu.memory_space<hbm>> -> memref<80x128xf32, #tpu.memory_space<hbm>>
      %dma_start3A_300 = arith.constant 0 : i32
      %dma_start3A_301 = arith.constant 0 : i32
      %dma_start3A_302 = tpu.memref_slice %arg10[%rem3A_175, %dma_start3A_300, %dma_start3A_301] : memref<2x80x128xf32, #tpu.memory_space<vmem>> -> memref<1x80x128xf32, #tpu.memory_space<vmem>>
      %dma_start3A_303 = tpu.memref_squeeze %dma_start3A_302 : memref<1x80x128xf32, #tpu.memory_space<vmem>> -> memref<80x128xf32, #tpu.memory_space<vmem>>
      tpu.enqueue_dma source(%dma_start3A_303 : memref<80x128xf32, #tpu.memory_space<vmem>>) target(%dma_start3A_299 : memref<80x128xf32, #tpu.memory_space<hbm>>) target_semaphore(%dma_start3A_297 : memref<!tpu.dma_semaphore, #tpu.memory_space<semaphore_mem>>)
      %rem3A_304 = arith.constant 4 : i32
      %rem3A_305 = arith.remsi %while3A_173, %rem3A_304 : i32
      %dma_start3A_306 = arith.constant 0 : i32
      %dma_start3A_307 = arith.constant 0 : i32
      %dma_start3A_308 = tpu.memref_slice %arg11[%rem3A_175, %dma_start3A_306, %dma_start3A_307] : memref<2x80x128xf32, #tpu.memory_space<vmem>> -> memref<1x80x128xf32, #tpu.memory_space<vmem>>
      %dma_start3A_309 = tpu.memref_squeeze %dma_start3A_308 : memref<1x80x128xf32, #tpu.memory_space<vmem>> -> memref<80x128xf32, #tpu.memory_space<vmem>>
      %dma_start3A_310 = arith.constant 0 : i32
      %dma_start3A_311 = tpu.memref_slice %arg9[%rem3A_305, %dma_start3A_310] : memref<4x80xi32, #tpu.memory_space<vmem>> -> memref<1x80xi32, #tpu.memory_space<vmem>>
      %dma_start3A_312 = tpu.memref_squeeze %dma_start3A_311 : memref<1x80xi32, #tpu.memory_space<vmem>> -> memref<80xi32, #tpu.memory_space<vmem>>
      %dma_start3A_313 = arith.constant 0 : i32
      %dma_start3A_314 = arith.constant 0 : i32
      %dma_start3A_315 = tpu.memref_slice %arg6[%dma_start3A_313, %dma_start3A_314] : memref<80000x128xf32, #tpu.memory_space<hbm>> -> memref<80000x128xf32, #tpu.memory_space<hbm>>
      %dma_start3A_316 = tpu.memref_slice %arg16[%rem3A_175] : memref<2x!tpu.dma_semaphore, #tpu.memory_space<semaphore_mem>> -> memref<1x!tpu.dma_semaphore, #tpu.memory_space<semaphore_mem>>
      %dma_start3A_317 = tpu.memref_squeeze %dma_start3A_316 : memref<1x!tpu.dma_semaphore, #tpu.memory_space<semaphore_mem>> -> memref<!tpu.dma_semaphore, #tpu.memory_space<semaphore_mem>>
      tpu.enqueue_indirect_dma source(%dma_start3A_309 : memref<80x128xf32, #tpu.memory_space<vmem>>) target(%dma_start3A_315 : memref<80000x128xf32, #tpu.memory_space<hbm>>) offsets(%dma_start3A_312 : memref<80xi32, #tpu.memory_space<vmem>>) semaphore(%dma_start3A_317 : memref<!tpu.dma_semaphore, #tpu.memory_space<semaphore_mem>>)
    }
    %sub3A_94 = arith.constant 2 : i32
    %sub3A_95 = arith.subi %sub3A_41, %sub3A_94 : i32
    %rem3A_96 = arith.constant 2 : i32
    %rem3A_97 = arith.remsi %sub3A_95, %rem3A_96 : i32
    %mul3A_98 = arith.constant 80 : i32
    %mul3A_99 = arith.muli %sub3A_95, %mul3A_98 : i32
    %add3A_100 = arith.addi %mul3A_32, %mul3A_99 : i32
    %dma_wait3A = arith.constant 0 : i32
    %dma_wait3A_101 = arith.constant 0 : i32
    %dma_wait3A_102 = arith.constant 0 : i32
    %dma_wait3A_103 = tpu.memref_slice %arg10[%dma_wait3A, %dma_wait3A_101, %dma_wait3A_102] : memref<2x80x128xf32, #tpu.memory_space<vmem>> -> memref<1x80x128xf32, #tpu.memory_space<vmem>>
    %dma_wait3A_104 = tpu.memref_squeeze %dma_wait3A_103 : memref<1x80x128xf32, #tpu.memory_space<vmem>> -> memref<80x128xf32, #tpu.memory_space<vmem>>
    %dma_wait3A_105 = arith.constant 0 : i32
    %dma_wait3A_106 = tpu.memref_slice %arg5[%add3A_100, %dma_wait3A_105] : memref<80000x128xf32, #tpu.memory_space<hbm>> -> memref<80x128xf32, #tpu.memory_space<hbm>>
    %dma_wait3A_107 = tpu.memref_slice %arg15[%rem3A_97] : memref<2x!tpu.dma_semaphore, #tpu.memory_space<semaphore_mem>> -> memref<1x!tpu.dma_semaphore, #tpu.memory_space<semaphore_mem>>
    %dma_wait3A_108 = tpu.memref_squeeze %dma_wait3A_107 : memref<1x!tpu.dma_semaphore, #tpu.memory_space<semaphore_mem>> -> memref<!tpu.dma_semaphore, #tpu.memory_space<semaphore_mem>>
    %dma_wait3A_109 = arith.constant 0 : i32
    %dma_wait3A_110 = tpu.memref_slice %arg5[%add3A_100, %dma_wait3A_109] : memref<80000x128xf32, #tpu.memory_space<hbm>> -> memref<80x128xf32, #tpu.memory_space<hbm>>
    %dma_wait3A_111 = arith.constant 0 : i32
    %dma_wait3A_112 = arith.constant 0 : i32
    %dma_wait3A_113 = tpu.memref_slice %arg10[%dma_wait3A, %dma_wait3A_111, %dma_wait3A_112] : memref<2x80x128xf32, #tpu.memory_space<vmem>> -> memref<1x80x128xf32, #tpu.memory_space<vmem>>
    %dma_wait3A_114 = tpu.memref_squeeze %dma_wait3A_113 : memref<1x80x128xf32, #tpu.memory_space<vmem>> -> memref<80x128xf32, #tpu.memory_space<vmem>>
    tpu.wait_dma2 semaphore(%dma_wait3A_108 : memref<!tpu.dma_semaphore, #tpu.memory_space<semaphore_mem>>) src(%dma_wait3A_114 : memref<80x128xf32, #tpu.memory_space<vmem>>) dst(%dma_wait3A_110 : memref<80x128xf32, #tpu.memory_space<hbm>>)
    %mul3A_115 = arith.constant 80 : i32
    %mul3A_116 = arith.muli %sub3A_95, %mul3A_115 : i32
    %add3A_117 = arith.addi %mul3A_32, %mul3A_116 : i32
    %dma_wait3A_118 = arith.constant 0 : i32
    %dma_wait3A_119 = arith.constant 0 : i32
    %dma_wait3A_120 = arith.constant 0 : i32
    %dma_wait3A_121 = tpu.memref_slice %arg11[%dma_wait3A_118, %dma_wait3A_119, %dma_wait3A_120] : memref<2x80x128xf32, #tpu.memory_space<vmem>> -> memref<1x80x128xf32, #tpu.memory_space<vmem>>
    %dma_wait3A_122 = tpu.memref_squeeze %dma_wait3A_121 : memref<1x80x128xf32, #tpu.memory_space<vmem>> -> memref<80x128xf32, #tpu.memory_space<vmem>>
    %dma_wait3A_123 = arith.constant 0 : i32
    %dma_wait3A_124 = tpu.memref_slice %arg6[%add3A_117, %dma_wait3A_123] : memref<80000x128xf32, #tpu.memory_space<hbm>> -> memref<80x128xf32, #tpu.memory_space<hbm>>
    %dma_wait3A_125 = tpu.memref_slice %arg16[%rem3A_97] : memref<2x!tpu.dma_semaphore, #tpu.memory_space<semaphore_mem>> -> memref<1x!tpu.dma_semaphore, #tpu.memory_space<semaphore_mem>>
    %dma_wait3A_126 = tpu.memref_squeeze %dma_wait3A_125 : memref<1x!tpu.dma_semaphore, #tpu.memory_space<semaphore_mem>> -> memref<!tpu.dma_semaphore, #tpu.memory_space<semaphore_mem>>
    %dma_wait3A_127 = arith.constant 0 : i32
    %dma_wait3A_128 = tpu.memref_slice %arg6[%add3A_117, %dma_wait3A_127] : memref<80000x128xf32, #tpu.memory_space<hbm>> -> memref<80x128xf32, #tpu.memory_space<hbm>>
    %dma_wait3A_129 = arith.constant 0 : i32
    %dma_wait3A_130 = arith.constant 0 : i32
    %dma_wait3A_131 = tpu.memref_slice %arg11[%dma_wait3A_118, %dma_wait3A_129, %dma_wait3A_130] : memref<2x80x128xf32, #tpu.memory_space<vmem>> -> memref<1x80x128xf32, #tpu.memory_space<vmem>>
    %dma_wait3A_132 = tpu.memref_squeeze %dma_wait3A_131 : memref<1x80x128xf32, #tpu.memory_space<vmem>> -> memref<80x128xf32, #tpu.memory_space<vmem>>
    tpu.wait_dma2 semaphore(%dma_wait3A_126 : memref<!tpu.dma_semaphore, #tpu.memory_space<semaphore_mem>>) src(%dma_wait3A_132 : memref<80x128xf32, #tpu.memory_space<vmem>>) dst(%dma_wait3A_128 : memref<80x128xf32, #tpu.memory_space<hbm>>)
    %sub3A_133 = arith.constant 1 : i32
    %sub3A_134 = arith.subi %sub3A_41, %sub3A_133 : i32
    %rem3A_135 = arith.constant 2 : i32
    %rem3A_136 = arith.remsi %sub3A_134, %rem3A_135 : i32
    %mul3A_137 = arith.constant 80 : i32
    %mul3A_138 = arith.muli %sub3A_134, %mul3A_137 : i32
    %add3A_139 = arith.addi %mul3A_32, %mul3A_138 : i32
    %dma_wait3A_140 = arith.constant 0 : i32
    %dma_wait3A_141 = arith.constant 0 : i32
    %dma_wait3A_142 = arith.constant 0 : i32
    %dma_wait3A_143 = tpu.memref_slice %arg10[%dma_wait3A_140, %dma_wait3A_141, %dma_wait3A_142] : memref<2x80x128xf32, #tpu.memory_space<vmem>> -> memref<1x80x128xf32, #tpu.memory_space<vmem>>
    %dma_wait3A_144 = tpu.memref_squeeze %dma_wait3A_143 : memref<1x80x128xf32, #tpu.memory_space<vmem>> -> memref<80x128xf32, #tpu.memory_space<vmem>>
    %dma_wait3A_145 = arith.constant 0 : i32
    %dma_wait3A_146 = tpu.memref_slice %arg5[%add3A_139, %dma_wait3A_145] : memref<80000x128xf32, #tpu.memory_space<hbm>> -> memref<80x128xf32, #tpu.memory_space<hbm>>
    %dma_wait3A_147 = tpu.memref_slice %arg15[%rem3A_136] : memref<2x!tpu.dma_semaphore, #tpu.memory_space<semaphore_mem>> -> memref<1x!tpu.dma_semaphore, #tpu.memory_space<semaphore_mem>>
    %dma_wait3A_148 = tpu.memref_squeeze %dma_wait3A_147 : memref<1x!tpu.dma_semaphore, #tpu.memory_space<semaphore_mem>> -> memref<!tpu.dma_semaphore, #tpu.memory_space<semaphore_mem>>
    %dma_wait3A_149 = arith.constant 0 : i32
    %dma_wait3A_150 = tpu.memref_slice %arg5[%add3A_139, %dma_wait3A_149] : memref<80000x128xf32, #tpu.memory_space<hbm>> -> memref<80x128xf32, #tpu.memory_space<hbm>>
    %dma_wait3A_151 = arith.constant 0 : i32
    %dma_wait3A_152 = arith.constant 0 : i32
    %dma_wait3A_153 = tpu.memref_slice %arg10[%dma_wait3A_140, %dma_wait3A_151, %dma_wait3A_152] : memref<2x80x128xf32, #tpu.memory_space<vmem>> -> memref<1x80x128xf32, #tpu.memory_space<vmem>>
    %dma_wait3A_154 = tpu.memref_squeeze %dma_wait3A_153 : memref<1x80x128xf32, #tpu.memory_space<vmem>> -> memref<80x128xf32, #tpu.memory_space<vmem>>
    tpu.wait_dma2 semaphore(%dma_wait3A_148 : memref<!tpu.dma_semaphore, #tpu.memory_space<semaphore_mem>>) src(%dma_wait3A_154 : memref<80x128xf32, #tpu.memory_space<vmem>>) dst(%dma_wait3A_150 : memref<80x128xf32, #tpu.memory_space<hbm>>)
    %mul3A_155 = arith.constant 80 : i32
    %mul3A_156 = arith.muli %sub3A_134, %mul3A_155 : i32
    %add3A_157 = arith.addi %mul3A_32, %mul3A_156 : i32
    %dma_wait3A_158 = arith.constant 0 : i32
    %dma_wait3A_159 = arith.constant 0 : i32
    %dma_wait3A_160 = arith.constant 0 : i32
    %dma_wait3A_161 = tpu.memref_slice %arg11[%dma_wait3A_158, %dma_wait3A_159, %dma_wait3A_160] : memref<2x80x128xf32, #tpu.memory_space<vmem>> -> memref<1x80x128xf32, #tpu.memory_space<vmem>>
    %dma_wait3A_162 = tpu.memref_squeeze %dma_wait3A_161 : memref<1x80x128xf32, #tpu.memory_space<vmem>> -> memref<80x128xf32, #tpu.memory_space<vmem>>
    %dma_wait3A_163 = arith.constant 0 : i32
    %dma_wait3A_164 = tpu.memref_slice %arg6[%add3A_157, %dma_wait3A_163] : memref<80000x128xf32, #tpu.memory_space<hbm>> -> memref<80x128xf32, #tpu.memory_space<hbm>>
    %dma_wait3A_165 = tpu.memref_slice %arg16[%rem3A_136] : memref<2x!tpu.dma_semaphore, #tpu.memory_space<semaphore_mem>> -> memref<1x!tpu.dma_semaphore, #tpu.memory_space<semaphore_mem>>
    %dma_wait3A_166 = tpu.memref_squeeze %dma_wait3A_165 : memref<1x!tpu.dma_semaphore, #tpu.memory_space<semaphore_mem>> -> memref<!tpu.dma_semaphore, #tpu.memory_space<semaphore_mem>>
    %dma_wait3A_167 = arith.constant 0 : i32
    %dma_wait3A_168 = tpu.memref_slice %arg6[%add3A_157, %dma_wait3A_167] : memref<80000x128xf32, #tpu.memory_space<hbm>> -> memref<80x128xf32, #tpu.memory_space<hbm>>
    %dma_wait3A_169 = arith.constant 0 : i32
    %dma_wait3A_170 = arith.constant 0 : i32
    %dma_wait3A_171 = tpu.memref_slice %arg11[%dma_wait3A_158, %dma_wait3A_169, %dma_wait3A_170] : memref<2x80x128xf32, #tpu.memory_space<vmem>> -> memref<1x80x128xf32, #tpu.memory_space<vmem>>
    %dma_wait3A_172 = tpu.memref_squeeze %dma_wait3A_171 : memref<1x80x128xf32, #tpu.memory_space<vmem>> -> memref<80x128xf32, #tpu.memory_space<vmem>>
    tpu.wait_dma2 semaphore(%dma_wait3A_166 : memref<!tpu.dma_semaphore, #tpu.memory_space<semaphore_mem>>) src(%dma_wait3A_172 : memref<80x128xf32, #tpu.memory_space<vmem>>) dst(%dma_wait3A_168 : memref<80x128xf32, #tpu.memory_space<hbm>>)
    return
  }
}

module attributes {stable_mosaic.version = 14 : i64} {
  func.func @_mean_body(%arg0: i32, %arg1: memref<5000x128xf32, #tpu.memory_space<vmem>>, %arg2: memref<1x128xf32, #tpu.memory_space<vmem>>) attributes {dimension_semantics = [#tpu.dimension_semantics<arbitrary>], iteration_bounds = array<i64: 2>, scalar_prefetch = 0 : i64, scratch_operands = 0 : i64, tpu.core_type = #tpu.core_type<tc>, window_params = [{transform_indices = @transform_0, window_bounds = array<i64: 5000, 128>}, {pipeline_mode = #tpu.pipeline_mode<synchronous>, transform_indices = @transform_1, window_bounds = array<i64: 1, 128>}]} {
    %eq3A = arith.constant 0 : i32
    %eq3A_0 = arith.cmpi eq, %arg0, %eq3A : i32
    %convert_element_type3A = arith.extui %eq3A_0 : i1 to i32
    %cond3A = arith.constant 0 : i32
    %cond3A_1 = arith.cmpi ne, %convert_element_type3A, %cond3A : i32
    scf.if %cond3A_1 {
      %broadcast_in_dim3A_12 = arith.constant 0.000000e+00 : f32
      %broadcast_in_dim3A_13 = vector.broadcast %broadcast_in_dim3A_12 : f32 to vector<1x128xf32>
      %swap3A_14 = arith.constant 0 : index
      %swap3A_15 = arith.constant 0 : index
      %swap3A_16 = vector.load %arg2[%swap3A_14, %swap3A_15] : memref<1x128xf32, #tpu.memory_space<vmem>>, vector<1x128xf32>
      tpu.vector_store %arg2[%swap3A_14, %swap3A_15], %broadcast_in_dim3A_13 {strides = array<i32>} : memref<1x128xf32, #tpu.memory_space<vmem>>, vector<1x128xf32>,
    } else {
    }
    %get3A = arith.constant 0 : index
    %get3A_2 = arith.constant 0 : index
    %get3A_3 = vector.load %arg2[%get3A, %get3A_2] : memref<1x128xf32, #tpu.memory_space<vmem>>, vector<1x128xf32>
    %get3A_4 = arith.constant 0 : index
    %get3A_5 = arith.constant 0 : index
    %get3A_6 = vector.load %arg1[%get3A_4, %get3A_5] : memref<5000x128xf32, #tpu.memory_space<vmem>>, vector<5000x128xf32>
    %reduce_sum3A = arith.constant dense<0.000000e+00> : vector<128xf32>
    %reduce_sum3A_7 = vector.multi_reduction <add>, %get3A_6, %reduce_sum3A [0] : vector<5000x128xf32> to vector<128xf32>
    %broadcast_in_dim3A = vector.shape_cast %reduce_sum3A_7 : vector<128xf32> to vector<1x128xf32>
    %mul3A = arith.constant 9.99999974E-5 : f32
    %mul3A_8 = vector.broadcast %mul3A : f32 to vector<1x128xf32>
    %mul3A_9 = arith.mulf %broadcast_in_dim3A, %mul3A_8 : vector<1x128xf32>
    %add3A = arith.addf %get3A_3, %mul3A_9 : vector<1x128xf32>
    %swap3A = arith.constant 0 : index
    %swap3A_10 = arith.constant 0 : index
    %swap3A_11 = vector.load %arg2[%swap3A, %swap3A_10] : memref<1x128xf32, #tpu.memory_space<vmem>>, vector<1x128xf32>
    tpu.vector_store %arg2[%swap3A, %swap3A_10], %add3A {strides = array<i32>} : memref<1x128xf32, #tpu.memory_space<vmem>>, vector<1x128xf32>,
    return
  }
  func.func @transform_0(%arg0: i32) -> (i32, i32) {
    %c0_i32 = arith.constant 0 : i32
    %c0_i32_0 = arith.constant 0 : i32
    return %arg0, %c0_i32 : i32, i32
  }
  func.func @transform_1(%arg0: i32) -> (i32, i32) {
    %c0_i32 = arith.constant 0 : i32
    %c0_i32_0 = arith.constant 0 : i32
    %c0_i32_1 = arith.constant 0 : i32
    return %c0_i32, %c0_i32_0 : i32, i32
  }
}

module attributes {stable_mosaic.version = 14 : i64} {
  func.func @_lstm_body_a(%arg0: i32, %arg1: i32, %arg2: memref<1x5000x128xf32, #tpu.memory_space<vmem>>, %arg3: memref<1x5000x128xf32, #tpu.memory_space<vmem>>, %arg4: memref<256x512xbf16, #tpu.memory_space<vmem>>, %arg5: memref<256x512xbf16, #tpu.memory_space<vmem>>, %arg6: memref<1x512xf32, #tpu.memory_space<vmem>>, %arg7: memref<1x512xf32, #tpu.memory_space<vmem>>, %arg8: memref<5000x128xbf16, #tpu.memory_space<vmem>>, %arg9: memref<5000x128xbf16, #tpu.memory_space<vmem>>, %arg10: memref<5000x128xbf16, #tpu.memory_space<vmem>>, %arg11: memref<5000x128xbf16, #tpu.memory_space<vmem>>, %arg12: memref<5000x128xf32, #tpu.memory_space<vmem>>, %arg13: memref<5000x128xf32, #tpu.memory_space<vmem>>, %arg14: memref<5000x128xf32, #tpu.memory_space<vmem>>, %arg15: memref<5000x128xf32, #tpu.memory_space<vmem>>) attributes {dimension_semantics = [#tpu.dimension_semantics<arbitrary>, #tpu.dimension_semantics<arbitrary>], iteration_bounds = array<i64: 2, 8>, scalar_prefetch = 0 : i64, scratch_operands = 4 : i64, tpu.core_type = #tpu.core_type<tc>, window_params = [{transform_indices = @transform_0, window_bounds = array<i64: 1, 5000, 128>}, {transform_indices = @transform_1, window_bounds = array<i64: 1, 5000, 128>}, {pipeline_mode = #tpu.pipeline_mode<synchronous>, transform_indices = @transform_2, window_bounds = array<i64: 256, 512>}, {pipeline_mode = #tpu.pipeline_mode<synchronous>, transform_indices = @transform_3, window_bounds = array<i64: 256, 512>}, {pipeline_mode = #tpu.pipeline_mode<synchronous>, transform_indices = @transform_4, window_bounds = array<i64: 1, 512>}, {pipeline_mode = #tpu.pipeline_mode<synchronous>, transform_indices = @transform_5, window_bounds = array<i64: 1, 512>}, {transform_indices = @transform_6, window_bounds = array<i64: 5000, 128>}, {transform_indices = @transform_7, window_bounds = array<i64: 5000, 128>}, {transform_indices = @transform_8, window_bounds = array<i64: 5000, 128>}, {transform_indices = @transform_9, window_bounds = array<i64: 5000, 128>}]} {
    %eq3A = arith.constant 0 : i32
    %eq3A_0 = arith.cmpi eq, %arg1, %eq3A : i32
    %convert_element_type3A = arith.extui %eq3A_0 : i1 to i32
    %cond3A = arith.constant 0 : i32
    %cond3A_1 = arith.cmpi ne, %convert_element_type3A, %cond3A : i32
    scf.if %cond3A_1 {
      %broadcast_in_dim3A = arith.constant 0.000000e+00 : f32
      %broadcast_in_dim3A_139 = vector.broadcast %broadcast_in_dim3A : f32 to vector<5000x128xf32>
      %swap3A_140 = arith.constant 0 : index
      %swap3A_141 = arith.constant 0 : index
      %swap3A_142 = vector.load %arg12[%swap3A_140, %swap3A_141] : memref<5000x128xf32, #tpu.memory_space<vmem>>, vector<5000x128xf32>
      tpu.vector_store %arg12[%swap3A_140, %swap3A_141], %broadcast_in_dim3A_139 {strides = array<i32>} : memref<5000x128xf32, #tpu.memory_space<vmem>>, vector<5000x128xf32>,
      %broadcast_in_dim3A_143 = arith.constant 0.000000e+00 : f32
      %broadcast_in_dim3A_144 = vector.broadcast %broadcast_in_dim3A_143 : f32 to vector<5000x128xf32>
      %swap3A_145 = arith.constant 0 : index
      %swap3A_146 = arith.constant 0 : index
      %swap3A_147 = vector.load %arg13[%swap3A_145, %swap3A_146] : memref<5000x128xf32, #tpu.memory_space<vmem>>, vector<5000x128xf32>
      tpu.vector_store %arg13[%swap3A_145, %swap3A_146], %broadcast_in_dim3A_144 {strides = array<i32>} : memref<5000x128xf32, #tpu.memory_space<vmem>>, vector<5000x128xf32>,
      %broadcast_in_dim3A_148 = arith.constant 0.000000e+00 : f32
      %broadcast_in_dim3A_149 = vector.broadcast %broadcast_in_dim3A_148 : f32 to vector<5000x128xf32>
      %swap3A_150 = arith.constant 0 : index
      %swap3A_151 = arith.constant 0 : index
      %swap3A_152 = vector.load %arg14[%swap3A_150, %swap3A_151] : memref<5000x128xf32, #tpu.memory_space<vmem>>, vector<5000x128xf32>
      tpu.vector_store %arg14[%swap3A_150, %swap3A_151], %broadcast_in_dim3A_149 {strides = array<i32>} : memref<5000x128xf32, #tpu.memory_space<vmem>>, vector<5000x128xf32>,
      %broadcast_in_dim3A_153 = arith.constant 0.000000e+00 : f32
      %broadcast_in_dim3A_154 = vector.broadcast %broadcast_in_dim3A_153 : f32 to vector<5000x128xf32>
      %swap3A_155 = arith.constant 0 : index
      %swap3A_156 = arith.constant 0 : index
      %swap3A_157 = vector.load %arg15[%swap3A_155, %swap3A_156] : memref<5000x128xf32, #tpu.memory_space<vmem>>, vector<5000x128xf32>
      tpu.vector_store %arg15[%swap3A_155, %swap3A_156], %broadcast_in_dim3A_154 {strides = array<i32>} : memref<5000x128xf32, #tpu.memory_space<vmem>>, vector<5000x128xf32>,
    } else {
    }
    %get3A = arith.constant 0 : index
    %get3A_2 = arith.constant 0 : index
    %get3A_3 = arith.constant 0 : index
    %get3A_4 = vector.load %arg2[%get3A, %get3A_2, %get3A_3] : memref<1x5000x128xf32, #tpu.memory_space<vmem>>, vector<1x5000x128xf32>
    %get3A_5 = vector.shape_cast %get3A_4 : vector<1x5000x128xf32> to vector<5000x128xf32>
    %convert_element_type3A_6 = arith.truncf %get3A_5 : vector<5000x128xf32> to vector<5000x128xbf16>
    %get3A_7 = arith.constant 0 : index
    %get3A_8 = arith.constant 0 : index
    %get3A_9 = vector.load %arg12[%get3A_7, %get3A_8] : memref<5000x128xf32, #tpu.memory_space<vmem>>, vector<5000x128xf32>
    %convert_element_type3A_10 = arith.truncf %get3A_9 : vector<5000x128xf32> to vector<5000x128xbf16>
    %concatenate3A = tpu.concatenate %convert_element_type3A_6, %convert_element_type3A_10 in 1 : vector<5000x128xbf16>, vector<5000x128xbf16> -> vector<5000x256xbf16>
    %get3A_11 = arith.constant 0 : index
    %get3A_12 = arith.constant 0 : index
    %get3A_13 = vector.load %arg4[%get3A_11, %get3A_12] : memref<256x512xbf16, #tpu.memory_space<vmem>>, vector<256x512xbf16>
    %dot_general3A = arith.constant dense<0.000000e+00> : vector<5000x512xf32>
    %dot_general3A_14 = tpu.matmul %concatenate3A, %get3A_13, %dot_general3A {dimension_numbers = #tpu.dot_dimension_numbers<[1], [0], [0], [1], [0, 0, 1, 1], [], []>, transpose_lhs_hint = false} : vector<5000x256xbf16>, vector<256x512xbf16>, vector<5000x512xf32> -> vector<5000x512xf32>
    %get3A_15 = arith.constant 0 : index
    %get3A_16 = arith.constant 0 : index
    %get3A_17 = vector.load %arg6[%get3A_15, %get3A_16] : memref<1x512xf32, #tpu.memory_space<vmem>>, vector<1x512xf32>
    %add3A = vector.broadcast %get3A_17 : vector<1x512xf32> to vector<5000x512xf32>
    %add3A_18 = arith.addf %dot_general3A_14, %add3A : vector<5000x512xf32>
    %slice3A = vector.extract_strided_slice %add3A_18 {offsets = [0, 0], sizes = [5000, 128], strides = [1, 1]} : vector<5000x512xf32> to vector<5000x128xf32>
    %slice3A_19 = vector.extract_strided_slice %add3A_18 {offsets = [0, 128], sizes = [5000, 128], strides = [1, 1]} : vector<5000x512xf32> to vector<5000x128xf32>
    %slice3A_20 = vector.extract_strided_slice %add3A_18 {offsets = [0, 256], sizes = [5000, 128], strides = [1, 1]} : vector<5000x512xf32> to vector<5000x128xf32>
    %slice3A_21 = vector.extract_strided_slice %add3A_18 {offsets = [0, 384], sizes = [5000, 128], strides = [1, 1]} : vector<5000x512xf32> to vector<5000x128xf32>
    %mul3A = arith.constant 5.000000e-01 : f32
    %mul3A_22 = vector.broadcast %mul3A : f32 to vector<5000x128xf32>
    %mul3A_23 = arith.mulf %mul3A_22, %slice3A_19 : vector<5000x128xf32>
    %tanh3A = math.tanh %mul3A_23 : vector<5000x128xf32>
    %mul3A_24 = arith.constant 5.000000e-01 : f32
    %mul3A_25 = vector.broadcast %mul3A_24 : f32 to vector<5000x128xf32>
    %mul3A_26 = arith.mulf %mul3A_25, %tanh3A : vector<5000x128xf32>
    %add3A_27 = arith.constant 5.000000e-01 : f32
    %add3A_28 = vector.broadcast %add3A_27 : f32 to vector<5000x128xf32>
    %add3A_29 = arith.addf %mul3A_26, %add3A_28 : vector<5000x128xf32>
    %get3A_30 = arith.constant 0 : index
    %get3A_31 = arith.constant 0 : index
    %get3A_32 = vector.load %arg13[%get3A_30, %get3A_31] : memref<5000x128xf32, #tpu.memory_space<vmem>>, vector<5000x128xf32>
    %mul3A_33 = arith.mulf %add3A_29, %get3A_32 : vector<5000x128xf32>
    %mul3A_34 = arith.constant 5.000000e-01 : f32
    %mul3A_35 = vector.broadcast %mul3A_34 : f32 to vector<5000x128xf32>
    %mul3A_36 = arith.mulf %mul3A_35, %slice3A : vector<5000x128xf32>
    %tanh3A_37 = math.tanh %mul3A_36 : vector<5000x128xf32>
    %mul3A_38 = arith.constant 5.000000e-01 : f32
    %mul3A_39 = vector.broadcast %mul3A_38 : f32 to vector<5000x128xf32>
    %mul3A_40 = arith.mulf %mul3A_39, %tanh3A_37 : vector<5000x128xf32>
    %add3A_41 = arith.constant 5.000000e-01 : f32
    %add3A_42 = vector.broadcast %add3A_41 : f32 to vector<5000x128xf32>
    %add3A_43 = arith.addf %mul3A_40, %add3A_42 : vector<5000x128xf32>
    %tanh3A_44 = math.tanh %slice3A_20 : vector<5000x128xf32>
    %mul3A_45 = arith.mulf %add3A_43, %tanh3A_44 : vector<5000x128xf32>
    %add3A_46 = arith.addf %mul3A_33, %mul3A_45 : vector<5000x128xf32>
    %mul3A_47 = arith.constant 5.000000e-01 : f32
    %mul3A_48 = vector.broadcast %mul3A_47 : f32 to vector<5000x128xf32>
    %mul3A_49 = arith.mulf %mul3A_48, %slice3A_21 : vector<5000x128xf32>
    %tanh3A_50 = math.tanh %mul3A_49 : vector<5000x128xf32>
    %mul3A_51 = arith.constant 5.000000e-01 : f32
    %mul3A_52 = vector.broadcast %mul3A_51 : f32 to vector<5000x128xf32>
    %mul3A_53 = arith.mulf %mul3A_52, %tanh3A_50 : vector<5000x128xf32>
    %add3A_54 = arith.constant 5.000000e-01 : f32
    %add3A_55 = vector.broadcast %add3A_54 : f32 to vector<5000x128xf32>
    %add3A_56 = arith.addf %mul3A_53, %add3A_55 : vector<5000x128xf32>
    %tanh3A_57 = math.tanh %add3A_46 : vector<5000x128xf32>
    %mul3A_58 = arith.mulf %add3A_56, %tanh3A_57 : vector<5000x128xf32>
    %swap3A = arith.constant 0 : index
    %swap3A_59 = arith.constant 0 : index
    %swap3A_60 = vector.load %arg12[%swap3A, %swap3A_59] : memref<5000x128xf32, #tpu.memory_space<vmem>>, vector<5000x128xf32>
    tpu.vector_store %arg12[%swap3A, %swap3A_59], %mul3A_58 {strides = array<i32>} : memref<5000x128xf32, #tpu.memory_space<vmem>>, vector<5000x128xf32>,
    %swap3A_61 = arith.constant 0 : index
    %swap3A_62 = arith.constant 0 : index
    %swap3A_63 = vector.load %arg13[%swap3A_61, %swap3A_62] : memref<5000x128xf32, #tpu.memory_space<vmem>>, vector<5000x128xf32>
    tpu.vector_store %arg13[%swap3A_61, %swap3A_62], %add3A_46 {strides = array<i32>} : memref<5000x128xf32, #tpu.memory_space<vmem>>, vector<5000x128xf32>,
    %get3A_64 = arith.constant 0 : index
    %get3A_65 = arith.constant 0 : index
    %get3A_66 = arith.constant 0 : index
    %get3A_67 = vector.load %arg3[%get3A_64, %get3A_65, %get3A_66] : memref<1x5000x128xf32, #tpu.memory_space<vmem>>, vector<1x5000x128xf32>
    %get3A_68 = vector.shape_cast %get3A_67 : vector<1x5000x128xf32> to vector<5000x128xf32>
    %convert_element_type3A_69 = arith.truncf %get3A_68 : vector<5000x128xf32> to vector<5000x128xbf16>
    %get3A_70 = arith.constant 0 : index
    %get3A_71 = arith.constant 0 : index
    %get3A_72 = vector.load %arg14[%get3A_70, %get3A_71] : memref<5000x128xf32, #tpu.memory_space<vmem>>, vector<5000x128xf32>
    %convert_element_type3A_73 = arith.truncf %get3A_72 : vector<5000x128xf32> to vector<5000x128xbf16>
    %concatenate3A_74 = tpu.concatenate %convert_element_type3A_69, %convert_element_type3A_73 in 1 : vector<5000x128xbf16>, vector<5000x128xbf16> -> vector<5000x256xbf16>
    %get3A_75 = arith.constant 0 : index
    %get3A_76 = arith.constant 0 : index
    %get3A_77 = vector.load %arg5[%get3A_75, %get3A_76] : memref<256x512xbf16, #tpu.memory_space<vmem>>, vector<256x512xbf16>
    %dot_general3A_78 = arith.constant dense<0.000000e+00> : vector<5000x512xf32>
    %dot_general3A_79 = tpu.matmul %concatenate3A_74, %get3A_77, %dot_general3A_78 {dimension_numbers = #tpu.dot_dimension_numbers<[1], [0], [0], [1], [0, 0, 1, 1], [], []>, transpose_lhs_hint = false} : vector<5000x256xbf16>, vector<256x512xbf16>, vector<5000x512xf32> -> vector<5000x512xf32>
    %get3A_80 = arith.constant 0 : index
    %get3A_81 = arith.constant 0 : index
    %get3A_82 = vector.load %arg7[%get3A_80, %get3A_81] : memref<1x512xf32, #tpu.memory_space<vmem>>, vector<1x512xf32>
    %add3A_83 = vector.broadcast %get3A_82 : vector<1x512xf32> to vector<5000x512xf32>
    %add3A_84 = arith.addf %dot_general3A_79, %add3A_83 : vector<5000x512xf32>
    %slice3A_85 = vector.extract_strided_slice %add3A_84 {offsets = [0, 0], sizes = [5000, 128], strides = [1, 1]} : vector<5000x512xf32> to vector<5000x128xf32>
    %slice3A_86 = vector.extract_strided_slice %add3A_84 {offsets = [0, 128], sizes = [5000, 128], strides = [1, 1]} : vector<5000x512xf32> to vector<5000x128xf32>
    %slice3A_87 = vector.extract_strided_slice %add3A_84 {offsets = [0, 256], sizes = [5000, 128], strides = [1, 1]} : vector<5000x512xf32> to vector<5000x128xf32>
    %slice3A_88 = vector.extract_strided_slice %add3A_84 {offsets = [0, 384], sizes = [5000, 128], strides = [1, 1]} : vector<5000x512xf32> to vector<5000x128xf32>
    %mul3A_89 = arith.constant 5.000000e-01 : f32
    %mul3A_90 = vector.broadcast %mul3A_89 : f32 to vector<5000x128xf32>
    %mul3A_91 = arith.mulf %mul3A_90, %slice3A_86 : vector<5000x128xf32>
    %tanh3A_92 = math.tanh %mul3A_91 : vector<5000x128xf32>
    %mul3A_93 = arith.constant 5.000000e-01 : f32
    %mul3A_94 = vector.broadcast %mul3A_93 : f32 to vector<5000x128xf32>
    %mul3A_95 = arith.mulf %mul3A_94, %tanh3A_92 : vector<5000x128xf32>
    %add3A_96 = arith.constant 5.000000e-01 : f32
    %add3A_97 = vector.broadcast %add3A_96 : f32 to vector<5000x128xf32>
    %add3A_98 = arith.addf %mul3A_95, %add3A_97 : vector<5000x128xf32>
    %get3A_99 = arith.constant 0 : index
    %get3A_100 = arith.constant 0 : index
    %get3A_101 = vector.load %arg15[%get3A_99, %get3A_100] : memref<5000x128xf32, #tpu.memory_space<vmem>>, vector<5000x128xf32>
    %mul3A_102 = arith.mulf %add3A_98, %get3A_101 : vector<5000x128xf32>
    %mul3A_103 = arith.constant 5.000000e-01 : f32
    %mul3A_104 = vector.broadcast %mul3A_103 : f32 to vector<5000x128xf32>
    %mul3A_105 = arith.mulf %mul3A_104, %slice3A_85 : vector<5000x128xf32>
    %tanh3A_106 = math.tanh %mul3A_105 : vector<5000x128xf32>
    %mul3A_107 = arith.constant 5.000000e-01 : f32
    %mul3A_108 = vector.broadcast %mul3A_107 : f32 to vector<5000x128xf32>
    %mul3A_109 = arith.mulf %mul3A_108, %tanh3A_106 : vector<5000x128xf32>
    %add3A_110 = arith.constant 5.000000e-01 : f32
    %add3A_111 = vector.broadcast %add3A_110 : f32 to vector<5000x128xf32>
    %add3A_112 = arith.addf %mul3A_109, %add3A_111 : vector<5000x128xf32>
    %tanh3A_113 = math.tanh %slice3A_87 : vector<5000x128xf32>
    %mul3A_114 = arith.mulf %add3A_112, %tanh3A_113 : vector<5000x128xf32>
    %add3A_115 = arith.addf %mul3A_102, %mul3A_114 : vector<5000x128xf32>
    %mul3A_116 = arith.constant 5.000000e-01 : f32
    %mul3A_117 = vector.broadcast %mul3A_116 : f32 to vector<5000x128xf32>
    %mul3A_118 = arith.mulf %mul3A_117, %slice3A_88 : vector<5000x128xf32>
    %tanh3A_119 = math.tanh %mul3A_118 : vector<5000x128xf32>
    %mul3A_120 = arith.constant 5.000000e-01 : f32
    %mul3A_121 = vector.broadcast %mul3A_120 : f32 to vector<5000x128xf32>
    %mul3A_122 = arith.mulf %mul3A_121, %tanh3A_119 : vector<5000x128xf32>
    %add3A_123 = arith.constant 5.000000e-01 : f32
    %add3A_124 = vector.broadcast %add3A_123 : f32 to vector<5000x128xf32>
    %add3A_125 = arith.addf %mul3A_122, %add3A_124 : vector<5000x128xf32>
    %tanh3A_126 = math.tanh %add3A_115 : vector<5000x128xf32>
    %mul3A_127 = arith.mulf %add3A_125, %tanh3A_126 : vector<5000x128xf32>
    %swap3A_128 = arith.constant 0 : index
    %swap3A_129 = arith.constant 0 : index
    %swap3A_130 = vector.load %arg14[%swap3A_128, %swap3A_129] : memref<5000x128xf32, #tpu.memory_space<vmem>>, vector<5000x128xf32>
    tpu.vector_store %arg14[%swap3A_128, %swap3A_129], %mul3A_127 {strides = array<i32>} : memref<5000x128xf32, #tpu.memory_space<vmem>>, vector<5000x128xf32>,
    %swap3A_131 = arith.constant 0 : index
    %swap3A_132 = arith.constant 0 : index
    %swap3A_133 = vector.load %arg15[%swap3A_131, %swap3A_132] : memref<5000x128xf32, #tpu.memory_space<vmem>>, vector<5000x128xf32>
    tpu.vector_store %arg15[%swap3A_131, %swap3A_132], %add3A_115 {strides = array<i32>} : memref<5000x128xf32, #tpu.memory_space<vmem>>, vector<5000x128xf32>,
    %eq3A_134 = arith.constant 7 : i32
    %eq3A_135 = arith.cmpi eq, %arg1, %eq3A_134 : i32
    %convert_element_type3A_136 = arith.extui %eq3A_135 : i1 to i32
    %cond3A_137 = arith.constant 0 : i32
    %cond3A_138 = arith.cmpi ne, %convert_element_type3A_136, %cond3A_137 : i32
    scf.if %cond3A_138 {
      %get3A_139 = arith.constant 0 : index
      %get3A_140 = arith.constant 0 : index
      %get3A_141 = vector.load %arg12[%get3A_139, %get3A_140] : memref<5000x128xf32, #tpu.memory_space<vmem>>, vector<5000x128xf32>
      %convert_element_type3A_142 = arith.truncf %get3A_141 : vector<5000x128xf32> to vector<5000x128xbf16>
      %swap3A_143 = arith.constant 0 : index
      %swap3A_144 = arith.constant 0 : index
      %swap3A_145 = vector.load %arg8[%swap3A_143, %swap3A_144] : memref<5000x128xbf16, #tpu.memory_space<vmem>>, vector<5000x128xbf16>
      tpu.vector_store %arg8[%swap3A_143, %swap3A_144], %convert_element_type3A_142 {strides = array<i32>} : memref<5000x128xbf16, #tpu.memory_space<vmem>>, vector<5000x128xbf16>,
      %get3A_146 = arith.constant 0 : index
      %get3A_147 = arith.constant 0 : index
      %get3A_148 = vector.load %arg13[%get3A_146, %get3A_147] : memref<5000x128xf32, #tpu.memory_space<vmem>>, vector<5000x128xf32>
      %convert_element_type3A_149 = arith.truncf %get3A_148 : vector<5000x128xf32> to vector<5000x128xbf16>
      %swap3A_150 = arith.constant 0 : index
      %swap3A_151 = arith.constant 0 : index
      %swap3A_152 = vector.load %arg9[%swap3A_150, %swap3A_151] : memref<5000x128xbf16, #tpu.memory_space<vmem>>, vector<5000x128xbf16>
      tpu.vector_store %arg9[%swap3A_150, %swap3A_151], %convert_element_type3A_149 {strides = array<i32>} : memref<5000x128xbf16, #tpu.memory_space<vmem>>, vector<5000x128xbf16>,
      %get3A_153 = arith.constant 0 : index
      %get3A_154 = arith.constant 0 : index
      %get3A_155 = vector.load %arg14[%get3A_153, %get3A_154] : memref<5000x128xf32, #tpu.memory_space<vmem>>, vector<5000x128xf32>
      %convert_element_type3A_156 = arith.truncf %get3A_155 : vector<5000x128xf32> to vector<5000x128xbf16>
      %swap3A_157 = arith.constant 0 : index
      %swap3A_158 = arith.constant 0 : index
      %swap3A_159 = vector.load %arg10[%swap3A_157, %swap3A_158] : memref<5000x128xbf16, #tpu.memory_space<vmem>>, vector<5000x128xbf16>
      tpu.vector_store %arg10[%swap3A_157, %swap3A_158], %convert_element_type3A_156 {strides = array<i32>} : memref<5000x128xbf16, #tpu.memory_space<vmem>>, vector<5000x128xbf16>,
      %get3A_160 = arith.constant 0 : index
      %get3A_161 = arith.constant 0 : index
      %get3A_162 = vector.load %arg15[%get3A_160, %get3A_161] : memref<5000x128xf32, #tpu.memory_space<vmem>>, vector<5000x128xf32>
      %convert_element_type3A_163 = arith.truncf %get3A_162 : vector<5000x128xf32> to vector<5000x128xbf16>
      %swap3A_164 = arith.constant 0 : index
      %swap3A_165 = arith.constant 0 : index
      %swap3A_166 = vector.load %arg11[%swap3A_164, %swap3A_165] : memref<5000x128xbf16, #tpu.memory_space<vmem>>, vector<5000x128xbf16>
      tpu.vector_store %arg11[%swap3A_164, %swap3A_165], %convert_element_type3A_163 {strides = array<i32>} : memref<5000x128xbf16, #tpu.memory_space<vmem>>, vector<5000x128xbf16>,
    } else {
    }
    return
  }
  func.func @transform_0(%arg0: i32, %arg1: i32) -> (i32, i32, i32) {
    %c0_i32 = arith.constant 0 : i32
    %c0_i32_0 = arith.constant 0 : i32
    return %arg1, %arg0, %c0_i32 : i32, i32, i32
  }
  func.func @transform_1(%arg0: i32, %arg1: i32) -> (i32, i32, i32) {
    %c0_i32 = arith.constant 0 : i32
    %c0_i32_0 = arith.constant 0 : i32
    return %arg1, %arg0, %c0_i32 : i32, i32, i32
  }
  func.func @transform_2(%arg0: i32, %arg1: i32) -> (i32, i32) {
    %c0_i32 = arith.constant 0 : i32
    %c0_i32_0 = arith.constant 0 : i32
    %c0_i32_1 = arith.constant 0 : i32
    return %c0_i32, %c0_i32_0 : i32, i32
  }
  func.func @transform_3(%arg0: i32, %arg1: i32) -> (i32, i32) {
    %c0_i32 = arith.constant 0 : i32
    %c0_i32_0 = arith.constant 0 : i32
    %c0_i32_1 = arith.constant 0 : i32
    return %c0_i32, %c0_i32_0 : i32, i32
  }
  func.func @transform_4(%arg0: i32, %arg1: i32) -> (i32, i32) {
    %c0_i32 = arith.constant 0 : i32
    %c0_i32_0 = arith.constant 0 : i32
    %c0_i32_1 = arith.constant 0 : i32
    return %c0_i32, %c0_i32_0 : i32, i32
  }
  func.func @transform_5(%arg0: i32, %arg1: i32) -> (i32, i32) {
    %c0_i32 = arith.constant 0 : i32
    %c0_i32_0 = arith.constant 0 : i32
    %c0_i32_1 = arith.constant 0 : i32
    return %c0_i32, %c0_i32_0 : i32, i32
  }
  func.func @transform_6(%arg0: i32, %arg1: i32) -> (i32, i32) {
    %c0_i32 = arith.constant 0 : i32
    %c0_i32_0 = arith.constant 0 : i32
    return %arg0, %c0_i32 : i32, i32
  }
  func.func @transform_7(%arg0: i32, %arg1: i32) -> (i32, i32) {
    %c0_i32 = arith.constant 0 : i32
    %c0_i32_0 = arith.constant 0 : i32
    return %arg0, %c0_i32 : i32, i32
  }
  func.func @transform_8(%arg0: i32, %arg1: i32) -> (i32, i32) {
    %c0_i32 = arith.constant 0 : i32
    %c0_i32_0 = arith.constant 0 : i32
    return %arg0, %c0_i32 : i32, i32
  }
  func.func @transform_9(%arg0: i32, %arg1: i32) -> (i32, i32) {
    %c0_i32 = arith.constant 0 : i32
    %c0_i32_0 = arith.constant 0 : i32
    return %arg0, %c0_i32 : i32, i32
  }
}

module attributes {stable_mosaic.version = 14 : i64} {
  func.func @_lstm_body_m(%arg0: i32, %arg1: i32, %arg2: memref<1x2000x128xf32, #tpu.memory_space<vmem>>, %arg3: memref<1x2000x128xf32, #tpu.memory_space<vmem>>, %arg4: memref<2000x128xbf16, #tpu.memory_space<vmem>>, %arg5: memref<2000x128xbf16, #tpu.memory_space<vmem>>, %arg6: memref<2000x128xbf16, #tpu.memory_space<vmem>>, %arg7: memref<2000x128xbf16, #tpu.memory_space<vmem>>, %arg8: memref<256x512xbf16, #tpu.memory_space<vmem>>, %arg9: memref<256x512xbf16, #tpu.memory_space<vmem>>, %arg10: memref<1x512xf32, #tpu.memory_space<vmem>>, %arg11: memref<1x512xf32, #tpu.memory_space<vmem>>, %arg12: memref<2000x128xbf16, #tpu.memory_space<vmem>>, %arg13: memref<2000x128xbf16, #tpu.memory_space<vmem>>, %arg14: memref<2000x128xbf16, #tpu.memory_space<vmem>>, %arg15: memref<2000x128xbf16, #tpu.memory_space<vmem>>, %arg16: memref<2000x128xf32, #tpu.memory_space<vmem>>, %arg17: memref<2000x128xf32, #tpu.memory_space<vmem>>, %arg18: memref<2000x128xf32, #tpu.memory_space<vmem>>, %arg19: memref<2000x128xf32, #tpu.memory_space<vmem>>) attributes {dimension_semantics = [#tpu.dimension_semantics<arbitrary>, #tpu.dimension_semantics<arbitrary>], iteration_bounds = array<i64: 5, 8>, scalar_prefetch = 0 : i64, scratch_operands = 4 : i64, tpu.core_type = #tpu.core_type<tc>, window_params = [{transform_indices = @transform_0, window_bounds = array<i64: 1, 2000, 128>}, {transform_indices = @transform_1, window_bounds = array<i64: 1, 2000, 128>}, {transform_indices = @transform_2, window_bounds = array<i64: 2000, 128>}, {transform_indices = @transform_3, window_bounds = array<i64: 2000, 128>}, {transform_indices = @transform_4, window_bounds = array<i64: 2000, 128>}, {transform_indices = @transform_5, window_bounds = array<i64: 2000, 128>}, {pipeline_mode = #tpu.pipeline_mode<synchronous>, transform_indices = @transform_6, window_bounds = array<i64: 256, 512>}, {pipeline_mode = #tpu.pipeline_mode<synchronous>, transform_indices = @transform_7, window_bounds = array<i64: 256, 512>}, {pipeline_mode = #tpu.pipeline_mode<synchronous>, transform_indices = @transform_8, window_bounds = array<i64: 1, 512>}, {pipeline_mode = #tpu.pipeline_mode<synchronous>, transform_indices = @transform_9, window_bounds = array<i64: 1, 512>}, {transform_indices = @transform_10, window_bounds = array<i64: 2000, 128>}, {transform_indices = @transform_11, window_bounds = array<i64: 2000, 128>}, {transform_indices = @transform_12, window_bounds = array<i64: 2000, 128>}, {transform_indices = @transform_13, window_bounds = array<i64: 2000, 128>}]} {
    %eq3A = arith.constant 0 : i32
    %eq3A_0 = arith.cmpi eq, %arg1, %eq3A : i32
    %convert_element_type3A = arith.extui %eq3A_0 : i1 to i32
    %cond3A = arith.constant 0 : i32
    %cond3A_1 = arith.cmpi ne, %convert_element_type3A, %cond3A : i32
    scf.if %cond3A_1 {
      %get3A_139 = arith.constant 0 : index
      %get3A_140 = arith.constant 0 : index
      %get3A_141 = vector.load %arg4[%get3A_139, %get3A_140] : memref<2000x128xbf16, #tpu.memory_space<vmem>>, vector<2000x128xbf16>
      %convert_element_type3A_142 = arith.extf %get3A_141 : vector<2000x128xbf16> to vector<2000x128xf32>
      %swap3A_143 = arith.constant 0 : index
      %swap3A_144 = arith.constant 0 : index
      %swap3A_145 = vector.load %arg16[%swap3A_143, %swap3A_144] : memref<2000x128xf32, #tpu.memory_space<vmem>>, vector<2000x128xf32>
      tpu.vector_store %arg16[%swap3A_143, %swap3A_144], %convert_element_type3A_142 {strides = array<i32>} : memref<2000x128xf32, #tpu.memory_space<vmem>>, vector<2000x128xf32>,
      %get3A_146 = arith.constant 0 : index
      %get3A_147 = arith.constant 0 : index
      %get3A_148 = vector.load %arg5[%get3A_146, %get3A_147] : memref<2000x128xbf16, #tpu.memory_space<vmem>>, vector<2000x128xbf16>
      %convert_element_type3A_149 = arith.extf %get3A_148 : vector<2000x128xbf16> to vector<2000x128xf32>
      %swap3A_150 = arith.constant 0 : index
      %swap3A_151 = arith.constant 0 : index
      %swap3A_152 = vector.load %arg17[%swap3A_150, %swap3A_151] : memref<2000x128xf32, #tpu.memory_space<vmem>>, vector<2000x128xf32>
      tpu.vector_store %arg17[%swap3A_150, %swap3A_151], %convert_element_type3A_149 {strides = array<i32>} : memref<2000x128xf32, #tpu.memory_space<vmem>>, vector<2000x128xf32>,
      %get3A_153 = arith.constant 0 : index
      %get3A_154 = arith.constant 0 : index
      %get3A_155 = vector.load %arg6[%get3A_153, %get3A_154] : memref<2000x128xbf16, #tpu.memory_space<vmem>>, vector<2000x128xbf16>
      %convert_element_type3A_156 = arith.extf %get3A_155 : vector<2000x128xbf16> to vector<2000x128xf32>
      %swap3A_157 = arith.constant 0 : index
      %swap3A_158 = arith.constant 0 : index
      %swap3A_159 = vector.load %arg18[%swap3A_157, %swap3A_158] : memref<2000x128xf32, #tpu.memory_space<vmem>>, vector<2000x128xf32>
      tpu.vector_store %arg18[%swap3A_157, %swap3A_158], %convert_element_type3A_156 {strides = array<i32>} : memref<2000x128xf32, #tpu.memory_space<vmem>>, vector<2000x128xf32>,
      %get3A_160 = arith.constant 0 : index
      %get3A_161 = arith.constant 0 : index
      %get3A_162 = vector.load %arg7[%get3A_160, %get3A_161] : memref<2000x128xbf16, #tpu.memory_space<vmem>>, vector<2000x128xbf16>
      %convert_element_type3A_163 = arith.extf %get3A_162 : vector<2000x128xbf16> to vector<2000x128xf32>
      %swap3A_164 = arith.constant 0 : index
      %swap3A_165 = arith.constant 0 : index
      %swap3A_166 = vector.load %arg19[%swap3A_164, %swap3A_165] : memref<2000x128xf32, #tpu.memory_space<vmem>>, vector<2000x128xf32>
      tpu.vector_store %arg19[%swap3A_164, %swap3A_165], %convert_element_type3A_163 {strides = array<i32>} : memref<2000x128xf32, #tpu.memory_space<vmem>>, vector<2000x128xf32>,
    } else {
    }
    %get3A = arith.constant 0 : index
    %get3A_2 = arith.constant 0 : index
    %get3A_3 = arith.constant 0 : index
    %get3A_4 = vector.load %arg2[%get3A, %get3A_2, %get3A_3] : memref<1x2000x128xf32, #tpu.memory_space<vmem>>, vector<1x2000x128xf32>
    %get3A_5 = vector.shape_cast %get3A_4 : vector<1x2000x128xf32> to vector<2000x128xf32>
    %convert_element_type3A_6 = arith.truncf %get3A_5 : vector<2000x128xf32> to vector<2000x128xbf16>
    %get3A_7 = arith.constant 0 : index
    %get3A_8 = arith.constant 0 : index
    %get3A_9 = vector.load %arg16[%get3A_7, %get3A_8] : memref<2000x128xf32, #tpu.memory_space<vmem>>, vector<2000x128xf32>
    %convert_element_type3A_10 = arith.truncf %get3A_9 : vector<2000x128xf32> to vector<2000x128xbf16>
    %concatenate3A = tpu.concatenate %convert_element_type3A_6, %convert_element_type3A_10 in 1 : vector<2000x128xbf16>, vector<2000x128xbf16> -> vector<2000x256xbf16>
    %get3A_11 = arith.constant 0 : index
    %get3A_12 = arith.constant 0 : index
    %get3A_13 = vector.load %arg8[%get3A_11, %get3A_12] : memref<256x512xbf16, #tpu.memory_space<vmem>>, vector<256x512xbf16>
    %dot_general3A = arith.constant dense<0.000000e+00> : vector<2000x512xf32>
    %dot_general3A_14 = tpu.matmul %concatenate3A, %get3A_13, %dot_general3A {dimension_numbers = #tpu.dot_dimension_numbers<[1], [0], [0], [1], [0, 0, 1, 1], [], []>, transpose_lhs_hint = false} : vector<2000x256xbf16>, vector<256x512xbf16>, vector<2000x512xf32> -> vector<2000x512xf32>
    %get3A_15 = arith.constant 0 : index
    %get3A_16 = arith.constant 0 : index
    %get3A_17 = vector.load %arg10[%get3A_15, %get3A_16] : memref<1x512xf32, #tpu.memory_space<vmem>>, vector<1x512xf32>
    %add3A = vector.broadcast %get3A_17 : vector<1x512xf32> to vector<2000x512xf32>
    %add3A_18 = arith.addf %dot_general3A_14, %add3A : vector<2000x512xf32>
    %slice3A = vector.extract_strided_slice %add3A_18 {offsets = [0, 0], sizes = [2000, 128], strides = [1, 1]} : vector<2000x512xf32> to vector<2000x128xf32>
    %slice3A_19 = vector.extract_strided_slice %add3A_18 {offsets = [0, 128], sizes = [2000, 128], strides = [1, 1]} : vector<2000x512xf32> to vector<2000x128xf32>
    %slice3A_20 = vector.extract_strided_slice %add3A_18 {offsets = [0, 256], sizes = [2000, 128], strides = [1, 1]} : vector<2000x512xf32> to vector<2000x128xf32>
    %slice3A_21 = vector.extract_strided_slice %add3A_18 {offsets = [0, 384], sizes = [2000, 128], strides = [1, 1]} : vector<2000x512xf32> to vector<2000x128xf32>
    %mul3A = arith.constant 5.000000e-01 : f32
    %mul3A_22 = vector.broadcast %mul3A : f32 to vector<2000x128xf32>
    %mul3A_23 = arith.mulf %mul3A_22, %slice3A_19 : vector<2000x128xf32>
    %tanh3A = math.tanh %mul3A_23 : vector<2000x128xf32>
    %mul3A_24 = arith.constant 5.000000e-01 : f32
    %mul3A_25 = vector.broadcast %mul3A_24 : f32 to vector<2000x128xf32>
    %mul3A_26 = arith.mulf %mul3A_25, %tanh3A : vector<2000x128xf32>
    %add3A_27 = arith.constant 5.000000e-01 : f32
    %add3A_28 = vector.broadcast %add3A_27 : f32 to vector<2000x128xf32>
    %add3A_29 = arith.addf %mul3A_26, %add3A_28 : vector<2000x128xf32>
    %get3A_30 = arith.constant 0 : index
    %get3A_31 = arith.constant 0 : index
    %get3A_32 = vector.load %arg17[%get3A_30, %get3A_31] : memref<2000x128xf32, #tpu.memory_space<vmem>>, vector<2000x128xf32>
    %mul3A_33 = arith.mulf %add3A_29, %get3A_32 : vector<2000x128xf32>
    %mul3A_34 = arith.constant 5.000000e-01 : f32
    %mul3A_35 = vector.broadcast %mul3A_34 : f32 to vector<2000x128xf32>
    %mul3A_36 = arith.mulf %mul3A_35, %slice3A : vector<2000x128xf32>
    %tanh3A_37 = math.tanh %mul3A_36 : vector<2000x128xf32>
    %mul3A_38 = arith.constant 5.000000e-01 : f32
    %mul3A_39 = vector.broadcast %mul3A_38 : f32 to vector<2000x128xf32>
    %mul3A_40 = arith.mulf %mul3A_39, %tanh3A_37 : vector<2000x128xf32>
    %add3A_41 = arith.constant 5.000000e-01 : f32
    %add3A_42 = vector.broadcast %add3A_41 : f32 to vector<2000x128xf32>
    %add3A_43 = arith.addf %mul3A_40, %add3A_42 : vector<2000x128xf32>
    %tanh3A_44 = math.tanh %slice3A_20 : vector<2000x128xf32>
    %mul3A_45 = arith.mulf %add3A_43, %tanh3A_44 : vector<2000x128xf32>
    %add3A_46 = arith.addf %mul3A_33, %mul3A_45 : vector<2000x128xf32>
    %mul3A_47 = arith.constant 5.000000e-01 : f32
    %mul3A_48 = vector.broadcast %mul3A_47 : f32 to vector<2000x128xf32>
    %mul3A_49 = arith.mulf %mul3A_48, %slice3A_21 : vector<2000x128xf32>
    %tanh3A_50 = math.tanh %mul3A_49 : vector<2000x128xf32>
    %mul3A_51 = arith.constant 5.000000e-01 : f32
    %mul3A_52 = vector.broadcast %mul3A_51 : f32 to vector<2000x128xf32>
    %mul3A_53 = arith.mulf %mul3A_52, %tanh3A_50 : vector<2000x128xf32>
    %add3A_54 = arith.constant 5.000000e-01 : f32
    %add3A_55 = vector.broadcast %add3A_54 : f32 to vector<2000x128xf32>
    %add3A_56 = arith.addf %mul3A_53, %add3A_55 : vector<2000x128xf32>
    %tanh3A_57 = math.tanh %add3A_46 : vector<2000x128xf32>
    %mul3A_58 = arith.mulf %add3A_56, %tanh3A_57 : vector<2000x128xf32>
    %swap3A = arith.constant 0 : index
    %swap3A_59 = arith.constant 0 : index
    %swap3A_60 = vector.load %arg16[%swap3A, %swap3A_59] : memref<2000x128xf32, #tpu.memory_space<vmem>>, vector<2000x128xf32>
    tpu.vector_store %arg16[%swap3A, %swap3A_59], %mul3A_58 {strides = array<i32>} : memref<2000x128xf32, #tpu.memory_space<vmem>>, vector<2000x128xf32>,
    %swap3A_61 = arith.constant 0 : index
    %swap3A_62 = arith.constant 0 : index
    %swap3A_63 = vector.load %arg17[%swap3A_61, %swap3A_62] : memref<2000x128xf32, #tpu.memory_space<vmem>>, vector<2000x128xf32>
    tpu.vector_store %arg17[%swap3A_61, %swap3A_62], %add3A_46 {strides = array<i32>} : memref<2000x128xf32, #tpu.memory_space<vmem>>, vector<2000x128xf32>,
    %get3A_64 = arith.constant 0 : index
    %get3A_65 = arith.constant 0 : index
    %get3A_66 = arith.constant 0 : index
    %get3A_67 = vector.load %arg3[%get3A_64, %get3A_65, %get3A_66] : memref<1x2000x128xf32, #tpu.memory_space<vmem>>, vector<1x2000x128xf32>
    %get3A_68 = vector.shape_cast %get3A_67 : vector<1x2000x128xf32> to vector<2000x128xf32>
    %convert_element_type3A_69 = arith.truncf %get3A_68 : vector<2000x128xf32> to vector<2000x128xbf16>
    %get3A_70 = arith.constant 0 : index
    %get3A_71 = arith.constant 0 : index
    %get3A_72 = vector.load %arg18[%get3A_70, %get3A_71] : memref<2000x128xf32, #tpu.memory_space<vmem>>, vector<2000x128xf32>
    %convert_element_type3A_73 = arith.truncf %get3A_72 : vector<2000x128xf32> to vector<2000x128xbf16>
    %concatenate3A_74 = tpu.concatenate %convert_element_type3A_69, %convert_element_type3A_73 in 1 : vector<2000x128xbf16>, vector<2000x128xbf16> -> vector<2000x256xbf16>
    %get3A_75 = arith.constant 0 : index
    %get3A_76 = arith.constant 0 : index
    %get3A_77 = vector.load %arg9[%get3A_75, %get3A_76] : memref<256x512xbf16, #tpu.memory_space<vmem>>, vector<256x512xbf16>
    %dot_general3A_78 = arith.constant dense<0.000000e+00> : vector<2000x512xf32>
    %dot_general3A_79 = tpu.matmul %concatenate3A_74, %get3A_77, %dot_general3A_78 {dimension_numbers = #tpu.dot_dimension_numbers<[1], [0], [0], [1], [0, 0, 1, 1], [], []>, transpose_lhs_hint = false} : vector<2000x256xbf16>, vector<256x512xbf16>, vector<2000x512xf32> -> vector<2000x512xf32>
    %get3A_80 = arith.constant 0 : index
    %get3A_81 = arith.constant 0 : index
    %get3A_82 = vector.load %arg11[%get3A_80, %get3A_81] : memref<1x512xf32, #tpu.memory_space<vmem>>, vector<1x512xf32>
    %add3A_83 = vector.broadcast %get3A_82 : vector<1x512xf32> to vector<2000x512xf32>
    %add3A_84 = arith.addf %dot_general3A_79, %add3A_83 : vector<2000x512xf32>
    %slice3A_85 = vector.extract_strided_slice %add3A_84 {offsets = [0, 0], sizes = [2000, 128], strides = [1, 1]} : vector<2000x512xf32> to vector<2000x128xf32>
    %slice3A_86 = vector.extract_strided_slice %add3A_84 {offsets = [0, 128], sizes = [2000, 128], strides = [1, 1]} : vector<2000x512xf32> to vector<2000x128xf32>
    %slice3A_87 = vector.extract_strided_slice %add3A_84 {offsets = [0, 256], sizes = [2000, 128], strides = [1, 1]} : vector<2000x512xf32> to vector<2000x128xf32>
    %slice3A_88 = vector.extract_strided_slice %add3A_84 {offsets = [0, 384], sizes = [2000, 128], strides = [1, 1]} : vector<2000x512xf32> to vector<2000x128xf32>
    %mul3A_89 = arith.constant 5.000000e-01 : f32
    %mul3A_90 = vector.broadcast %mul3A_89 : f32 to vector<2000x128xf32>
    %mul3A_91 = arith.mulf %mul3A_90, %slice3A_86 : vector<2000x128xf32>
    %tanh3A_92 = math.tanh %mul3A_91 : vector<2000x128xf32>
    %mul3A_93 = arith.constant 5.000000e-01 : f32
    %mul3A_94 = vector.broadcast %mul3A_93 : f32 to vector<2000x128xf32>
    %mul3A_95 = arith.mulf %mul3A_94, %tanh3A_92 : vector<2000x128xf32>
    %add3A_96 = arith.constant 5.000000e-01 : f32
    %add3A_97 = vector.broadcast %add3A_96 : f32 to vector<2000x128xf32>
    %add3A_98 = arith.addf %mul3A_95, %add3A_97 : vector<2000x128xf32>
    %get3A_99 = arith.constant 0 : index
    %get3A_100 = arith.constant 0 : index
    %get3A_101 = vector.load %arg19[%get3A_99, %get3A_100] : memref<2000x128xf32, #tpu.memory_space<vmem>>, vector<2000x128xf32>
    %mul3A_102 = arith.mulf %add3A_98, %get3A_101 : vector<2000x128xf32>
    %mul3A_103 = arith.constant 5.000000e-01 : f32
    %mul3A_104 = vector.broadcast %mul3A_103 : f32 to vector<2000x128xf32>
    %mul3A_105 = arith.mulf %mul3A_104, %slice3A_85 : vector<2000x128xf32>
    %tanh3A_106 = math.tanh %mul3A_105 : vector<2000x128xf32>
    %mul3A_107 = arith.constant 5.000000e-01 : f32
    %mul3A_108 = vector.broadcast %mul3A_107 : f32 to vector<2000x128xf32>
    %mul3A_109 = arith.mulf %mul3A_108, %tanh3A_106 : vector<2000x128xf32>
    %add3A_110 = arith.constant 5.000000e-01 : f32
    %add3A_111 = vector.broadcast %add3A_110 : f32 to vector<2000x128xf32>
    %add3A_112 = arith.addf %mul3A_109, %add3A_111 : vector<2000x128xf32>
    %tanh3A_113 = math.tanh %slice3A_87 : vector<2000x128xf32>
    %mul3A_114 = arith.mulf %add3A_112, %tanh3A_113 : vector<2000x128xf32>
    %add3A_115 = arith.addf %mul3A_102, %mul3A_114 : vector<2000x128xf32>
    %mul3A_116 = arith.constant 5.000000e-01 : f32
    %mul3A_117 = vector.broadcast %mul3A_116 : f32 to vector<2000x128xf32>
    %mul3A_118 = arith.mulf %mul3A_117, %slice3A_88 : vector<2000x128xf32>
    %tanh3A_119 = math.tanh %mul3A_118 : vector<2000x128xf32>
    %mul3A_120 = arith.constant 5.000000e-01 : f32
    %mul3A_121 = vector.broadcast %mul3A_120 : f32 to vector<2000x128xf32>
    %mul3A_122 = arith.mulf %mul3A_121, %tanh3A_119 : vector<2000x128xf32>
    %add3A_123 = arith.constant 5.000000e-01 : f32
    %add3A_124 = vector.broadcast %add3A_123 : f32 to vector<2000x128xf32>
    %add3A_125 = arith.addf %mul3A_122, %add3A_124 : vector<2000x128xf32>
    %tanh3A_126 = math.tanh %add3A_115 : vector<2000x128xf32>
    %mul3A_127 = arith.mulf %add3A_125, %tanh3A_126 : vector<2000x128xf32>
    %swap3A_128 = arith.constant 0 : index
    %swap3A_129 = arith.constant 0 : index
    %swap3A_130 = vector.load %arg18[%swap3A_128, %swap3A_129] : memref<2000x128xf32, #tpu.memory_space<vmem>>, vector<2000x128xf32>
    tpu.vector_store %arg18[%swap3A_128, %swap3A_129], %mul3A_127 {strides = array<i32>} : memref<2000x128xf32, #tpu.memory_space<vmem>>, vector<2000x128xf32>,
    %swap3A_131 = arith.constant 0 : index
    %swap3A_132 = arith.constant 0 : index
    %swap3A_133 = vector.load %arg19[%swap3A_131, %swap3A_132] : memref<2000x128xf32, #tpu.memory_space<vmem>>, vector<2000x128xf32>
    tpu.vector_store %arg19[%swap3A_131, %swap3A_132], %add3A_115 {strides = array<i32>} : memref<2000x128xf32, #tpu.memory_space<vmem>>, vector<2000x128xf32>,
    %eq3A_134 = arith.constant 7 : i32
    %eq3A_135 = arith.cmpi eq, %arg1, %eq3A_134 : i32
    %convert_element_type3A_136 = arith.extui %eq3A_135 : i1 to i32
    %cond3A_137 = arith.constant 0 : i32
    %cond3A_138 = arith.cmpi ne, %convert_element_type3A_136, %cond3A_137 : i32
    scf.if %cond3A_138 {
      %get3A_139 = arith.constant 0 : index
      %get3A_140 = arith.constant 0 : index
      %get3A_141 = vector.load %arg16[%get3A_139, %get3A_140] : memref<2000x128xf32, #tpu.memory_space<vmem>>, vector<2000x128xf32>
      %convert_element_type3A_142 = arith.truncf %get3A_141 : vector<2000x128xf32> to vector<2000x128xbf16>
      %swap3A_143 = arith.constant 0 : index
      %swap3A_144 = arith.constant 0 : index
      %swap3A_145 = vector.load %arg12[%swap3A_143, %swap3A_144] : memref<2000x128xbf16, #tpu.memory_space<vmem>>, vector<2000x128xbf16>
      tpu.vector_store %arg12[%swap3A_143, %swap3A_144], %convert_element_type3A_142 {strides = array<i32>} : memref<2000x128xbf16, #tpu.memory_space<vmem>>, vector<2000x128xbf16>,
      %get3A_146 = arith.constant 0 : index
      %get3A_147 = arith.constant 0 : index
      %get3A_148 = vector.load %arg17[%get3A_146, %get3A_147] : memref<2000x128xf32, #tpu.memory_space<vmem>>, vector<2000x128xf32>
      %convert_element_type3A_149 = arith.truncf %get3A_148 : vector<2000x128xf32> to vector<2000x128xbf16>
      %swap3A_150 = arith.constant 0 : index
      %swap3A_151 = arith.constant 0 : index
      %swap3A_152 = vector.load %arg13[%swap3A_150, %swap3A_151] : memref<2000x128xbf16, #tpu.memory_space<vmem>>, vector<2000x128xbf16>
      tpu.vector_store %arg13[%swap3A_150, %swap3A_151], %convert_element_type3A_149 {strides = array<i32>} : memref<2000x128xbf16, #tpu.memory_space<vmem>>, vector<2000x128xbf16>,
      %get3A_153 = arith.constant 0 : index
      %get3A_154 = arith.constant 0 : index
      %get3A_155 = vector.load %arg18[%get3A_153, %get3A_154] : memref<2000x128xf32, #tpu.memory_space<vmem>>, vector<2000x128xf32>
      %convert_element_type3A_156 = arith.truncf %get3A_155 : vector<2000x128xf32> to vector<2000x128xbf16>
      %swap3A_157 = arith.constant 0 : index
      %swap3A_158 = arith.constant 0 : index
      %swap3A_159 = vector.load %arg14[%swap3A_157, %swap3A_158] : memref<2000x128xbf16, #tpu.memory_space<vmem>>, vector<2000x128xbf16>
      tpu.vector_store %arg14[%swap3A_157, %swap3A_158], %convert_element_type3A_156 {strides = array<i32>} : memref<2000x128xbf16, #tpu.memory_space<vmem>>, vector<2000x128xbf16>,
      %get3A_160 = arith.constant 0 : index
      %get3A_161 = arith.constant 0 : index
      %get3A_162 = vector.load %arg19[%get3A_160, %get3A_161] : memref<2000x128xf32, #tpu.memory_space<vmem>>, vector<2000x128xf32>
      %convert_element_type3A_163 = arith.truncf %get3A_162 : vector<2000x128xf32> to vector<2000x128xbf16>
      %swap3A_164 = arith.constant 0 : index
      %swap3A_165 = arith.constant 0 : index
      %swap3A_166 = vector.load %arg15[%swap3A_164, %swap3A_165] : memref<2000x128xbf16, #tpu.memory_space<vmem>>, vector<2000x128xbf16>
      tpu.vector_store %arg15[%swap3A_164, %swap3A_165], %convert_element_type3A_163 {strides = array<i32>} : memref<2000x128xbf16, #tpu.memory_space<vmem>>, vector<2000x128xbf16>,
    } else {
    }
    return
  }
  func.func @transform_0(%arg0: i32, %arg1: i32) -> (i32, i32, i32) {
    %c0_i32 = arith.constant 0 : i32
    %c0_i32_0 = arith.constant 0 : i32
    return %arg1, %arg0, %c0_i32 : i32, i32, i32
  }
  func.func @transform_1(%arg0: i32, %arg1: i32) -> (i32, i32, i32) {
    %c0_i32 = arith.constant 0 : i32
    %c0_i32_0 = arith.constant 0 : i32
    return %arg1, %arg0, %c0_i32 : i32, i32, i32
  }
  func.func @transform_2(%arg0: i32, %arg1: i32) -> (i32, i32) {
    %c0_i32 = arith.constant 0 : i32
    %c0_i32_0 = arith.constant 0 : i32
    return %arg0, %c0_i32 : i32, i32
  }
  func.func @transform_3(%arg0: i32, %arg1: i32) -> (i32, i32) {
    %c0_i32 = arith.constant 0 : i32
    %c0_i32_0 = arith.constant 0 : i32
    return %arg0, %c0_i32 : i32, i32
  }
  func.func @transform_4(%arg0: i32, %arg1: i32) -> (i32, i32) {
    %c0_i32 = arith.constant 0 : i32
    %c0_i32_0 = arith.constant 0 : i32
    return %arg0, %c0_i32 : i32, i32
  }
  func.func @transform_5(%arg0: i32, %arg1: i32) -> (i32, i32) {
    %c0_i32 = arith.constant 0 : i32
    %c0_i32_0 = arith.constant 0 : i32
    return %arg0, %c0_i32 : i32, i32
  }
  func.func @transform_6(%arg0: i32, %arg1: i32) -> (i32, i32) {
    %c0_i32 = arith.constant 0 : i32
    %c0_i32_0 = arith.constant 0 : i32
    %c0_i32_1 = arith.constant 0 : i32
    return %c0_i32, %c0_i32_0 : i32, i32
  }
  func.func @transform_7(%arg0: i32, %arg1: i32) -> (i32, i32) {
    %c0_i32 = arith.constant 0 : i32
    %c0_i32_0 = arith.constant 0 : i32
    %c0_i32_1 = arith.constant 0 : i32
    return %c0_i32, %c0_i32_0 : i32, i32
  }
  func.func @transform_8(%arg0: i32, %arg1: i32) -> (i32, i32) {
    %c0_i32 = arith.constant 0 : i32
    %c0_i32_0 = arith.constant 0 : i32
    %c0_i32_1 = arith.constant 0 : i32
    return %c0_i32, %c0_i32_0 : i32, i32
  }
  func.func @transform_9(%arg0: i32, %arg1: i32) -> (i32, i32) {
    %c0_i32 = arith.constant 0 : i32
    %c0_i32_0 = arith.constant 0 : i32
    %c0_i32_1 = arith.constant 0 : i32
    return %c0_i32, %c0_i32_0 : i32, i32
  }
  func.func @transform_10(%arg0: i32, %arg1: i32) -> (i32, i32) {
    %c0_i32 = arith.constant 0 : i32
    %c0_i32_0 = arith.constant 0 : i32
    return %arg0, %c0_i32 : i32, i32
  }
  func.func @transform_11(%arg0: i32, %arg1: i32) -> (i32, i32) {
    %c0_i32 = arith.constant 0 : i32
    %c0_i32_0 = arith.constant 0 : i32
    return %arg0, %c0_i32 : i32, i32
  }
  func.func @transform_12(%arg0: i32, %arg1: i32) -> (i32, i32) {
    %c0_i32 = arith.constant 0 : i32
    %c0_i32_0 = arith.constant 0 : i32
    return %arg0, %c0_i32 : i32, i32
  }
  func.func @transform_13(%arg0: i32, %arg1: i32) -> (i32, i32) {
    %c0_i32 = arith.constant 0 : i32
    %c0_i32_0 = arith.constant 0 : i32
    return %arg0, %c0_i32 : i32, i32
  }
}

module attributes {stable_mosaic.version = 14 : i64} {
  func.func @_lstm_body_b(%arg0: i32, %arg1: i32, %arg2: memref<1x2000x128xf32, #tpu.memory_space<vmem>>, %arg3: memref<1x2000x128xf32, #tpu.memory_space<vmem>>, %arg4: memref<2000x128xbf16, #tpu.memory_space<vmem>>, %arg5: memref<2000x128xbf16, #tpu.memory_space<vmem>>, %arg6: memref<2000x128xbf16, #tpu.memory_space<vmem>>, %arg7: memref<2000x128xbf16, #tpu.memory_space<vmem>>, %arg8: memref<2000x128xf32, #tpu.memory_space<vmem>>, %arg9: memref<256x512xbf16, #tpu.memory_space<vmem>>, %arg10: memref<256x512xbf16, #tpu.memory_space<vmem>>, %arg11: memref<128x128xf32, #tpu.memory_space<vmem>>, %arg12: memref<128x128xf32, #tpu.memory_space<vmem>>, %arg13: memref<128x128xf32, #tpu.memory_space<vmem>>, %arg14: memref<1x512xf32, #tpu.memory_space<vmem>>, %arg15: memref<1x512xf32, #tpu.memory_space<vmem>>, %arg16: memref<1x128xf32, #tpu.memory_space<vmem>>, %arg17: memref<2000x128xf32, #tpu.memory_space<vmem>>, %arg18: memref<2000x128xf32, #tpu.memory_space<vmem>>, %arg19: memref<2000x128xf32, #tpu.memory_space<vmem>>, %arg20: memref<2000x128xf32, #tpu.memory_space<vmem>>, %arg21: memref<2000x128xf32, #tpu.memory_space<vmem>>) attributes {dimension_semantics = [#tpu.dimension_semantics<arbitrary>, #tpu.dimension_semantics<arbitrary>], iteration_bounds = array<i64: 5, 8>, scalar_prefetch = 0 : i64, scratch_operands = 4 : i64, tpu.core_type = #tpu.core_type<tc>, window_params = [{transform_indices = @transform_0, window_bounds = array<i64: 1, 2000, 128>}, {transform_indices = @transform_1, window_bounds = array<i64: 1, 2000, 128>}, {transform_indices = @transform_2, window_bounds = array<i64: 2000, 128>}, {transform_indices = @transform_3, window_bounds = array<i64: 2000, 128>}, {transform_indices = @transform_4, window_bounds = array<i64: 2000, 128>}, {transform_indices = @transform_5, window_bounds = array<i64: 2000, 128>}, {transform_indices = @transform_6, window_bounds = array<i64: 2000, 128>}, {pipeline_mode = #tpu.pipeline_mode<synchronous>, transform_indices = @transform_7, window_bounds = array<i64: 256, 512>}, {pipeline_mode = #tpu.pipeline_mode<synchronous>, transform_indices = @transform_8, window_bounds = array<i64: 256, 512>}, {pipeline_mode = #tpu.pipeline_mode<synchronous>, transform_indices = @transform_9, window_bounds = array<i64: 128, 128>}, {pipeline_mode = #tpu.pipeline_mode<synchronous>, transform_indices = @transform_10, window_bounds = array<i64: 128, 128>}, {pipeline_mode = #tpu.pipeline_mode<synchronous>, transform_indices = @transform_11, window_bounds = array<i64: 128, 128>}, {pipeline_mode = #tpu.pipeline_mode<synchronous>, transform_indices = @transform_12, window_bounds = array<i64: 1, 512>}, {pipeline_mode = #tpu.pipeline_mode<synchronous>, transform_indices = @transform_13, window_bounds = array<i64: 1, 512>}, {pipeline_mode = #tpu.pipeline_mode<synchronous>, transform_indices = @transform_14, window_bounds = array<i64: 1, 128>}, {transform_indices = @transform_15, window_bounds = array<i64: 2000, 128>}]} {
    %eq3A = arith.constant 0 : i32
    %eq3A_0 = arith.cmpi eq, %arg1, %eq3A : i32
    %convert_element_type3A = arith.extui %eq3A_0 : i1 to i32
    %cond3A = arith.constant 0 : i32
    %cond3A_1 = arith.cmpi ne, %convert_element_type3A, %cond3A : i32
    scf.if %cond3A_1 {
      %get3A_139 = arith.constant 0 : index
      %get3A_140 = arith.constant 0 : index
      %get3A_141 = vector.load %arg4[%get3A_139, %get3A_140] : memref<2000x128xbf16, #tpu.memory_space<vmem>>, vector<2000x128xbf16>
      %convert_element_type3A_142 = arith.extf %get3A_141 : vector<2000x128xbf16> to vector<2000x128xf32>
      %swap3A_143 = arith.constant 0 : index
      %swap3A_144 = arith.constant 0 : index
      %swap3A_145 = vector.load %arg18[%swap3A_143, %swap3A_144] : memref<2000x128xf32, #tpu.memory_space<vmem>>, vector<2000x128xf32>
      tpu.vector_store %arg18[%swap3A_143, %swap3A_144], %convert_element_type3A_142 {strides = array<i32>} : memref<2000x128xf32, #tpu.memory_space<vmem>>, vector<2000x128xf32>,
      %get3A_146 = arith.constant 0 : index
      %get3A_147 = arith.constant 0 : index
      %get3A_148 = vector.load %arg5[%get3A_146, %get3A_147] : memref<2000x128xbf16, #tpu.memory_space<vmem>>, vector<2000x128xbf16>
      %convert_element_type3A_149 = arith.extf %get3A_148 : vector<2000x128xbf16> to vector<2000x128xf32>
      %swap3A_150 = arith.constant 0 : index
      %swap3A_151 = arith.constant 0 : index
      %swap3A_152 = vector.load %arg19[%swap3A_150, %swap3A_151] : memref<2000x128xf32, #tpu.memory_space<vmem>>, vector<2000x128xf32>
      tpu.vector_store %arg19[%swap3A_150, %swap3A_151], %convert_element_type3A_149 {strides = array<i32>} : memref<2000x128xf32, #tpu.memory_space<vmem>>, vector<2000x128xf32>,
      %get3A_153 = arith.constant 0 : index
      %get3A_154 = arith.constant 0 : index
      %get3A_155 = vector.load %arg6[%get3A_153, %get3A_154] : memref<2000x128xbf16, #tpu.memory_space<vmem>>, vector<2000x128xbf16>
      %convert_element_type3A_156 = arith.extf %get3A_155 : vector<2000x128xbf16> to vector<2000x128xf32>
      %swap3A_157 = arith.constant 0 : index
      %swap3A_158 = arith.constant 0 : index
      %swap3A_159 = vector.load %arg20[%swap3A_157, %swap3A_158] : memref<2000x128xf32, #tpu.memory_space<vmem>>, vector<2000x128xf32>
      tpu.vector_store %arg20[%swap3A_157, %swap3A_158], %convert_element_type3A_156 {strides = array<i32>} : memref<2000x128xf32, #tpu.memory_space<vmem>>, vector<2000x128xf32>,
      %get3A_160 = arith.constant 0 : index
      %get3A_161 = arith.constant 0 : index
      %get3A_162 = vector.load %arg7[%get3A_160, %get3A_161] : memref<2000x128xbf16, #tpu.memory_space<vmem>>, vector<2000x128xbf16>
      %convert_element_type3A_163 = arith.extf %get3A_162 : vector<2000x128xbf16> to vector<2000x128xf32>
      %swap3A_164 = arith.constant 0 : index
      %swap3A_165 = arith.constant 0 : index
      %swap3A_166 = vector.load %arg21[%swap3A_164, %swap3A_165] : memref<2000x128xf32, #tpu.memory_space<vmem>>, vector<2000x128xf32>
      tpu.vector_store %arg21[%swap3A_164, %swap3A_165], %convert_element_type3A_163 {strides = array<i32>} : memref<2000x128xf32, #tpu.memory_space<vmem>>, vector<2000x128xf32>,
    } else {
    }
    %get3A = arith.constant 0 : index
    %get3A_2 = arith.constant 0 : index
    %get3A_3 = arith.constant 0 : index
    %get3A_4 = vector.load %arg2[%get3A, %get3A_2, %get3A_3] : memref<1x2000x128xf32, #tpu.memory_space<vmem>>, vector<1x2000x128xf32>
    %get3A_5 = vector.shape_cast %get3A_4 : vector<1x2000x128xf32> to vector<2000x128xf32>
    %convert_element_type3A_6 = arith.truncf %get3A_5 : vector<2000x128xf32> to vector<2000x128xbf16>
    %get3A_7 = arith.constant 0 : index
    %get3A_8 = arith.constant 0 : index
    %get3A_9 = vector.load %arg18[%get3A_7, %get3A_8] : memref<2000x128xf32, #tpu.memory_space<vmem>>, vector<2000x128xf32>
    %convert_element_type3A_10 = arith.truncf %get3A_9 : vector<2000x128xf32> to vector<2000x128xbf16>
    %concatenate3A = tpu.concatenate %convert_element_type3A_6, %convert_element_type3A_10 in 1 : vector<2000x128xbf16>, vector<2000x128xbf16> -> vector<2000x256xbf16>
    %get3A_11 = arith.constant 0 : index
    %get3A_12 = arith.constant 0 : index
    %get3A_13 = vector.load %arg9[%get3A_11, %get3A_12] : memref<256x512xbf16, #tpu.memory_space<vmem>>, vector<256x512xbf16>
    %dot_general3A = arith.constant dense<0.000000e+00> : vector<2000x512xf32>
    %dot_general3A_14 = tpu.matmul %concatenate3A, %get3A_13, %dot_general3A {dimension_numbers = #tpu.dot_dimension_numbers<[1], [0], [0], [1], [0, 0, 1, 1], [], []>, transpose_lhs_hint = false} : vector<2000x256xbf16>, vector<256x512xbf16>, vector<2000x512xf32> -> vector<2000x512xf32>
    %get3A_15 = arith.constant 0 : index
    %get3A_16 = arith.constant 0 : index
    %get3A_17 = vector.load %arg14[%get3A_15, %get3A_16] : memref<1x512xf32, #tpu.memory_space<vmem>>, vector<1x512xf32>
    %add3A = vector.broadcast %get3A_17 : vector<1x512xf32> to vector<2000x512xf32>
    %add3A_18 = arith.addf %dot_general3A_14, %add3A : vector<2000x512xf32>
    %slice3A = vector.extract_strided_slice %add3A_18 {offsets = [0, 0], sizes = [2000, 128], strides = [1, 1]} : vector<2000x512xf32> to vector<2000x128xf32>
    %slice3A_19 = vector.extract_strided_slice %add3A_18 {offsets = [0, 128], sizes = [2000, 128], strides = [1, 1]} : vector<2000x512xf32> to vector<2000x128xf32>
    %slice3A_20 = vector.extract_strided_slice %add3A_18 {offsets = [0, 256], sizes = [2000, 128], strides = [1, 1]} : vector<2000x512xf32> to vector<2000x128xf32>
    %slice3A_21 = vector.extract_strided_slice %add3A_18 {offsets = [0, 384], sizes = [2000, 128], strides = [1, 1]} : vector<2000x512xf32> to vector<2000x128xf32>
    %mul3A = arith.constant 5.000000e-01 : f32
    %mul3A_22 = vector.broadcast %mul3A : f32 to vector<2000x128xf32>
    %mul3A_23 = arith.mulf %mul3A_22, %slice3A_19 : vector<2000x128xf32>
    %tanh3A = math.tanh %mul3A_23 : vector<2000x128xf32>
    %mul3A_24 = arith.constant 5.000000e-01 : f32
    %mul3A_25 = vector.broadcast %mul3A_24 : f32 to vector<2000x128xf32>
    %mul3A_26 = arith.mulf %mul3A_25, %tanh3A : vector<2000x128xf32>
    %add3A_27 = arith.constant 5.000000e-01 : f32
    %add3A_28 = vector.broadcast %add3A_27 : f32 to vector<2000x128xf32>
    %add3A_29 = arith.addf %mul3A_26, %add3A_28 : vector<2000x128xf32>
    %get3A_30 = arith.constant 0 : index
    %get3A_31 = arith.constant 0 : index
    %get3A_32 = vector.load %arg19[%get3A_30, %get3A_31] : memref<2000x128xf32, #tpu.memory_space<vmem>>, vector<2000x128xf32>
    %mul3A_33 = arith.mulf %add3A_29, %get3A_32 : vector<2000x128xf32>
    %mul3A_34 = arith.constant 5.000000e-01 : f32
    %mul3A_35 = vector.broadcast %mul3A_34 : f32 to vector<2000x128xf32>
    %mul3A_36 = arith.mulf %mul3A_35, %slice3A : vector<2000x128xf32>
    %tanh3A_37 = math.tanh %mul3A_36 : vector<2000x128xf32>
    %mul3A_38 = arith.constant 5.000000e-01 : f32
    %mul3A_39 = vector.broadcast %mul3A_38 : f32 to vector<2000x128xf32>
    %mul3A_40 = arith.mulf %mul3A_39, %tanh3A_37 : vector<2000x128xf32>
    %add3A_41 = arith.constant 5.000000e-01 : f32
    %add3A_42 = vector.broadcast %add3A_41 : f32 to vector<2000x128xf32>
    %add3A_43 = arith.addf %mul3A_40, %add3A_42 : vector<2000x128xf32>
    %tanh3A_44 = math.tanh %slice3A_20 : vector<2000x128xf32>
    %mul3A_45 = arith.mulf %add3A_43, %tanh3A_44 : vector<2000x128xf32>
    %add3A_46 = arith.addf %mul3A_33, %mul3A_45 : vector<2000x128xf32>
    %mul3A_47 = arith.constant 5.000000e-01 : f32
    %mul3A_48 = vector.broadcast %mul3A_47 : f32 to vector<2000x128xf32>
    %mul3A_49 = arith.mulf %mul3A_48, %slice3A_21 : vector<2000x128xf32>
    %tanh3A_50 = math.tanh %mul3A_49 : vector<2000x128xf32>
    %mul3A_51 = arith.constant 5.000000e-01 : f32
    %mul3A_52 = vector.broadcast %mul3A_51 : f32 to vector<2000x128xf32>
    %mul3A_53 = arith.mulf %mul3A_52, %tanh3A_50 : vector<2000x128xf32>
    %add3A_54 = arith.constant 5.000000e-01 : f32
    %add3A_55 = vector.broadcast %add3A_54 : f32 to vector<2000x128xf32>
    %add3A_56 = arith.addf %mul3A_53, %add3A_55 : vector<2000x128xf32>
    %tanh3A_57 = math.tanh %add3A_46 : vector<2000x128xf32>
    %mul3A_58 = arith.mulf %add3A_56, %tanh3A_57 : vector<2000x128xf32>
    %swap3A = arith.constant 0 : index
    %swap3A_59 = arith.constant 0 : index
    %swap3A_60 = vector.load %arg18[%swap3A, %swap3A_59] : memref<2000x128xf32, #tpu.memory_space<vmem>>, vector<2000x128xf32>
    tpu.vector_store %arg18[%swap3A, %swap3A_59], %mul3A_58 {strides = array<i32>} : memref<2000x128xf32, #tpu.memory_space<vmem>>, vector<2000x128xf32>,
    %swap3A_61 = arith.constant 0 : index
    %swap3A_62 = arith.constant 0 : index
    %swap3A_63 = vector.load %arg19[%swap3A_61, %swap3A_62] : memref<2000x128xf32, #tpu.memory_space<vmem>>, vector<2000x128xf32>
    tpu.vector_store %arg19[%swap3A_61, %swap3A_62], %add3A_46 {strides = array<i32>} : memref<2000x128xf32, #tpu.memory_space<vmem>>, vector<2000x128xf32>,
    %get3A_64 = arith.constant 0 : index
    %get3A_65 = arith.constant 0 : index
    %get3A_66 = arith.constant 0 : index
    %get3A_67 = vector.load %arg3[%get3A_64, %get3A_65, %get3A_66] : memref<1x2000x128xf32, #tpu.memory_space<vmem>>, vector<1x2000x128xf32>
    %get3A_68 = vector.shape_cast %get3A_67 : vector<1x2000x128xf32> to vector<2000x128xf32>
    %convert_element_type3A_69 = arith.truncf %get3A_68 : vector<2000x128xf32> to vector<2000x128xbf16>
    %get3A_70 = arith.constant 0 : index
    %get3A_71 = arith.constant 0 : index
    %get3A_72 = vector.load %arg20[%get3A_70, %get3A_71] : memref<2000x128xf32, #tpu.memory_space<vmem>>, vector<2000x128xf32>
    %convert_element_type3A_73 = arith.truncf %get3A_72 : vector<2000x128xf32> to vector<2000x128xbf16>
    %concatenate3A_74 = tpu.concatenate %convert_element_type3A_69, %convert_element_type3A_73 in 1 : vector<2000x128xbf16>, vector<2000x128xbf16> -> vector<2000x256xbf16>
    %get3A_75 = arith.constant 0 : index
    %get3A_76 = arith.constant 0 : index
    %get3A_77 = vector.load %arg10[%get3A_75, %get3A_76] : memref<256x512xbf16, #tpu.memory_space<vmem>>, vector<256x512xbf16>
    %dot_general3A_78 = arith.constant dense<0.000000e+00> : vector<2000x512xf32>
    %dot_general3A_79 = tpu.matmul %concatenate3A_74, %get3A_77, %dot_general3A_78 {dimension_numbers = #tpu.dot_dimension_numbers<[1], [0], [0], [1], [0, 0, 1, 1], [], []>, transpose_lhs_hint = false} : vector<2000x256xbf16>, vector<256x512xbf16>, vector<2000x512xf32> -> vector<2000x512xf32>
    %get3A_80 = arith.constant 0 : index
    %get3A_81 = arith.constant 0 : index
    %get3A_82 = vector.load %arg15[%get3A_80, %get3A_81] : memref<1x512xf32, #tpu.memory_space<vmem>>, vector<1x512xf32>
    %add3A_83 = vector.broadcast %get3A_82 : vector<1x512xf32> to vector<2000x512xf32>
    %add3A_84 = arith.addf %dot_general3A_79, %add3A_83 : vector<2000x512xf32>
    %slice3A_85 = vector.extract_strided_slice %add3A_84 {offsets = [0, 0], sizes = [2000, 128], strides = [1, 1]} : vector<2000x512xf32> to vector<2000x128xf32>
    %slice3A_86 = vector.extract_strided_slice %add3A_84 {offsets = [0, 128], sizes = [2000, 128], strides = [1, 1]} : vector<2000x512xf32> to vector<2000x128xf32>
    %slice3A_87 = vector.extract_strided_slice %add3A_84 {offsets = [0, 256], sizes = [2000, 128], strides = [1, 1]} : vector<2000x512xf32> to vector<2000x128xf32>
    %slice3A_88 = vector.extract_strided_slice %add3A_84 {offsets = [0, 384], sizes = [2000, 128], strides = [1, 1]} : vector<2000x512xf32> to vector<2000x128xf32>
    %mul3A_89 = arith.constant 5.000000e-01 : f32
    %mul3A_90 = vector.broadcast %mul3A_89 : f32 to vector<2000x128xf32>
    %mul3A_91 = arith.mulf %mul3A_90, %slice3A_86 : vector<2000x128xf32>
    %tanh3A_92 = math.tanh %mul3A_91 : vector<2000x128xf32>
    %mul3A_93 = arith.constant 5.000000e-01 : f32
    %mul3A_94 = vector.broadcast %mul3A_93 : f32 to vector<2000x128xf32>
    %mul3A_95 = arith.mulf %mul3A_94, %tanh3A_92 : vector<2000x128xf32>
    %add3A_96 = arith.constant 5.000000e-01 : f32
    %add3A_97 = vector.broadcast %add3A_96 : f32 to vector<2000x128xf32>
    %add3A_98 = arith.addf %mul3A_95, %add3A_97 : vector<2000x128xf32>
    %get3A_99 = arith.constant 0 : index
    %get3A_100 = arith.constant 0 : index
    %get3A_101 = vector.load %arg21[%get3A_99, %get3A_100] : memref<2000x128xf32, #tpu.memory_space<vmem>>, vector<2000x128xf32>
    %mul3A_102 = arith.mulf %add3A_98, %get3A_101 : vector<2000x128xf32>
    %mul3A_103 = arith.constant 5.000000e-01 : f32
    %mul3A_104 = vector.broadcast %mul3A_103 : f32 to vector<2000x128xf32>
    %mul3A_105 = arith.mulf %mul3A_104, %slice3A_85 : vector<2000x128xf32>
    %tanh3A_106 = math.tanh %mul3A_105 : vector<2000x128xf32>
    %mul3A_107 = arith.constant 5.000000e-01 : f32
    %mul3A_108 = vector.broadcast %mul3A_107 : f32 to vector<2000x128xf32>
    %mul3A_109 = arith.mulf %mul3A_108, %tanh3A_106 : vector<2000x128xf32>
    %add3A_110 = arith.constant 5.000000e-01 : f32
    %add3A_111 = vector.broadcast %add3A_110 : f32 to vector<2000x128xf32>
    %add3A_112 = arith.addf %mul3A_109, %add3A_111 : vector<2000x128xf32>
    %tanh3A_113 = math.tanh %slice3A_87 : vector<2000x128xf32>
    %mul3A_114 = arith.mulf %add3A_112, %tanh3A_113 : vector<2000x128xf32>
    %add3A_115 = arith.addf %mul3A_102, %mul3A_114 : vector<2000x128xf32>
    %mul3A_116 = arith.constant 5.000000e-01 : f32
    %mul3A_117 = vector.broadcast %mul3A_116 : f32 to vector<2000x128xf32>
    %mul3A_118 = arith.mulf %mul3A_117, %slice3A_88 : vector<2000x128xf32>
    %tanh3A_119 = math.tanh %mul3A_118 : vector<2000x128xf32>
    %mul3A_120 = arith.constant 5.000000e-01 : f32
    %mul3A_121 = vector.broadcast %mul3A_120 : f32 to vector<2000x128xf32>
    %mul3A_122 = arith.mulf %mul3A_121, %tanh3A_119 : vector<2000x128xf32>
    %add3A_123 = arith.constant 5.000000e-01 : f32
    %add3A_124 = vector.broadcast %add3A_123 : f32 to vector<2000x128xf32>
    %add3A_125 = arith.addf %mul3A_122, %add3A_124 : vector<2000x128xf32>
    %tanh3A_126 = math.tanh %add3A_115 : vector<2000x128xf32>
    %mul3A_127 = arith.mulf %add3A_125, %tanh3A_126 : vector<2000x128xf32>
    %swap3A_128 = arith.constant 0 : index
    %swap3A_129 = arith.constant 0 : index
    %swap3A_130 = vector.load %arg20[%swap3A_128, %swap3A_129] : memref<2000x128xf32, #tpu.memory_space<vmem>>, vector<2000x128xf32>
    tpu.vector_store %arg20[%swap3A_128, %swap3A_129], %mul3A_127 {strides = array<i32>} : memref<2000x128xf32, #tpu.memory_space<vmem>>, vector<2000x128xf32>,
    %swap3A_131 = arith.constant 0 : index
    %swap3A_132 = arith.constant 0 : index
    %swap3A_133 = vector.load %arg21[%swap3A_131, %swap3A_132] : memref<2000x128xf32, #tpu.memory_space<vmem>>, vector<2000x128xf32>
    tpu.vector_store %arg21[%swap3A_131, %swap3A_132], %add3A_115 {strides = array<i32>} : memref<2000x128xf32, #tpu.memory_space<vmem>>, vector<2000x128xf32>,
    %eq3A_134 = arith.constant 7 : i32
    %eq3A_135 = arith.cmpi eq, %arg1, %eq3A_134 : i32
    %convert_element_type3A_136 = arith.extui %eq3A_135 : i1 to i32
    %cond3A_137 = arith.constant 0 : i32
    %cond3A_138 = arith.cmpi ne, %convert_element_type3A_136, %cond3A_137 : i32
    scf.if %cond3A_138 {
      %get3A_139 = arith.constant 0 : index
      %get3A_140 = arith.constant 0 : index
      %get3A_141 = vector.load %arg8[%get3A_139, %get3A_140] : memref<2000x128xf32, #tpu.memory_space<vmem>>, vector<2000x128xf32>
      %get3A_142 = arith.constant 0 : index
      %get3A_143 = arith.constant 0 : index
      %get3A_144 = vector.load %arg13[%get3A_142, %get3A_143] : memref<128x128xf32, #tpu.memory_space<vmem>>, vector<128x128xf32>
      %dot_general3A_145 = arith.constant dense<0.000000e+00> : vector<2000x128xf32>
      %dot_general3A_146 = tpu.matmul %get3A_141, %get3A_144, %dot_general3A_145 {dimension_numbers = #tpu.dot_dimension_numbers<[1], [0], [0], [1], [0, 0, 1, 1], [], []>, transpose_lhs_hint = false} : vector<2000x128xf32>, vector<128x128xf32>, vector<2000x128xf32> -> vector<2000x128xf32>
      %get3A_147 = arith.constant 0 : index
      %get3A_148 = arith.constant 0 : index
      %get3A_149 = vector.load %arg18[%get3A_147, %get3A_148] : memref<2000x128xf32, #tpu.memory_space<vmem>>, vector<2000x128xf32>
      %get3A_150 = arith.constant 0 : index
      %get3A_151 = arith.constant 0 : index
      %get3A_152 = vector.load %arg11[%get3A_150, %get3A_151] : memref<128x128xf32, #tpu.memory_space<vmem>>, vector<128x128xf32>
      %dot_general3A_153 = arith.constant dense<0.000000e+00> : vector<2000x128xf32>
      %dot_general3A_154 = tpu.matmul %get3A_149, %get3A_152, %dot_general3A_153 {dimension_numbers = #tpu.dot_dimension_numbers<[1], [0], [0], [1], [0, 0, 1, 1], [], []>, transpose_lhs_hint = false} : vector<2000x128xf32>, vector<128x128xf32>, vector<2000x128xf32> -> vector<2000x128xf32>
      %add3A_155 = arith.addf %dot_general3A_146, %dot_general3A_154 : vector<2000x128xf32>
      %get3A_156 = arith.constant 0 : index
      %get3A_157 = arith.constant 0 : index
      %get3A_158 = vector.load %arg20[%get3A_156, %get3A_157] : memref<2000x128xf32, #tpu.memory_space<vmem>>, vector<2000x128xf32>
      %get3A_159 = arith.constant 0 : index
      %get3A_160 = arith.constant 0 : index
      %get3A_161 = vector.load %arg12[%get3A_159, %get3A_160] : memref<128x128xf32, #tpu.memory_space<vmem>>, vector<128x128xf32>
      %dot_general3A_162 = arith.constant dense<0.000000e+00> : vector<2000x128xf32>
      %dot_general3A_163 = tpu.matmul %get3A_158, %get3A_161, %dot_general3A_162 {dimension_numbers = #tpu.dot_dimension_numbers<[1], [0], [0], [1], [0, 0, 1, 1], [], []>, transpose_lhs_hint = false} : vector<2000x128xf32>, vector<128x128xf32>, vector<2000x128xf32> -> vector<2000x128xf32>
      %add3A_164 = arith.addf %add3A_155, %dot_general3A_163 : vector<2000x128xf32>
      %get3A_165 = arith.constant 0 : index
      %get3A_166 = arith.constant 0 : index
      %get3A_167 = vector.load %arg16[%get3A_165, %get3A_166] : memref<1x128xf32, #tpu.memory_space<vmem>>, vector<1x128xf32>
      %add3A_168 = vector.broadcast %get3A_167 : vector<1x128xf32> to vector<2000x128xf32>
      %add3A_169 = arith.addf %add3A_164, %add3A_168 : vector<2000x128xf32>
      %swap3A_170 = arith.constant 0 : index
      %swap3A_171 = arith.constant 0 : index
      %swap3A_172 = vector.load %arg17[%swap3A_170, %swap3A_171] : memref<2000x128xf32, #tpu.memory_space<vmem>>, vector<2000x128xf32>
      tpu.vector_store %arg17[%swap3A_170, %swap3A_171], %add3A_169 {strides = array<i32>} : memref<2000x128xf32, #tpu.memory_space<vmem>>, vector<2000x128xf32>,
    } else {
    }
    return
  }
  func.func @transform_0(%arg0: i32, %arg1: i32) -> (i32, i32, i32) {
    %c0_i32 = arith.constant 0 : i32
    %c0_i32_0 = arith.constant 0 : i32
    return %arg1, %arg0, %c0_i32 : i32, i32, i32
  }
  func.func @transform_1(%arg0: i32, %arg1: i32) -> (i32, i32, i32) {
    %c0_i32 = arith.constant 0 : i32
    %c0_i32_0 = arith.constant 0 : i32
    return %arg1, %arg0, %c0_i32 : i32, i32, i32
  }
  func.func @transform_2(%arg0: i32, %arg1: i32) -> (i32, i32) {
    %c0_i32 = arith.constant 0 : i32
    %c0_i32_0 = arith.constant 0 : i32
    return %arg0, %c0_i32 : i32, i32
  }
  func.func @transform_3(%arg0: i32, %arg1: i32) -> (i32, i32) {
    %c0_i32 = arith.constant 0 : i32
    %c0_i32_0 = arith.constant 0 : i32
    return %arg0, %c0_i32 : i32, i32
  }
  func.func @transform_4(%arg0: i32, %arg1: i32) -> (i32, i32) {
    %c0_i32 = arith.constant 0 : i32
    %c0_i32_0 = arith.constant 0 : i32
    return %arg0, %c0_i32 : i32, i32
  }
  func.func @transform_5(%arg0: i32, %arg1: i32) -> (i32, i32) {
    %c0_i32 = arith.constant 0 : i32
    %c0_i32_0 = arith.constant 0 : i32
    return %arg0, %c0_i32 : i32, i32
  }
  func.func @transform_6(%arg0: i32, %arg1: i32) -> (i32, i32) {
    %c0_i32 = arith.constant 0 : i32
    %c0_i32_0 = arith.constant 0 : i32
    return %arg0, %c0_i32 : i32, i32
  }
  func.func @transform_7(%arg0: i32, %arg1: i32) -> (i32, i32) {
    %c0_i32 = arith.constant 0 : i32
    %c0_i32_0 = arith.constant 0 : i32
    %c0_i32_1 = arith.constant 0 : i32
    return %c0_i32, %c0_i32_0 : i32, i32
  }
  func.func @transform_8(%arg0: i32, %arg1: i32) -> (i32, i32) {
    %c0_i32 = arith.constant 0 : i32
    %c0_i32_0 = arith.constant 0 : i32
    %c0_i32_1 = arith.constant 0 : i32
    return %c0_i32, %c0_i32_0 : i32, i32
  }
  func.func @transform_9(%arg0: i32, %arg1: i32) -> (i32, i32) {
    %c0_i32 = arith.constant 0 : i32
    %c0_i32_0 = arith.constant 0 : i32
    %c0_i32_1 = arith.constant 0 : i32
    return %c0_i32, %c0_i32_0 : i32, i32
  }
  func.func @transform_10(%arg0: i32, %arg1: i32) -> (i32, i32) {
    %c0_i32 = arith.constant 0 : i32
    %c0_i32_0 = arith.constant 0 : i32
    %c0_i32_1 = arith.constant 0 : i32
    return %c0_i32, %c0_i32_0 : i32, i32
  }
  func.func @transform_11(%arg0: i32, %arg1: i32) -> (i32, i32) {
    %c0_i32 = arith.constant 0 : i32
    %c0_i32_0 = arith.constant 0 : i32
    %c0_i32_1 = arith.constant 0 : i32
    return %c0_i32, %c0_i32_0 : i32, i32
  }
  func.func @transform_12(%arg0: i32, %arg1: i32) -> (i32, i32) {
    %c0_i32 = arith.constant 0 : i32
    %c0_i32_0 = arith.constant 0 : i32
    %c0_i32_1 = arith.constant 0 : i32
    return %c0_i32, %c0_i32_0 : i32, i32
  }
  func.func @transform_13(%arg0: i32, %arg1: i32) -> (i32, i32) {
    %c0_i32 = arith.constant 0 : i32
    %c0_i32_0 = arith.constant 0 : i32
    %c0_i32_1 = arith.constant 0 : i32
    return %c0_i32, %c0_i32_0 : i32, i32
  }
  func.func @transform_14(%arg0: i32, %arg1: i32) -> (i32, i32) {
    %c0_i32 = arith.constant 0 : i32
    %c0_i32_0 = arith.constant 0 : i32
    %c0_i32_1 = arith.constant 0 : i32
    return %c0_i32, %c0_i32_0 : i32, i32
  }
  func.func @transform_15(%arg0: i32, %arg1: i32) -> (i32, i32) {
    %c0_i32 = arith.constant 0 : i32
    %c0_i32_0 = arith.constant 0 : i32
    return %arg0, %c0_i32 : i32, i32
  }
}

</mosaic_0001>

<sc_bundles>
// kernel: kernel.11.cloned.1.call-start
scs
__scs_entry_jumppad:
0x0: {  	(pc) =	sbr.rel $0x88, $3  }
0x1: {  	(tag) =	ssettag $0x0;
	lr =	simm.s32 $0x1  }
0x2: {  	[smem:$0x3F91] =	sst lr;
	_ =	strace $0xD0000000  }
0x3: {  	_ = 	snop  }
0x4: {  	_ = 	snop  }
0x5: {  	_ = 	snop  }
0x6: {  	_ = 	snop  }
0x7: {  	_ = 	snop  }
__scs_overlays_trampoline_lowered:
0x8: {  	[smem:$0x3FA0] =	sst s0  }
0x9: {  	[smem:$0x3FA1] =	sst s1  }
0xa: {  	[smem:$0x3FA2] =	sst s2  }
0xb: {  	[smem:$0x3FA3] =	sst s3  }
0xc: {  	[smem:$0x3FA4] =	sst s4  }
0xd: {  	[smem:$0x3FA5] =	sst s5  }
0xe: {  	[smem:$0x3FA6] =	sst s6  }
0xf: {  	[smem:$0x3FA7] =	sst s7  }
0x10: {  	[smem:$0x3FA8] =	sst s8  }
0x11: {  	[smem:$0x3FA9] =	sst s9;
	s0 =	simm.s32 @!p0 $0x0  }
0x12: {  	s1 =	sld [smem:$0x3F8F];
	s0 =	simm.s32 @p0 $0x1  }
0x13: {  	[smem:$0x3FAA] =	sst s0;
	s0 =	simm.s32 @!p1 $0x0  }
0x14: {  	s2 =	sld [smem:$0x3F8E];
	s0 =	simm.s32 @p1 $0x1  }
0x15: {  	[smem:$0x3FAB] =	sst s0;
	s0 =	simm.s32 @!p2 $0x0  }
0x16: {  	s3 =	sld [smem:$0x3FDB];
	s0 =	simm.s32 @p2 $0x1  }
0x17: {  	s4 =	simm.s32 $0x1BF5;
	[smem:$0x3FAD] =	sst s0  }
0x18: {  	s0 =	sld [smem:$0x3F90];
	_ =	swait.ge [sflag:s4], $0x0  }
0x19: {  	s7 =	sld [smem:$0x3F91]  }
0x1a: {  	s8 =	sadd.s32 $0xFFFFE003, lr  }
0x1b: {  	s9 =	sadd.s32 $0xFFFFFEF7, lr;
	s5 =	simm.s32 $0xFFFFFFFF;
	p2 =	slt.u32 s8, $0xFFFFF086  }
0x1c: {  	p1 =	slt.u32 s9, $0xF7A;
	s5 =	simm.s32 @!p2 $0x0  }
0x1d: {  	s5 =	simm.s32 @p1 $0x1;
	p0 =	seq.s32 s7, s2  }
0x1e: {  	s7 =	smul.u32 @!p0 $0xF7A, s2;
	p2 =	seq.s32 @!p0 s5, $0x0  }
0x1f: {  	s9 =	smul.u32 $0xF7A, s1;
	s8 =	simm.s32 @!p0 $0x1BF5;
	p2 =	por !p2, p0  }
0x20: {  	[sflag:s8] =	ssyncset.s32 @!p0 $0xFFFFF086;
	s6 =	sadd.s32 @!p0 s3, s7;
	s7 =	simm.s32 @!p0 $0x108  }
0x21: {  	s3 =	sadd.s32 s3, s9;
	s6 =	sadd.s32 @!p0 $0x88, s6;
	s7 =	simm.s32 @p2 $0x1082  }
0x22: {  	[simem:s7], [sflag:s8] =	dma.local @!p0 [hbm:s6], $0xF7A  }
0x23: {  	s9 =	sor.u32 $0xD0000000, s2;
	s6 =	simm.s32 $0x108;
	_ =	swait.ge @!p0 [sflag:s8], $0x0  }
0x24: {  	s3 =	sadd.s32 $0x88, s3;
	s6 =	simm.s32 @!p1 $0x1082;
	[sflag:s4] =	ssyncset.s32 $0xFFFFF086  }
0x25: {  	[simem:s6], [sflag:s4] =	dma.local [hbm:s3], $0xF7A  }
0x26: {  	[smem:$0x3F91] =	sst s1;
	(tag) =	ssettag s2;
	_ =	strace s9  }
0x27: {  	s1 =	sld [smem:$0x3FA1]  }
0x28: {  	s2 =	sld [smem:$0x3FA2]  }
0x29: {  	s4 =	sld [smem:$0x3FA4]  }
0x2a: {  	p0 =	seq.s32 s5, $0x0;
	s5 =	sld [smem:$0x3FA5]  }
0x2b: {  	s6 =	sld [smem:$0x3FA6]  }
0x2c: {  	s7 =	sld [smem:$0x3FA7]  }
0x2d: {  	s3 =	simm.s32 $0x108;
	s8 =	sld [smem:$0x3FA8]  }
0x2e: {  	s3 =	simm.s32 @!p0 $0x1082;
	s9 =	sld [smem:$0x3FA9]  }
0x2f: {  	lr =	sadd.s32 s0, s3;
	s0 =	sld [smem:$0x3FA0]  }
0x30: {  	s3 =	sld [smem:$0x3FA3]  }
0x31: {  	[smem:$0x3FAC] =	sst s10  }
0x32: {  	s10 =	sld [smem:$0x3FAA];
	_ =	sdelay $0x3  }
0x33: {  	p0 =	seq.s32 s10, $0x1;
	s10 =	sld [smem:$0x3FAC];
	_ =	sdelay $0x3  }
0x34: {  	[smem:$0x3FAC] =	sst s10  }
0x35: {  	s10 =	sld [smem:$0x3FAB];
	_ =	sdelay $0x3  }
0x36: {  	p1 =	seq.s32 s10, $0x1;
	s10 =	sld [smem:$0x3FAC];
	_ =	sdelay $0x3  }
0x37: {  	[smem:$0x3FAC] =	sst s10  }
0x38: {  	s10 =	sld [smem:$0x3FAD]  }
0x39: {  	_ = 	snop;
	(pc) =	sbr.ind lr, $3  }
0x3a: {  	_ = 	snop  }
0x3b: {  	_ = 	snop  }
0x3c: {  	p2 =	seq.s32 s10, $0x1;
	s10 =	sld [smem:$0x3FAC]  }
0x3d: {  	_ =	shalt  }
0x3e: {  	_ =	shalt  }
0x3f: {  	_ =	shalt  }
0x40: {  	_ =	shalt  }
0x41: {  	_ =	shalt  }
0x42: {  	_ =	shalt  }
0x43: {  	_ =	shalt  }
0x44: {  	_ =	shalt  }
0x45: {  	_ =	shalt  }
0x46: {  	_ =	shalt  }
0x47: {  	_ =	shalt  }
0x48: {  	_ =	shalt  }
0x49: {  	_ =	shalt  }
0x4a: {  	_ =	shalt  }
0x4b: {  	_ =	shalt  }
0x4c: {  	_ =	shalt  }
0x4d: {  	_ =	shalt  }
0x4e: {  	_ =	shalt  }
0x4f: {  	_ =	shalt  }
0x50: {  	_ =	shalt  }
0x51: {  	_ =	shalt  }
0x52: {  	_ =	shalt  }
0x53: {  	_ =	shalt  }
0x54: {  	_ =	shalt  }
0x55: {  	_ =	shalt  }
0x56: {  	_ =	shalt  }
0x57: {  	_ =	shalt  }
0x58: {  	_ =	shalt  }
0x59: {  	_ =	shalt  }
0x5a: {  	_ =	shalt  }
0x5b: {  	_ =	shalt  }
0x5c: {  	_ =	shalt  }
0x5d: {  	_ =	shalt  }
0x5e: {  	_ =	shalt  }
0x5f: {  	_ =	shalt  }
0x60: {  	_ =	shalt  }
0x61: {  	_ =	shalt  }
0x62: {  	_ =	shalt  }
0x63: {  	_ =	shalt  }
0x64: {  	_ =	shalt  }
0x65: {  	_ =	shalt  }
0x66: {  	_ =	shalt  }
0x67: {  	_ =	shalt  }
0x68: {  	_ =	shalt  }
0x69: {  	_ =	shalt  }
0x6a: {  	_ =	shalt  }
0x6b: {  	_ =	shalt  }
0x6c: {  	_ =	shalt  }
0x6d: {  	_ =	shalt  }
0x6e: {  	_ =	shalt  }
0x6f: {  	_ =	shalt  }
0x70: {  	_ =	shalt  }
0x71: {  	_ =	shalt  }
0x72: {  	_ =	shalt  }
0x73: {  	_ =	shalt  }
0x74: {  	_ =	shalt  }
0x75: {  	_ =	shalt  }
0x76: {  	_ =	shalt  }
0x77: {  	_ =	shalt  }
0x78: {  	_ =	shalt  }
0x79: {  	_ =	shalt  }
0x7a: {  	_ =	shalt  }
0x7b: {  	_ =	shalt  }
0x7c: {  	_ =	shalt  }
0x7d: {  	_ =	shalt  }
0x7e: {  	_ =	shalt  }
0x7f: {  	_ =	shalt  }
0x80: {  	_ =	shalt  }
0x81: {  	_ =	shalt  }
0x82: {  	_ =	shalt  }
0x83: {  	_ =	shalt  }
0x84: {  	_ =	shalt  }
0x85: {  	_ =	shalt  }
0x86: {  	_ =	shalt  }
0x87: {  	_ =	shalt  }
.Lfunc_end0:
.L_simem_size_0:
called_computation_lowered:
.L_overlay_start_0:
0x88: {  	s2 =	sld [smem:$0x3FD9]  }
0x89: {  	s3 =	sld [smem:$0x3FFE];
	_ =	sdelay $0x1  }
0x8a: {  	s1 =	srdreg.scid  }
0x8b: {  	s0 =	sand.u32 $0x1, s1  }
0x8c: {  	s17 =	sshll.u32 s0, $0xA;
	s2 =	sadd.s32 s3, s2  }
0x8d: {  	s2 =	sadd.s32 s2, s17  }
0x8e: {  	[smem:$0x3FB8] =	sst s2  }
0x8f: {  	_ = 	snop  }
0x90: {  	s2 =	sld [smem:$0x3FC9]  }
0x91: {  	s18 =	sld [smem:$0x3FD0];
	(tm) =	ssettm $0x1  }
0x92: {  	s4 =	sld [smem:$0x3FFB];
	_ =	sdelay $0x3  }
0x93: {  	_ =	strace s4  }
0x94: {  	s4 =	sld [smem:$0x3FFC];
	_ =	sdelay $0x3  }
0x95: {  	_ =	strace s4  }
0x96: {  	s4 =	sld [smem:$0x3FFD];
	_ =	sdelay $0x3  }
0x97: {  	_ =	strace s4  }
0x98: {  	_ =	strace $0x8FFFFFFF  }
0x99: {  	s19 =	sld [smem:$0x3FDB];
	_ =	sdelay $0x1  }
0x9a: {  	s5 =	simm.s32 $_scs_section_size  }
0x9b: {  	s6 =	simm.s32 $_size__tile_overlayer_lowered;
	s7 =	simm.s32 $_tile_overlayer_lowered  }
0x9c: {  	s22 =	simm.s32 $0x1BFF;
	s21 =	sshll.u32 s7, $0x1;
	s4 =	sadd.s32 s5, s19  }
0x9d: {  	s8 =	simm.s32 $0x0;
	s20 =	sshll.u32 s6, $0x1;
	s6 =	sadd.s32 s21, s4  }
0x9e: {  	[timem:s8], [sflag:s22] =	dma.local [hbm:s6], s20  }
0x9f: {  	_ =	swait.ge [sflag:s22], s20  }
0xa0: {  	s5 =	ssub.s32 $0x0, s20;
	[sflag:s22] =	ssyncset.done $0x0  }
0xa1: {  	[sflag:s22] =	ssyncadd.s32 s5;
	_ =	sdelay $0x1  }
0xa2: {  	s23 =	simm.s32 $0x1B8B  }
0xa3: {  	_ =	swait.ge [sflag:s23], $0x1  }
0xa4: {  	[sflag:s23] =	ssyncset.done $0x0  }
0xa5: {  	s25 =	simm.s32 $0x1B8E;
	s24 =	sld [smem:$0x3FFE];
	[sflag:s23] =	ssyncadd.s32 $0xFFFFFFFF  }
0xa6: {  	s26 =	simm.s32 $execute0_lowered;
	[smem:$0x3FD2] =	sst s25  }
0xa7: {  	s6 =	sshll.u32 s26, $0x1;
	_ =	strace $0x80000046;
	[dreg:$0x1] =	wrdreg $0xFFFFFFFF  }
0xa8: {  	s28 =	simm.s32 $_size_execute0_lowered;
	s4 =	sadd.s32 s4, s6;
	[dreg:$0x0] =	wrdreg $0x0  }
0xa9: {  	s6 =	sshll.u32 s28, $0x1;
	[dreg:$0x2] =	wrdreg s4  }
0xaa: {  	[dreg:$0x3] =	wrdreg s6  }
0xab: {  	[dreg:$0x4] =	wrdreg $0xC0  }
0xac: {  	_ =	task [dreg:s8], $0x5FFFF  }
0xad: {  	[dreg:$0x1] =	wrdreg $0xFFFFFFFF  }
0xae: {  	[dreg:$0x0] =	wrdreg $0x60  }
0xaf: {  	[dreg:$0x2] =	wrdreg s2  }
0xb0: {  	[dreg:$0x3] =	wrdreg s24  }
0xb1: {  	[dreg:$0x4] =	wrdreg s18  }
0xb2: {  	[dreg:$0x5] =	wrdreg $0x0  }
0xb3: {  	[dreg:$0x6] =	wrdreg $0x9  }
0xb4: {  	_ =	task.clear_ibuf [dreg:s8], $0x7FFFF;
	_ =	strace $0x90000046  }
0xb5: {  	s29 =	simm.s32 $0x9;
	_ =	strace $0x80000048  }
0xb6: {  	_ =	swait.ge [sflag:s29], $0x1  }
0xb7: {  	[sflag:s29] =	ssyncadd.s32 $0xFFFFFFFF  }
0xb8: {  	_ =	strace $0x90000048  }
0xb9: {  	_ =	sfence  }
0xba: {  	s30 =	sld [smem:$0x0];
	_ =	sdelay $0x2  }
0xbb: {  	s31 =	sshll.u32 s1, $0xD;
	s1 =	sshrl.u32 s1, $0x2  }
0xbc: {  	s3 =	sand.u32 $0x4000, s31;
	s1 =	sadd.s32 s1, s30  }
0xbd: {  	s0 =	sor.u32 s3, s0;
	s1 =	sshll.u32 s1, $0x11  }
0xbe: {  	s0 =	sor.u32 s1, s0  }
0xbf: {  	s0 =	sadd.s32 $0x8F2B, s0  }
0xc0: {  	[sflag:s0] =	ssyncadd.remote.s32 $0x1  }
0xc1: {  	_ =	sfence.sel $0xFFFF  }
0xc2: {  	[dreg:$0x0] =	wrdreg $0xFFFFFFFF;
	(pc) =	sbr.abs _section_cstart, $3  }
0xc3: {  	[dreg:$0x1] =	wrdreg $0xFFFFFFFF  }
0xc4: {  	_ =	task.clear_ibuf [dreg:s8], $0x2FFFF;
	_ =	strace $0x9FFFFFFF  }
0xc5: {  	(tm) =	ssettm $0x7FFFFFFF  }
tec
execute0_lowered:
.L_overlay_start_1:
0x0: {  	(tag) =	ssettag $0x1  }
0x1: {  	s0 =	rddreg [dreg:$0x0]  }
0x2: {  	s1 =	rddreg [dreg:$0x1]  }
0x3: {  	s6 =	rddreg [dreg:$0x2]  }
0x4: {  	s2 =	rddreg [dreg:$0x3];
	s22 =	stileid.u32  }
0x5: {  	s3 =	simm.s32 $0x0;
	s5 =	srdreg.scid;
	s12 =	simm.s32 $0x1  }
0x6: {  	s28 =	simm.s32 $0x3;
	s29 =	simm.s32 $0x0;
	s13 =	smul.u32 $0x7D000, s22  }
0x7: {  	s4 =	sshrl.u32 s22, $0x1;
	[smem:$0x7FF] =	sst s3;
	s14 =	smul.u32 $0x3E80, s22  }
0x8: {  	s16 =	sand.u32 $0x1, s22;
	s7 =	sshll.u32 s4, $0xB;
	s4 =	smul.u32 $0x27100, s4  }
0x9: {  	s10 =	sand.u32 $0x1, s5;
	s23 =	sshll.u32 s22, $0x1;
	s17 =	smul.u32 $0x3E, s16  }
0xa: {  	_ =	strace $0x80000047;
	s5 =	ssub.s32 $0x2, s10;
	s19 =	smul.u32 $0x1F, s10  }
0xb: {  	s21 =	smul.u32 $0x1F0, s10;
	s8 =	sadd.s32 s7, s1;
	s24 =	sshrl.u32 s5, $0x1  }
0xc: {  	s13 =	sshrl.u32 s13, $0x2;
	s0 =	sadd.s32 s0, s14;
	s6 =	sadd.s32 s6, s7  }
0xd: {  	s9 =	sadd.s32 s4, s1;
	s1 =	sadd.s32 $0x159400, s1;
	s4 =	sand.u32 $0x2, s23  }
0xe: {  	s20 =	sadd.s32 s13, s2;
	[dreg:$0x7] =	wrdreg s0;
	s8 =	sadd.s32 $0x1CC00, s8  }
0xf: {  	s30 =	sadd.s32 s19, s17;
	[dreg:$0xc] =	wrdreg s6;
	s19 =	smul.u32 $0x3E0, s16  }
0x10: {  	s23 =	smul.u32 $0x1F00, s16;
	[dreg:$0x6] =	wrdreg s1;
	s4 =	sor.u32 s10, s4  }
0x11: {  	s1 =	ssub.s32 s5, s24;
	s11 =	smul.u32 $0x1F, s4;
	p0 =	sne.s32 s4, $0x0  }
0x12: {  	[dreg:$0x9] =	wrdreg s8;
	s1 =	smax.u32 s1, $0x1;
	s12 =	simm.s32 @!p0 $0x0  }
0x13: {  	s4 =	simm.s32 $0x1;
	[dreg:$0xf] =	wrdreg s1;
	s15 =	sadd.s32 s12, s11  }
0x14: {  	p0 =	sgt.u32 s22, $0x9;
	s5 =	sadd.s32 $0x20, s11;
	s31 =	sshll.u32 s15, $0x4  }
0x15: {  	s17 =	sand.u32 $0x1, s11;
	s8 =	sadd.s32 $0x2, s15;
	[dreg:$0xa] =	wrdreg s31  }
0x16: {  	s18 =	sshll.u32 s15, $0x7;
	s11 =	sor.u32 $0x4, s17;
	[dreg:$0x5] =	wrdreg s8  }
0x17: {  	s6 =	sxor.u32 $0x1, s17;
	s25 =	sand.u32 $0x180, s18;
	[dreg:$0xd] =	wrdreg s11  }
0x18: {  	s18 =	sor.u32 $0x6, s17;
	s26 =	sadd.s32 $0x13880, s25;
	s0 =	sadd.s32 $0x13A80, s25  }
0x19: {  	s25 =	smul.u32 $0xF80, s10;
	[dreg:$0xb] =	wrdreg s0;
	s0 =	sadd.s32 s12, s30  }
0x1a: {  	s14 =	sor.u32 $0x4, s6;
	[dreg:$0xe] =	wrdreg s18;
	s13 =	smul.u32 $0xA000, s0  }
0x1b: {  	s15 =	sor.u32 $0x6, s6;
	[dreg:$0x8] =	wrdreg s26;
	s8 =	smul.u32 $0x500, s0  }
0x1c: {  	s30 =	sadd.s32 s21, s19;
	s19 =	sshll.u32 s12, $0x4;
	s24 =	sshrl.u32 s13, $0x2  }
0x1d: {  	s21 =	sshll.u32 s12, $0x7;
	s8 =	sadd.s32 s8, s9;
	s1 =	sadd.s32 s24, s2  }
0x1e: {  	s31 =	sadd.s32 s25, s23;
	s26 =	sadd.s32 $0x20C00, s8;
	[dreg:$0x10] =	wrdreg s1  }
0x1f: {  	s25 =	simm.s32 $0x50;
	[dreg:$0x11] =	wrdreg s26;
	s1 =	sadd.s32 $0x10, s30  }
0x20: {  	[dreg:$0x12] =	wrdreg s1;
	s1 =	sadd.s32 $0x1, s0;
	s0 =	sshrl.u32 @!p0 s20, $0x3  }
0x21: {  	s7 =	sadd.s32 $0x80, s31;
	s26 =	simm.s32 $0x2;
	[dreg:$0x13] =	wrdreg s0  }
.LBB2_1:
0x22: {  	s0 =	stileid.u32  }
0x23: {  	s6 =	rddreg [dreg:$0x7];
	s0 =	sshll.u32 @!p0 s0, $0x6  }
0x24: {  	s8 =	rddreg [dreg:$0x13];
	s0 =	sor.u32 @!p0 $0x1C08, s0  }
0x25: {  	[spmem:s8], [sflag:s0] =	dma.local @!p0 [hbm:s6], $0x3E80  }
0x26: {  	s0 =	simm.s32 @!p0 $0x8  }
0x27: {  	_ =	swait.ge @!p0 [sflag:s0], $0x3E80  }
0x28: {  	s17 =	rddreg [dreg:$0x9]  }
0x29: {  	s9 =	rddreg [dreg:$0xa]  }
0x2a: {  	p2 =	slt.u32 s1, s5;
	[sflag:s0] =	ssyncset.done @!p0 $0x0;
	s20 =	rddreg [dreg:$0x8]  }
0x2b: {  	s10 =	rddreg [dreg:$0xc];
	[sflag:s0] =	ssyncadd.s32 @!p0 $0xFFFFC180;
	s18 =	sadd.s32 s9, s17  }
0x2c: {  	[tilespmem:s20], [sflag:$0x1] =	stream.linear.gather [hbm4b:s18+s3], $0x80, $0x38;
	[tilespmem:$0x1DC80] =	vst v63  }
.Ltmp0:
0x2d: {  	s23 =	rddreg [dreg:$0xb];
	s22 =	sadd.s32 s9, s10;
	(pc) =	sbr.rel @!p2 .LBB2_2-.Ltmp0, $4  }
0x2e: {  	[tilespmem:s23], [sflag:$0x1] =	stream.linear.gather [hbm4b:s22+s3], $0x80, $0x38;
	[tilespmem:$0x1DC80] =	vst v63  }
0x2f: {  	p1 =	por $0x0, $0x0;
	[bflag:$0x0] =	sbarrier.arrive $0xFFFF  }
0x30: {  	s0 =	sadd.s32 $0xFFFFFFFF, s1;
	s23 =	sadd.s32 $0x1, s1;
	s24 =	rddreg [dreg:$0x12]  }
0x31: {  	s6 =	rddreg [dreg:$0x5];
	s31 =	sadd.s32 s17, s24;
	s30 =	sadd.s32 s10, s24  }
0x32: {  	s8 =	sand.u32 $0x1, s0;
	p1 =	slt.u32 s0, s6  }
0x33: {  	s0 =	sor.u32 @!p1 $0x4, s8  }
0x34: {  	_ =	swait.ge @!p1 [sflag:s0], $0x2800  }
0x35: {  	[sflag:s0] =	ssyncset.done @!p1 $0x0  }
0x36: {  	[sflag:s0] =	ssyncadd.s32 @!p1 $0xFFFFD800;
	s0 =	sor.u32 @!p1 $0x6, s8  }
0x37: {  	_ =	swait.ge @!p1 [sflag:s0], $0x2800  }
0x38: {  	[sflag:s0] =	ssyncset.done @!p1 $0x0  }
0x39: {  	[sflag:s0] =	ssyncadd.s32 @!p1 $0xFFFFD800  }
0x3a: {  	_ =	swait.ge [sflag:s4], $0x80  }
0x3b: {  	s12 =	sadd.s32 s7, s21;
	[sflag:s4] =	ssyncset.done $0x0  }
0x3c: {  	s13 =	smul.u32 $0x2800, s8;
	p1 =	sge.u32 s1, s5;
	[sflag:s4] =	ssyncadd.s32 $0xFFFFFF80  }
0x3d: {  	s0 =	sadd.s32 $0xFFFFFF80, s12;
	s9 =	sadd.s32 @!p1 s7, s21;
	_ =	swait.ge [sflag:s4], $0x80  }
0x3e: {  	s10 =	sadd.s32 @!p1 s31, s19;
	s9 =	sand.u32 @!p1 $0x180, s9;
	[sflag:s4] =	ssyncset.done $0x0  }
0x3f: {  	s11 =	simm.s32 @!p1 $0x0;
	s12 =	sadd.s32 @!p1 $0x13880, s9;
	[sflag:s4] =	ssyncadd.s32 $0xFFFFFF80  }
0x40: {  	[tilespmem:s12], [sflag:$0x1] =	stream.linear.gather @!p1 [hbm4b:s10+s11], $0x80, $0x38;
	[tilespmem:$0x1DC80] =	vst v63  }
0x41: {  	s0 =	sand.u32 $0x180, s0;
	s9 =	sadd.s32 @!p1 $0x13A80, s9;
	s10 =	sadd.s32 @!p1 s30, s19  }
0x42: {  	[tilespmem:s9], [sflag:$0x1] =	stream.linear.gather @!p1 [hbm4b:s10+s11], $0x80, $0x38;
	[tilespmem:$0x1DC80] =	vst v63  }
0x43: {  	s17 =	sadd.s32 $0x13C80, s13;
	s16 =	sadd.s32 $0x13880, s0  }
0x44: {  	[tilespmem:s17], [sflag:$0x2] =	stream.indirect.gather [spmem:s2], $0x80, s16, s25, $0xb8;
	[tilespmem:$0x1DC80] =	vst v63  }
0x45: {  	p2 =	slt.u32 s23, s5;
	s18 =	rddreg [dreg:$0x10];
	s9 =	sadd.s32 $0x18C80, s13  }
0x46: {  	[tilespmem:s9], [sflag:$0x3] =	stream.linear.gather [spmem:s18], $0x2800, $0x38;
	[tilespmem:$0x1DC80] =	vst v63  }
0x47: {  	s22 =	sadd.s32 $0x80, s7;
	s20 =	sor.u32 $0x4, s8;
	_ =	swait.ge [sflag:s26], $0x2800  }
0x48: {  	s31 =	sadd.s32 $0x10, s31;
	s30 =	sadd.s32 $0x10, s30;
	[sflag:s26] =	ssyncset.done $0x0  }
0x49: {  	s10 =	sor.u32 $0x6, s8;
	s11 =	sadd.s32 $0x13A80, s0;
	[sflag:s26] =	ssyncadd.s32 $0xFFFFD800  }
.Ltmp1:
0x4a: {  	s0 =	sadd.s32 $0xFFFFFFFF, s23;
	_ =	swait.ge [sflag:s28], $0x2800;
	(pc) =	sbr.rel @!p2 .LBB2_5-.Ltmp1, $4  }
0x4b: {  	p1 =	por $0x1, $0x1;
	[sflag:s28] =	ssyncset.done $0x0;
	s24 =	rddreg [dreg:$0x11]  }
0x4c: {  	s16 =	sadd.s32 $0x1, s23;
	s6 =	rddreg [dreg:$0x5];
	[sflag:s28] =	ssyncadd.s32 $0xFFFFD800  }
0x4d: {  	[hbm4b:s24+s3] =	stream.linear.scatter [tilespmem:s17], [sflag:s20], $0x2800, $0x38;
	[tilespmem:$0x1DC80] =	vst v63  }
0x4e: {  	s17 =	sadd.s32 $0x2800, s18;
	s18 =	sadd.s32 $0x500, s24;
	s20 =	rddreg [dreg:$0x6]  }
.LBB2_4:
0x4f: {  	s8 =	sand.u32 $0x1, s0;
	p3 =	slt.u32 s0, s6  }
0x50: {  	[hbm4b:s20+s25] =	stream.indirect.scatter [tilespmem:s9], [sflag:s10], $0x80, s11, s25, $0xb8;
	[tilespmem:$0x1DC80] =	vst v63  }
0x51: {  	s6 =	sor.u32 @!p3 $0x4, s8  }
0x52: {  	_ =	swait.ge @!p3 [sflag:s6], $0x2800  }
0x53: {  	[sflag:s6] =	ssyncset.done @!p3 $0x0  }
0x54: {  	[sflag:s6] =	ssyncadd.s32 @!p3 $0xFFFFD800;
	s6 =	sor.u32 @!p3 $0x6, s8  }
0x55: {  	_ =	swait.ge @!p3 [sflag:s6], $0x2800  }
0x56: {  	[sflag:s6] =	ssyncset.done @!p3 $0x0  }
0x57: {  	s0 =	smov.u32 s16;
	s12 =	sadd.s32 $0x1, s16;
	[sflag:s6] =	ssyncadd.s32 @!p3 $0xFFFFD800  }
0x58: {  	p2 =	slt.u32 s16, s5;
	s13 =	sor.u32 $0x6, s8;
	_ =	swait.ge [sflag:s4], $0x80  }
0x59: {  	s9 =	smul.u32 $0x2800, s8;
	s10 =	smov.u32 s13;
	[sflag:s4] =	ssyncset.done $0x0  }
0x5a: {  	s13 =	sadd.s32 s22, s21;
	p3 =	sge.u32 s23, s5;
	[sflag:s4] =	ssyncadd.s32 $0xFFFFFF80  }
0x5b: {  	s6 =	sadd.s32 $0xFFFFFF80, s13;
	s11 =	sadd.s32 @!p3 s22, s21;
	_ =	swait.ge [sflag:s4], $0x80  }
0x5c: {  	s16 =	sadd.s32 @!p3 s31, s19;
	s11 =	sand.u32 @!p3 $0x180, s11;
	[sflag:s4] =	ssyncset.done $0x0  }
0x5d: {  	s20 =	simm.s32 @!p3 $0x0;
	s23 =	sadd.s32 @!p3 $0x13880, s11;
	[sflag:s4] =	ssyncadd.s32 $0xFFFFFF80  }
0x5e: {  	[tilespmem:s23], [sflag:$0x1] =	stream.linear.gather @!p3 [hbm4b:s16+s20], $0x80, $0x38;
	[tilespmem:$0x1DC80] =	vst v63  }
0x5f: {  	s6 =	sand.u32 $0x180, s6;
	s11 =	sadd.s32 @!p3 $0x13A80, s11;
	s16 =	sadd.s32 @!p3 s30, s19  }
0x60: {  	[tilespmem:s11], [sflag:$0x1] =	stream.linear.gather @!p3 [hbm4b:s16+s20], $0x80, $0x38;
	[tilespmem:$0x1DC80] =	vst v63  }
0x61: {  	s13 =	sadd.s32 $0x13C80, s9;
	s23 =	sadd.s32 $0x13880, s6  }
0x62: {  	[tilespmem:s13], [sflag:$0x2] =	stream.indirect.gather [spmem:s2], $0x80, s23, s25, $0xb8;
	[tilespmem:$0x1DC80] =	vst v63  }
0x63: {  	s24 =	smov.u32 s18;
	s18 =	sadd.s32 $0x500, s18;
	s9 =	sadd.s32 $0x18C80, s9  }
0x64: {  	[tilespmem:s9], [sflag:$0x3] =	stream.linear.gather [spmem:s17], $0x2800, $0x38;
	[tilespmem:$0x1DC80] =	vst v63  }
0x65: {  	s8 =	sor.u32 $0x4, s8;
	s22 =	sadd.s32 $0x80, s22;
	_ =	swait.ge [sflag:s26], $0x2800  }
0x66: {  	s31 =	sadd.s32 $0x10, s31;
	s30 =	sadd.s32 $0x10, s30;
	[sflag:s26] =	ssyncset.done $0x0  }
.Ltmp2:
0x67: {  	s11 =	sadd.s32 $0x13A80, s6;
	[sflag:s26] =	ssyncadd.s32 $0xFFFFD800;
	(pc) =	sbr.rel @p2 .LBB2_4-.Ltmp2, $4  }
0x68: {  	s16 =	smov.u32 s12;
	s23 =	smov.u32 s0;
	_ =	swait.ge [sflag:s28], $0x2800  }
0x69: {  	s0 =	sadd.s32 $0xFFFFFFFF, s23;
	s6 =	rddreg [dreg:$0x5];
	[sflag:s28] =	ssyncset.done $0x0  }
0x6a: {  	s17 =	sadd.s32 $0x2800, s17;
	s20 =	rddreg [dreg:$0x6];
	[sflag:s28] =	ssyncadd.s32 $0xFFFFD800  }
0x6b: {  	[hbm4b:s24+s3] =	stream.linear.scatter [tilespmem:s13], [sflag:s8], $0x2800, $0x38;
	[tilespmem:$0x1DC80] =	vst v63  }
.LBB2_5:
0x6c: {  	[hbm4b:s20+s25] =	stream.indirect.scatter @p1 [tilespmem:s9], [sflag:s10], $0x80, s11, s25, $0xb8;
	[tilespmem:$0x1DC80] =	vst v63  }
0x6d: {  	s8 =	sand.u32 $0x1, s0;
	p1 =	slt.u32 s0, s6  }
0x6e: {  	s0 =	sor.u32 @!p1 $0x4, s8  }
0x6f: {  	_ =	swait.ge @!p1 [sflag:s0], $0x2800  }
0x70: {  	[sflag:s0] =	ssyncset.done @!p1 $0x0  }
0x71: {  	[sflag:s0] =	ssyncadd.s32 @!p1 $0xFFFFD800;
	s0 =	sor.u32 @!p1 $0x6, s8  }
0x72: {  	_ =	swait.ge @!p1 [sflag:s0], $0x2800  }
0x73: {  	[sflag:s0] =	ssyncset.done @!p1 $0x0  }
0x74: {  	[sflag:s0] =	ssyncadd.s32 @!p1 $0xFFFFD800  }
0x75: {  	_ =	swait.ge [sflag:s4], $0x80  }
0x76: {  	[sflag:s4] =	ssyncset.done $0x0  }
0x77: {  	p1 =	sge.u32 s23, s5;
	[sflag:s4] =	ssyncadd.s32 $0xFFFFFF80  }
0x78: {  	s12 =	sadd.s32 s22, s21;
	s0 =	sadd.s32 @!p1 s22, s21;
	_ =	swait.ge [sflag:s4], $0x80  }
0x79: {  	s6 =	sadd.s32 @!p1 s31, s19;
	s0 =	sand.u32 @!p1 $0x180, s0;
	[sflag:s4] =	ssyncset.done $0x0  }
0x7a: {  	s9 =	simm.s32 @!p1 $0x0;
	s10 =	sadd.s32 @!p1 $0x13880, s0;
	[sflag:s4] =	ssyncadd.s32 $0xFFFFFF80  }
0x7b: {  	[tilespmem:s10], [sflag:$0x1] =	stream.linear.gather @!p1 [hbm4b:s6+s9], $0x80, $0x38;
	[tilespmem:$0x1DC80] =	vst v63  }
0x7c: {  	s13 =	smul.u32 $0x2800, s8;
	s6 =	sadd.s32 $0xFFFFFF80, s12  }
0x7d: {  	s0 =	sadd.s32 @!p1 $0x13A80, s0;
	s10 =	sadd.s32 @!p1 s30, s19;
	s6 =	sand.u32 $0x180, s6  }
0x7e: {  	[tilespmem:s0], [sflag:$0x1] =	stream.linear.gather @!p1 [hbm4b:s10+s9], $0x80, $0x38;
	[tilespmem:$0x1DC80] =	vst v63  }
0x7f: {  	s20 =	sadd.s32 $0x13C80, s13;
	s16 =	sadd.s32 $0x13880, s6  }
0x80: {  	[tilespmem:s20], [sflag:$0x2] =	stream.indirect.gather [spmem:s2], $0x80, s16, s25, $0xb8;
	[tilespmem:$0x1DC80] =	vst v63  }
0x81: {  	s0 =	sadd.s32 $0x18C80, s13  }
0x82: {  	[tilespmem:s0], [sflag:$0x3] =	stream.linear.gather [spmem:s17], $0x2800, $0x38;
	[tilespmem:$0x1DC80] =	vst v63  }
0x83: {  	_ =	swait.ge [sflag:s26], $0x2800  }
0x84: {  	[sflag:s26] =	ssyncset.done $0x0  }
0x85: {  	[sflag:s26] =	ssyncadd.s32 $0xFFFFD800  }
0x86: {  	_ =	swait.ge [sflag:s28], $0x2800  }
0x87: {  	[sflag:s28] =	ssyncset.done $0x0  }
0x88: {  	s22 =	sor.u32 $0x4, s8;
	s23 =	rddreg [dreg:$0x6];
	[sflag:s28] =	ssyncadd.s32 $0xFFFFD800  }
0x89: {  	[hbm4b:s18+s3] =	stream.linear.scatter [tilespmem:s20], [sflag:s22], $0x2800, $0x38;
	[tilespmem:$0x1DC80] =	vst v63  }
0x8a: {  	s8 =	sor.u32 $0x6, s8;
	s6 =	sadd.s32 $0x13A80, s6;
	s24 =	rddreg [dreg:$0xd]  }
0x8b: {  	[hbm4b:s23+s25] =	stream.indirect.scatter [tilespmem:s0], [sflag:s8], $0x80, s6, s25, $0xb8;
	[tilespmem:$0x1DC80] =	vst v63  }
0x8c: {  	_ =	swait.ge [sflag:s24], $0x2800  }
0x8d: {  	[sflag:s24] =	ssyncset.done $0x0  }
0x8e: {  	s30 =	rddreg [dreg:$0xe];
	[sflag:s24] =	ssyncadd.s32 $0xFFFFD800  }
0x8f: {  	_ =	swait.ge [sflag:s30], $0x2800  }
0x90: {  	[sflag:s30] =	ssyncset.done $0x0  }
0x91: {  	[sflag:s30] =	ssyncadd.s32 $0xFFFFD800  }
0x92: {  	_ =	swait.ge [sflag:s14], $0x2800  }
0x93: {  	[sflag:s14] =	ssyncset.done $0x0  }
0x94: {  	[sflag:s14] =	ssyncadd.s32 $0xFFFFD800  }
0x95: {  	_ =	swait.ge [sflag:s15], $0x2800  }
0x96: {  	s29 =	sadd.s32 $0x1, s29;
	s31 =	rddreg [dreg:$0xf]  }
0x97: {  	p1 =	sne.s32 s29, s31  }
.Ltmp3:
0x98: {  	_ = 	snop;
	(pc) =	sbr.rel @p1 .LBB2_1-.Ltmp3, $4  }
.Ltmp4:
0x99: {  	_ = 	snop;
	(pc) =	sbr.rel @!p1 .LBB2_6-.Ltmp4, $4  }
0x9a: {  	_ = 	snop  }
0x9b: {  	[sflag:s15] =	ssyncset.done $0x0  }
0x9c: {  	[sflag:s15] =	ssyncadd.s32 $0xFFFFD800  }
0x9d: {  	_ = 	snop  }
.LBB2_2:
.Ltmp5:
0x9e: {  	(pc) =	sbr.rel .LBB2_5-.Ltmp5, $3  }
0x9f: {  	_ =	sdelay $0x1  }
0xa0: {  	s18 =	rddreg [dreg:$0x11]  }
0xa1: {  	s22 =	smov.u32 s7;
	s23 =	smov.u32 s1;
	s17 =	rddreg [dreg:$0x10]  }
.LBB2_6:
0xa2: {  	_ =	sfence.sel $0x180000  }
0xa3: {  	[bflag:$0x0] =	sbarrier.arrive $0xFFFF  }
0xa4: {  	_ =	strace $0x90000047  }
0xa5: {  	s0 =	stileid.u32;
	[bflag:$0x2] =	sbarrier.arrive $0xFFFF  }
0xa6: {  	p0 =	sne.s32 s0, $0x0;
	s0 =	rddreg [dreg:$0x4]  }
0xa7: {  	s0 =	sadd.s32 @!p0 $0x100000, s0  }
0xa8: {  	[sflag:s0] =	ssyncadd.tile.s32 @!p0 $0x1;
	_ =	shalt  }
.Lfunc_end2:
_tile_overlayer_lowered:
.L_overlay_start_2:
0xa9: {  	(tag) =	ssettag $0x2  }
0xaa: {  	s0 =	rddreg [dreg:$0x0];
	s2 =	stileid.u32  }
0xab: {  	s1 =	rddreg [dreg:$0x1];
	p0 =	sne.s32 s2, $0x0  }
0xac: {  	s3 =	rddreg [dreg:$0x2];
	[bflag:$0x3] =	sbarrier.arrive $0xFFFF;
	s2 =	simm.s32 @!p0 $0x1C08  }
0xad: {  	[timem:s3], [sflag:s2] =	dma.local @!p0 [hbm:s0], s1  }
0xae: {  	s0 =	simm.s32 @!p0 $0x8  }
0xaf: {  	_ =	swait.ge @!p0 [sflag:s0], s1  }
0xb0: {  	s1 =	ssub.s32 @!p0 $0x0, s1;
	[sflag:s0] =	ssyncset.done @!p0 $0x0  }
0xb1: {  	[sflag:s0] =	ssyncadd.s32 @!p0 s1  }
0xb2: {  	[bflag:$0x3] =	sbarrier.arrive $0xFFFF  }
0xb3: {  	_ =	shalt  }

// kernel: kernel.14.cloned.1.call-start
scs
__scs_entry_jumppad:
0x0: {  	(pc) =	sbr.rel $0x88, $3  }
0x1: {  	(tag) =	ssettag $0x0;
	lr =	simm.s32 $0x1  }
0x2: {  	[smem:$0x3F91] =	sst lr;
	_ =	strace $0xD0000000  }
0x3: {  	_ = 	snop  }
0x4: {  	_ = 	snop  }
0x5: {  	_ = 	snop  }
0x6: {  	_ = 	snop  }
0x7: {  	_ = 	snop  }
__scs_overlays_trampoline_lowered:
0x8: {  	[smem:$0x3FA0] =	sst s0  }
0x9: {  	[smem:$0x3FA1] =	sst s1  }
0xa: {  	[smem:$0x3FA2] =	sst s2  }
0xb: {  	[smem:$0x3FA3] =	sst s3  }
0xc: {  	[smem:$0x3FA4] =	sst s4  }
0xd: {  	[smem:$0x3FA5] =	sst s5  }
0xe: {  	[smem:$0x3FA6] =	sst s6  }
0xf: {  	[smem:$0x3FA7] =	sst s7  }
0x10: {  	[smem:$0x3FA8] =	sst s8  }
0x11: {  	[smem:$0x3FA9] =	sst s9;
	s0 =	simm.s32 @!p0 $0x0  }
0x12: {  	s1 =	sld [smem:$0x3F8F];
	s0 =	simm.s32 @p0 $0x1  }
0x13: {  	[smem:$0x3FAA] =	sst s0;
	s0 =	simm.s32 @!p1 $0x0  }
0x14: {  	s2 =	sld [smem:$0x3F8E];
	s0 =	simm.s32 @p1 $0x1  }
0x15: {  	[smem:$0x3FAB] =	sst s0;
	s0 =	simm.s32 @!p2 $0x0  }
0x16: {  	s3 =	sld [smem:$0x3FDB];
	s0 =	simm.s32 @p2 $0x1  }
0x17: {  	s4 =	simm.s32 $0x1BF5;
	[smem:$0x3FAD] =	sst s0  }
0x18: {  	s0 =	sld [smem:$0x3F90];
	_ =	swait.ge [sflag:s4], $0x0  }
0x19: {  	s7 =	sld [smem:$0x3F91]  }
0x1a: {  	s8 =	sadd.s32 $0xFFFFE003, lr  }
0x1b: {  	s9 =	sadd.s32 $0xFFFFFEF7, lr;
	s5 =	simm.s32 $0xFFFFFFFF;
	p2 =	slt.u32 s8, $0xFFFFF086  }
0x1c: {  	p1 =	slt.u32 s9, $0xF7A;
	s5 =	simm.s32 @!p2 $0x0  }
0x1d: {  	s5 =	simm.s32 @p1 $0x1;
	p0 =	seq.s32 s7, s2  }
0x1e: {  	s7 =	smul.u32 @!p0 $0xF7A, s2;
	p2 =	seq.s32 @!p0 s5, $0x0  }
0x1f: {  	s9 =	smul.u32 $0xF7A, s1;
	s8 =	simm.s32 @!p0 $0x1BF5;
	p2 =	por !p2, p0  }
0x20: {  	[sflag:s8] =	ssyncset.s32 @!p0 $0xFFFFF086;
	s6 =	sadd.s32 @!p0 s3, s7;
	s7 =	simm.s32 @!p0 $0x108  }
0x21: {  	s3 =	sadd.s32 s3, s9;
	s6 =	sadd.s32 @!p0 $0x88, s6;
	s7 =	simm.s32 @p2 $0x1082  }
0x22: {  	[simem:s7], [sflag:s8] =	dma.local @!p0 [hbm:s6], $0xF7A  }
0x23: {  	s9 =	sor.u32 $0xD0000000, s2;
	s6 =	simm.s32 $0x108;
	_ =	swait.ge @!p0 [sflag:s8], $0x0  }
0x24: {  	s3 =	sadd.s32 $0x88, s3;
	s6 =	simm.s32 @!p1 $0x1082;
	[sflag:s4] =	ssyncset.s32 $0xFFFFF086  }
0x25: {  	[simem:s6], [sflag:s4] =	dma.local [hbm:s3], $0xF7A  }
0x26: {  	[smem:$0x3F91] =	sst s1;
	(tag) =	ssettag s2;
	_ =	strace s9  }
0x27: {  	s1 =	sld [smem:$0x3FA1]  }
0x28: {  	s2 =	sld [smem:$0x3FA2]  }
0x29: {  	s4 =	sld [smem:$0x3FA4]  }
0x2a: {  	p0 =	seq.s32 s5, $0x0;
	s5 =	sld [smem:$0x3FA5]  }
0x2b: {  	s6 =	sld [smem:$0x3FA6]  }
0x2c: {  	s7 =	sld [smem:$0x3FA7]  }
0x2d: {  	s3 =	simm.s32 $0x108;
	s8 =	sld [smem:$0x3FA8]  }
0x2e: {  	s3 =	simm.s32 @!p0 $0x1082;
	s9 =	sld [smem:$0x3FA9]  }
0x2f: {  	lr =	sadd.s32 s0, s3;
	s0 =	sld [smem:$0x3FA0]  }
0x30: {  	s3 =	sld [smem:$0x3FA3]  }
0x31: {  	[smem:$0x3FAC] =	sst s10  }
0x32: {  	s10 =	sld [smem:$0x3FAA];
	_ =	sdelay $0x3  }
0x33: {  	p0 =	seq.s32 s10, $0x1;
	s10 =	sld [smem:$0x3FAC];
	_ =	sdelay $0x3  }
0x34: {  	[smem:$0x3FAC] =	sst s10  }
0x35: {  	s10 =	sld [smem:$0x3FAB];
	_ =	sdelay $0x3  }
0x36: {  	p1 =	seq.s32 s10, $0x1;
	s10 =	sld [smem:$0x3FAC];
	_ =	sdelay $0x3  }
0x37: {  	[smem:$0x3FAC] =	sst s10  }
0x38: {  	s10 =	sld [smem:$0x3FAD]  }
0x39: {  	_ = 	snop;
	(pc) =	sbr.ind lr, $3  }
0x3a: {  	_ = 	snop  }
0x3b: {  	_ = 	snop  }
0x3c: {  	p2 =	seq.s32 s10, $0x1;
	s10 =	sld [smem:$0x3FAC]  }
0x3d: {  	_ =	shalt  }
0x3e: {  	_ =	shalt  }
0x3f: {  	_ =	shalt  }
0x40: {  	_ =	shalt  }
0x41: {  	_ =	shalt  }
0x42: {  	_ =	shalt  }
0x43: {  	_ =	shalt  }
0x44: {  	_ =	shalt  }
0x45: {  	_ =	shalt  }
0x46: {  	_ =	shalt  }
0x47: {  	_ =	shalt  }
0x48: {  	_ =	shalt  }
0x49: {  	_ =	shalt  }
0x4a: {  	_ =	shalt  }
0x4b: {  	_ =	shalt  }
0x4c: {  	_ =	shalt  }
0x4d: {  	_ =	shalt  }
0x4e: {  	_ =	shalt  }
0x4f: {  	_ =	shalt  }
0x50: {  	_ =	shalt  }
0x51: {  	_ =	shalt  }
0x52: {  	_ =	shalt  }
0x53: {  	_ =	shalt  }
0x54: {  	_ =	shalt  }
0x55: {  	_ =	shalt  }
0x56: {  	_ =	shalt  }
0x57: {  	_ =	shalt  }
0x58: {  	_ =	shalt  }
0x59: {  	_ =	shalt  }
0x5a: {  	_ =	shalt  }
0x5b: {  	_ =	shalt  }
0x5c: {  	_ =	shalt  }
0x5d: {  	_ =	shalt  }
0x5e: {  	_ =	shalt  }
0x5f: {  	_ =	shalt  }
0x60: {  	_ =	shalt  }
0x61: {  	_ =	shalt  }
0x62: {  	_ =	shalt  }
0x63: {  	_ =	shalt  }
0x64: {  	_ =	shalt  }
0x65: {  	_ =	shalt  }
0x66: {  	_ =	shalt  }
0x67: {  	_ =	shalt  }
0x68: {  	_ =	shalt  }
0x69: {  	_ =	shalt  }
0x6a: {  	_ =	shalt  }
0x6b: {  	_ =	shalt  }
0x6c: {  	_ =	shalt  }
0x6d: {  	_ =	shalt  }
0x6e: {  	_ =	shalt  }
0x6f: {  	_ =	shalt  }
0x70: {  	_ =	shalt  }
0x71: {  	_ =	shalt  }
0x72: {  	_ =	shalt  }
0x73: {  	_ =	shalt  }
0x74: {  	_ =	shalt  }
0x75: {  	_ =	shalt  }
0x76: {  	_ =	shalt  }
0x77: {  	_ =	shalt  }
0x78: {  	_ =	shalt  }
0x79: {  	_ =	shalt  }
0x7a: {  	_ =	shalt  }
0x7b: {  	_ =	shalt  }
0x7c: {  	_ =	shalt  }
0x7d: {  	_ =	shalt  }
0x7e: {  	_ =	shalt  }
0x7f: {  	_ =	shalt  }
0x80: {  	_ =	shalt  }
0x81: {  	_ =	shalt  }
0x82: {  	_ =	shalt  }
0x83: {  	_ =	shalt  }
0x84: {  	_ =	shalt  }
0x85: {  	_ =	shalt  }
0x86: {  	_ =	shalt  }
0x87: {  	_ =	shalt  }
.Lfunc_end0:
.L_simem_size_0:
called_computation.1_lowered:
.L_overlay_start_0:
0x88: {  	s2 =	sld [smem:$0x3FD9]  }
0x89: {  	s3 =	sld [smem:$0x3FFE];
	_ =	sdelay $0x1  }
0x8a: {  	s1 =	srdreg.scid  }
0x8b: {  	s0 =	sand.u32 $0x1, s1  }
0x8c: {  	s17 =	sshll.u32 s0, $0xA;
	s2 =	sadd.s32 s3, s2  }
0x8d: {  	s2 =	sadd.s32 s2, s17  }
0x8e: {  	[smem:$0x3FB8] =	sst s2  }
0x8f: {  	_ = 	snop  }
0x90: {  	s18 =	sld [smem:$0x3FC9];
	(tm) =	ssettm $0x1  }
0x91: {  	s19 =	sld [smem:$0x3FFB];
	_ =	sdelay $0x3  }
0x92: {  	_ =	strace s19  }
0x93: {  	s2 =	sld [smem:$0x3FFC];
	_ =	sdelay $0x3  }
0x94: {  	_ =	strace s2  }
0x95: {  	s2 =	sld [smem:$0x3FFD];
	_ =	sdelay $0x3  }
0x96: {  	_ =	strace s2  }
0x97: {  	_ =	strace $0x8FFFFFFF  }
0x98: {  	s20 =	sld [smem:$0x3FDB];
	_ =	sdelay $0x1  }
0x99: {  	s4 =	simm.s32 $_scs_section_size  }
0x9a: {  	s5 =	simm.s32 $_size__tile_overlayer_lowered;
	s6 =	simm.s32 $_tile_overlayer_lowered  }
0x9b: {  	s7 =	simm.s32 $0x1BFF;
	s21 =	sshll.u32 s6, $0x1;
	s4 =	sadd.s32 s4, s20  }
0x9c: {  	s22 =	simm.s32 $0x0;
	s5 =	sshll.u32 s5, $0x1;
	s6 =	sadd.s32 s21, s4  }
0x9d: {  	[timem:s22], [sflag:s7] =	dma.local [hbm:s6], s5  }
0x9e: {  	_ =	swait.ge [sflag:s7], s5  }
0x9f: {  	s5 =	ssub.s32 $0x0, s5;
	[sflag:s7] =	ssyncset.done $0x0  }
0xa0: {  	[sflag:s7] =	ssyncadd.s32 s5;
	_ =	sdelay $0x1  }
0xa1: {  	s23 =	simm.s32 $0x1B8B  }
0xa2: {  	_ =	swait.ge [sflag:s23], $0x1  }
0xa3: {  	[sflag:s23] =	ssyncset.done $0x0  }
0xa4: {  	[sflag:s23] =	ssyncadd.s32 $0xFFFFFFFF  }
0xa5: {  	s5 =	sld [smem:$0x0]  }
0xa6: {  	s6 =	sand.u32 $0xFFFFFFFE, s1  }
0xa7: {  	p0 =	sne.s32 s1, s6  }
0xa8: {  	s6 =	sshll.u32 @p0 s6, $0xE  }
0xa9: {  	s6 =	sadd.s32 @p0 $0x11B8D, s6;
	s7 =	sshll.u32 @p0 s5, $0x11  }
0xaa: {  	s6 =	sor.u32 @p0 s7, s6  }
0xab: {  	[sflag:s6] =	ssyncadd.remote.s32 @p0 $0x1;
	_ =	sdelay $0x1  }
0xac: {  	s6 =	simm.s32 @p0 $0x1B8D  }
0xad: {  	_ =	swait.eq @p0 [sflag:s6], $0x1  }
0xae: {  	[sflag:s6] =	ssyncadd.s32 @p0 $0xFFFFFFFF  }
0xaf: {  	s7 =	sshll.u32 @!p0 s1, $0xE  }
0xb0: {  	s7 =	sor.u32 @!p0 $0x4000, s7;
	s6 =	simm.s32 @!p0 $0x1B8D  }
0xb1: {  	s5 =	sshll.u32 @!p0 s5, $0x11;
	s7 =	sadd.s32 @!p0 $0x11B8D, s7;
	_ =	swait.eq @!p0 [sflag:s6], $0x1  }
0xb2: {  	s5 =	sor.u32 @!p0 s5, s7;
	[sflag:s6] =	ssyncadd.s32 @!p0 $0xFFFFFFFF  }
0xb3: {  	s25 =	simm.s32 $0x1B8E;
	s24 =	sld [smem:$0x3FFE];
	[sflag:s5] =	ssyncadd.remote.s32 @!p0 $0x1  }
0xb4: {  	s26 =	simm.s32 $execute0_lowered;
	[smem:$0x3FD2] =	sst s25  }
0xb5: {  	s6 =	sshll.u32 s26, $0x1;
	_ =	strace $0x80000049;
	[dreg:$0x1] =	wrdreg $0xFFFFFFFF  }
0xb6: {  	s28 =	simm.s32 $_size_execute0_lowered;
	s4 =	sadd.s32 s4, s6;
	[dreg:$0x0] =	wrdreg $0x0  }
0xb7: {  	s6 =	sshll.u32 s28, $0x1;
	[dreg:$0x2] =	wrdreg s4  }
0xb8: {  	[dreg:$0x3] =	wrdreg s6  }
0xb9: {  	[dreg:$0x4] =	wrdreg $0xC0  }
0xba: {  	_ =	task [dreg:s22], $0x5FFFF  }
0xbb: {  	[dreg:$0x1] =	wrdreg $0xFFFFFFFF  }
0xbc: {  	[dreg:$0x0] =	wrdreg $0x60  }
0xbd: {  	[dreg:$0x2] =	wrdreg s18  }
0xbe: {  	[dreg:$0x3] =	wrdreg s24  }
0xbf: {  	[dreg:$0x4] =	wrdreg $0x0  }
0xc0: {  	[dreg:$0x5] =	wrdreg $0xA  }
0xc1: {  	_ =	task.clear_ibuf [dreg:s22], $0x6FFFF;
	_ =	strace $0x90000049  }
0xc2: {  	s29 =	simm.s32 $0xA;
	_ =	strace $0x8000004B  }
0xc3: {  	_ =	swait.ge [sflag:s29], $0x1  }
0xc4: {  	[sflag:s29] =	ssyncadd.s32 $0xFFFFFFFF  }
0xc5: {  	_ =	strace $0x9000004B  }
0xc6: {  	_ =	sfence  }
0xc7: {  	s30 =	sld [smem:$0x0];
	_ =	sdelay $0x2  }
0xc8: {  	s31 =	sshll.u32 s1, $0xD;
	s1 =	sshrl.u32 s1, $0x2  }
0xc9: {  	s4 =	sand.u32 $0x4000, s31;
	s1 =	sadd.s32 s1, s30  }
0xca: {  	s0 =	sor.u32 s4, s0;
	s1 =	sshll.u32 s1, $0x11  }
0xcb: {  	s0 =	sor.u32 s1, s0  }
0xcc: {  	s0 =	sadd.s32 $0x8F2B, s0  }
0xcd: {  	[sflag:s0] =	ssyncadd.remote.s32 $0x1  }
0xce: {  	_ =	sfence.sel $0xFFFF  }
0xcf: {  	[dreg:$0x0] =	wrdreg $0xFFFFFFFF;
	(pc) =	sbr.abs _section_cstart, $3  }
0xd0: {  	[dreg:$0x1] =	wrdreg $0xFFFFFFFF  }
0xd1: {  	_ =	task.clear_ibuf [dreg:s22], $0x2FFFF;
	_ =	strace $0x9FFFFFFF  }
0xd2: {  	(tm) =	ssettm $0x7FFFFFFF  }
0xd3: {  	_ =	shalt  }
tec
execute0_lowered:
.L_overlay_start_1:
0x0: {  	(tag) =	ssettag $0x1  }
0x1: {  	s0 =	rddreg [dreg:$0x0]  }
0x2: {  	s1 =	rddreg [dreg:$0x1]  }
0x3: {  	s2 =	rddreg [dreg:$0x2];
	s18 =	stileid.u32  }
0x4: {  	s3 =	simm.s32 $0x0;
	s21 =	srdreg.scid;
	s10 =	simm.s32 $0x1  }
0x5: {  	s28 =	simm.s32 $0x3;
	s29 =	simm.s32 $0x0;
	s11 =	smul.u32 $0x7D000, s18  }
0x6: {  	s4 =	sshrl.u32 s18, $0x1;
	[smem:$0x7FF] =	sst s3;
	s12 =	smul.u32 $0x3E80, s18  }
0x7: {  	s16 =	sand.u32 $0x1, s18;
	s5 =	sshll.u32 s4, $0xB;
	s4 =	smul.u32 $0x27100, s4  }
0x8: {  	s8 =	sand.u32 $0x1, s21;
	s22 =	sshll.u32 s18, $0x1;
	s14 =	smul.u32 $0x3E, s16  }
0x9: {  	_ =	strace $0x8000004A;
	s17 =	smul.u32 $0x1F, s8;
	s6 =	sadd.s32 s5, s1  }
0xa: {  	s5 =	ssub.s32 $0x2, s8;
	s11 =	sshrl.u32 s11, $0x2;
	s0 =	sadd.s32 s0, s12  }
0xb: {  	s7 =	sadd.s32 s4, s1;
	s1 =	sadd.s32 $0x3CA400, s1;
	s4 =	sand.u32 $0x2, s22  }
0xc: {  	s23 =	sshrl.u32 s5, $0x1;
	s11 =	sadd.s32 s11, s2;
	[dreg:$0x6] =	wrdreg s0  }
0xd: {  	s26 =	sadd.s32 $0x8C00, s6;
	s6 =	sadd.s32 $0x4C00, s6;
	s22 =	smul.u32 $0x3E0, s16  }
0xe: {  	[dreg:$0x5] =	wrdreg s1;
	s1 =	ssub.s32 s5, s23;
	s23 =	smul.u32 $0x1F0, s8  }
0xf: {  	s4 =	sor.u32 s8, s4;
	[dreg:$0x8] =	wrdreg s26;
	s8 =	smul.u32 $0xF80, s8  }
0x10: {  	s30 =	sadd.s32 s17, s14;
	[dreg:$0xb] =	wrdreg s6;
	s9 =	smul.u32 $0x1F, s4  }
0x11: {  	p0 =	sne.s32 s4, $0x0;
	s4 =	simm.s32 $0x1;
	s1 =	smax.u32 s1, $0x1  }
0x12: {  	s10 =	simm.s32 @!p0 $0x0;
	[dreg:$0xe] =	wrdreg s1;
	p0 =	sgt.u32 s18, $0x9  }
0x13: {  	s13 =	sadd.s32 s10, s9;
	s5 =	sadd.s32 $0x20, s9;
	s17 =	sand.u32 $0x1, s9  }
0x14: {  	s15 =	sshll.u32 s13, $0x7;
	s31 =	sshll.u32 s13, $0x4;
	s20 =	sor.u32 $0x4, s17  }
0x15: {  	s21 =	sor.u32 $0x6, s17;
	s6 =	sxor.u32 $0x1, s17;
	[dreg:$0x9] =	wrdreg s31  }
0x16: {  	s24 =	sand.u32 $0x180, s15;
	s15 =	sadd.s32 $0x2, s13;
	[dreg:$0xc] =	wrdreg s20  }
0x17: {  	[dreg:$0xd] =	wrdreg s21;
	s25 =	sadd.s32 $0x13880, s24;
	s0 =	sadd.s32 $0x13A80, s24  }
0x18: {  	s24 =	smul.u32 $0x1F00, s16;
	[dreg:$0xa] =	wrdreg s0;
	s0 =	sadd.s32 s10, s30  }
0x19: {  	s14 =	sor.u32 $0x4, s6;
	s21 =	sshll.u32 s10, $0x7;
	s12 =	smul.u32 $0xA000, s0  }
0x1a: {  	[dreg:$0x4] =	wrdreg s15;
	s15 =	sor.u32 $0x6, s6;
	s19 =	smul.u32 $0x500, s0  }
0x1b: {  	[dreg:$0x7] =	wrdreg s25;
	s30 =	sadd.s32 s23, s22;
	s25 =	sshrl.u32 s12, $0x2  }
0x1c: {  	s31 =	sadd.s32 s8, s24;
	s7 =	sadd.s32 s19, s7;
	s1 =	sadd.s32 s25, s2  }
0x1d: {  	s19 =	sshll.u32 s10, $0x4;
	s26 =	sadd.s32 $0x291C00, s7;
	[dreg:$0xf] =	wrdreg s1  }
0x1e: {  	s7 =	sadd.s32 $0x80, s31;
	[dreg:$0x10] =	wrdreg s26;
	s1 =	sadd.s32 $0x10, s30  }
0x1f: {  	[dreg:$0x11] =	wrdreg s1;
	s1 =	sadd.s32 $0x1, s0;
	s0 =	sshrl.u32 @!p0 s11, $0x3  }
0x20: {  	s25 =	simm.s32 $0x50;
	s26 =	simm.s32 $0x2;
	[dreg:$0x12] =	wrdreg s0  }
.LBB2_1:
0x21: {  	s0 =	stileid.u32  }
0x22: {  	s6 =	rddreg [dreg:$0x6];
	s0 =	sshll.u32 @!p0 s0, $0x6  }
0x23: {  	s8 =	rddreg [dreg:$0x12];
	s0 =	sor.u32 @!p0 $0x1C08, s0  }
0x24: {  	[spmem:s8], [sflag:s0] =	dma.local @!p0 [hbm:s6], $0x3E80  }
0x25: {  	s0 =	simm.s32 @!p0 $0x8  }
0x26: {  	_ =	swait.ge @!p0 [sflag:s0], $0x3E80  }
0x27: {  	s17 =	rddreg [dreg:$0x8]  }
0x28: {  	s9 =	rddreg [dreg:$0x9]  }
0x29: {  	p2 =	slt.u32 s1, s5;
	[sflag:s0] =	ssyncset.done @!p0 $0x0;
	s20 =	rddreg [dreg:$0x7]  }
0x2a: {  	s10 =	rddreg [dreg:$0xb];
	[sflag:s0] =	ssyncadd.s32 @!p0 $0xFFFFC180;
	s18 =	sadd.s32 s9, s17  }
0x2b: {  	[tilespmem:s20], [sflag:$0x1] =	stream.linear.gather [hbm4b:s18+s3], $0x80, $0x38;
	[tilespmem:$0x1DC80] =	vst v63  }
.Ltmp0:
0x2c: {  	s23 =	rddreg [dreg:$0xa];
	s22 =	sadd.s32 s9, s10;
	(pc) =	sbr.rel @!p2 .LBB2_2-.Ltmp0, $4  }
0x2d: {  	[tilespmem:s23], [sflag:$0x1] =	stream.linear.gather [hbm4b:s22+s3], $0x80, $0x38;
	[tilespmem:$0x1DC80] =	vst v63  }
0x2e: {  	p1 =	por $0x0, $0x0;
	[bflag:$0x0] =	sbarrier.arrive $0xFFFF  }
0x2f: {  	s0 =	sadd.s32 $0xFFFFFFFF, s1;
	s23 =	sadd.s32 $0x1, s1;
	s24 =	rddreg [dreg:$0x11]  }
0x30: {  	s6 =	rddreg [dreg:$0x4];
	s31 =	sadd.s32 s17, s24;
	s30 =	sadd.s32 s10, s24  }
0x31: {  	s8 =	sand.u32 $0x1, s0;
	p1 =	slt.u32 s0, s6  }
0x32: {  	s0 =	sor.u32 @!p1 $0x4, s8  }
0x33: {  	_ =	swait.ge @!p1 [sflag:s0], $0x2800  }
0x34: {  	[sflag:s0] =	ssyncset.done @!p1 $0x0  }
0x35: {  	[sflag:s0] =	ssyncadd.s32 @!p1 $0xFFFFD800;
	s0 =	sor.u32 @!p1 $0x6, s8  }
0x36: {  	_ =	swait.ge @!p1 [sflag:s0], $0x2800  }
0x37: {  	[sflag:s0] =	ssyncset.done @!p1 $0x0  }
0x38: {  	[sflag:s0] =	ssyncadd.s32 @!p1 $0xFFFFD800  }
0x39: {  	_ =	swait.ge [sflag:s4], $0x80  }
0x3a: {  	s12 =	sadd.s32 s7, s21;
	[sflag:s4] =	ssyncset.done $0x0  }
0x3b: {  	s13 =	smul.u32 $0x2800, s8;
	p1 =	sge.u32 s1, s5;
	[sflag:s4] =	ssyncadd.s32 $0xFFFFFF80  }
0x3c: {  	s0 =	sadd.s32 $0xFFFFFF80, s12;
	s9 =	sadd.s32 @!p1 s7, s21;
	_ =	swait.ge [sflag:s4], $0x80  }
0x3d: {  	s10 =	sadd.s32 @!p1 s31, s19;
	s9 =	sand.u32 @!p1 $0x180, s9;
	[sflag:s4] =	ssyncset.done $0x0  }
0x3e: {  	s11 =	simm.s32 @!p1 $0x0;
	s12 =	sadd.s32 @!p1 $0x13880, s9;
	[sflag:s4] =	ssyncadd.s32 $0xFFFFFF80  }
0x3f: {  	[tilespmem:s12], [sflag:$0x1] =	stream.linear.gather @!p1 [hbm4b:s10+s11], $0x80, $0x38;
	[tilespmem:$0x1DC80] =	vst v63  }
0x40: {  	s0 =	sand.u32 $0x180, s0;
	s9 =	sadd.s32 @!p1 $0x13A80, s9;
	s10 =	sadd.s32 @!p1 s30, s19  }
0x41: {  	[tilespmem:s9], [sflag:$0x1] =	stream.linear.gather @!p1 [hbm4b:s10+s11], $0x80, $0x38;
	[tilespmem:$0x1DC80] =	vst v63  }
0x42: {  	s17 =	sadd.s32 $0x13C80, s13;
	s16 =	sadd.s32 $0x13880, s0  }
0x43: {  	[tilespmem:s17], [sflag:$0x2] =	stream.indirect.gather [spmem:s2], $0x80, s16, s25, $0xb8;
	[tilespmem:$0x1DC80] =	vst v63  }
0x44: {  	p2 =	slt.u32 s23, s5;
	s18 =	rddreg [dreg:$0xf];
	s9 =	sadd.s32 $0x18C80, s13  }
0x45: {  	[tilespmem:s9], [sflag:$0x3] =	stream.linear.gather [spmem:s18], $0x2800, $0x38;
	[tilespmem:$0x1DC80] =	vst v63  }
0x46: {  	s22 =	sadd.s32 $0x80, s7;
	s20 =	sor.u32 $0x4, s8;
	_ =	swait.ge [sflag:s26], $0x2800  }
0x47: {  	s31 =	sadd.s32 $0x10, s31;
	s30 =	sadd.s32 $0x10, s30;
	[sflag:s26] =	ssyncset.done $0x0  }
0x48: {  	s10 =	sor.u32 $0x6, s8;
	s11 =	sadd.s32 $0x13A80, s0;
	[sflag:s26] =	ssyncadd.s32 $0xFFFFD800  }
.Ltmp1:
0x49: {  	s0 =	sadd.s32 $0xFFFFFFFF, s23;
	_ =	swait.ge [sflag:s28], $0x2800;
	(pc) =	sbr.rel @!p2 .LBB2_5-.Ltmp1, $4  }
0x4a: {  	p1 =	por $0x1, $0x1;
	[sflag:s28] =	ssyncset.done $0x0;
	s24 =	rddreg [dreg:$0x10]  }
0x4b: {  	s16 =	sadd.s32 $0x1, s23;
	s6 =	rddreg [dreg:$0x4];
	[sflag:s28] =	ssyncadd.s32 $0xFFFFD800  }
0x4c: {  	[hbm4b:s24+s3] =	stream.linear.scatter [tilespmem:s17], [sflag:s20], $0x2800, $0x38;
	[tilespmem:$0x1DC80] =	vst v63  }
0x4d: {  	s17 =	sadd.s32 $0x2800, s18;
	s18 =	sadd.s32 $0x500, s24;
	s20 =	rddreg [dreg:$0x5]  }
.LBB2_4:
0x4e: {  	s8 =	sand.u32 $0x1, s0;
	p3 =	slt.u32 s0, s6  }
0x4f: {  	[hbm4b:s20+s25] =	stream.indirect.scatter [tilespmem:s9], [sflag:s10], $0x80, s11, s25, $0xb8;
	[tilespmem:$0x1DC80] =	vst v63  }
0x50: {  	s6 =	sor.u32 @!p3 $0x4, s8  }
0x51: {  	_ =	swait.ge @!p3 [sflag:s6], $0x2800  }
0x52: {  	[sflag:s6] =	ssyncset.done @!p3 $0x0  }
0x53: {  	[sflag:s6] =	ssyncadd.s32 @!p3 $0xFFFFD800;
	s6 =	sor.u32 @!p3 $0x6, s8  }
0x54: {  	_ =	swait.ge @!p3 [sflag:s6], $0x2800  }
0x55: {  	[sflag:s6] =	ssyncset.done @!p3 $0x0  }
0x56: {  	s0 =	smov.u32 s16;
	s12 =	sadd.s32 $0x1, s16;
	[sflag:s6] =	ssyncadd.s32 @!p3 $0xFFFFD800  }
0x57: {  	p2 =	slt.u32 s16, s5;
	s13 =	sor.u32 $0x6, s8;
	_ =	swait.ge [sflag:s4], $0x80  }
0x58: {  	s9 =	smul.u32 $0x2800, s8;
	s10 =	smov.u32 s13;
	[sflag:s4] =	ssyncset.done $0x0  }
0x59: {  	s13 =	sadd.s32 s22, s21;
	p3 =	sge.u32 s23, s5;
	[sflag:s4] =	ssyncadd.s32 $0xFFFFFF80  }
0x5a: {  	s6 =	sadd.s32 $0xFFFFFF80, s13;
	s11 =	sadd.s32 @!p3 s22, s21;
	_ =	swait.ge [sflag:s4], $0x80  }
0x5b: {  	s16 =	sadd.s32 @!p3 s31, s19;
	s11 =	sand.u32 @!p3 $0x180, s11;
	[sflag:s4] =	ssyncset.done $0x0  }
0x5c: {  	s20 =	simm.s32 @!p3 $0x0;
	s23 =	sadd.s32 @!p3 $0x13880, s11;
	[sflag:s4] =	ssyncadd.s32 $0xFFFFFF80  }
0x5d: {  	[tilespmem:s23], [sflag:$0x1] =	stream.linear.gather @!p3 [hbm4b:s16+s20], $0x80, $0x38;
	[tilespmem:$0x1DC80] =	vst v63  }
0x5e: {  	s6 =	sand.u32 $0x180, s6;
	s11 =	sadd.s32 @!p3 $0x13A80, s11;
	s16 =	sadd.s32 @!p3 s30, s19  }
0x5f: {  	[tilespmem:s11], [sflag:$0x1] =	stream.linear.gather @!p3 [hbm4b:s16+s20], $0x80, $0x38;
	[tilespmem:$0x1DC80] =	vst v63  }
0x60: {  	s13 =	sadd.s32 $0x13C80, s9;
	s23 =	sadd.s32 $0x13880, s6  }
0x61: {  	[tilespmem:s13], [sflag:$0x2] =	stream.indirect.gather [spmem:s2], $0x80, s23, s25, $0xb8;
	[tilespmem:$0x1DC80] =	vst v63  }
0x62: {  	s24 =	smov.u32 s18;
	s18 =	sadd.s32 $0x500, s18;
	s9 =	sadd.s32 $0x18C80, s9  }
0x63: {  	[tilespmem:s9], [sflag:$0x3] =	stream.linear.gather [spmem:s17], $0x2800, $0x38;
	[tilespmem:$0x1DC80] =	vst v63  }
0x64: {  	s8 =	sor.u32 $0x4, s8;
	s22 =	sadd.s32 $0x80, s22;
	_ =	swait.ge [sflag:s26], $0x2800  }
0x65: {  	s31 =	sadd.s32 $0x10, s31;
	s30 =	sadd.s32 $0x10, s30;
	[sflag:s26] =	ssyncset.done $0x0  }
.Ltmp2:
0x66: {  	s11 =	sadd.s32 $0x13A80, s6;
	[sflag:s26] =	ssyncadd.s32 $0xFFFFD800;
	(pc) =	sbr.rel @p2 .LBB2_4-.Ltmp2, $4  }
0x67: {  	s16 =	smov.u32 s12;
	s23 =	smov.u32 s0;
	_ =	swait.ge [sflag:s28], $0x2800  }
0x68: {  	s0 =	sadd.s32 $0xFFFFFFFF, s23;
	s6 =	rddreg [dreg:$0x4];
	[sflag:s28] =	ssyncset.done $0x0  }
0x69: {  	s17 =	sadd.s32 $0x2800, s17;
	s20 =	rddreg [dreg:$0x5];
	[sflag:s28] =	ssyncadd.s32 $0xFFFFD800  }
0x6a: {  	[hbm4b:s24+s3] =	stream.linear.scatter [tilespmem:s13], [sflag:s8], $0x2800, $0x38;
	[tilespmem:$0x1DC80] =	vst v63  }
.LBB2_5:
0x6b: {  	[hbm4b:s20+s25] =	stream.indirect.scatter @p1 [tilespmem:s9], [sflag:s10], $0x80, s11, s25, $0xb8;
	[tilespmem:$0x1DC80] =	vst v63  }
0x6c: {  	s8 =	sand.u32 $0x1, s0;
	p1 =	slt.u32 s0, s6  }
0x6d: {  	s0 =	sor.u32 @!p1 $0x4, s8  }
0x6e: {  	_ =	swait.ge @!p1 [sflag:s0], $0x2800  }
0x6f: {  	[sflag:s0] =	ssyncset.done @!p1 $0x0  }
0x70: {  	[sflag:s0] =	ssyncadd.s32 @!p1 $0xFFFFD800;
	s0 =	sor.u32 @!p1 $0x6, s8  }
0x71: {  	_ =	swait.ge @!p1 [sflag:s0], $0x2800  }
0x72: {  	[sflag:s0] =	ssyncset.done @!p1 $0x0  }
0x73: {  	[sflag:s0] =	ssyncadd.s32 @!p1 $0xFFFFD800  }
0x74: {  	_ =	swait.ge [sflag:s4], $0x80  }
0x75: {  	[sflag:s4] =	ssyncset.done $0x0  }
0x76: {  	p1 =	sge.u32 s23, s5;
	[sflag:s4] =	ssyncadd.s32 $0xFFFFFF80  }
0x77: {  	s12 =	sadd.s32 s22, s21;
	s0 =	sadd.s32 @!p1 s22, s21;
	_ =	swait.ge [sflag:s4], $0x80  }
0x78: {  	s6 =	sadd.s32 @!p1 s31, s19;
	s0 =	sand.u32 @!p1 $0x180, s0;
	[sflag:s4] =	ssyncset.done $0x0  }
0x79: {  	s9 =	simm.s32 @!p1 $0x0;
	s10 =	sadd.s32 @!p1 $0x13880, s0;
	[sflag:s4] =	ssyncadd.s32 $0xFFFFFF80  }
0x7a: {  	[tilespmem:s10], [sflag:$0x1] =	stream.linear.gather @!p1 [hbm4b:s6+s9], $0x80, $0x38;
	[tilespmem:$0x1DC80] =	vst v63  }
0x7b: {  	s13 =	smul.u32 $0x2800, s8;
	s6 =	sadd.s32 $0xFFFFFF80, s12  }
0x7c: {  	s0 =	sadd.s32 @!p1 $0x13A80, s0;
	s10 =	sadd.s32 @!p1 s30, s19;
	s6 =	sand.u32 $0x180, s6  }
0x7d: {  	[tilespmem:s0], [sflag:$0x1] =	stream.linear.gather @!p1 [hbm4b:s10+s9], $0x80, $0x38;
	[tilespmem:$0x1DC80] =	vst v63  }
0x7e: {  	s20 =	sadd.s32 $0x13C80, s13;
	s16 =	sadd.s32 $0x13880, s6  }
0x7f: {  	[tilespmem:s20], [sflag:$0x2] =	stream.indirect.gather [spmem:s2], $0x80, s16, s25, $0xb8;
	[tilespmem:$0x1DC80] =	vst v63  }
0x80: {  	s0 =	sadd.s32 $0x18C80, s13  }
0x81: {  	[tilespmem:s0], [sflag:$0x3] =	stream.linear.gather [spmem:s17], $0x2800, $0x38;
	[tilespmem:$0x1DC80] =	vst v63  }
0x82: {  	_ =	swait.ge [sflag:s26], $0x2800  }
0x83: {  	[sflag:s26] =	ssyncset.done $0x0  }
0x84: {  	[sflag:s26] =	ssyncadd.s32 $0xFFFFD800  }
0x85: {  	_ =	swait.ge [sflag:s28], $0x2800  }
0x86: {  	[sflag:s28] =	ssyncset.done $0x0  }
0x87: {  	s22 =	sor.u32 $0x4, s8;
	s23 =	rddreg [dreg:$0x5];
	[sflag:s28] =	ssyncadd.s32 $0xFFFFD800  }
0x88: {  	[hbm4b:s18+s3] =	stream.linear.scatter [tilespmem:s20], [sflag:s22], $0x2800, $0x38;
	[tilespmem:$0x1DC80] =	vst v63  }
0x89: {  	s8 =	sor.u32 $0x6, s8;
	s6 =	sadd.s32 $0x13A80, s6;
	s24 =	rddreg [dreg:$0xc]  }
0x8a: {  	[hbm4b:s23+s25] =	stream.indirect.scatter [tilespmem:s0], [sflag:s8], $0x80, s6, s25, $0xb8;
	[tilespmem:$0x1DC80] =	vst v63  }
0x8b: {  	_ =	swait.ge [sflag:s24], $0x2800  }
0x8c: {  	[sflag:s24] =	ssyncset.done $0x0  }
0x8d: {  	s30 =	rddreg [dreg:$0xd];
	[sflag:s24] =	ssyncadd.s32 $0xFFFFD800  }
0x8e: {  	_ =	swait.ge [sflag:s30], $0x2800  }
0x8f: {  	[sflag:s30] =	ssyncset.done $0x0  }
0x90: {  	[sflag:s30] =	ssyncadd.s32 $0xFFFFD800  }
0x91: {  	_ =	swait.ge [sflag:s14], $0x2800  }
0x92: {  	[sflag:s14] =	ssyncset.done $0x0  }
0x93: {  	[sflag:s14] =	ssyncadd.s32 $0xFFFFD800  }
0x94: {  	_ =	swait.ge [sflag:s15], $0x2800  }
0x95: {  	s29 =	sadd.s32 $0x1, s29;
	s31 =	rddreg [dreg:$0xe]  }
0x96: {  	p1 =	sne.s32 s29, s31  }
.Ltmp3:
0x97: {  	_ = 	snop;
	(pc) =	sbr.rel @p1 .LBB2_1-.Ltmp3, $4  }
.Ltmp4:
0x98: {  	_ = 	snop;
	(pc) =	sbr.rel @!p1 .LBB2_6-.Ltmp4, $4  }
0x99: {  	_ = 	snop  }
0x9a: {  	[sflag:s15] =	ssyncset.done $0x0  }
0x9b: {  	[sflag:s15] =	ssyncadd.s32 $0xFFFFD800  }
0x9c: {  	_ = 	snop  }
.LBB2_2:
.Ltmp5:
0x9d: {  	(pc) =	sbr.rel .LBB2_5-.Ltmp5, $3  }
0x9e: {  	_ =	sdelay $0x1  }
0x9f: {  	s18 =	rddreg [dreg:$0x10]  }
0xa0: {  	s22 =	smov.u32 s7;
	s23 =	smov.u32 s1;
	s17 =	rddreg [dreg:$0xf]  }
.LBB2_6:
0xa1: {  	_ =	sfence.sel $0x180000  }
0xa2: {  	[bflag:$0x0] =	sbarrier.arrive $0xFFFF  }
0xa3: {  	_ =	strace $0x9000004A  }
0xa4: {  	s0 =	stileid.u32;
	[bflag:$0x2] =	sbarrier.arrive $0xFFFF  }
0xa5: {  	p0 =	sne.s32 s0, $0x0;
	s0 =	rddreg [dreg:$0x3]  }
0xa6: {  	s0 =	sadd.s32 @!p0 $0x100000, s0  }
0xa7: {  	[sflag:s0] =	ssyncadd.tile.s32 @!p0 $0x1;
	_ =	shalt  }
.Lfunc_end2:
_tile_overlayer_lowered:
.L_overlay_start_2:
0xa8: {  	(tag) =	ssettag $0x2  }
0xa9: {  	s0 =	rddreg [dreg:$0x0];
	s2 =	stileid.u32  }
0xaa: {  	s1 =	rddreg [dreg:$0x1];
	p0 =	sne.s32 s2, $0x0  }
0xab: {  	s3 =	rddreg [dreg:$0x2];
	[bflag:$0x3] =	sbarrier.arrive $0xFFFF;
	s2 =	simm.s32 @!p0 $0x1C08  }
0xac: {  	[timem:s3], [sflag:s2] =	dma.local @!p0 [hbm:s0], s1  }
0xad: {  	s0 =	simm.s32 @!p0 $0x8  }
0xae: {  	_ =	swait.ge @!p0 [sflag:s0], s1  }
0xaf: {  	s1 =	ssub.s32 @!p0 $0x0, s1;
	[sflag:s0] =	ssyncset.done @!p0 $0x0  }
0xb0: {  	[sflag:s0] =	ssyncadd.s32 @!p0 s1  }
0xb1: {  	[bflag:$0x3] =	sbarrier.arrive $0xFFFF  }
0xb2: {  	_ =	shalt  }

// kernel: kernel.17.cloned.1.call-start
scs
__scs_entry_jumppad:
0x0: {  	(pc) =	sbr.rel $0x88, $3  }
0x1: {  	(tag) =	ssettag $0x0;
	lr =	simm.s32 $0x1  }
0x2: {  	[smem:$0x3F91] =	sst lr;
	_ =	strace $0xD0000000  }
0x3: {  	_ = 	snop  }
0x4: {  	_ = 	snop  }
0x5: {  	_ = 	snop  }
0x6: {  	_ = 	snop  }
0x7: {  	_ = 	snop  }
__scs_overlays_trampoline_lowered:
0x8: {  	[smem:$0x3FA0] =	sst s0  }
0x9: {  	[smem:$0x3FA1] =	sst s1  }
0xa: {  	[smem:$0x3FA2] =	sst s2  }
0xb: {  	[smem:$0x3FA3] =	sst s3  }
0xc: {  	[smem:$0x3FA4] =	sst s4  }
0xd: {  	[smem:$0x3FA5] =	sst s5  }
0xe: {  	[smem:$0x3FA6] =	sst s6  }
0xf: {  	[smem:$0x3FA7] =	sst s7  }
0x10: {  	[smem:$0x3FA8] =	sst s8  }
0x11: {  	[smem:$0x3FA9] =	sst s9;
	s0 =	simm.s32 @!p0 $0x0  }
0x12: {  	s1 =	sld [smem:$0x3F8F];
	s0 =	simm.s32 @p0 $0x1  }
0x13: {  	[smem:$0x3FAA] =	sst s0;
	s0 =	simm.s32 @!p1 $0x0  }
0x14: {  	s2 =	sld [smem:$0x3F8E];
	s0 =	simm.s32 @p1 $0x1  }
0x15: {  	[smem:$0x3FAB] =	sst s0;
	s0 =	simm.s32 @!p2 $0x0  }
0x16: {  	s3 =	sld [smem:$0x3FDB];
	s0 =	simm.s32 @p2 $0x1  }
0x17: {  	s4 =	simm.s32 $0x1BF5;
	[smem:$0x3FAD] =	sst s0  }
0x18: {  	s0 =	sld [smem:$0x3F90];
	_ =	swait.ge [sflag:s4], $0x0  }
0x19: {  	s7 =	sld [smem:$0x3F91]  }
0x1a: {  	s8 =	sadd.s32 $0xFFFFE003, lr  }
0x1b: {  	s9 =	sadd.s32 $0xFFFFFEF7, lr;
	s5 =	simm.s32 $0xFFFFFFFF;
	p2 =	slt.u32 s8, $0xFFFFF086  }
0x1c: {  	p1 =	slt.u32 s9, $0xF7A;
	s5 =	simm.s32 @!p2 $0x0  }
0x1d: {  	s5 =	simm.s32 @p1 $0x1;
	p0 =	seq.s32 s7, s2  }
0x1e: {  	s7 =	smul.u32 @!p0 $0xF7A, s2;
	p2 =	seq.s32 @!p0 s5, $0x0  }
0x1f: {  	s9 =	smul.u32 $0xF7A, s1;
	s8 =	simm.s32 @!p0 $0x1BF5;
	p2 =	por !p2, p0  }
0x20: {  	[sflag:s8] =	ssyncset.s32 @!p0 $0xFFFFF086;
	s6 =	sadd.s32 @!p0 s3, s7;
	s7 =	simm.s32 @!p0 $0x108  }
0x21: {  	s3 =	sadd.s32 s3, s9;
	s6 =	sadd.s32 @!p0 $0x88, s6;
	s7 =	simm.s32 @p2 $0x1082  }
0x22: {  	[simem:s7], [sflag:s8] =	dma.local @!p0 [hbm:s6], $0xF7A  }
0x23: {  	s9 =	sor.u32 $0xD0000000, s2;
	s6 =	simm.s32 $0x108;
	_ =	swait.ge @!p0 [sflag:s8], $0x0  }
0x24: {  	s3 =	sadd.s32 $0x88, s3;
	s6 =	simm.s32 @!p1 $0x1082;
	[sflag:s4] =	ssyncset.s32 $0xFFFFF086  }
0x25: {  	[simem:s6], [sflag:s4] =	dma.local [hbm:s3], $0xF7A  }
0x26: {  	[smem:$0x3F91] =	sst s1;
	(tag) =	ssettag s2;
	_ =	strace s9  }
0x27: {  	s1 =	sld [smem:$0x3FA1]  }
0x28: {  	s2 =	sld [smem:$0x3FA2]  }
0x29: {  	s4 =	sld [smem:$0x3FA4]  }
0x2a: {  	p0 =	seq.s32 s5, $0x0;
	s5 =	sld [smem:$0x3FA5]  }
0x2b: {  	s6 =	sld [smem:$0x3FA6]  }
0x2c: {  	s7 =	sld [smem:$0x3FA7]  }
0x2d: {  	s3 =	simm.s32 $0x108;
	s8 =	sld [smem:$0x3FA8]  }
0x2e: {  	s3 =	simm.s32 @!p0 $0x1082;
	s9 =	sld [smem:$0x3FA9]  }
0x2f: {  	lr =	sadd.s32 s0, s3;
	s0 =	sld [smem:$0x3FA0]  }
0x30: {  	s3 =	sld [smem:$0x3FA3]  }
0x31: {  	[smem:$0x3FAC] =	sst s10  }
0x32: {  	s10 =	sld [smem:$0x3FAA];
	_ =	sdelay $0x3  }
0x33: {  	p0 =	seq.s32 s10, $0x1;
	s10 =	sld [smem:$0x3FAC];
	_ =	sdelay $0x3  }
0x34: {  	[smem:$0x3FAC] =	sst s10  }
0x35: {  	s10 =	sld [smem:$0x3FAB];
	_ =	sdelay $0x3  }
0x36: {  	p1 =	seq.s32 s10, $0x1;
	s10 =	sld [smem:$0x3FAC];
	_ =	sdelay $0x3  }
0x37: {  	[smem:$0x3FAC] =	sst s10  }
0x38: {  	s10 =	sld [smem:$0x3FAD]  }
0x39: {  	_ = 	snop;
	(pc) =	sbr.ind lr, $3  }
0x3a: {  	_ = 	snop  }
0x3b: {  	_ = 	snop  }
0x3c: {  	p2 =	seq.s32 s10, $0x1;
	s10 =	sld [smem:$0x3FAC]  }
0x3d: {  	_ =	shalt  }
0x3e: {  	_ =	shalt  }
0x3f: {  	_ =	shalt  }
0x40: {  	_ =	shalt  }
0x41: {  	_ =	shalt  }
0x42: {  	_ =	shalt  }
0x43: {  	_ =	shalt  }
0x44: {  	_ =	shalt  }
0x45: {  	_ =	shalt  }
0x46: {  	_ =	shalt  }
0x47: {  	_ =	shalt  }
0x48: {  	_ =	shalt  }
0x49: {  	_ =	shalt  }
0x4a: {  	_ =	shalt  }
0x4b: {  	_ =	shalt  }
0x4c: {  	_ =	shalt  }
0x4d: {  	_ =	shalt  }
0x4e: {  	_ =	shalt  }
0x4f: {  	_ =	shalt  }
0x50: {  	_ =	shalt  }
0x51: {  	_ =	shalt  }
0x52: {  	_ =	shalt  }
0x53: {  	_ =	shalt  }
0x54: {  	_ =	shalt  }
0x55: {  	_ =	shalt  }
0x56: {  	_ =	shalt  }
0x57: {  	_ =	shalt  }
0x58: {  	_ =	shalt  }
0x59: {  	_ =	shalt  }
0x5a: {  	_ =	shalt  }
0x5b: {  	_ =	shalt  }
0x5c: {  	_ =	shalt  }
0x5d: {  	_ =	shalt  }
0x5e: {  	_ =	shalt  }
0x5f: {  	_ =	shalt  }
0x60: {  	_ =	shalt  }
0x61: {  	_ =	shalt  }
0x62: {  	_ =	shalt  }
0x63: {  	_ =	shalt  }
0x64: {  	_ =	shalt  }
0x65: {  	_ =	shalt  }
0x66: {  	_ =	shalt  }
0x67: {  	_ =	shalt  }
0x68: {  	_ =	shalt  }
0x69: {  	_ =	shalt  }
0x6a: {  	_ =	shalt  }
0x6b: {  	_ =	shalt  }
0x6c: {  	_ =	shalt  }
0x6d: {  	_ =	shalt  }
0x6e: {  	_ =	shalt  }
0x6f: {  	_ =	shalt  }
0x70: {  	_ =	shalt  }
0x71: {  	_ =	shalt  }
0x72: {  	_ =	shalt  }
0x73: {  	_ =	shalt  }
0x74: {  	_ =	shalt  }
0x75: {  	_ =	shalt  }
0x76: {  	_ =	shalt  }
0x77: {  	_ =	shalt  }
0x78: {  	_ =	shalt  }
0x79: {  	_ =	shalt  }
0x7a: {  	_ =	shalt  }
0x7b: {  	_ =	shalt  }
0x7c: {  	_ =	shalt  }
0x7d: {  	_ =	shalt  }
0x7e: {  	_ =	shalt  }
0x7f: {  	_ =	shalt  }
0x80: {  	_ =	shalt  }
0x81: {  	_ =	shalt  }
0x82: {  	_ =	shalt  }
0x83: {  	_ =	shalt  }
0x84: {  	_ =	shalt  }
0x85: {  	_ =	shalt  }
0x86: {  	_ =	shalt  }
0x87: {  	_ =	shalt  }
.Lfunc_end0:
.L_simem_size_0:
called_computation.2_lowered:
.L_overlay_start_0:
0x88: {  	s2 =	sld [smem:$0x3FD9]  }
0x89: {  	s3 =	sld [smem:$0x3FFE];
	_ =	sdelay $0x1  }
0x8a: {  	s1 =	srdreg.scid  }
0x8b: {  	s0 =	sand.u32 $0x1, s1  }
0x8c: {  	s17 =	sshll.u32 s0, $0xA;
	s2 =	sadd.s32 s3, s2  }
0x8d: {  	s2 =	sadd.s32 s2, s17  }
0x8e: {  	[smem:$0x3FB8] =	sst s2  }
0x8f: {  	_ = 	snop  }
0x90: {  	s18 =	sld [smem:$0x3FC9];
	(tm) =	ssettm $0x1  }
0x91: {  	s19 =	sld [smem:$0x3FFB];
	_ =	sdelay $0x3  }
0x92: {  	_ =	strace s19  }
0x93: {  	s2 =	sld [smem:$0x3FFC];
	_ =	sdelay $0x3  }
0x94: {  	_ =	strace s2  }
0x95: {  	s2 =	sld [smem:$0x3FFD];
	_ =	sdelay $0x3  }
0x96: {  	_ =	strace s2  }
0x97: {  	_ =	strace $0x8FFFFFFF  }
0x98: {  	s20 =	sld [smem:$0x3FDB];
	_ =	sdelay $0x1  }
0x99: {  	s4 =	simm.s32 $_scs_section_size  }
0x9a: {  	s5 =	simm.s32 $_size__tile_overlayer_lowered;
	s6 =	simm.s32 $_tile_overlayer_lowered  }
0x9b: {  	s7 =	simm.s32 $0x1BFF;
	s21 =	sshll.u32 s6, $0x1;
	s4 =	sadd.s32 s4, s20  }
0x9c: {  	s22 =	simm.s32 $0x0;
	s5 =	sshll.u32 s5, $0x1;
	s6 =	sadd.s32 s21, s4  }
0x9d: {  	[timem:s22], [sflag:s7] =	dma.local [hbm:s6], s5  }
0x9e: {  	_ =	swait.ge [sflag:s7], s5  }
0x9f: {  	s5 =	ssub.s32 $0x0, s5;
	[sflag:s7] =	ssyncset.done $0x0  }
0xa0: {  	[sflag:s7] =	ssyncadd.s32 s5;
	_ =	sdelay $0x1  }
0xa1: {  	s23 =	simm.s32 $0x1B8B  }
0xa2: {  	_ =	swait.ge [sflag:s23], $0x1  }
0xa3: {  	[sflag:s23] =	ssyncset.done $0x0  }
0xa4: {  	[sflag:s23] =	ssyncadd.s32 $0xFFFFFFFF  }
0xa5: {  	s5 =	sld [smem:$0x0]  }
0xa6: {  	s6 =	sand.u32 $0xFFFFFFFE, s1  }
0xa7: {  	p0 =	sne.s32 s1, s6  }
0xa8: {  	s6 =	sshll.u32 @p0 s6, $0xE  }
0xa9: {  	s6 =	sadd.s32 @p0 $0x11B8D, s6;
	s7 =	sshll.u32 @p0 s5, $0x11  }
0xaa: {  	s6 =	sor.u32 @p0 s7, s6  }
0xab: {  	[sflag:s6] =	ssyncadd.remote.s32 @p0 $0x1;
	_ =	sdelay $0x1  }
0xac: {  	s6 =	simm.s32 @p0 $0x1B8D  }
0xad: {  	_ =	swait.eq @p0 [sflag:s6], $0x1  }
0xae: {  	[sflag:s6] =	ssyncadd.s32 @p0 $0xFFFFFFFF  }
0xaf: {  	s7 =	sshll.u32 @!p0 s1, $0xE  }
0xb0: {  	s7 =	sor.u32 @!p0 $0x4000, s7;
	s6 =	simm.s32 @!p0 $0x1B8D  }
0xb1: {  	s5 =	sshll.u32 @!p0 s5, $0x11;
	s7 =	sadd.s32 @!p0 $0x11B8D, s7;
	_ =	swait.eq @!p0 [sflag:s6], $0x1  }
0xb2: {  	s5 =	sor.u32 @!p0 s5, s7;
	[sflag:s6] =	ssyncadd.s32 @!p0 $0xFFFFFFFF  }
0xb3: {  	s25 =	simm.s32 $0x1B8E;
	s24 =	sld [smem:$0x3FFE];
	[sflag:s5] =	ssyncadd.remote.s32 @!p0 $0x1  }
0xb4: {  	s26 =	simm.s32 $execute0_lowered;
	[smem:$0x3FD2] =	sst s25  }
0xb5: {  	s6 =	sshll.u32 s26, $0x1;
	_ =	strace $0x8000004C;
	[dreg:$0x1] =	wrdreg $0xFFFFFFFF  }
0xb6: {  	s28 =	simm.s32 $_size_execute0_lowered;
	s4 =	sadd.s32 s4, s6;
	[dreg:$0x0] =	wrdreg $0x0  }
0xb7: {  	s6 =	sshll.u32 s28, $0x1;
	[dreg:$0x2] =	wrdreg s4  }
0xb8: {  	[dreg:$0x3] =	wrdreg s6  }
0xb9: {  	[dreg:$0x4] =	wrdreg $0xC0  }
0xba: {  	_ =	task [dreg:s22], $0x5FFFF  }
0xbb: {  	[dreg:$0x1] =	wrdreg $0xFFFFFFFF  }
0xbc: {  	[dreg:$0x0] =	wrdreg $0x60  }
0xbd: {  	[dreg:$0x2] =	wrdreg s18  }
0xbe: {  	[dreg:$0x3] =	wrdreg s24  }
0xbf: {  	[dreg:$0x4] =	wrdreg $0x0  }
0xc0: {  	[dreg:$0x5] =	wrdreg $0xB  }
0xc1: {  	_ =	task.clear_ibuf [dreg:s22], $0x6FFFF;
	_ =	strace $0x9000004C  }
0xc2: {  	s29 =	simm.s32 $0xB;
	_ =	strace $0x8000004E  }
0xc3: {  	_ =	swait.ge [sflag:s29], $0x1  }
0xc4: {  	[sflag:s29] =	ssyncadd.s32 $0xFFFFFFFF  }
0xc5: {  	_ =	strace $0x9000004E  }
0xc6: {  	_ =	sfence  }
0xc7: {  	s30 =	sld [smem:$0x0];
	_ =	sdelay $0x2  }
0xc8: {  	s31 =	sshll.u32 s1, $0xD;
	s1 =	sshrl.u32 s1, $0x2  }
0xc9: {  	s4 =	sand.u32 $0x4000, s31;
	s1 =	sadd.s32 s1, s30  }
0xca: {  	s0 =	sor.u32 s4, s0;
	s1 =	sshll.u32 s1, $0x11  }
0xcb: {  	s0 =	sor.u32 s1, s0  }
0xcc: {  	s0 =	sadd.s32 $0x8F2B, s0  }
0xcd: {  	[sflag:s0] =	ssyncadd.remote.s32 $0x1  }
0xce: {  	_ =	sfence.sel $0xFFFF  }
0xcf: {  	[dreg:$0x0] =	wrdreg $0xFFFFFFFF;
	(pc) =	sbr.abs _section_cstart, $3  }
0xd0: {  	[dreg:$0x1] =	wrdreg $0xFFFFFFFF  }
0xd1: {  	_ =	task.clear_ibuf [dreg:s22], $0x2FFFF;
	_ =	strace $0x9FFFFFFF  }
0xd2: {  	(tm) =	ssettm $0x7FFFFFFF  }
0xd3: {  	_ =	shalt  }
tec
execute0_lowered:
.L_overlay_start_1:
0x0: {  	(tag) =	ssettag $0x1  }
0x1: {  	s0 =	rddreg [dreg:$0x0]  }
0x2: {  	s1 =	rddreg [dreg:$0x1]  }
0x3: {  	s2 =	rddreg [dreg:$0x2];
	s18 =	stileid.u32  }
0x4: {  	s3 =	simm.s32 $0x0;
	s21 =	srdreg.scid;
	s10 =	simm.s32 $0x1  }
0x5: {  	s28 =	simm.s32 $0x3;
	s29 =	simm.s32 $0x0;
	s11 =	smul.u32 $0x7D000, s18  }
0x6: {  	s4 =	sshrl.u32 s18, $0x1;
	[smem:$0x7FF] =	sst s3;
	s12 =	smul.u32 $0x3E80, s18  }
0x7: {  	s16 =	sand.u32 $0x1, s18;
	s5 =	sshll.u32 s4, $0xB;
	s4 =	smul.u32 $0x27100, s4  }
0x8: {  	s8 =	sand.u32 $0x1, s21;
	s22 =	sshll.u32 s18, $0x1;
	s14 =	smul.u32 $0x3E, s16  }
0x9: {  	_ =	strace $0x8000004D;
	s17 =	smul.u32 $0x1F, s8;
	s6 =	sadd.s32 s5, s1  }
0xa: {  	s5 =	ssub.s32 $0x2, s8;
	s11 =	sshrl.u32 s11, $0x2;
	s0 =	sadd.s32 s0, s12  }
0xb: {  	s7 =	sadd.s32 s4, s1;
	s1 =	sadd.s32 $0x63B400, s1;
	s4 =	sand.u32 $0x2, s22  }
0xc: {  	s23 =	sshrl.u32 s5, $0x1;
	s11 =	sadd.s32 s11, s2;
	[dreg:$0x6] =	wrdreg s0  }
0xd: {  	s26 =	sadd.s32 $0x10C00, s6;
	s6 =	sadd.s32 $0xCC00, s6;
	s22 =	smul.u32 $0x3E0, s16  }
0xe: {  	[dreg:$0x5] =	wrdreg s1;
	s1 =	ssub.s32 s5, s23;
	s23 =	smul.u32 $0x1F0, s8  }
0xf: {  	s4 =	sor.u32 s8, s4;
	[dreg:$0x8] =	wrdreg s26;
	s8 =	smul.u32 $0xF80, s8  }
0x10: {  	s30 =	sadd.s32 s17, s14;
	[dreg:$0xb] =	wrdreg s6;
	s9 =	smul.u32 $0x1F, s4  }
0x11: {  	p0 =	sne.s32 s4, $0x0;
	s4 =	simm.s32 $0x1;
	s1 =	smax.u32 s1, $0x1  }
0x12: {  	s10 =	simm.s32 @!p0 $0x0;
	[dreg:$0xe] =	wrdreg s1;
	p0 =	sgt.u32 s18, $0x9  }
0x13: {  	s13 =	sadd.s32 s10, s9;
	s5 =	sadd.s32 $0x20, s9;
	s17 =	sand.u32 $0x1, s9  }
0x14: {  	s15 =	sshll.u32 s13, $0x7;
	s31 =	sshll.u32 s13, $0x4;
	s20 =	sor.u32 $0x4, s17  }
0x15: {  	s21 =	sor.u32 $0x6, s17;
	s6 =	sxor.u32 $0x1, s17;
	[dreg:$0x9] =	wrdreg s31  }
0x16: {  	s24 =	sand.u32 $0x180, s15;
	s15 =	sadd.s32 $0x2, s13;
	[dreg:$0xc] =	wrdreg s20  }
0x17: {  	[dreg:$0xd] =	wrdreg s21;
	s25 =	sadd.s32 $0x13880, s24;
	s0 =	sadd.s32 $0x13A80, s24  }
0x18: {  	s24 =	smul.u32 $0x1F00, s16;
	[dreg:$0xa] =	wrdreg s0;
	s0 =	sadd.s32 s10, s30  }
0x19: {  	s14 =	sor.u32 $0x4, s6;
	s21 =	sshll.u32 s10, $0x7;
	s12 =	smul.u32 $0xA000, s0  }
0x1a: {  	[dreg:$0x4] =	wrdreg s15;
	s15 =	sor.u32 $0x6, s6;
	s19 =	smul.u32 $0x500, s0  }
0x1b: {  	[dreg:$0x7] =	wrdreg s25;
	s30 =	sadd.s32 s23, s22;
	s25 =	sshrl.u32 s12, $0x2  }
0x1c: {  	s31 =	sadd.s32 s8, s24;
	s7 =	sadd.s32 s19, s7;
	s1 =	sadd.s32 s25, s2  }
0x1d: {  	s19 =	sshll.u32 s10, $0x4;
	s26 =	sadd.s32 $0x502C00, s7;
	[dreg:$0xf] =	wrdreg s1  }
0x1e: {  	s7 =	sadd.s32 $0x80, s31;
	[dreg:$0x10] =	wrdreg s26;
	s1 =	sadd.s32 $0x10, s30  }
0x1f: {  	[dreg:$0x11] =	wrdreg s1;
	s1 =	sadd.s32 $0x1, s0;
	s0 =	sshrl.u32 @!p0 s11, $0x3  }
0x20: {  	s25 =	simm.s32 $0x50;
	s26 =	simm.s32 $0x2;
	[dreg:$0x12] =	wrdreg s0  }
.LBB2_1:
0x21: {  	s0 =	stileid.u32  }
0x22: {  	s6 =	rddreg [dreg:$0x6];
	s0 =	sshll.u32 @!p0 s0, $0x6  }
0x23: {  	s8 =	rddreg [dreg:$0x12];
	s0 =	sor.u32 @!p0 $0x1C08, s0  }
0x24: {  	[spmem:s8], [sflag:s0] =	dma.local @!p0 [hbm:s6], $0x3E80  }
0x25: {  	s0 =	simm.s32 @!p0 $0x8  }
0x26: {  	_ =	swait.ge @!p0 [sflag:s0], $0x3E80  }
0x27: {  	s17 =	rddreg [dreg:$0x8]  }
0x28: {  	s9 =	rddreg [dreg:$0x9]  }
0x29: {  	p2 =	slt.u32 s1, s5;
	[sflag:s0] =	ssyncset.done @!p0 $0x0;
	s20 =	rddreg [dreg:$0x7]  }
0x2a: {  	s10 =	rddreg [dreg:$0xb];
	[sflag:s0] =	ssyncadd.s32 @!p0 $0xFFFFC180;
	s18 =	sadd.s32 s9, s17  }
0x2b: {  	[tilespmem:s20], [sflag:$0x1] =	stream.linear.gather [hbm4b:s18+s3], $0x80, $0x38;
	[tilespmem:$0x1DC80] =	vst v63  }
.Ltmp0:
0x2c: {  	s23 =	rddreg [dreg:$0xa];
	s22 =	sadd.s32 s9, s10;
	(pc) =	sbr.rel @!p2 .LBB2_2-.Ltmp0, $4  }
0x2d: {  	[tilespmem:s23], [sflag:$0x1] =	stream.linear.gather [hbm4b:s22+s3], $0x80, $0x38;
	[tilespmem:$0x1DC80] =	vst v63  }
0x2e: {  	p1 =	por $0x0, $0x0;
	[bflag:$0x0] =	sbarrier.arrive $0xFFFF  }
0x2f: {  	s0 =	sadd.s32 $0xFFFFFFFF, s1;
	s23 =	sadd.s32 $0x1, s1;
	s24 =	rddreg [dreg:$0x11]  }
0x30: {  	s6 =	rddreg [dreg:$0x4];
	s31 =	sadd.s32 s17, s24;
	s30 =	sadd.s32 s10, s24  }
0x31: {  	s8 =	sand.u32 $0x1, s0;
	p1 =	slt.u32 s0, s6  }
0x32: {  	s0 =	sor.u32 @!p1 $0x4, s8  }
0x33: {  	_ =	swait.ge @!p1 [sflag:s0], $0x2800  }
0x34: {  	[sflag:s0] =	ssyncset.done @!p1 $0x0  }
0x35: {  	[sflag:s0] =	ssyncadd.s32 @!p1 $0xFFFFD800;
	s0 =	sor.u32 @!p1 $0x6, s8  }
0x36: {  	_ =	swait.ge @!p1 [sflag:s0], $0x2800  }
0x37: {  	[sflag:s0] =	ssyncset.done @!p1 $0x0  }
0x38: {  	[sflag:s0] =	ssyncadd.s32 @!p1 $0xFFFFD800  }
0x39: {  	_ =	swait.ge [sflag:s4], $0x80  }
0x3a: {  	s12 =	sadd.s32 s7, s21;
	[sflag:s4] =	ssyncset.done $0x0  }
0x3b: {  	s13 =	smul.u32 $0x2800, s8;
	p1 =	sge.u32 s1, s5;
	[sflag:s4] =	ssyncadd.s32 $0xFFFFFF80  }
0x3c: {  	s0 =	sadd.s32 $0xFFFFFF80, s12;
	s9 =	sadd.s32 @!p1 s7, s21;
	_ =	swait.ge [sflag:s4], $0x80  }
0x3d: {  	s10 =	sadd.s32 @!p1 s31, s19;
	s9 =	sand.u32 @!p1 $0x180, s9;
	[sflag:s4] =	ssyncset.done $0x0  }
0x3e: {  	s11 =	simm.s32 @!p1 $0x0;
	s12 =	sadd.s32 @!p1 $0x13880, s9;
	[sflag:s4] =	ssyncadd.s32 $0xFFFFFF80  }
0x3f: {  	[tilespmem:s12], [sflag:$0x1] =	stream.linear.gather @!p1 [hbm4b:s10+s11], $0x80, $0x38;
	[tilespmem:$0x1DC80] =	vst v63  }
0x40: {  	s0 =	sand.u32 $0x180, s0;
	s9 =	sadd.s32 @!p1 $0x13A80, s9;
	s10 =	sadd.s32 @!p1 s30, s19  }
0x41: {  	[tilespmem:s9], [sflag:$0x1] =	stream.linear.gather @!p1 [hbm4b:s10+s11], $0x80, $0x38;
	[tilespmem:$0x1DC80] =	vst v63  }
0x42: {  	s17 =	sadd.s32 $0x13C80, s13;
	s16 =	sadd.s32 $0x13880, s0  }
0x43: {  	[tilespmem:s17], [sflag:$0x2] =	stream.indirect.gather [spmem:s2], $0x80, s16, s25, $0xb8;
	[tilespmem:$0x1DC80] =	vst v63  }
0x44: {  	p2 =	slt.u32 s23, s5;
	s18 =	rddreg [dreg:$0xf];
	s9 =	sadd.s32 $0x18C80, s13  }
0x45: {  	[tilespmem:s9], [sflag:$0x3] =	stream.linear.gather [spmem:s18], $0x2800, $0x38;
	[tilespmem:$0x1DC80] =	vst v63  }
0x46: {  	s22 =	sadd.s32 $0x80, s7;
	s20 =	sor.u32 $0x4, s8;
	_ =	swait.ge [sflag:s26], $0x2800  }
0x47: {  	s31 =	sadd.s32 $0x10, s31;
	s30 =	sadd.s32 $0x10, s30;
	[sflag:s26] =	ssyncset.done $0x0  }
0x48: {  	s10 =	sor.u32 $0x6, s8;
	s11 =	sadd.s32 $0x13A80, s0;
	[sflag:s26] =	ssyncadd.s32 $0xFFFFD800  }
.Ltmp1:
0x49: {  	s0 =	sadd.s32 $0xFFFFFFFF, s23;
	_ =	swait.ge [sflag:s28], $0x2800;
	(pc) =	sbr.rel @!p2 .LBB2_5-.Ltmp1, $4  }
0x4a: {  	p1 =	por $0x1, $0x1;
	[sflag:s28] =	ssyncset.done $0x0;
	s24 =	rddreg [dreg:$0x10]  }
0x4b: {  	s16 =	sadd.s32 $0x1, s23;
	s6 =	rddreg [dreg:$0x4];
	[sflag:s28] =	ssyncadd.s32 $0xFFFFD800  }
0x4c: {  	[hbm4b:s24+s3] =	stream.linear.scatter [tilespmem:s17], [sflag:s20], $0x2800, $0x38;
	[tilespmem:$0x1DC80] =	vst v63  }
0x4d: {  	s17 =	sadd.s32 $0x2800, s18;
	s18 =	sadd.s32 $0x500, s24;
	s20 =	rddreg [dreg:$0x5]  }
.LBB2_4:
0x4e: {  	s8 =	sand.u32 $0x1, s0;
	p3 =	slt.u32 s0, s6  }
0x4f: {  	[hbm4b:s20+s25] =	stream.indirect.scatter [tilespmem:s9], [sflag:s10], $0x80, s11, s25, $0xb8;
	[tilespmem:$0x1DC80] =	vst v63  }
0x50: {  	s6 =	sor.u32 @!p3 $0x4, s8  }
0x51: {  	_ =	swait.ge @!p3 [sflag:s6], $0x2800  }
0x52: {  	[sflag:s6] =	ssyncset.done @!p3 $0x0  }
0x53: {  	[sflag:s6] =	ssyncadd.s32 @!p3 $0xFFFFD800;
	s6 =	sor.u32 @!p3 $0x6, s8  }
0x54: {  	_ =	swait.ge @!p3 [sflag:s6], $0x2800  }
0x55: {  	[sflag:s6] =	ssyncset.done @!p3 $0x0  }
0x56: {  	s0 =	smov.u32 s16;
	s12 =	sadd.s32 $0x1, s16;
	[sflag:s6] =	ssyncadd.s32 @!p3 $0xFFFFD800  }
0x57: {  	p2 =	slt.u32 s16, s5;
	s13 =	sor.u32 $0x6, s8;
	_ =	swait.ge [sflag:s4], $0x80  }
0x58: {  	s9 =	smul.u32 $0x2800, s8;
	s10 =	smov.u32 s13;
	[sflag:s4] =	ssyncset.done $0x0  }
0x59: {  	s13 =	sadd.s32 s22, s21;
	p3 =	sge.u32 s23, s5;
	[sflag:s4] =	ssyncadd.s32 $0xFFFFFF80  }
0x5a: {  	s6 =	sadd.s32 $0xFFFFFF80, s13;
	s11 =	sadd.s32 @!p3 s22, s21;
	_ =	swait.ge [sflag:s4], $0x80  }
0x5b: {  	s16 =	sadd.s32 @!p3 s31, s19;
	s11 =	sand.u32 @!p3 $0x180, s11;
	[sflag:s4] =	ssyncset.done $0x0  }
0x5c: {  	s20 =	simm.s32 @!p3 $0x0;
	s23 =	sadd.s32 @!p3 $0x13880, s11;
	[sflag:s4] =	ssyncadd.s32 $0xFFFFFF80  }
0x5d: {  	[tilespmem:s23], [sflag:$0x1] =	stream.linear.gather @!p3 [hbm4b:s16+s20], $0x80, $0x38;
	[tilespmem:$0x1DC80] =	vst v63  }
0x5e: {  	s6 =	sand.u32 $0x180, s6;
	s11 =	sadd.s32 @!p3 $0x13A80, s11;
	s16 =	sadd.s32 @!p3 s30, s19  }
0x5f: {  	[tilespmem:s11], [sflag:$0x1] =	stream.linear.gather @!p3 [hbm4b:s16+s20], $0x80, $0x38;
	[tilespmem:$0x1DC80] =	vst v63  }
0x60: {  	s13 =	sadd.s32 $0x13C80, s9;
	s23 =	sadd.s32 $0x13880, s6  }
0x61: {  	[tilespmem:s13], [sflag:$0x2] =	stream.indirect.gather [spmem:s2], $0x80, s23, s25, $0xb8;
	[tilespmem:$0x1DC80] =	vst v63  }
0x62: {  	s24 =	smov.u32 s18;
	s18 =	sadd.s32 $0x500, s18;
	s9 =	sadd.s32 $0x18C80, s9  }
0x63: {  	[tilespmem:s9], [sflag:$0x3] =	stream.linear.gather [spmem:s17], $0x2800, $0x38;
	[tilespmem:$0x1DC80] =	vst v63  }
0x64: {  	s8 =	sor.u32 $0x4, s8;
	s22 =	sadd.s32 $0x80, s22;
	_ =	swait.ge [sflag:s26], $0x2800  }
0x65: {  	s31 =	sadd.s32 $0x10, s31;
	s30 =	sadd.s32 $0x10, s30;
	[sflag:s26] =	ssyncset.done $0x0  }
.Ltmp2:
0x66: {  	s11 =	sadd.s32 $0x13A80, s6;
	[sflag:s26] =	ssyncadd.s32 $0xFFFFD800;
	(pc) =	sbr.rel @p2 .LBB2_4-.Ltmp2, $4  }
0x67: {  	s16 =	smov.u32 s12;
	s23 =	smov.u32 s0;
	_ =	swait.ge [sflag:s28], $0x2800  }
0x68: {  	s0 =	sadd.s32 $0xFFFFFFFF, s23;
	s6 =	rddreg [dreg:$0x4];
	[sflag:s28] =	ssyncset.done $0x0  }
0x69: {  	s17 =	sadd.s32 $0x2800, s17;
	s20 =	rddreg [dreg:$0x5];
	[sflag:s28] =	ssyncadd.s32 $0xFFFFD800  }
0x6a: {  	[hbm4b:s24+s3] =	stream.linear.scatter [tilespmem:s13], [sflag:s8], $0x2800, $0x38;
	[tilespmem:$0x1DC80] =	vst v63  }
.LBB2_5:
0x6b: {  	[hbm4b:s20+s25] =	stream.indirect.scatter @p1 [tilespmem:s9], [sflag:s10], $0x80, s11, s25, $0xb8;
	[tilespmem:$0x1DC80] =	vst v63  }
0x6c: {  	s8 =	sand.u32 $0x1, s0;
	p1 =	slt.u32 s0, s6  }
0x6d: {  	s0 =	sor.u32 @!p1 $0x4, s8  }
0x6e: {  	_ =	swait.ge @!p1 [sflag:s0], $0x2800  }
0x6f: {  	[sflag:s0] =	ssyncset.done @!p1 $0x0  }
0x70: {  	[sflag:s0] =	ssyncadd.s32 @!p1 $0xFFFFD800;
	s0 =	sor.u32 @!p1 $0x6, s8  }
0x71: {  	_ =	swait.ge @!p1 [sflag:s0], $0x2800  }
0x72: {  	[sflag:s0] =	ssyncset.done @!p1 $0x0  }
0x73: {  	[sflag:s0] =	ssyncadd.s32 @!p1 $0xFFFFD800  }
0x74: {  	_ =	swait.ge [sflag:s4], $0x80  }
0x75: {  	[sflag:s4] =	ssyncset.done $0x0  }
0x76: {  	p1 =	sge.u32 s23, s5;
	[sflag:s4] =	ssyncadd.s32 $0xFFFFFF80  }
0x77: {  	s12 =	sadd.s32 s22, s21;
	s0 =	sadd.s32 @!p1 s22, s21;
	_ =	swait.ge [sflag:s4], $0x80  }
0x78: {  	s6 =	sadd.s32 @!p1 s31, s19;
	s0 =	sand.u32 @!p1 $0x180, s0;
	[sflag:s4] =	ssyncset.done $0x0  }
0x79: {  	s9 =	simm.s32 @!p1 $0x0;
	s10 =	sadd.s32 @!p1 $0x13880, s0;
	[sflag:s4] =	ssyncadd.s32 $0xFFFFFF80  }
0x7a: {  	[tilespmem:s10], [sflag:$0x1] =	stream.linear.gather @!p1 [hbm4b:s6+s9], $0x80, $0x38;
	[tilespmem:$0x1DC80] =	vst v63  }
0x7b: {  	s13 =	smul.u32 $0x2800, s8;
	s6 =	sadd.s32 $0xFFFFFF80, s12  }
0x7c: {  	s0 =	sadd.s32 @!p1 $0x13A80, s0;
	s10 =	sadd.s32 @!p1 s30, s19;
	s6 =	sand.u32 $0x180, s6  }
0x7d: {  	[tilespmem:s0], [sflag:$0x1] =	stream.linear.gather @!p1 [hbm4b:s10+s9], $0x80, $0x38;
	[tilespmem:$0x1DC80] =	vst v63  }
0x7e: {  	s20 =	sadd.s32 $0x13C80, s13;
	s16 =	sadd.s32 $0x13880, s6  }
0x7f: {  	[tilespmem:s20], [sflag:$0x2] =	stream.indirect.gather [spmem:s2], $0x80, s16, s25, $0xb8;
	[tilespmem:$0x1DC80] =	vst v63  }
0x80: {  	s0 =	sadd.s32 $0x18C80, s13  }
0x81: {  	[tilespmem:s0], [sflag:$0x3] =	stream.linear.gather [spmem:s17], $0x2800, $0x38;
	[tilespmem:$0x1DC80] =	vst v63  }
0x82: {  	_ =	swait.ge [sflag:s26], $0x2800  }
0x83: {  	[sflag:s26] =	ssyncset.done $0x0  }
0x84: {  	[sflag:s26] =	ssyncadd.s32 $0xFFFFD800  }
0x85: {  	_ =	swait.ge [sflag:s28], $0x2800  }
0x86: {  	[sflag:s28] =	ssyncset.done $0x0  }
0x87: {  	s22 =	sor.u32 $0x4, s8;
	s23 =	rddreg [dreg:$0x5];
	[sflag:s28] =	ssyncadd.s32 $0xFFFFD800  }
0x88: {  	[hbm4b:s18+s3] =	stream.linear.scatter [tilespmem:s20], [sflag:s22], $0x2800, $0x38;
	[tilespmem:$0x1DC80] =	vst v63  }
0x89: {  	s8 =	sor.u32 $0x6, s8;
	s6 =	sadd.s32 $0x13A80, s6;
	s24 =	rddreg [dreg:$0xc]  }
0x8a: {  	[hbm4b:s23+s25] =	stream.indirect.scatter [tilespmem:s0], [sflag:s8], $0x80, s6, s25, $0xb8;
	[tilespmem:$0x1DC80] =	vst v63  }
0x8b: {  	_ =	swait.ge [sflag:s24], $0x2800  }
0x8c: {  	[sflag:s24] =	ssyncset.done $0x0  }
0x8d: {  	s30 =	rddreg [dreg:$0xd];
	[sflag:s24] =	ssyncadd.s32 $0xFFFFD800  }
0x8e: {  	_ =	swait.ge [sflag:s30], $0x2800  }
0x8f: {  	[sflag:s30] =	ssyncset.done $0x0  }
0x90: {  	[sflag:s30] =	ssyncadd.s32 $0xFFFFD800  }
0x91: {  	_ =	swait.ge [sflag:s14], $0x2800  }
0x92: {  	[sflag:s14] =	ssyncset.done $0x0  }
0x93: {  	[sflag:s14] =	ssyncadd.s32 $0xFFFFD800  }
0x94: {  	_ =	swait.ge [sflag:s15], $0x2800  }
0x95: {  	s29 =	sadd.s32 $0x1, s29;
	s31 =	rddreg [dreg:$0xe]  }
0x96: {  	p1 =	sne.s32 s29, s31  }
.Ltmp3:
0x97: {  	_ = 	snop;
	(pc) =	sbr.rel @p1 .LBB2_1-.Ltmp3, $4  }
.Ltmp4:
0x98: {  	_ = 	snop;
	(pc) =	sbr.rel @!p1 .LBB2_6-.Ltmp4, $4  }
0x99: {  	_ = 	snop  }
0x9a: {  	[sflag:s15] =	ssyncset.done $0x0  }
0x9b: {  	[sflag:s15] =	ssyncadd.s32 $0xFFFFD800  }
0x9c: {  	_ = 	snop  }
.LBB2_2:
.Ltmp5:
0x9d: {  	(pc) =	sbr.rel .LBB2_5-.Ltmp5, $3  }
0x9e: {  	_ =	sdelay $0x1  }
0x9f: {  	s18 =	rddreg [dreg:$0x10]  }
0xa0: {  	s22 =	smov.u32 s7;
	s23 =	smov.u32 s1;
	s17 =	rddreg [dreg:$0xf]  }
.LBB2_6:
0xa1: {  	_ =	sfence.sel $0x180000  }
0xa2: {  	[bflag:$0x0] =	sbarrier.arrive $0xFFFF  }
0xa3: {  	_ =	strace $0x9000004D  }
0xa4: {  	s0 =	stileid.u32;
	[bflag:$0x2] =	sbarrier.arrive $0xFFFF  }
0xa5: {  	p0 =	sne.s32 s0, $0x0;
	s0 =	rddreg [dreg:$0x3]  }
0xa6: {  	s0 =	sadd.s32 @!p0 $0x100000, s0  }
0xa7: {  	[sflag:s0] =	ssyncadd.tile.s32 @!p0 $0x1;
	_ =	shalt  }
.Lfunc_end2:
_tile_overlayer_lowered:
.L_overlay_start_2:
0xa8: {  	(tag) =	ssettag $0x2  }
0xa9: {  	s0 =	rddreg [dreg:$0x0];
	s2 =	stileid.u32  }
0xaa: {  	s1 =	rddreg [dreg:$0x1];
	p0 =	sne.s32 s2, $0x0  }
0xab: {  	s3 =	rddreg [dreg:$0x2];
	[bflag:$0x3] =	sbarrier.arrive $0xFFFF;
	s2 =	simm.s32 @!p0 $0x1C08  }
0xac: {  	[timem:s3], [sflag:s2] =	dma.local @!p0 [hbm:s0], s1  }
0xad: {  	s0 =	simm.s32 @!p0 $0x8  }
0xae: {  	_ =	swait.ge @!p0 [sflag:s0], s1  }
0xaf: {  	s1 =	ssub.s32 @!p0 $0x0, s1;
	[sflag:s0] =	ssyncset.done @!p0 $0x0  }
0xb0: {  	[sflag:s0] =	ssyncadd.s32 @!p0 s1  }
0xb1: {  	[bflag:$0x3] =	sbarrier.arrive $0xFFFF  }
0xb2: {  	_ =	shalt  }

// kernel: kernel.20.cloned.1.call-start
scs
__scs_entry_jumppad:
0x0: {  	(pc) =	sbr.rel $0x88, $3  }
0x1: {  	(tag) =	ssettag $0x0;
	lr =	simm.s32 $0x1  }
0x2: {  	[smem:$0x3F91] =	sst lr;
	_ =	strace $0xD0000000  }
0x3: {  	_ = 	snop  }
0x4: {  	_ = 	snop  }
0x5: {  	_ = 	snop  }
0x6: {  	_ = 	snop  }
0x7: {  	_ = 	snop  }
__scs_overlays_trampoline_lowered:
0x8: {  	[smem:$0x3FA0] =	sst s0  }
0x9: {  	[smem:$0x3FA1] =	sst s1  }
0xa: {  	[smem:$0x3FA2] =	sst s2  }
0xb: {  	[smem:$0x3FA3] =	sst s3  }
0xc: {  	[smem:$0x3FA4] =	sst s4  }
0xd: {  	[smem:$0x3FA5] =	sst s5  }
0xe: {  	[smem:$0x3FA6] =	sst s6  }
0xf: {  	[smem:$0x3FA7] =	sst s7  }
0x10: {  	[smem:$0x3FA8] =	sst s8  }
0x11: {  	[smem:$0x3FA9] =	sst s9;
	s0 =	simm.s32 @!p0 $0x0  }
0x12: {  	s1 =	sld [smem:$0x3F8F];
	s0 =	simm.s32 @p0 $0x1  }
0x13: {  	[smem:$0x3FAA] =	sst s0;
	s0 =	simm.s32 @!p1 $0x0  }
0x14: {  	s2 =	sld [smem:$0x3F8E];
	s0 =	simm.s32 @p1 $0x1  }
0x15: {  	[smem:$0x3FAB] =	sst s0;
	s0 =	simm.s32 @!p2 $0x0  }
0x16: {  	s3 =	sld [smem:$0x3FDB];
	s0 =	simm.s32 @p2 $0x1  }
0x17: {  	s4 =	simm.s32 $0x1BF5;
	[smem:$0x3FAD] =	sst s0  }
0x18: {  	s0 =	sld [smem:$0x3F90];
	_ =	swait.ge [sflag:s4], $0x0  }
0x19: {  	s7 =	sld [smem:$0x3F91]  }
0x1a: {  	s8 =	sadd.s32 $0xFFFFE003, lr  }
0x1b: {  	s9 =	sadd.s32 $0xFFFFFEF7, lr;
	s5 =	simm.s32 $0xFFFFFFFF;
	p2 =	slt.u32 s8, $0xFFFFF086  }
0x1c: {  	p1 =	slt.u32 s9, $0xF7A;
	s5 =	simm.s32 @!p2 $0x0  }
0x1d: {  	s5 =	simm.s32 @p1 $0x1;
	p0 =	seq.s32 s7, s2  }
0x1e: {  	s7 =	smul.u32 @!p0 $0xF7A, s2;
	p2 =	seq.s32 @!p0 s5, $0x0  }
0x1f: {  	s9 =	smul.u32 $0xF7A, s1;
	s8 =	simm.s32 @!p0 $0x1BF5;
	p2 =	por !p2, p0  }
0x20: {  	[sflag:s8] =	ssyncset.s32 @!p0 $0xFFFFF086;
	s6 =	sadd.s32 @!p0 s3, s7;
	s7 =	simm.s32 @!p0 $0x108  }
0x21: {  	s3 =	sadd.s32 s3, s9;
	s6 =	sadd.s32 @!p0 $0x88, s6;
	s7 =	simm.s32 @p2 $0x1082  }
0x22: {  	[simem:s7], [sflag:s8] =	dma.local @!p0 [hbm:s6], $0xF7A  }
0x23: {  	s9 =	sor.u32 $0xD0000000, s2;
	s6 =	simm.s32 $0x108;
	_ =	swait.ge @!p0 [sflag:s8], $0x0  }
0x24: {  	s3 =	sadd.s32 $0x88, s3;
	s6 =	simm.s32 @!p1 $0x1082;
	[sflag:s4] =	ssyncset.s32 $0xFFFFF086  }
0x25: {  	[simem:s6], [sflag:s4] =	dma.local [hbm:s3], $0xF7A  }
0x26: {  	[smem:$0x3F91] =	sst s1;
	(tag) =	ssettag s2;
	_ =	strace s9  }
0x27: {  	s1 =	sld [smem:$0x3FA1]  }
0x28: {  	s2 =	sld [smem:$0x3FA2]  }
0x29: {  	s4 =	sld [smem:$0x3FA4]  }
0x2a: {  	p0 =	seq.s32 s5, $0x0;
	s5 =	sld [smem:$0x3FA5]  }
0x2b: {  	s6 =	sld [smem:$0x3FA6]  }
0x2c: {  	s7 =	sld [smem:$0x3FA7]  }
0x2d: {  	s3 =	simm.s32 $0x108;
	s8 =	sld [smem:$0x3FA8]  }
0x2e: {  	s3 =	simm.s32 @!p0 $0x1082;
	s9 =	sld [smem:$0x3FA9]  }
0x2f: {  	lr =	sadd.s32 s0, s3;
	s0 =	sld [smem:$0x3FA0]  }
0x30: {  	s3 =	sld [smem:$0x3FA3]  }
0x31: {  	[smem:$0x3FAC] =	sst s10  }
0x32: {  	s10 =	sld [smem:$0x3FAA];
	_ =	sdelay $0x3  }
0x33: {  	p0 =	seq.s32 s10, $0x1;
	s10 =	sld [smem:$0x3FAC];
	_ =	sdelay $0x3  }
0x34: {  	[smem:$0x3FAC] =	sst s10  }
0x35: {  	s10 =	sld [smem:$0x3FAB];
	_ =	sdelay $0x3  }
0x36: {  	p1 =	seq.s32 s10, $0x1;
	s10 =	sld [smem:$0x3FAC];
	_ =	sdelay $0x3  }
0x37: {  	[smem:$0x3FAC] =	sst s10  }
0x38: {  	s10 =	sld [smem:$0x3FAD]  }
0x39: {  	_ = 	snop;
	(pc) =	sbr.ind lr, $3  }
0x3a: {  	_ = 	snop  }
0x3b: {  	_ = 	snop  }
0x3c: {  	p2 =	seq.s32 s10, $0x1;
	s10 =	sld [smem:$0x3FAC]  }
0x3d: {  	_ =	shalt  }
0x3e: {  	_ =	shalt  }
0x3f: {  	_ =	shalt  }
0x40: {  	_ =	shalt  }
0x41: {  	_ =	shalt  }
0x42: {  	_ =	shalt  }
0x43: {  	_ =	shalt  }
0x44: {  	_ =	shalt  }
0x45: {  	_ =	shalt  }
0x46: {  	_ =	shalt  }
0x47: {  	_ =	shalt  }
0x48: {  	_ =	shalt  }
0x49: {  	_ =	shalt  }
0x4a: {  	_ =	shalt  }
0x4b: {  	_ =	shalt  }
0x4c: {  	_ =	shalt  }
0x4d: {  	_ =	shalt  }
0x4e: {  	_ =	shalt  }
0x4f: {  	_ =	shalt  }
0x50: {  	_ =	shalt  }
0x51: {  	_ =	shalt  }
0x52: {  	_ =	shalt  }
0x53: {  	_ =	shalt  }
0x54: {  	_ =	shalt  }
0x55: {  	_ =	shalt  }
0x56: {  	_ =	shalt  }
0x57: {  	_ =	shalt  }
0x58: {  	_ =	shalt  }
0x59: {  	_ =	shalt  }
0x5a: {  	_ =	shalt  }
0x5b: {  	_ =	shalt  }
0x5c: {  	_ =	shalt  }
0x5d: {  	_ =	shalt  }
0x5e: {  	_ =	shalt  }
0x5f: {  	_ =	shalt  }
0x60: {  	_ =	shalt  }
0x61: {  	_ =	shalt  }
0x62: {  	_ =	shalt  }
0x63: {  	_ =	shalt  }
0x64: {  	_ =	shalt  }
0x65: {  	_ =	shalt  }
0x66: {  	_ =	shalt  }
0x67: {  	_ =	shalt  }
0x68: {  	_ =	shalt  }
0x69: {  	_ =	shalt  }
0x6a: {  	_ =	shalt  }
0x6b: {  	_ =	shalt  }
0x6c: {  	_ =	shalt  }
0x6d: {  	_ =	shalt  }
0x6e: {  	_ =	shalt  }
0x6f: {  	_ =	shalt  }
0x70: {  	_ =	shalt  }
0x71: {  	_ =	shalt  }
0x72: {  	_ =	shalt  }
0x73: {  	_ =	shalt  }
0x74: {  	_ =	shalt  }
0x75: {  	_ =	shalt  }
0x76: {  	_ =	shalt  }
0x77: {  	_ =	shalt  }
0x78: {  	_ =	shalt  }
0x79: {  	_ =	shalt  }
0x7a: {  	_ =	shalt  }
0x7b: {  	_ =	shalt  }
0x7c: {  	_ =	shalt  }
0x7d: {  	_ =	shalt  }
0x7e: {  	_ =	shalt  }
0x7f: {  	_ =	shalt  }
0x80: {  	_ =	shalt  }
0x81: {  	_ =	shalt  }
0x82: {  	_ =	shalt  }
0x83: {  	_ =	shalt  }
0x84: {  	_ =	shalt  }
0x85: {  	_ =	shalt  }
0x86: {  	_ =	shalt  }
0x87: {  	_ =	shalt  }
.Lfunc_end0:
.L_simem_size_0:
called_computation.3_lowered:
.L_overlay_start_0:
0x88: {  	s2 =	sld [smem:$0x3FD9]  }
0x89: {  	s3 =	sld [smem:$0x3FFE];
	_ =	sdelay $0x1  }
0x8a: {  	s1 =	srdreg.scid  }
0x8b: {  	s0 =	sand.u32 $0x1, s1  }
0x8c: {  	s17 =	sshll.u32 s0, $0xA;
	s2 =	sadd.s32 s3, s2  }
0x8d: {  	s2 =	sadd.s32 s2, s17  }
0x8e: {  	[smem:$0x3FB8] =	sst s2  }
0x8f: {  	_ = 	snop  }
0x90: {  	s18 =	sld [smem:$0x3FC9];
	(tm) =	ssettm $0x1  }
0x91: {  	s19 =	sld [smem:$0x3FFB];
	_ =	sdelay $0x3  }
0x92: {  	_ =	strace s19  }
0x93: {  	s2 =	sld [smem:$0x3FFC];
	_ =	sdelay $0x3  }
0x94: {  	_ =	strace s2  }
0x95: {  	s2 =	sld [smem:$0x3FFD];
	_ =	sdelay $0x3  }
0x96: {  	_ =	strace s2  }
0x97: {  	_ =	strace $0x8FFFFFFF  }
0x98: {  	s20 =	sld [smem:$0x3FDB];
	_ =	sdelay $0x1  }
0x99: {  	s4 =	simm.s32 $_scs_section_size  }
0x9a: {  	s5 =	simm.s32 $_size__tile_overlayer_lowered;
	s6 =	simm.s32 $_tile_overlayer_lowered  }
0x9b: {  	s7 =	simm.s32 $0x1BFF;
	s21 =	sshll.u32 s6, $0x1;
	s4 =	sadd.s32 s4, s20  }
0x9c: {  	s22 =	simm.s32 $0x0;
	s5 =	sshll.u32 s5, $0x1;
	s6 =	sadd.s32 s21, s4  }
0x9d: {  	[timem:s22], [sflag:s7] =	dma.local [hbm:s6], s5  }
0x9e: {  	_ =	swait.ge [sflag:s7], s5  }
0x9f: {  	s5 =	ssub.s32 $0x0, s5;
	[sflag:s7] =	ssyncset.done $0x0  }
0xa0: {  	[sflag:s7] =	ssyncadd.s32 s5;
	_ =	sdelay $0x1  }
0xa1: {  	s23 =	simm.s32 $0x1B8B  }
0xa2: {  	_ =	swait.ge [sflag:s23], $0x1  }
0xa3: {  	[sflag:s23] =	ssyncset.done $0x0  }
0xa4: {  	[sflag:s23] =	ssyncadd.s32 $0xFFFFFFFF  }
0xa5: {  	s5 =	sld [smem:$0x0]  }
0xa6: {  	s6 =	sand.u32 $0xFFFFFFFE, s1  }
0xa7: {  	p0 =	sne.s32 s1, s6  }
0xa8: {  	s6 =	sshll.u32 @p0 s6, $0xE  }
0xa9: {  	s6 =	sadd.s32 @p0 $0x11B8D, s6;
	s7 =	sshll.u32 @p0 s5, $0x11  }
0xaa: {  	s6 =	sor.u32 @p0 s7, s6  }
0xab: {  	[sflag:s6] =	ssyncadd.remote.s32 @p0 $0x1;
	_ =	sdelay $0x1  }
0xac: {  	s6 =	simm.s32 @p0 $0x1B8D  }
0xad: {  	_ =	swait.eq @p0 [sflag:s6], $0x1  }
0xae: {  	[sflag:s6] =	ssyncadd.s32 @p0 $0xFFFFFFFF  }
0xaf: {  	s7 =	sshll.u32 @!p0 s1, $0xE  }
0xb0: {  	s7 =	sor.u32 @!p0 $0x4000, s7;
	s6 =	simm.s32 @!p0 $0x1B8D  }
0xb1: {  	s5 =	sshll.u32 @!p0 s5, $0x11;
	s7 =	sadd.s32 @!p0 $0x11B8D, s7;
	_ =	swait.eq @!p0 [sflag:s6], $0x1  }
0xb2: {  	s5 =	sor.u32 @!p0 s5, s7;
	[sflag:s6] =	ssyncadd.s32 @!p0 $0xFFFFFFFF  }
0xb3: {  	s25 =	simm.s32 $0x1B8E;
	s24 =	sld [smem:$0x3FFE];
	[sflag:s5] =	ssyncadd.remote.s32 @!p0 $0x1  }
0xb4: {  	s26 =	simm.s32 $execute0_lowered;
	[smem:$0x3FD2] =	sst s25  }
0xb5: {  	s6 =	sshll.u32 s26, $0x1;
	_ =	strace $0x8000004F;
	[dreg:$0x1] =	wrdreg $0xFFFFFFFF  }
0xb6: {  	s28 =	simm.s32 $_size_execute0_lowered;
	s4 =	sadd.s32 s4, s6;
	[dreg:$0x0] =	wrdreg $0x0  }
0xb7: {  	s6 =	sshll.u32 s28, $0x1;
	[dreg:$0x2] =	wrdreg s4  }
0xb8: {  	[dreg:$0x3] =	wrdreg s6  }
0xb9: {  	[dreg:$0x4] =	wrdreg $0xC0  }
0xba: {  	_ =	task [dreg:s22], $0x5FFFF  }
0xbb: {  	[dreg:$0x1] =	wrdreg $0xFFFFFFFF  }
0xbc: {  	[dreg:$0x0] =	wrdreg $0x60  }
0xbd: {  	[dreg:$0x2] =	wrdreg s18  }
0xbe: {  	[dreg:$0x3] =	wrdreg s24  }
0xbf: {  	[dreg:$0x4] =	wrdreg $0x0  }
0xc0: {  	[dreg:$0x5] =	wrdreg $0xC  }
0xc1: {  	_ =	task.clear_ibuf [dreg:s22], $0x6FFFF;
	_ =	strace $0x9000004F  }
0xc2: {  	s29 =	simm.s32 $0xC;
	_ =	strace $0x80000051  }
0xc3: {  	_ =	swait.ge [sflag:s29], $0x1  }
0xc4: {  	[sflag:s29] =	ssyncadd.s32 $0xFFFFFFFF  }
0xc5: {  	_ =	strace $0x90000051  }
0xc6: {  	_ =	sfence  }
0xc7: {  	s30 =	sld [smem:$0x0];
	_ =	sdelay $0x2  }
0xc8: {  	s31 =	sshll.u32 s1, $0xD;
	s1 =	sshrl.u32 s1, $0x2  }
0xc9: {  	s4 =	sand.u32 $0x4000, s31;
	s1 =	sadd.s32 s1, s30  }
0xca: {  	s0 =	sor.u32 s4, s0;
	s1 =	sshll.u32 s1, $0x11  }
0xcb: {  	s0 =	sor.u32 s1, s0  }
0xcc: {  	s0 =	sadd.s32 $0x8F2B, s0  }
0xcd: {  	[sflag:s0] =	ssyncadd.remote.s32 $0x1  }
0xce: {  	_ =	sfence.sel $0xFFFF  }
0xcf: {  	[dreg:$0x0] =	wrdreg $0xFFFFFFFF;
	(pc) =	sbr.abs _section_cstart, $3  }
0xd0: {  	[dreg:$0x1] =	wrdreg $0xFFFFFFFF  }
0xd1: {  	_ =	task.clear_ibuf [dreg:s22], $0x2FFFF;
	_ =	strace $0x9FFFFFFF  }
0xd2: {  	(tm) =	ssettm $0x7FFFFFFF  }
0xd3: {  	_ =	shalt  }
tec
execute0_lowered:
.L_overlay_start_1:
0x0: {  	(tag) =	ssettag $0x1  }
0x1: {  	s0 =	rddreg [dreg:$0x0]  }
0x2: {  	s1 =	rddreg [dreg:$0x1]  }
0x3: {  	s2 =	rddreg [dreg:$0x2];
	s18 =	stileid.u32  }
0x4: {  	s3 =	simm.s32 $0x0;
	s21 =	srdreg.scid;
	s10 =	simm.s32 $0x1  }
0x5: {  	s28 =	simm.s32 $0x3;
	s29 =	simm.s32 $0x0;
	s11 =	smul.u32 $0x7D000, s18  }
0x6: {  	s4 =	sshrl.u32 s18, $0x1;
	[smem:$0x7FF] =	sst s3;
	s12 =	smul.u32 $0x3E80, s18  }
0x7: {  	s16 =	sand.u32 $0x1, s18;
	s5 =	sshll.u32 s4, $0xB;
	s4 =	smul.u32 $0x27100, s4  }
0x8: {  	s8 =	sand.u32 $0x1, s21;
	s22 =	sshll.u32 s18, $0x1;
	s14 =	smul.u32 $0x3E, s16  }
0x9: {  	_ =	strace $0x80000050;
	s17 =	smul.u32 $0x1F, s8;
	s6 =	sadd.s32 s5, s1  }
0xa: {  	s5 =	ssub.s32 $0x2, s8;
	s11 =	sshrl.u32 s11, $0x2;
	s0 =	sadd.s32 s0, s12  }
0xb: {  	s7 =	sadd.s32 s4, s1;
	s1 =	sadd.s32 $0x8AC400, s1;
	s4 =	sand.u32 $0x2, s22  }
0xc: {  	s23 =	sshrl.u32 s5, $0x1;
	s11 =	sadd.s32 s11, s2;
	[dreg:$0x6] =	wrdreg s0  }
0xd: {  	s26 =	sadd.s32 $0x18C00, s6;
	s6 =	sadd.s32 $0x14C00, s6;
	s22 =	smul.u32 $0x3E0, s16  }
0xe: {  	[dreg:$0x5] =	wrdreg s1;
	s1 =	ssub.s32 s5, s23;
	s23 =	smul.u32 $0x1F0, s8  }
0xf: {  	s4 =	sor.u32 s8, s4;
	[dreg:$0x8] =	wrdreg s26;
	s8 =	smul.u32 $0xF80, s8  }
0x10: {  	s30 =	sadd.s32 s17, s14;
	[dreg:$0xb] =	wrdreg s6;
	s9 =	smul.u32 $0x1F, s4  }
0x11: {  	p0 =	sne.s32 s4, $0x0;
	s4 =	simm.s32 $0x1;
	s1 =	smax.u32 s1, $0x1  }
0x12: {  	s10 =	simm.s32 @!p0 $0x0;
	[dreg:$0xe] =	wrdreg s1;
	p0 =	sgt.u32 s18, $0x9  }
0x13: {  	s13 =	sadd.s32 s10, s9;
	s5 =	sadd.s32 $0x20, s9;
	s17 =	sand.u32 $0x1, s9  }
0x14: {  	s15 =	sshll.u32 s13, $0x7;
	s31 =	sshll.u32 s13, $0x4;
	s20 =	sor.u32 $0x4, s17  }
0x15: {  	s21 =	sor.u32 $0x6, s17;
	s6 =	sxor.u32 $0x1, s17;
	[dreg:$0x9] =	wrdreg s31  }
0x16: {  	s24 =	sand.u32 $0x180, s15;
	s15 =	sadd.s32 $0x2, s13;
	[dreg:$0xc] =	wrdreg s20  }
0x17: {  	[dreg:$0xd] =	wrdreg s21;
	s25 =	sadd.s32 $0x13880, s24;
	s0 =	sadd.s32 $0x13A80, s24  }
0x18: {  	s24 =	smul.u32 $0x1F00, s16;
	[dreg:$0xa] =	wrdreg s0;
	s0 =	sadd.s32 s10, s30  }
0x19: {  	s14 =	sor.u32 $0x4, s6;
	s21 =	sshll.u32 s10, $0x7;
	s12 =	smul.u32 $0xA000, s0  }
0x1a: {  	[dreg:$0x4] =	wrdreg s15;
	s15 =	sor.u32 $0x6, s6;
	s19 =	smul.u32 $0x500, s0  }
0x1b: {  	[dreg:$0x7] =	wrdreg s25;
	s30 =	sadd.s32 s23, s22;
	s25 =	sshrl.u32 s12, $0x2  }
0x1c: {  	s31 =	sadd.s32 s8, s24;
	s7 =	sadd.s32 s19, s7;
	s1 =	sadd.s32 s25, s2  }
0x1d: {  	s19 =	sshll.u32 s10, $0x4;
	s26 =	sadd.s32 $0x773C00, s7;
	[dreg:$0xf] =	wrdreg s1  }
0x1e: {  	s7 =	sadd.s32 $0x80, s31;
	[dreg:$0x10] =	wrdreg s26;
	s1 =	sadd.s32 $0x10, s30  }
0x1f: {  	[dreg:$0x11] =	wrdreg s1;
	s1 =	sadd.s32 $0x1, s0;
	s0 =	sshrl.u32 @!p0 s11, $0x3  }
0x20: {  	s25 =	simm.s32 $0x50;
	s26 =	simm.s32 $0x2;
	[dreg:$0x12] =	wrdreg s0  }
.LBB2_1:
0x21: {  	s0 =	stileid.u32  }
0x22: {  	s6 =	rddreg [dreg:$0x6];
	s0 =	sshll.u32 @!p0 s0, $0x6  }
0x23: {  	s8 =	rddreg [dreg:$0x12];
	s0 =	sor.u32 @!p0 $0x1C08, s0  }
0x24: {  	[spmem:s8], [sflag:s0] =	dma.local @!p0 [hbm:s6], $0x3E80  }
0x25: {  	s0 =	simm.s32 @!p0 $0x8  }
0x26: {  	_ =	swait.ge @!p0 [sflag:s0], $0x3E80  }
0x27: {  	s17 =	rddreg [dreg:$0x8]  }
0x28: {  	s9 =	rddreg [dreg:$0x9]  }
0x29: {  	p2 =	slt.u32 s1, s5;
	[sflag:s0] =	ssyncset.done @!p0 $0x0;
	s20 =	rddreg [dreg:$0x7]  }
0x2a: {  	s10 =	rddreg [dreg:$0xb];
	[sflag:s0] =	ssyncadd.s32 @!p0 $0xFFFFC180;
	s18 =	sadd.s32 s9, s17  }
0x2b: {  	[tilespmem:s20], [sflag:$0x1] =	stream.linear.gather [hbm4b:s18+s3], $0x80, $0x38;
	[tilespmem:$0x1DC80] =	vst v63  }
.Ltmp0:
0x2c: {  	s23 =	rddreg [dreg:$0xa];
	s22 =	sadd.s32 s9, s10;
	(pc) =	sbr.rel @!p2 .LBB2_2-.Ltmp0, $4  }
0x2d: {  	[tilespmem:s23], [sflag:$0x1] =	stream.linear.gather [hbm4b:s22+s3], $0x80, $0x38;
	[tilespmem:$0x1DC80] =	vst v63  }
0x2e: {  	p1 =	por $0x0, $0x0;
	[bflag:$0x0] =	sbarrier.arrive $0xFFFF  }
0x2f: {  	s0 =	sadd.s32 $0xFFFFFFFF, s1;
	s23 =	sadd.s32 $0x1, s1;
	s24 =	rddreg [dreg:$0x11]  }
0x30: {  	s6 =	rddreg [dreg:$0x4];
	s31 =	sadd.s32 s17, s24;
	s30 =	sadd.s32 s10, s24  }
0x31: {  	s8 =	sand.u32 $0x1, s0;
	p1 =	slt.u32 s0, s6  }
0x32: {  	s0 =	sor.u32 @!p1 $0x4, s8  }
0x33: {  	_ =	swait.ge @!p1 [sflag:s0], $0x2800  }
0x34: {  	[sflag:s0] =	ssyncset.done @!p1 $0x0  }
0x35: {  	[sflag:s0] =	ssyncadd.s32 @!p1 $0xFFFFD800;
	s0 =	sor.u32 @!p1 $0x6, s8  }
0x36: {  	_ =	swait.ge @!p1 [sflag:s0], $0x2800  }
0x37: {  	[sflag:s0] =	ssyncset.done @!p1 $0x0  }
0x38: {  	[sflag:s0] =	ssyncadd.s32 @!p1 $0xFFFFD800  }
0x39: {  	_ =	swait.ge [sflag:s4], $0x80  }
0x3a: {  	s12 =	sadd.s32 s7, s21;
	[sflag:s4] =	ssyncset.done $0x0  }
0x3b: {  	s13 =	smul.u32 $0x2800, s8;
	p1 =	sge.u32 s1, s5;
	[sflag:s4] =	ssyncadd.s32 $0xFFFFFF80  }
0x3c: {  	s0 =	sadd.s32 $0xFFFFFF80, s12;
	s9 =	sadd.s32 @!p1 s7, s21;
	_ =	swait.ge [sflag:s4], $0x80  }
0x3d: {  	s10 =	sadd.s32 @!p1 s31, s19;
	s9 =	sand.u32 @!p1 $0x180, s9;
	[sflag:s4] =	ssyncset.done $0x0  }
0x3e: {  	s11 =	simm.s32 @!p1 $0x0;
	s12 =	sadd.s32 @!p1 $0x13880, s9;
	[sflag:s4] =	ssyncadd.s32 $0xFFFFFF80  }
0x3f: {  	[tilespmem:s12], [sflag:$0x1] =	stream.linear.gather @!p1 [hbm4b:s10+s11], $0x80, $0x38;
	[tilespmem:$0x1DC80] =	vst v63  }
0x40: {  	s0 =	sand.u32 $0x180, s0;
	s9 =	sadd.s32 @!p1 $0x13A80, s9;
	s10 =	sadd.s32 @!p1 s30, s19  }
0x41: {  	[tilespmem:s9], [sflag:$0x1] =	stream.linear.gather @!p1 [hbm4b:s10+s11], $0x80, $0x38;
	[tilespmem:$0x1DC80] =	vst v63  }
0x42: {  	s17 =	sadd.s32 $0x13C80, s13;
	s16 =	sadd.s32 $0x13880, s0  }
0x43: {  	[tilespmem:s17], [sflag:$0x2] =	stream.indirect.gather [spmem:s2], $0x80, s16, s25, $0xb8;
	[tilespmem:$0x1DC80] =	vst v63  }
0x44: {  	p2 =	slt.u32 s23, s5;
	s18 =	rddreg [dreg:$0xf];
	s9 =	sadd.s32 $0x18C80, s13  }
0x45: {  	[tilespmem:s9], [sflag:$0x3] =	stream.linear.gather [spmem:s18], $0x2800, $0x38;
	[tilespmem:$0x1DC80] =	vst v63  }
0x46: {  	s22 =	sadd.s32 $0x80, s7;
	s20 =	sor.u32 $0x4, s8;
	_ =	swait.ge [sflag:s26], $0x2800  }
0x47: {  	s31 =	sadd.s32 $0x10, s31;
	s30 =	sadd.s32 $0x10, s30;
	[sflag:s26] =	ssyncset.done $0x0  }
0x48: {  	s10 =	sor.u32 $0x6, s8;
	s11 =	sadd.s32 $0x13A80, s0;
	[sflag:s26] =	ssyncadd.s32 $0xFFFFD800  }
.Ltmp1:
0x49: {  	s0 =	sadd.s32 $0xFFFFFFFF, s23;
	_ =	swait.ge [sflag:s28], $0x2800;
	(pc) =	sbr.rel @!p2 .LBB2_5-.Ltmp1, $4  }
0x4a: {  	p1 =	por $0x1, $0x1;
	[sflag:s28] =	ssyncset.done $0x0;
	s24 =	rddreg [dreg:$0x10]  }
0x4b: {  	s16 =	sadd.s32 $0x1, s23;
	s6 =	rddreg [dreg:$0x4];
	[sflag:s28] =	ssyncadd.s32 $0xFFFFD800  }
0x4c: {  	[hbm4b:s24+s3] =	stream.linear.scatter [tilespmem:s17], [sflag:s20], $0x2800, $0x38;
	[tilespmem:$0x1DC80] =	vst v63  }
0x4d: {  	s17 =	sadd.s32 $0x2800, s18;
	s18 =	sadd.s32 $0x500, s24;
	s20 =	rddreg [dreg:$0x5]  }
.LBB2_4:
0x4e: {  	s8 =	sand.u32 $0x1, s0;
	p3 =	slt.u32 s0, s6  }
0x4f: {  	[hbm4b:s20+s25] =	stream.indirect.scatter [tilespmem:s9], [sflag:s10], $0x80, s11, s25, $0xb8;
	[tilespmem:$0x1DC80] =	vst v63  }
0x50: {  	s6 =	sor.u32 @!p3 $0x4, s8  }
0x51: {  	_ =	swait.ge @!p3 [sflag:s6], $0x2800  }
0x52: {  	[sflag:s6] =	ssyncset.done @!p3 $0x0  }
0x53: {  	[sflag:s6] =	ssyncadd.s32 @!p3 $0xFFFFD800;
	s6 =	sor.u32 @!p3 $0x6, s8  }
0x54: {  	_ =	swait.ge @!p3 [sflag:s6], $0x2800  }
0x55: {  	[sflag:s6] =	ssyncset.done @!p3 $0x0  }
0x56: {  	s0 =	smov.u32 s16;
	s12 =	sadd.s32 $0x1, s16;
	[sflag:s6] =	ssyncadd.s32 @!p3 $0xFFFFD800  }
0x57: {  	p2 =	slt.u32 s16, s5;
	s13 =	sor.u32 $0x6, s8;
	_ =	swait.ge [sflag:s4], $0x80  }
0x58: {  	s9 =	smul.u32 $0x2800, s8;
	s10 =	smov.u32 s13;
	[sflag:s4] =	ssyncset.done $0x0  }
0x59: {  	s13 =	sadd.s32 s22, s21;
	p3 =	sge.u32 s23, s5;
	[sflag:s4] =	ssyncadd.s32 $0xFFFFFF80  }
0x5a: {  	s6 =	sadd.s32 $0xFFFFFF80, s13;
	s11 =	sadd.s32 @!p3 s22, s21;
	_ =	swait.ge [sflag:s4], $0x80  }
0x5b: {  	s16 =	sadd.s32 @!p3 s31, s19;
	s11 =	sand.u32 @!p3 $0x180, s11;
	[sflag:s4] =	ssyncset.done $0x0  }
0x5c: {  	s20 =	simm.s32 @!p3 $0x0;
	s23 =	sadd.s32 @!p3 $0x13880, s11;
	[sflag:s4] =	ssyncadd.s32 $0xFFFFFF80  }
0x5d: {  	[tilespmem:s23], [sflag:$0x1] =	stream.linear.gather @!p3 [hbm4b:s16+s20], $0x80, $0x38;
	[tilespmem:$0x1DC80] =	vst v63  }
0x5e: {  	s6 =	sand.u32 $0x180, s6;
	s11 =	sadd.s32 @!p3 $0x13A80, s11;
	s16 =	sadd.s32 @!p3 s30, s19  }
0x5f: {  	[tilespmem:s11], [sflag:$0x1] =	stream.linear.gather @!p3 [hbm4b:s16+s20], $0x80, $0x38;
	[tilespmem:$0x1DC80] =	vst v63  }
0x60: {  	s13 =	sadd.s32 $0x13C80, s9;
	s23 =	sadd.s32 $0x13880, s6  }
0x61: {  	[tilespmem:s13], [sflag:$0x2] =	stream.indirect.gather [spmem:s2], $0x80, s23, s25, $0xb8;
	[tilespmem:$0x1DC80] =	vst v63  }
0x62: {  	s24 =	smov.u32 s18;
	s18 =	sadd.s32 $0x500, s18;
	s9 =	sadd.s32 $0x18C80, s9  }
0x63: {  	[tilespmem:s9], [sflag:$0x3] =	stream.linear.gather [spmem:s17], $0x2800, $0x38;
	[tilespmem:$0x1DC80] =	vst v63  }
0x64: {  	s8 =	sor.u32 $0x4, s8;
	s22 =	sadd.s32 $0x80, s22;
	_ =	swait.ge [sflag:s26], $0x2800  }
0x65: {  	s31 =	sadd.s32 $0x10, s31;
	s30 =	sadd.s32 $0x10, s30;
	[sflag:s26] =	ssyncset.done $0x0  }
.Ltmp2:
0x66: {  	s11 =	sadd.s32 $0x13A80, s6;
	[sflag:s26] =	ssyncadd.s32 $0xFFFFD800;
	(pc) =	sbr.rel @p2 .LBB2_4-.Ltmp2, $4  }
0x67: {  	s16 =	smov.u32 s12;
	s23 =	smov.u32 s0;
	_ =	swait.ge [sflag:s28], $0x2800  }
0x68: {  	s0 =	sadd.s32 $0xFFFFFFFF, s23;
	s6 =	rddreg [dreg:$0x4];
	[sflag:s28] =	ssyncset.done $0x0  }
0x69: {  	s17 =	sadd.s32 $0x2800, s17;
	s20 =	rddreg [dreg:$0x5];
	[sflag:s28] =	ssyncadd.s32 $0xFFFFD800  }
0x6a: {  	[hbm4b:s24+s3] =	stream.linear.scatter [tilespmem:s13], [sflag:s8], $0x2800, $0x38;
	[tilespmem:$0x1DC80] =	vst v63  }
.LBB2_5:
0x6b: {  	[hbm4b:s20+s25] =	stream.indirect.scatter @p1 [tilespmem:s9], [sflag:s10], $0x80, s11, s25, $0xb8;
	[tilespmem:$0x1DC80] =	vst v63  }
0x6c: {  	s8 =	sand.u32 $0x1, s0;
	p1 =	slt.u32 s0, s6  }
0x6d: {  	s0 =	sor.u32 @!p1 $0x4, s8  }
0x6e: {  	_ =	swait.ge @!p1 [sflag:s0], $0x2800  }
0x6f: {  	[sflag:s0] =	ssyncset.done @!p1 $0x0  }
0x70: {  	[sflag:s0] =	ssyncadd.s32 @!p1 $0xFFFFD800;
	s0 =	sor.u32 @!p1 $0x6, s8  }
0x71: {  	_ =	swait.ge @!p1 [sflag:s0], $0x2800  }
0x72: {  	[sflag:s0] =	ssyncset.done @!p1 $0x0  }
0x73: {  	[sflag:s0] =	ssyncadd.s32 @!p1 $0xFFFFD800  }
0x74: {  	_ =	swait.ge [sflag:s4], $0x80  }
0x75: {  	[sflag:s4] =	ssyncset.done $0x0  }
0x76: {  	p1 =	sge.u32 s23, s5;
	[sflag:s4] =	ssyncadd.s32 $0xFFFFFF80  }
0x77: {  	s12 =	sadd.s32 s22, s21;
	s0 =	sadd.s32 @!p1 s22, s21;
	_ =	swait.ge [sflag:s4], $0x80  }
0x78: {  	s6 =	sadd.s32 @!p1 s31, s19;
	s0 =	sand.u32 @!p1 $0x180, s0;
	[sflag:s4] =	ssyncset.done $0x0  }
0x79: {  	s9 =	simm.s32 @!p1 $0x0;
	s10 =	sadd.s32 @!p1 $0x13880, s0;
	[sflag:s4] =	ssyncadd.s32 $0xFFFFFF80  }
0x7a: {  	[tilespmem:s10], [sflag:$0x1] =	stream.linear.gather @!p1 [hbm4b:s6+s9], $0x80, $0x38;
	[tilespmem:$0x1DC80] =	vst v63  }
0x7b: {  	s13 =	smul.u32 $0x2800, s8;
	s6 =	sadd.s32 $0xFFFFFF80, s12  }
0x7c: {  	s0 =	sadd.s32 @!p1 $0x13A80, s0;
	s10 =	sadd.s32 @!p1 s30, s19;
	s6 =	sand.u32 $0x180, s6  }
0x7d: {  	[tilespmem:s0], [sflag:$0x1] =	stream.linear.gather @!p1 [hbm4b:s10+s9], $0x80, $0x38;
	[tilespmem:$0x1DC80] =	vst v63  }
0x7e: {  	s20 =	sadd.s32 $0x13C80, s13;
	s16 =	sadd.s32 $0x13880, s6  }
0x7f: {  	[tilespmem:s20], [sflag:$0x2] =	stream.indirect.gather [spmem:s2], $0x80, s16, s25, $0xb8;
	[tilespmem:$0x1DC80] =	vst v63  }
0x80: {  	s0 =	sadd.s32 $0x18C80, s13  }
0x81: {  	[tilespmem:s0], [sflag:$0x3] =	stream.linear.gather [spmem:s17], $0x2800, $0x38;
	[tilespmem:$0x1DC80] =	vst v63  }
0x82: {  	_ =	swait.ge [sflag:s26], $0x2800  }
0x83: {  	[sflag:s26] =	ssyncset.done $0x0  }
0x84: {  	[sflag:s26] =	ssyncadd.s32 $0xFFFFD800  }
0x85: {  	_ =	swait.ge [sflag:s28], $0x2800  }
0x86: {  	[sflag:s28] =	ssyncset.done $0x0  }
0x87: {  	s22 =	sor.u32 $0x4, s8;
	s23 =	rddreg [dreg:$0x5];
	[sflag:s28] =	ssyncadd.s32 $0xFFFFD800  }
0x88: {  	[hbm4b:s18+s3] =	stream.linear.scatter [tilespmem:s20], [sflag:s22], $0x2800, $0x38;
	[tilespmem:$0x1DC80] =	vst v63  }
0x89: {  	s8 =	sor.u32 $0x6, s8;
	s6 =	sadd.s32 $0x13A80, s6;
	s24 =	rddreg [dreg:$0xc]  }
0x8a: {  	[hbm4b:s23+s25] =	stream.indirect.scatter [tilespmem:s0], [sflag:s8], $0x80, s6, s25, $0xb8;
	[tilespmem:$0x1DC80] =	vst v63  }
0x8b: {  	_ =	swait.ge [sflag:s24], $0x2800  }
0x8c: {  	[sflag:s24] =	ssyncset.done $0x0  }
0x8d: {  	s30 =	rddreg [dreg:$0xd];
	[sflag:s24] =	ssyncadd.s32 $0xFFFFD800  }
0x8e: {  	_ =	swait.ge [sflag:s30], $0x2800  }
0x8f: {  	[sflag:s30] =	ssyncset.done $0x0  }
0x90: {  	[sflag:s30] =	ssyncadd.s32 $0xFFFFD800  }
0x91: {  	_ =	swait.ge [sflag:s14], $0x2800  }
0x92: {  	[sflag:s14] =	ssyncset.done $0x0  }
0x93: {  	[sflag:s14] =	ssyncadd.s32 $0xFFFFD800  }
0x94: {  	_ =	swait.ge [sflag:s15], $0x2800  }
0x95: {  	s29 =	sadd.s32 $0x1, s29;
	s31 =	rddreg [dreg:$0xe]  }
0x96: {  	p1 =	sne.s32 s29, s31  }
.Ltmp3:
0x97: {  	_ = 	snop;
	(pc) =	sbr.rel @p1 .LBB2_1-.Ltmp3, $4  }
.Ltmp4:
0x98: {  	_ = 	snop;
	(pc) =	sbr.rel @!p1 .LBB2_6-.Ltmp4, $4  }
0x99: {  	_ = 	snop  }
0x9a: {  	[sflag:s15] =	ssyncset.done $0x0  }
0x9b: {  	[sflag:s15] =	ssyncadd.s32 $0xFFFFD800  }
0x9c: {  	_ = 	snop  }
.LBB2_2:
.Ltmp5:
0x9d: {  	(pc) =	sbr.rel .LBB2_5-.Ltmp5, $3  }
0x9e: {  	_ =	sdelay $0x1  }
0x9f: {  	s18 =	rddreg [dreg:$0x10]  }
0xa0: {  	s22 =	smov.u32 s7;
	s23 =	smov.u32 s1;
	s17 =	rddreg [dreg:$0xf]  }
.LBB2_6:
0xa1: {  	_ =	sfence.sel $0x180000  }
0xa2: {  	[bflag:$0x0] =	sbarrier.arrive $0xFFFF  }
0xa3: {  	_ =	strace $0x90000050  }
0xa4: {  	s0 =	stileid.u32;
	[bflag:$0x2] =	sbarrier.arrive $0xFFFF  }
0xa5: {  	p0 =	sne.s32 s0, $0x0;
	s0 =	rddreg [dreg:$0x3]  }
0xa6: {  	s0 =	sadd.s32 @!p0 $0x100000, s0  }
0xa7: {  	[sflag:s0] =	ssyncadd.tile.s32 @!p0 $0x1;
	_ =	shalt  }
.Lfunc_end2:
_tile_overlayer_lowered:
.L_overlay_start_2:
0xa8: {  	(tag) =	ssettag $0x2  }
0xa9: {  	s0 =	rddreg [dreg:$0x0];
	s2 =	stileid.u32  }
0xaa: {  	s1 =	rddreg [dreg:$0x1];
	p0 =	sne.s32 s2, $0x0  }
0xab: {  	s3 =	rddreg [dreg:$0x2];
	[bflag:$0x3] =	sbarrier.arrive $0xFFFF;
	s2 =	simm.s32 @!p0 $0x1C08  }
0xac: {  	[timem:s3], [sflag:s2] =	dma.local @!p0 [hbm:s0], s1  }
0xad: {  	s0 =	simm.s32 @!p0 $0x8  }
0xae: {  	_ =	swait.ge @!p0 [sflag:s0], s1  }
0xaf: {  	s1 =	ssub.s32 @!p0 $0x0, s1;
	[sflag:s0] =	ssyncset.done @!p0 $0x0  }
0xb0: {  	[sflag:s0] =	ssyncadd.s32 @!p0 s1  }
0xb1: {  	[bflag:$0x3] =	sbarrier.arrive $0xFFFF  }
0xb2: {  	_ =	shalt  }

</sc_bundles>
